<compile_context>
chip_gen: v7x
topology: tpu7x:2x2x1
jax: 0.10.2.dev20260603
libtpu: 0.0.44.dev20260713+nightly
codegen_flags: <defaults>
</compile_context>

<pallas_src>
import jax
import jax.numpy as jnp
from jax import lax
from jax.experimental import pallas as pl
from jax.experimental.pallas import tpu as pltpu
from jax.experimental.pallas import tpu_sc as plsc

B, N, D, fH, fW, C = 4, 6, 41, 8, 22, 64
ogfH, ogfW = 128, 352
NX0, NX1, NZ = 200, 200, 1
HW = fH * fW
P_CAM = D * HW
NCAM = B * N
NPRIME = NCAM * P_CAM
P_BATCH = NPRIME // B
NVOX = NX0 * NX1

NCORE, NTILE = 2, 16
CH = C // NCORE
PT_TILE = 2704
PT_LAST = P_BATCH - (NTILE - 1) * PT_TILE
ROWS_TILE = 22
PT_PAD = ROWS_TILE * 128
ACC_ROWS = 40016
ZROWS = 128
DPT = NVOX // NTILE


def _idx_body(px_ref, py_ref, pz_ref, idx_ref):
    gx = ((px_ref[...] - (-50.0)) / 0.5).astype(jnp.int32)
    gy = ((py_ref[...] - (-50.0)) / 0.5).astype(jnp.int32)
    gz = ((pz_ref[...] - (-10.0)) / 20.0).astype(jnp.int32)
    kept = ((gx >= 0) & (gx < NX0) & (gy >= 0) & (gy < NX1)
            & (gz >= 0) & (gz < NZ))
    idx_ref[...] = jnp.where(kept, gx * NX1 + gy, NVOX)


def _point_indices(points):
    px = points[..., 0]
    py = points[..., 1]
    pz = points[..., 2]
    return pl.pallas_call(
        _idx_body,
        out_shape=jax.ShapeDtypeStruct((NCAM, D, HW), jnp.int32),
    )(px, py, pz)


def _splat_body(feats, idxp, out, fbuf, ibuf, zbuf, acc, semD, semZ):
    cid = lax.axis_index("c")
    tid = lax.axis_index("s")
    c0 = cid * CH

    zeros16 = jnp.zeros((16,), jnp.float32)

    @pl.loop(0, ZROWS)
    def _(r):
        zbuf[r, pl.ds(0, 16)] = zeros16
        zbuf[r, pl.ds(16, 16)] = zeros16

    dbase = tid * DPT

    def zero_acc():
        descs = []
        off = 0
        while off < DPT:
            n = min(ZROWS, DPT - off)
            descs.append(pltpu.async_copy(
                zbuf.at[pl.ds(0, n)], acc.at[pl.ds(dbase + off, n)], semZ))
            off += n
        for d in descs:
            d.wait()

    def row_kept_count(j):
        cntv = jnp.zeros((16,), jnp.int32)
        for k in range(8):
            iv = ibuf[j, pl.ds(k * 16, 16)]
            cntv = cntv + jnp.where(iv != NVOX, 1, 0).astype(jnp.int32)
        return jnp.sum(cntv)

    zero_acc()
    plsc.subcore_barrier()

    for b in range(B):
        pbase = b * P_BATCH + tid * PT_TILE
        pltpu.sync_copy(idxp.at[b, tid], ibuf)

        @pl.loop(0, ROWS_TILE - 1)
        def _(j):
            @pl.when(row_kept_count(j) > 0)
            def _():
                pltpu.sync_copy(
                    feats.at[pl.ds(pbase + j * 128, 128), pl.ds(c0, CH)],
                    fbuf)
                pltpu.sync_copy(fbuf, acc.at[ibuf.at[j]], add=True)

        jt = ROWS_TILE - 1

        @pl.when(row_kept_count(jt) > 0)
        def _():
            tail = PT_TILE - jt * 128
            pltpu.sync_copy(
                feats.at[pl.ds(pbase + jt * 128, tail), pl.ds(c0, CH)],
                fbuf.at[pl.ds(0, tail)])

            @pl.when(tid == NTILE - 1)
            def _():
                pltpu.sync_copy(
                    feats.at[pl.ds(pbase + PT_TILE, PT_LAST - PT_TILE),
                             pl.ds(c0, CH)],
                    fbuf.at[pl.ds(tail, PT_LAST - PT_TILE)])

            pltpu.sync_copy(fbuf, acc.at[ibuf.at[jt]], add=True)

        plsc.subcore_barrier()
        pltpu.async_copy(acc.at[pl.ds(dbase, DPT)],
                         out.at[b, pl.ds(dbase, DPT), pl.ds(c0, CH)],
                         semD).wait()
        if b + 1 < B:
            zero_acc()
        plsc.subcore_barrier()


def _splat(feats, idxp):
    mesh = plsc.VectorSubcoreMesh(core_axis_name="c", subcore_axis_name="s")
    return pl.kernel(
        _splat_body,
        out_type=jax.ShapeDtypeStruct((B, NVOX, C), jnp.float32),
        mesh=mesh,
        scratch_types=[
            pltpu.VMEM((128, CH), jnp.float32),
            pltpu.VMEM((ROWS_TILE, 128), jnp.int32),
            pltpu.VMEM((ZROWS, CH), jnp.float32),
            pltpu.VMEM_SHARED((ACC_ROWS, CH), jnp.float32),
            pltpu.SemaphoreType.DMA,
            pltpu.SemaphoreType.DMA,
        ],
        compiler_params=pltpu.CompilerParams(use_tc_tiling_on_sc=False,
                                             needs_layout_passes=False),
    )(feats, idxp)


def kernel(cam_feats, rots, trans, intrins, post_rots, post_trans):
    ds = jnp.arange(4.0, 45.0, 1.0, dtype=jnp.float32).reshape(-1, 1, 1) * jnp.ones(
        (1, fH, fW), jnp.float32)
    xs = jnp.linspace(0.0, ogfW - 1.0, fW, dtype=jnp.float32).reshape(1, 1, fW) * jnp.ones(
        (D, fH, 1), jnp.float32)
    ys = jnp.linspace(0.0, ogfH - 1.0, fH, dtype=jnp.float32).reshape(1, fH, 1) * jnp.ones(
        (D, 1, fW), jnp.float32)
    frustum = jnp.stack((xs, ys, ds), -1)
    points = frustum[None, None] - post_trans.reshape(B, N, 1, 1, 1, 3)
    inv_pr = jnp.linalg.inv(post_rots).reshape(B, N, 1, 1, 1, 3, 3)
    points = jnp.matmul(inv_pr, points[..., None])
    points = jnp.concatenate(
        (points[..., :2, :] * points[..., 2:3, :], points[..., 2:3, :]), axis=-2)
    combine = jnp.matmul(rots, jnp.linalg.inv(intrins))
    points = jnp.matmul(combine.reshape(B, N, 1, 1, 1, 3, 3), points).squeeze(-1)
    points = points + trans.reshape(B, N, 1, 1, 1, 3)

    idx = _point_indices(points.reshape(NCAM, D, HW, 3))
    idx = idx.reshape(B, P_BATCH)

    idxp = jnp.full((B, NTILE, PT_PAD), NVOX, jnp.int32)
    idxp = idxp.at[:, :NTILE - 1, :PT_TILE].set(
        idx[:, :(NTILE - 1) * PT_TILE].reshape(B, NTILE - 1, PT_TILE))
    idxp = idxp.at[:, NTILE - 1, :PT_LAST].set(idx[:, (NTILE - 1) * PT_TILE:])
    idxp = idxp.reshape(B, NTILE, ROWS_TILE, 128)

    feats = cam_feats.reshape(NPRIME, C)
    vox = _splat(feats, idxp)
    return vox.reshape(B, NX0, NX1, C).transpose(0, 3, 1, 2)

# --- scband reference (transcript-rebuilt; emitter-appended) ---
"""Pipeline reference for scband-lift-splat-shoot-gpn-88656714925260 (READ-ONLY COPY).

The authoritative reference and input builder live on the scoring server;
editing this copy changes nothing except your own understanding.
"""

import jax, jax.numpy as jnp
import numpy as np

B, N, D, fH, fW, C = 4, 6, 41, 8, 22, 64
ogfH, ogfW = 128, 352
NX0, NX1, NZ = 200, 200, 1
DX = jnp.array([0.5, 0.5, 20.0], dtype=jnp.float32)
BX = jnp.array([-50.0 + 0.5 / 2.0, -50.0 + 0.5 / 2.0, -10.0 + 20.0 / 2.0], dtype=jnp.float32)


def create_frustum():
    ds = jnp.arange(4.0, 45.0, 1.0, dtype=jnp.float32).reshape(-1, 1, 1) * jnp.ones((1, fH, fW), jnp.float32)
    xs = jnp.linspace(0.0, ogfW - 1.0, fW, dtype=jnp.float32).reshape(1, 1, fW) * jnp.ones((D, fH, 1), jnp.float32)
    ys = jnp.linspace(0.0, ogfH - 1.0, fH, dtype=jnp.float32).reshape(1, fH, 1) * jnp.ones((D, 1, fW), jnp.float32)
    return jnp.stack((xs, ys, ds), -1)  # [D, fH, fW, 3]


def setup_inputs(seed: int = 0) -> dict:
    key = jax.random.key(seed)
    ks = jax.random.split(key, 6)
    return {
        "cam_feats": jax.random.normal(ks[0], (B, N, D, fH, fW, C), jnp.float32),
        "rots": jax.random.normal(ks[1], (B, N, 3, 3), jnp.float32),
        "trans": jax.random.normal(ks[2], (B, N, 3), jnp.float32),
        "intrins": jax.random.normal(ks[3], (B, N, 3, 3), jnp.float32),
        "post_rots": jax.random.normal(ks[4], (B, N, 3, 3), jnp.float32),
        "post_trans": jax.random.normal(ks[5], (B, N, 3), jnp.float32),
    }


def reference(cam_feats, rots, trans, intrins, post_rots, post_trans):
    frustum = create_frustum()
    # ---- get_geometry ----
    points = frustum[None, None] - post_trans.reshape(B, N, 1, 1, 1, 3)
    inv_pr = jnp.linalg.inv(post_rots).reshape(B, N, 1, 1, 1, 3, 3)
    points = jnp.matmul(inv_pr, points[..., None])
    points = jnp.concatenate(
        (points[..., :2, :] * points[..., 2:3, :], points[..., 2:3, :]), axis=-2)
    combine = jnp.matmul(rots, jnp.linalg.inv(intrins))
    points = jnp.matmul(combine.reshape(B, N, 1, 1, 1, 3, 3), points).squeeze(-1)
    points = points + trans.reshape(B, N, 1, 1, 1, 3)  # [B,N,D,fH,fW,3]
    # ---- voxel_pooling (QuickCumsum == per-voxel sum, then scatter) ----
    Nprime = B * N * D * fH * fW
    x = cam_feats.reshape(Nprime, C)
    # torch .long() truncates toward zero -> jnp.trunc
    geom = jnp.trunc((points - (BX - DX / 2.0)) / DX).astype(jnp.int32).reshape(Nprime, 3)
    batch_ix = jnp.repeat(jnp.arange(B, dtype=jnp.int32), Nprime // B)
    kept = ((geom[:, 0] >= 0) & (geom[:, 0] < NX0)
            & (geom[:, 1] >= 0) & (geom[:, 1] < NX1)
            & (geom[:, 2] >= 0) & (geom[:, 2] < NZ))
    gx = jnp.clip(geom[:, 0], 0, NX0 - 1)
    gy = jnp.clip(geom[:, 1], 0, NX1 - 1)
    gz = jnp.clip(geom[:, 2], 0, NZ - 1)
    flat = ((batch_ix * NZ + gz) * NX0 + gx) * NX1 + gy
    vals = jnp.where(kept[:, None], x, 0.0)
    vox = jnp.zeros((B * NZ * NX0 * NX1, C), jnp.float32).at[flat].add(vals)
    final = vox.reshape(B, NZ, NX0, NX1, C).transpose(0, 4, 1, 2, 3)  # [B,C,NZ,NX0,NX1]
    final = jnp.concatenate([final[:, :, z] for z in range(NZ)], axis=1)  # [B, C*NZ, NX0, NX1]
    return final

if __name__ == "__main__":
    import jax
    _d = setup_inputs()
    print(jax.jit(kernel)(*tuple(_d.values())))

</pallas_src>

<mosaic_0001>
#map = affine_map<(d0, d1) -> (0, 0)>
#map1 = affine_map<(d0, d1) -> (0, 0, 0, 0)>
#map2 = affine_map<(d0, d1) -> (0, 0, 0)>
module attributes {stable_mosaic.version = 14 : i64} {
  func.func @_splat_body(%arg0: i32, %arg1: i32, %arg2: memref<173184x64xf32, #tpu.memory_space<hbm>>, %arg3: memref<4x16x22x128xi32, #tpu.memory_space<hbm>>, %arg4: memref<4x40000x64xf32, #tpu.memory_space<hbm>>, %arg5: memref<128x32xf32, #tpu.memory_space<vmem>>, %arg6: memref<22x128xi32, #tpu.memory_space<vmem>>, %arg7: memref<128x32xf32, #tpu.memory_space<vmem>>, %arg8: memref<40016x32xf32, #tpu.memory_space<vmem_shared>>, %arg9: memref<!tpu.dma_semaphore, #tpu.memory_space<semaphore_mem>>, %arg10: memref<!tpu.dma_semaphore, #tpu.memory_space<semaphore_mem>>) attributes {dimension_semantics = [#tpu.dimension_semantics<core_parallel>, #tpu.dimension_semantics<subcore_parallel>], iteration_bounds = array<i64: 2, 16>, scalar_prefetch = 0 : i64, scratch_operands = 6 : i64, tpu.core_type = #tpu.core_type<sc_vector_subcore>, window_params = [{transform_indices = #map}, {transform_indices = #map1}, {transform_indices = #map2}]} {
    %mul3A = arith.constant 32 : i32
    %mul3A_0 = arith.muli %arg0, %mul3A : i32
    %broadcast_in_dim3A = arith.constant 0.000000e+00 : f32
    %broadcast_in_dim3A_1 = vector.broadcast %broadcast_in_dim3A : f32 to vector<16xf32>
    %scan3A = arith.constant 0 : i32
    %scan3A_2 = arith.constant 128 : i32
    %scan3A_3 = arith.addi %scan3A, %scan3A_2 : i32
    %scan3A_4 = arith.constant 1 : i32
    scf.for %scan3A_2304 = %scan3A to %scan3A_3 step %scan3A_4  : i32 {
      %mul3A_2305 = arith.constant 1 : i32
      %mul3A_2306 = arith.muli %scan3A_2304, %mul3A_2305 : i32
      %add3A_2307 = arith.constant 0 : i32
      %add3A_2308 = arith.addi %add3A_2307, %mul3A_2306 : i32
      %swap3A = arith.index_cast %add3A_2308 : i32 to index
      %swap3A_2309 = arith.constant 0 : index
      %swap3A_2310 = tpu.vector_load %arg7[%swap3A, %swap3A_2309] {strides = array<i32>} : memref<128x32xf32, #tpu.memory_space<vmem>>, vector<16xf32>,
      tpu.vector_store %arg7[%swap3A, %swap3A_2309], %broadcast_in_dim3A_1 {strides = array<i32>} : memref<128x32xf32, #tpu.memory_space<vmem>>, vector<16xf32>,
      %swap3A_2311 = arith.index_cast %add3A_2308 : i32 to index
      %swap3A_2312 = arith.constant 16 : index
      %swap3A_2313 = tpu.vector_load %arg7[%swap3A_2311, %swap3A_2312] {strides = array<i32>} : memref<128x32xf32, #tpu.memory_space<vmem>>, vector<16xf32>,
      tpu.vector_store %arg7[%swap3A_2311, %swap3A_2312], %broadcast_in_dim3A_1 {strides = array<i32>} : memref<128x32xf32, #tpu.memory_space<vmem>>, vector<16xf32>,
    }
    %scan3A_5 = arith.constant 128 : i32
    %mul3A_6 = arith.constant 2500 : i32
    %mul3A_7 = arith.muli %arg1, %mul3A_6 : i32
    %add3A = arith.constant 0 : i32
    %add3A_8 = arith.addi %mul3A_7, %add3A : i32
    %dma_start3A = arith.constant 0 : i32
    %dma_start3A_9 = arith.constant 0 : i32
    %dma_start3A_10 = tpu.memref_slice %arg7[%dma_start3A, %dma_start3A_9] : memref<128x32xf32, #tpu.memory_space<vmem>> -> memref<128x32xf32, #tpu.memory_space<vmem>>
    %dma_start3A_11 = arith.constant 0 : i32
    %dma_start3A_12 = tpu.memref_slice %arg8[%add3A_8, %dma_start3A_11] : memref<40016x32xf32, #tpu.memory_space<vmem_shared>> -> memref<128x32xf32, #tpu.memory_space<vmem_shared>>
    %dma_start3A_13 = arith.constant 0 : i32
    %dma_start3A_14 = tpu.memref_slice %arg8[%add3A_8, %dma_start3A_13] : memref<40016x32xf32, #tpu.memory_space<vmem_shared>> -> memref<128x32xf32, #tpu.memory_space<vmem_shared>>
    %dma_start3A_15 = arith.constant 0 : i32
    %dma_start3A_16 = arith.constant 0 : i32
    %dma_start3A_17 = tpu.memref_slice %arg7[%dma_start3A_15, %dma_start3A_16] : memref<128x32xf32, #tpu.memory_space<vmem>> -> memref<128x32xf32, #tpu.memory_space<vmem>>
    tpu.enqueue_dma source(%dma_start3A_17 : memref<128x32xf32, #tpu.memory_space<vmem>>) target(%dma_start3A_14 : memref<128x32xf32, #tpu.memory_space<vmem_shared>>) target_semaphore(%arg10 : memref<!tpu.dma_semaphore, #tpu.memory_space<semaphore_mem>>)
    %add3A_18 = arith.constant 128 : i32
    %add3A_19 = arith.addi %mul3A_7, %add3A_18 : i32
    %dma_start3A_20 = arith.constant 0 : i32
    %dma_start3A_21 = arith.constant 0 : i32
    %dma_start3A_22 = tpu.memref_slice %arg7[%dma_start3A_20, %dma_start3A_21] : memref<128x32xf32, #tpu.memory_space<vmem>> -> memref<128x32xf32, #tpu.memory_space<vmem>>
    %dma_start3A_23 = arith.constant 0 : i32
    %dma_start3A_24 = tpu.memref_slice %arg8[%add3A_19, %dma_start3A_23] : memref<40016x32xf32, #tpu.memory_space<vmem_shared>> -> memref<128x32xf32, #tpu.memory_space<vmem_shared>>
    %dma_start3A_25 = arith.constant 0 : i32
    %dma_start3A_26 = tpu.memref_slice %arg8[%add3A_19, %dma_start3A_25] : memref<40016x32xf32, #tpu.memory_space<vmem_shared>> -> memref<128x32xf32, #tpu.memory_space<vmem_shared>>
    %dma_start3A_27 = arith.constant 0 : i32
    %dma_start3A_28 = arith.constant 0 : i32
    %dma_start3A_29 = tpu.memref_slice %arg7[%dma_start3A_27, %dma_start3A_28] : memref<128x32xf32, #tpu.memory_space<vmem>> -> memref<128x32xf32, #tpu.memory_space<vmem>>
    tpu.enqueue_dma source(%dma_start3A_29 : memref<128x32xf32, #tpu.memory_space<vmem>>) target(%dma_start3A_26 : memref<128x32xf32, #tpu.memory_space<vmem_shared>>) target_semaphore(%arg10 : memref<!tpu.dma_semaphore, #tpu.memory_space<semaphore_mem>>)
    %add3A_30 = arith.constant 256 : i32
    %add3A_31 = arith.addi %mul3A_7, %add3A_30 : i32
    %dma_start3A_32 = arith.constant 0 : i32
    %dma_start3A_33 = arith.constant 0 : i32
    %dma_start3A_34 = tpu.memref_slice %arg7[%dma_start3A_32, %dma_start3A_33] : memref<128x32xf32, #tpu.memory_space<vmem>> -> memref<128x32xf32, #tpu.memory_space<vmem>>
    %dma_start3A_35 = arith.constant 0 : i32
    %dma_start3A_36 = tpu.memref_slice %arg8[%add3A_31, %dma_start3A_35] : memref<40016x32xf32, #tpu.memory_space<vmem_shared>> -> memref<128x32xf32, #tpu.memory_space<vmem_shared>>
    %dma_start3A_37 = arith.constant 0 : i32
    %dma_start3A_38 = tpu.memref_slice %arg8[%add3A_31, %dma_start3A_37] : memref<40016x32xf32, #tpu.memory_space<vmem_shared>> -> memref<128x32xf32, #tpu.memory_space<vmem_shared>>
    %dma_start3A_39 = arith.constant 0 : i32
    %dma_start3A_40 = arith.constant 0 : i32
    %dma_start3A_41 = tpu.memref_slice %arg7[%dma_start3A_39, %dma_start3A_40] : memref<128x32xf32, #tpu.memory_space<vmem>> -> memref<128x32xf32, #tpu.memory_space<vmem>>
    tpu.enqueue_dma source(%dma_start3A_41 : memref<128x32xf32, #tpu.memory_space<vmem>>) target(%dma_start3A_38 : memref<128x32xf32, #tpu.memory_space<vmem_shared>>) target_semaphore(%arg10 : memref<!tpu.dma_semaphore, #tpu.memory_space<semaphore_mem>>)
    %add3A_42 = arith.constant 384 : i32
    %add3A_43 = arith.addi %mul3A_7, %add3A_42 : i32
    %dma_start3A_44 = arith.constant 0 : i32
    %dma_start3A_45 = arith.constant 0 : i32
    %dma_start3A_46 = tpu.memref_slice %arg7[%dma_start3A_44, %dma_start3A_45] : memref<128x32xf32, #tpu.memory_space<vmem>> -> memref<128x32xf32, #tpu.memory_space<vmem>>
    %dma_start3A_47 = arith.constant 0 : i32
    %dma_start3A_48 = tpu.memref_slice %arg8[%add3A_43, %dma_start3A_47] : memref<40016x32xf32, #tpu.memory_space<vmem_shared>> -> memref<128x32xf32, #tpu.memory_space<vmem_shared>>
    %dma_start3A_49 = arith.constant 0 : i32
    %dma_start3A_50 = tpu.memref_slice %arg8[%add3A_43, %dma_start3A_49] : memref<40016x32xf32, #tpu.memory_space<vmem_shared>> -> memref<128x32xf32, #tpu.memory_space<vmem_shared>>
    %dma_start3A_51 = arith.constant 0 : i32
    %dma_start3A_52 = arith.constant 0 : i32
    %dma_start3A_53 = tpu.memref_slice %arg7[%dma_start3A_51, %dma_start3A_52] : memref<128x32xf32, #tpu.memory_space<vmem>> -> memref<128x32xf32, #tpu.memory_space<vmem>>
    tpu.enqueue_dma source(%dma_start3A_53 : memref<128x32xf32, #tpu.memory_space<vmem>>) target(%dma_start3A_50 : memref<128x32xf32, #tpu.memory_space<vmem_shared>>) target_semaphore(%arg10 : memref<!tpu.dma_semaphore, #tpu.memory_space<semaphore_mem>>)
    %add3A_54 = arith.constant 512 : i32
    %add3A_55 = arith.addi %mul3A_7, %add3A_54 : i32
    %dma_start3A_56 = arith.constant 0 : i32
    %dma_start3A_57 = arith.constant 0 : i32
    %dma_start3A_58 = tpu.memref_slice %arg7[%dma_start3A_56, %dma_start3A_57] : memref<128x32xf32, #tpu.memory_space<vmem>> -> memref<128x32xf32, #tpu.memory_space<vmem>>
    %dma_start3A_59 = arith.constant 0 : i32
    %dma_start3A_60 = tpu.memref_slice %arg8[%add3A_55, %dma_start3A_59] : memref<40016x32xf32, #tpu.memory_space<vmem_shared>> -> memref<128x32xf32, #tpu.memory_space<vmem_shared>>
    %dma_start3A_61 = arith.constant 0 : i32
    %dma_start3A_62 = tpu.memref_slice %arg8[%add3A_55, %dma_start3A_61] : memref<40016x32xf32, #tpu.memory_space<vmem_shared>> -> memref<128x32xf32, #tpu.memory_space<vmem_shared>>
    %dma_start3A_63 = arith.constant 0 : i32
    %dma_start3A_64 = arith.constant 0 : i32
    %dma_start3A_65 = tpu.memref_slice %arg7[%dma_start3A_63, %dma_start3A_64] : memref<128x32xf32, #tpu.memory_space<vmem>> -> memref<128x32xf32, #tpu.memory_space<vmem>>
    tpu.enqueue_dma source(%dma_start3A_65 : memref<128x32xf32, #tpu.memory_space<vmem>>) target(%dma_start3A_62 : memref<128x32xf32, #tpu.memory_space<vmem_shared>>) target_semaphore(%arg10 : memref<!tpu.dma_semaphore, #tpu.memory_space<semaphore_mem>>)
    %add3A_66 = arith.constant 640 : i32
    %add3A_67 = arith.addi %mul3A_7, %add3A_66 : i32
    %dma_start3A_68 = arith.constant 0 : i32
    %dma_start3A_69 = arith.constant 0 : i32
    %dma_start3A_70 = tpu.memref_slice %arg7[%dma_start3A_68, %dma_start3A_69] : memref<128x32xf32, #tpu.memory_space<vmem>> -> memref<128x32xf32, #tpu.memory_space<vmem>>
    %dma_start3A_71 = arith.constant 0 : i32
    %dma_start3A_72 = tpu.memref_slice %arg8[%add3A_67, %dma_start3A_71] : memref<40016x32xf32, #tpu.memory_space<vmem_shared>> -> memref<128x32xf32, #tpu.memory_space<vmem_shared>>
    %dma_start3A_73 = arith.constant 0 : i32
    %dma_start3A_74 = tpu.memref_slice %arg8[%add3A_67, %dma_start3A_73] : memref<40016x32xf32, #tpu.memory_space<vmem_shared>> -> memref<128x32xf32, #tpu.memory_space<vmem_shared>>
    %dma_start3A_75 = arith.constant 0 : i32
    %dma_start3A_76 = arith.constant 0 : i32
    %dma_start3A_77 = tpu.memref_slice %arg7[%dma_start3A_75, %dma_start3A_76] : memref<128x32xf32, #tpu.memory_space<vmem>> -> memref<128x32xf32, #tpu.memory_space<vmem>>
    tpu.enqueue_dma source(%dma_start3A_77 : memref<128x32xf32, #tpu.memory_space<vmem>>) target(%dma_start3A_74 : memref<128x32xf32, #tpu.memory_space<vmem_shared>>) target_semaphore(%arg10 : memref<!tpu.dma_semaphore, #tpu.memory_space<semaphore_mem>>)
    %add3A_78 = arith.constant 768 : i32
    %add3A_79 = arith.addi %mul3A_7, %add3A_78 : i32
    %dma_start3A_80 = arith.constant 0 : i32
    %dma_start3A_81 = arith.constant 0 : i32
    %dma_start3A_82 = tpu.memref_slice %arg7[%dma_start3A_80, %dma_start3A_81] : memref<128x32xf32, #tpu.memory_space<vmem>> -> memref<128x32xf32, #tpu.memory_space<vmem>>
    %dma_start3A_83 = arith.constant 0 : i32
    %dma_start3A_84 = tpu.memref_slice %arg8[%add3A_79, %dma_start3A_83] : memref<40016x32xf32, #tpu.memory_space<vmem_shared>> -> memref<128x32xf32, #tpu.memory_space<vmem_shared>>
    %dma_start3A_85 = arith.constant 0 : i32
    %dma_start3A_86 = tpu.memref_slice %arg8[%add3A_79, %dma_start3A_85] : memref<40016x32xf32, #tpu.memory_space<vmem_shared>> -> memref<128x32xf32, #tpu.memory_space<vmem_shared>>
    %dma_start3A_87 = arith.constant 0 : i32
    %dma_start3A_88 = arith.constant 0 : i32
    %dma_start3A_89 = tpu.memref_slice %arg7[%dma_start3A_87, %dma_start3A_88] : memref<128x32xf32, #tpu.memory_space<vmem>> -> memref<128x32xf32, #tpu.memory_space<vmem>>
    tpu.enqueue_dma source(%dma_start3A_89 : memref<128x32xf32, #tpu.memory_space<vmem>>) target(%dma_start3A_86 : memref<128x32xf32, #tpu.memory_space<vmem_shared>>) target_semaphore(%arg10 : memref<!tpu.dma_semaphore, #tpu.memory_space<semaphore_mem>>)
    %add3A_90 = arith.constant 896 : i32
    %add3A_91 = arith.addi %mul3A_7, %add3A_90 : i32
    %dma_start3A_92 = arith.constant 0 : i32
    %dma_start3A_93 = arith.constant 0 : i32
    %dma_start3A_94 = tpu.memref_slice %arg7[%dma_start3A_92, %dma_start3A_93] : memref<128x32xf32, #tpu.memory_space<vmem>> -> memref<128x32xf32, #tpu.memory_space<vmem>>
    %dma_start3A_95 = arith.constant 0 : i32
    %dma_start3A_96 = tpu.memref_slice %arg8[%add3A_91, %dma_start3A_95] : memref<40016x32xf32, #tpu.memory_space<vmem_shared>> -> memref<128x32xf32, #tpu.memory_space<vmem_shared>>
    %dma_start3A_97 = arith.constant 0 : i32
    %dma_start3A_98 = tpu.memref_slice %arg8[%add3A_91, %dma_start3A_97] : memref<40016x32xf32, #tpu.memory_space<vmem_shared>> -> memref<128x32xf32, #tpu.memory_space<vmem_shared>>
    %dma_start3A_99 = arith.constant 0 : i32
    %dma_start3A_100 = arith.constant 0 : i32
    %dma_start3A_101 = tpu.memref_slice %arg7[%dma_start3A_99, %dma_start3A_100] : memref<128x32xf32, #tpu.memory_space<vmem>> -> memref<128x32xf32, #tpu.memory_space<vmem>>
    tpu.enqueue_dma source(%dma_start3A_101 : memref<128x32xf32, #tpu.memory_space<vmem>>) target(%dma_start3A_98 : memref<128x32xf32, #tpu.memory_space<vmem_shared>>) target_semaphore(%arg10 : memref<!tpu.dma_semaphore, #tpu.memory_space<semaphore_mem>>)
    %add3A_102 = arith.constant 1024 : i32
    %add3A_103 = arith.addi %mul3A_7, %add3A_102 : i32
    %dma_start3A_104 = arith.constant 0 : i32
    %dma_start3A_105 = arith.constant 0 : i32
    %dma_start3A_106 = tpu.memref_slice %arg7[%dma_start3A_104, %dma_start3A_105] : memref<128x32xf32, #tpu.memory_space<vmem>> -> memref<128x32xf32, #tpu.memory_space<vmem>>
    %dma_start3A_107 = arith.constant 0 : i32
    %dma_start3A_108 = tpu.memref_slice %arg8[%add3A_103, %dma_start3A_107] : memref<40016x32xf32, #tpu.memory_space<vmem_shared>> -> memref<128x32xf32, #tpu.memory_space<vmem_shared>>
    %dma_start3A_109 = arith.constant 0 : i32
    %dma_start3A_110 = tpu.memref_slice %arg8[%add3A_103, %dma_start3A_109] : memref<40016x32xf32, #tpu.memory_space<vmem_shared>> -> memref<128x32xf32, #tpu.memory_space<vmem_shared>>
    %dma_start3A_111 = arith.constant 0 : i32
    %dma_start3A_112 = arith.constant 0 : i32
    %dma_start3A_113 = tpu.memref_slice %arg7[%dma_start3A_111, %dma_start3A_112] : memref<128x32xf32, #tpu.memory_space<vmem>> -> memref<128x32xf32, #tpu.memory_space<vmem>>
    tpu.enqueue_dma source(%dma_start3A_113 : memref<128x32xf32, #tpu.memory_space<vmem>>) target(%dma_start3A_110 : memref<128x32xf32, #tpu.memory_space<vmem_shared>>) target_semaphore(%arg10 : memref<!tpu.dma_semaphore, #tpu.memory_space<semaphore_mem>>)
    %add3A_114 = arith.constant 1152 : i32
    %add3A_115 = arith.addi %mul3A_7, %add3A_114 : i32
    %dma_start3A_116 = arith.constant 0 : i32
    %dma_start3A_117 = arith.constant 0 : i32
    %dma_start3A_118 = tpu.memref_slice %arg7[%dma_start3A_116, %dma_start3A_117] : memref<128x32xf32, #tpu.memory_space<vmem>> -> memref<128x32xf32, #tpu.memory_space<vmem>>
    %dma_start3A_119 = arith.constant 0 : i32
    %dma_start3A_120 = tpu.memref_slice %arg8[%add3A_115, %dma_start3A_119] : memref<40016x32xf32, #tpu.memory_space<vmem_shared>> -> memref<128x32xf32, #tpu.memory_space<vmem_shared>>
    %dma_start3A_121 = arith.constant 0 : i32
    %dma_start3A_122 = tpu.memref_slice %arg8[%add3A_115, %dma_start3A_121] : memref<40016x32xf32, #tpu.memory_space<vmem_shared>> -> memref<128x32xf32, #tpu.memory_space<vmem_shared>>
    %dma_start3A_123 = arith.constant 0 : i32
    %dma_start3A_124 = arith.constant 0 : i32
    %dma_start3A_125 = tpu.memref_slice %arg7[%dma_start3A_123, %dma_start3A_124] : memref<128x32xf32, #tpu.memory_space<vmem>> -> memref<128x32xf32, #tpu.memory_space<vmem>>
    tpu.enqueue_dma source(%dma_start3A_125 : memref<128x32xf32, #tpu.memory_space<vmem>>) target(%dma_start3A_122 : memref<128x32xf32, #tpu.memory_space<vmem_shared>>) target_semaphore(%arg10 : memref<!tpu.dma_semaphore, #tpu.memory_space<semaphore_mem>>)
    %add3A_126 = arith.constant 1280 : i32
    %add3A_127 = arith.addi %mul3A_7, %add3A_126 : i32
    %dma_start3A_128 = arith.constant 0 : i32
    %dma_start3A_129 = arith.constant 0 : i32
    %dma_start3A_130 = tpu.memref_slice %arg7[%dma_start3A_128, %dma_start3A_129] : memref<128x32xf32, #tpu.memory_space<vmem>> -> memref<128x32xf32, #tpu.memory_space<vmem>>
    %dma_start3A_131 = arith.constant 0 : i32
    %dma_start3A_132 = tpu.memref_slice %arg8[%add3A_127, %dma_start3A_131] : memref<40016x32xf32, #tpu.memory_space<vmem_shared>> -> memref<128x32xf32, #tpu.memory_space<vmem_shared>>
    %dma_start3A_133 = arith.constant 0 : i32
    %dma_start3A_134 = tpu.memref_slice %arg8[%add3A_127, %dma_start3A_133] : memref<40016x32xf32, #tpu.memory_space<vmem_shared>> -> memref<128x32xf32, #tpu.memory_space<vmem_shared>>
    %dma_start3A_135 = arith.constant 0 : i32
    %dma_start3A_136 = arith.constant 0 : i32
    %dma_start3A_137 = tpu.memref_slice %arg7[%dma_start3A_135, %dma_start3A_136] : memref<128x32xf32, #tpu.memory_space<vmem>> -> memref<128x32xf32, #tpu.memory_space<vmem>>
    tpu.enqueue_dma source(%dma_start3A_137 : memref<128x32xf32, #tpu.memory_space<vmem>>) target(%dma_start3A_134 : memref<128x32xf32, #tpu.memory_space<vmem_shared>>) target_semaphore(%arg10 : memref<!tpu.dma_semaphore, #tpu.memory_space<semaphore_mem>>)
    %add3A_138 = arith.constant 1408 : i32
    %add3A_139 = arith.addi %mul3A_7, %add3A_138 : i32
    %dma_start3A_140 = arith.constant 0 : i32
    %dma_start3A_141 = arith.constant 0 : i32
    %dma_start3A_142 = tpu.memref_slice %arg7[%dma_start3A_140, %dma_start3A_141] : memref<128x32xf32, #tpu.memory_space<vmem>> -> memref<128x32xf32, #tpu.memory_space<vmem>>
    %dma_start3A_143 = arith.constant 0 : i32
    %dma_start3A_144 = tpu.memref_slice %arg8[%add3A_139, %dma_start3A_143] : memref<40016x32xf32, #tpu.memory_space<vmem_shared>> -> memref<128x32xf32, #tpu.memory_space<vmem_shared>>
    %dma_start3A_145 = arith.constant 0 : i32
    %dma_start3A_146 = tpu.memref_slice %arg8[%add3A_139, %dma_start3A_145] : memref<40016x32xf32, #tpu.memory_space<vmem_shared>> -> memref<128x32xf32, #tpu.memory_space<vmem_shared>>
    %dma_start3A_147 = arith.constant 0 : i32
    %dma_start3A_148 = arith.constant 0 : i32
    %dma_start3A_149 = tpu.memref_slice %arg7[%dma_start3A_147, %dma_start3A_148] : memref<128x32xf32, #tpu.memory_space<vmem>> -> memref<128x32xf32, #tpu.memory_space<vmem>>
    tpu.enqueue_dma source(%dma_start3A_149 : memref<128x32xf32, #tpu.memory_space<vmem>>) target(%dma_start3A_146 : memref<128x32xf32, #tpu.memory_space<vmem_shared>>) target_semaphore(%arg10 : memref<!tpu.dma_semaphore, #tpu.memory_space<semaphore_mem>>)
    %add3A_150 = arith.constant 1536 : i32
    %add3A_151 = arith.addi %mul3A_7, %add3A_150 : i32
    %dma_start3A_152 = arith.constant 0 : i32
    %dma_start3A_153 = arith.constant 0 : i32
    %dma_start3A_154 = tpu.memref_slice %arg7[%dma_start3A_152, %dma_start3A_153] : memref<128x32xf32, #tpu.memory_space<vmem>> -> memref<128x32xf32, #tpu.memory_space<vmem>>
    %dma_start3A_155 = arith.constant 0 : i32
    %dma_start3A_156 = tpu.memref_slice %arg8[%add3A_151, %dma_start3A_155] : memref<40016x32xf32, #tpu.memory_space<vmem_shared>> -> memref<128x32xf32, #tpu.memory_space<vmem_shared>>
    %dma_start3A_157 = arith.constant 0 : i32
    %dma_start3A_158 = tpu.memref_slice %arg8[%add3A_151, %dma_start3A_157] : memref<40016x32xf32, #tpu.memory_space<vmem_shared>> -> memref<128x32xf32, #tpu.memory_space<vmem_shared>>
    %dma_start3A_159 = arith.constant 0 : i32
    %dma_start3A_160 = arith.constant 0 : i32
    %dma_start3A_161 = tpu.memref_slice %arg7[%dma_start3A_159, %dma_start3A_160] : memref<128x32xf32, #tpu.memory_space<vmem>> -> memref<128x32xf32, #tpu.memory_space<vmem>>
    tpu.enqueue_dma source(%dma_start3A_161 : memref<128x32xf32, #tpu.memory_space<vmem>>) target(%dma_start3A_158 : memref<128x32xf32, #tpu.memory_space<vmem_shared>>) target_semaphore(%arg10 : memref<!tpu.dma_semaphore, #tpu.memory_space<semaphore_mem>>)
    %add3A_162 = arith.constant 1664 : i32
    %add3A_163 = arith.addi %mul3A_7, %add3A_162 : i32
    %dma_start3A_164 = arith.constant 0 : i32
    %dma_start3A_165 = arith.constant 0 : i32
    %dma_start3A_166 = tpu.memref_slice %arg7[%dma_start3A_164, %dma_start3A_165] : memref<128x32xf32, #tpu.memory_space<vmem>> -> memref<128x32xf32, #tpu.memory_space<vmem>>
    %dma_start3A_167 = arith.constant 0 : i32
    %dma_start3A_168 = tpu.memref_slice %arg8[%add3A_163, %dma_start3A_167] : memref<40016x32xf32, #tpu.memory_space<vmem_shared>> -> memref<128x32xf32, #tpu.memory_space<vmem_shared>>
    %dma_start3A_169 = arith.constant 0 : i32
    %dma_start3A_170 = tpu.memref_slice %arg8[%add3A_163, %dma_start3A_169] : memref<40016x32xf32, #tpu.memory_space<vmem_shared>> -> memref<128x32xf32, #tpu.memory_space<vmem_shared>>
    %dma_start3A_171 = arith.constant 0 : i32
    %dma_start3A_172 = arith.constant 0 : i32
    %dma_start3A_173 = tpu.memref_slice %arg7[%dma_start3A_171, %dma_start3A_172] : memref<128x32xf32, #tpu.memory_space<vmem>> -> memref<128x32xf32, #tpu.memory_space<vmem>>
    tpu.enqueue_dma source(%dma_start3A_173 : memref<128x32xf32, #tpu.memory_space<vmem>>) target(%dma_start3A_170 : memref<128x32xf32, #tpu.memory_space<vmem_shared>>) target_semaphore(%arg10 : memref<!tpu.dma_semaphore, #tpu.memory_space<semaphore_mem>>)
    %add3A_174 = arith.constant 1792 : i32
    %add3A_175 = arith.addi %mul3A_7, %add3A_174 : i32
    %dma_start3A_176 = arith.constant 0 : i32
    %dma_start3A_177 = arith.constant 0 : i32
    %dma_start3A_178 = tpu.memref_slice %arg7[%dma_start3A_176, %dma_start3A_177] : memref<128x32xf32, #tpu.memory_space<vmem>> -> memref<128x32xf32, #tpu.memory_space<vmem>>
    %dma_start3A_179 = arith.constant 0 : i32
    %dma_start3A_180 = tpu.memref_slice %arg8[%add3A_175, %dma_start3A_179] : memref<40016x32xf32, #tpu.memory_space<vmem_shared>> -> memref<128x32xf32, #tpu.memory_space<vmem_shared>>
    %dma_start3A_181 = arith.constant 0 : i32
    %dma_start3A_182 = tpu.memref_slice %arg8[%add3A_175, %dma_start3A_181] : memref<40016x32xf32, #tpu.memory_space<vmem_shared>> -> memref<128x32xf32, #tpu.memory_space<vmem_shared>>
    %dma_start3A_183 = arith.constant 0 : i32
    %dma_start3A_184 = arith.constant 0 : i32
    %dma_start3A_185 = tpu.memref_slice %arg7[%dma_start3A_183, %dma_start3A_184] : memref<128x32xf32, #tpu.memory_space<vmem>> -> memref<128x32xf32, #tpu.memory_space<vmem>>
    tpu.enqueue_dma source(%dma_start3A_185 : memref<128x32xf32, #tpu.memory_space<vmem>>) target(%dma_start3A_182 : memref<128x32xf32, #tpu.memory_space<vmem_shared>>) target_semaphore(%arg10 : memref<!tpu.dma_semaphore, #tpu.memory_space<semaphore_mem>>)
    %add3A_186 = arith.constant 1920 : i32
    %add3A_187 = arith.addi %mul3A_7, %add3A_186 : i32
    %dma_start3A_188 = arith.constant 0 : i32
    %dma_start3A_189 = arith.constant 0 : i32
    %dma_start3A_190 = tpu.memref_slice %arg7[%dma_start3A_188, %dma_start3A_189] : memref<128x32xf32, #tpu.memory_space<vmem>> -> memref<128x32xf32, #tpu.memory_space<vmem>>
    %dma_start3A_191 = arith.constant 0 : i32
    %dma_start3A_192 = tpu.memref_slice %arg8[%add3A_187, %dma_start3A_191] : memref<40016x32xf32, #tpu.memory_space<vmem_shared>> -> memref<128x32xf32, #tpu.memory_space<vmem_shared>>
    %dma_start3A_193 = arith.constant 0 : i32
    %dma_start3A_194 = tpu.memref_slice %arg8[%add3A_187, %dma_start3A_193] : memref<40016x32xf32, #tpu.memory_space<vmem_shared>> -> memref<128x32xf32, #tpu.memory_space<vmem_shared>>
    %dma_start3A_195 = arith.constant 0 : i32
    %dma_start3A_196 = arith.constant 0 : i32
    %dma_start3A_197 = tpu.memref_slice %arg7[%dma_start3A_195, %dma_start3A_196] : memref<128x32xf32, #tpu.memory_space<vmem>> -> memref<128x32xf32, #tpu.memory_space<vmem>>
    tpu.enqueue_dma source(%dma_start3A_197 : memref<128x32xf32, #tpu.memory_space<vmem>>) target(%dma_start3A_194 : memref<128x32xf32, #tpu.memory_space<vmem_shared>>) target_semaphore(%arg10 : memref<!tpu.dma_semaphore, #tpu.memory_space<semaphore_mem>>)
    %add3A_198 = arith.constant 2048 : i32
    %add3A_199 = arith.addi %mul3A_7, %add3A_198 : i32
    %dma_start3A_200 = arith.constant 0 : i32
    %dma_start3A_201 = arith.constant 0 : i32
    %dma_start3A_202 = tpu.memref_slice %arg7[%dma_start3A_200, %dma_start3A_201] : memref<128x32xf32, #tpu.memory_space<vmem>> -> memref<128x32xf32, #tpu.memory_space<vmem>>
    %dma_start3A_203 = arith.constant 0 : i32
    %dma_start3A_204 = tpu.memref_slice %arg8[%add3A_199, %dma_start3A_203] : memref<40016x32xf32, #tpu.memory_space<vmem_shared>> -> memref<128x32xf32, #tpu.memory_space<vmem_shared>>
    %dma_start3A_205 = arith.constant 0 : i32
    %dma_start3A_206 = tpu.memref_slice %arg8[%add3A_199, %dma_start3A_205] : memref<40016x32xf32, #tpu.memory_space<vmem_shared>> -> memref<128x32xf32, #tpu.memory_space<vmem_shared>>
    %dma_start3A_207 = arith.constant 0 : i32
    %dma_start3A_208 = arith.constant 0 : i32
    %dma_start3A_209 = tpu.memref_slice %arg7[%dma_start3A_207, %dma_start3A_208] : memref<128x32xf32, #tpu.memory_space<vmem>> -> memref<128x32xf32, #tpu.memory_space<vmem>>
    tpu.enqueue_dma source(%dma_start3A_209 : memref<128x32xf32, #tpu.memory_space<vmem>>) target(%dma_start3A_206 : memref<128x32xf32, #tpu.memory_space<vmem_shared>>) target_semaphore(%arg10 : memref<!tpu.dma_semaphore, #tpu.memory_space<semaphore_mem>>)
    %add3A_210 = arith.constant 2176 : i32
    %add3A_211 = arith.addi %mul3A_7, %add3A_210 : i32
    %dma_start3A_212 = arith.constant 0 : i32
    %dma_start3A_213 = arith.constant 0 : i32
    %dma_start3A_214 = tpu.memref_slice %arg7[%dma_start3A_212, %dma_start3A_213] : memref<128x32xf32, #tpu.memory_space<vmem>> -> memref<128x32xf32, #tpu.memory_space<vmem>>
    %dma_start3A_215 = arith.constant 0 : i32
    %dma_start3A_216 = tpu.memref_slice %arg8[%add3A_211, %dma_start3A_215] : memref<40016x32xf32, #tpu.memory_space<vmem_shared>> -> memref<128x32xf32, #tpu.memory_space<vmem_shared>>
    %dma_start3A_217 = arith.constant 0 : i32
    %dma_start3A_218 = tpu.memref_slice %arg8[%add3A_211, %dma_start3A_217] : memref<40016x32xf32, #tpu.memory_space<vmem_shared>> -> memref<128x32xf32, #tpu.memory_space<vmem_shared>>
    %dma_start3A_219 = arith.constant 0 : i32
    %dma_start3A_220 = arith.constant 0 : i32
    %dma_start3A_221 = tpu.memref_slice %arg7[%dma_start3A_219, %dma_start3A_220] : memref<128x32xf32, #tpu.memory_space<vmem>> -> memref<128x32xf32, #tpu.memory_space<vmem>>
    tpu.enqueue_dma source(%dma_start3A_221 : memref<128x32xf32, #tpu.memory_space<vmem>>) target(%dma_start3A_218 : memref<128x32xf32, #tpu.memory_space<vmem_shared>>) target_semaphore(%arg10 : memref<!tpu.dma_semaphore, #tpu.memory_space<semaphore_mem>>)
    %add3A_222 = arith.constant 2304 : i32
    %add3A_223 = arith.addi %mul3A_7, %add3A_222 : i32
    %dma_start3A_224 = arith.constant 0 : i32
    %dma_start3A_225 = arith.constant 0 : i32
    %dma_start3A_226 = tpu.memref_slice %arg7[%dma_start3A_224, %dma_start3A_225] : memref<128x32xf32, #tpu.memory_space<vmem>> -> memref<128x32xf32, #tpu.memory_space<vmem>>
    %dma_start3A_227 = arith.constant 0 : i32
    %dma_start3A_228 = tpu.memref_slice %arg8[%add3A_223, %dma_start3A_227] : memref<40016x32xf32, #tpu.memory_space<vmem_shared>> -> memref<128x32xf32, #tpu.memory_space<vmem_shared>>
    %dma_start3A_229 = arith.constant 0 : i32
    %dma_start3A_230 = tpu.memref_slice %arg8[%add3A_223, %dma_start3A_229] : memref<40016x32xf32, #tpu.memory_space<vmem_shared>> -> memref<128x32xf32, #tpu.memory_space<vmem_shared>>
    %dma_start3A_231 = arith.constant 0 : i32
    %dma_start3A_232 = arith.constant 0 : i32
    %dma_start3A_233 = tpu.memref_slice %arg7[%dma_start3A_231, %dma_start3A_232] : memref<128x32xf32, #tpu.memory_space<vmem>> -> memref<128x32xf32, #tpu.memory_space<vmem>>
    tpu.enqueue_dma source(%dma_start3A_233 : memref<128x32xf32, #tpu.memory_space<vmem>>) target(%dma_start3A_230 : memref<128x32xf32, #tpu.memory_space<vmem_shared>>) target_semaphore(%arg10 : memref<!tpu.dma_semaphore, #tpu.memory_space<semaphore_mem>>)
    %add3A_234 = arith.constant 2432 : i32
    %add3A_235 = arith.addi %mul3A_7, %add3A_234 : i32
    %dma_start3A_236 = arith.constant 0 : i32
    %dma_start3A_237 = arith.constant 0 : i32
    %dma_start3A_238 = tpu.memref_slice %arg7[%dma_start3A_236, %dma_start3A_237] : memref<128x32xf32, #tpu.memory_space<vmem>> -> memref<68x32xf32, #tpu.memory_space<vmem>>
    %dma_start3A_239 = arith.constant 0 : i32
    %dma_start3A_240 = tpu.memref_slice %arg8[%add3A_235, %dma_start3A_239] : memref<40016x32xf32, #tpu.memory_space<vmem_shared>> -> memref<68x32xf32, #tpu.memory_space<vmem_shared>>
    %dma_start3A_241 = arith.constant 0 : i32
    %dma_start3A_242 = tpu.memref_slice %arg8[%add3A_235, %dma_start3A_241] : memref<40016x32xf32, #tpu.memory_space<vmem_shared>> -> memref<68x32xf32, #tpu.memory_space<vmem_shared>>
    %dma_start3A_243 = arith.constant 0 : i32
    %dma_start3A_244 = arith.constant 0 : i32
    %dma_start3A_245 = tpu.memref_slice %arg7[%dma_start3A_243, %dma_start3A_244] : memref<128x32xf32, #tpu.memory_space<vmem>> -> memref<68x32xf32, #tpu.memory_space<vmem>>
    tpu.enqueue_dma source(%dma_start3A_245 : memref<68x32xf32, #tpu.memory_space<vmem>>) target(%dma_start3A_242 : memref<68x32xf32, #tpu.memory_space<vmem_shared>>) target_semaphore(%arg10 : memref<!tpu.dma_semaphore, #tpu.memory_space<semaphore_mem>>)
    %dma_wait3A = arith.constant 0 : i32
    %dma_wait3A_246 = arith.constant 0 : i32
    %dma_wait3A_247 = tpu.memref_slice %arg7[%dma_wait3A, %dma_wait3A_246] : memref<128x32xf32, #tpu.memory_space<vmem>> -> memref<128x32xf32, #tpu.memory_space<vmem>>
    %dma_wait3A_248 = arith.constant 0 : i32
    %dma_wait3A_249 = tpu.memref_slice %arg8[%add3A_8, %dma_wait3A_248] : memref<40016x32xf32, #tpu.memory_space<vmem_shared>> -> memref<128x32xf32, #tpu.memory_space<vmem_shared>>
    %dma_wait3A_250 = arith.constant 0 : i32
    %dma_wait3A_251 = tpu.memref_slice %arg8[%add3A_8, %dma_wait3A_250] : memref<40016x32xf32, #tpu.memory_space<vmem_shared>> -> memref<128x32xf32, #tpu.memory_space<vmem_shared>>
    %dma_wait3A_252 = arith.constant 0 : i32
    %dma_wait3A_253 = arith.constant 0 : i32
    %dma_wait3A_254 = tpu.memref_slice %arg7[%dma_wait3A_252, %dma_wait3A_253] : memref<128x32xf32, #tpu.memory_space<vmem>> -> memref<128x32xf32, #tpu.memory_space<vmem>>
    tpu.wait_dma2 semaphore(%arg10 : memref<!tpu.dma_semaphore, #tpu.memory_space<semaphore_mem>>) src(%dma_wait3A_254 : memref<128x32xf32, #tpu.memory_space<vmem>>) dst(%dma_wait3A_251 : memref<128x32xf32, #tpu.memory_space<vmem_shared>>)
    %dma_wait3A_255 = arith.constant 0 : i32
    %dma_wait3A_256 = arith.constant 0 : i32
    %dma_wait3A_257 = tpu.memref_slice %arg7[%dma_wait3A_255, %dma_wait3A_256] : memref<128x32xf32, #tpu.memory_space<vmem>> -> memref<128x32xf32, #tpu.memory_space<vmem>>
    %dma_wait3A_258 = arith.constant 0 : i32
    %dma_wait3A_259 = tpu.memref_slice %arg8[%add3A_19, %dma_wait3A_258] : memref<40016x32xf32, #tpu.memory_space<vmem_shared>> -> memref<128x32xf32, #tpu.memory_space<vmem_shared>>
    %dma_wait3A_260 = arith.constant 0 : i32
    %dma_wait3A_261 = tpu.memref_slice %arg8[%add3A_19, %dma_wait3A_260] : memref<40016x32xf32, #tpu.memory_space<vmem_shared>> -> memref<128x32xf32, #tpu.memory_space<vmem_shared>>
    %dma_wait3A_262 = arith.constant 0 : i32
    %dma_wait3A_263 = arith.constant 0 : i32
    %dma_wait3A_264 = tpu.memref_slice %arg7[%dma_wait3A_262, %dma_wait3A_263] : memref<128x32xf32, #tpu.memory_space<vmem>> -> memref<128x32xf32, #tpu.memory_space<vmem>>
    tpu.wait_dma2 semaphore(%arg10 : memref<!tpu.dma_semaphore, #tpu.memory_space<semaphore_mem>>) src(%dma_wait3A_264 : memref<128x32xf32, #tpu.memory_space<vmem>>) dst(%dma_wait3A_261 : memref<128x32xf32, #tpu.memory_space<vmem_shared>>)
    %dma_wait3A_265 = arith.constant 0 : i32
    %dma_wait3A_266 = arith.constant 0 : i32
    %dma_wait3A_267 = tpu.memref_slice %arg7[%dma_wait3A_265, %dma_wait3A_266] : memref<128x32xf32, #tpu.memory_space<vmem>> -> memref<128x32xf32, #tpu.memory_space<vmem>>
    %dma_wait3A_268 = arith.constant 0 : i32
    %dma_wait3A_269 = tpu.memref_slice %arg8[%add3A_31, %dma_wait3A_268] : memref<40016x32xf32, #tpu.memory_space<vmem_shared>> -> memref<128x32xf32, #tpu.memory_space<vmem_shared>>
    %dma_wait3A_270 = arith.constant 0 : i32
    %dma_wait3A_271 = tpu.memref_slice %arg8[%add3A_31, %dma_wait3A_270] : memref<40016x32xf32, #tpu.memory_space<vmem_shared>> -> memref<128x32xf32, #tpu.memory_space<vmem_shared>>
    %dma_wait3A_272 = arith.constant 0 : i32
    %dma_wait3A_273 = arith.constant 0 : i32
    %dma_wait3A_274 = tpu.memref_slice %arg7[%dma_wait3A_272, %dma_wait3A_273] : memref<128x32xf32, #tpu.memory_space<vmem>> -> memref<128x32xf32, #tpu.memory_space<vmem>>
    tpu.wait_dma2 semaphore(%arg10 : memref<!tpu.dma_semaphore, #tpu.memory_space<semaphore_mem>>) src(%dma_wait3A_274 : memref<128x32xf32, #tpu.memory_space<vmem>>) dst(%dma_wait3A_271 : memref<128x32xf32, #tpu.memory_space<vmem_shared>>)
    %dma_wait3A_275 = arith.constant 0 : i32
    %dma_wait3A_276 = arith.constant 0 : i32
    %dma_wait3A_277 = tpu.memref_slice %arg7[%dma_wait3A_275, %dma_wait3A_276] : memref<128x32xf32, #tpu.memory_space<vmem>> -> memref<128x32xf32, #tpu.memory_space<vmem>>
    %dma_wait3A_278 = arith.constant 0 : i32
    %dma_wait3A_279 = tpu.memref_slice %arg8[%add3A_43, %dma_wait3A_278] : memref<40016x32xf32, #tpu.memory_space<vmem_shared>> -> memref<128x32xf32, #tpu.memory_space<vmem_shared>>
    %dma_wait3A_280 = arith.constant 0 : i32
    %dma_wait3A_281 = tpu.memref_slice %arg8[%add3A_43, %dma_wait3A_280] : memref<40016x32xf32, #tpu.memory_space<vmem_shared>> -> memref<128x32xf32, #tpu.memory_space<vmem_shared>>
    %dma_wait3A_282 = arith.constant 0 : i32
    %dma_wait3A_283 = arith.constant 0 : i32
    %dma_wait3A_284 = tpu.memref_slice %arg7[%dma_wait3A_282, %dma_wait3A_283] : memref<128x32xf32, #tpu.memory_space<vmem>> -> memref<128x32xf32, #tpu.memory_space<vmem>>
    tpu.wait_dma2 semaphore(%arg10 : memref<!tpu.dma_semaphore, #tpu.memory_space<semaphore_mem>>) src(%dma_wait3A_284 : memref<128x32xf32, #tpu.memory_space<vmem>>) dst(%dma_wait3A_281 : memref<128x32xf32, #tpu.memory_space<vmem_shared>>)
    %dma_wait3A_285 = arith.constant 0 : i32
    %dma_wait3A_286 = arith.constant 0 : i32
    %dma_wait3A_287 = tpu.memref_slice %arg7[%dma_wait3A_285, %dma_wait3A_286] : memref<128x32xf32, #tpu.memory_space<vmem>> -> memref<128x32xf32, #tpu.memory_space<vmem>>
    %dma_wait3A_288 = arith.constant 0 : i32
    %dma_wait3A_289 = tpu.memref_slice %arg8[%add3A_55, %dma_wait3A_288] : memref<40016x32xf32, #tpu.memory_space<vmem_shared>> -> memref<128x32xf32, #tpu.memory_space<vmem_shared>>
    %dma_wait3A_290 = arith.constant 0 : i32
    %dma_wait3A_291 = tpu.memref_slice %arg8[%add3A_55, %dma_wait3A_290] : memref<40016x32xf32, #tpu.memory_space<vmem_shared>> -> memref<128x32xf32, #tpu.memory_space<vmem_shared>>
    %dma_wait3A_292 = arith.constant 0 : i32
    %dma_wait3A_293 = arith.constant 0 : i32
    %dma_wait3A_294 = tpu.memref_slice %arg7[%dma_wait3A_292, %dma_wait3A_293] : memref<128x32xf32, #tpu.memory_space<vmem>> -> memref<128x32xf32, #tpu.memory_space<vmem>>
    tpu.wait_dma2 semaphore(%arg10 : memref<!tpu.dma_semaphore, #tpu.memory_space<semaphore_mem>>) src(%dma_wait3A_294 : memref<128x32xf32, #tpu.memory_space<vmem>>) dst(%dma_wait3A_291 : memref<128x32xf32, #tpu.memory_space<vmem_shared>>)
    %dma_wait3A_295 = arith.constant 0 : i32
    %dma_wait3A_296 = arith.constant 0 : i32
    %dma_wait3A_297 = tpu.memref_slice %arg7[%dma_wait3A_295, %dma_wait3A_296] : memref<128x32xf32, #tpu.memory_space<vmem>> -> memref<128x32xf32, #tpu.memory_space<vmem>>
    %dma_wait3A_298 = arith.constant 0 : i32
    %dma_wait3A_299 = tpu.memref_slice %arg8[%add3A_67, %dma_wait3A_298] : memref<40016x32xf32, #tpu.memory_space<vmem_shared>> -> memref<128x32xf32, #tpu.memory_space<vmem_shared>>
    %dma_wait3A_300 = arith.constant 0 : i32
    %dma_wait3A_301 = tpu.memref_slice %arg8[%add3A_67, %dma_wait3A_300] : memref<40016x32xf32, #tpu.memory_space<vmem_shared>> -> memref<128x32xf32, #tpu.memory_space<vmem_shared>>
    %dma_wait3A_302 = arith.constant 0 : i32
    %dma_wait3A_303 = arith.constant 0 : i32
    %dma_wait3A_304 = tpu.memref_slice %arg7[%dma_wait3A_302, %dma_wait3A_303] : memref<128x32xf32, #tpu.memory_space<vmem>> -> memref<128x32xf32, #tpu.memory_space<vmem>>
    tpu.wait_dma2 semaphore(%arg10 : memref<!tpu.dma_semaphore, #tpu.memory_space<semaphore_mem>>) src(%dma_wait3A_304 : memref<128x32xf32, #tpu.memory_space<vmem>>) dst(%dma_wait3A_301 : memref<128x32xf32, #tpu.memory_space<vmem_shared>>)
    %dma_wait3A_305 = arith.constant 0 : i32
    %dma_wait3A_306 = arith.constant 0 : i32
    %dma_wait3A_307 = tpu.memref_slice %arg7[%dma_wait3A_305, %dma_wait3A_306] : memref<128x32xf32, #tpu.memory_space<vmem>> -> memref<128x32xf32, #tpu.memory_space<vmem>>
    %dma_wait3A_308 = arith.constant 0 : i32
    %dma_wait3A_309 = tpu.memref_slice %arg8[%add3A_79, %dma_wait3A_308] : memref<40016x32xf32, #tpu.memory_space<vmem_shared>> -> memref<128x32xf32, #tpu.memory_space<vmem_shared>>
    %dma_wait3A_310 = arith.constant 0 : i32
    %dma_wait3A_311 = tpu.memref_slice %arg8[%add3A_79, %dma_wait3A_310] : memref<40016x32xf32, #tpu.memory_space<vmem_shared>> -> memref<128x32xf32, #tpu.memory_space<vmem_shared>>
    %dma_wait3A_312 = arith.constant 0 : i32
    %dma_wait3A_313 = arith.constant 0 : i32
    %dma_wait3A_314 = tpu.memref_slice %arg7[%dma_wait3A_312, %dma_wait3A_313] : memref<128x32xf32, #tpu.memory_space<vmem>> -> memref<128x32xf32, #tpu.memory_space<vmem>>
    tpu.wait_dma2 semaphore(%arg10 : memref<!tpu.dma_semaphore, #tpu.memory_space<semaphore_mem>>) src(%dma_wait3A_314 : memref<128x32xf32, #tpu.memory_space<vmem>>) dst(%dma_wait3A_311 : memref<128x32xf32, #tpu.memory_space<vmem_shared>>)
    %dma_wait3A_315 = arith.constant 0 : i32
    %dma_wait3A_316 = arith.constant 0 : i32
    %dma_wait3A_317 = tpu.memref_slice %arg7[%dma_wait3A_315, %dma_wait3A_316] : memref<128x32xf32, #tpu.memory_space<vmem>> -> memref<128x32xf32, #tpu.memory_space<vmem>>
    %dma_wait3A_318 = arith.constant 0 : i32
    %dma_wait3A_319 = tpu.memref_slice %arg8[%add3A_91, %dma_wait3A_318] : memref<40016x32xf32, #tpu.memory_space<vmem_shared>> -> memref<128x32xf32, #tpu.memory_space<vmem_shared>>
    %dma_wait3A_320 = arith.constant 0 : i32
    %dma_wait3A_321 = tpu.memref_slice %arg8[%add3A_91, %dma_wait3A_320] : memref<40016x32xf32, #tpu.memory_space<vmem_shared>> -> memref<128x32xf32, #tpu.memory_space<vmem_shared>>
    %dma_wait3A_322 = arith.constant 0 : i32
    %dma_wait3A_323 = arith.constant 0 : i32
    %dma_wait3A_324 = tpu.memref_slice %arg7[%dma_wait3A_322, %dma_wait3A_323] : memref<128x32xf32, #tpu.memory_space<vmem>> -> memref<128x32xf32, #tpu.memory_space<vmem>>
    tpu.wait_dma2 semaphore(%arg10 : memref<!tpu.dma_semaphore, #tpu.memory_space<semaphore_mem>>) src(%dma_wait3A_324 : memref<128x32xf32, #tpu.memory_space<vmem>>) dst(%dma_wait3A_321 : memref<128x32xf32, #tpu.memory_space<vmem_shared>>)
    %dma_wait3A_325 = arith.constant 0 : i32
    %dma_wait3A_326 = arith.constant 0 : i32
    %dma_wait3A_327 = tpu.memref_slice %arg7[%dma_wait3A_325, %dma_wait3A_326] : memref<128x32xf32, #tpu.memory_space<vmem>> -> memref<128x32xf32, #tpu.memory_space<vmem>>
    %dma_wait3A_328 = arith.constant 0 : i32
    %dma_wait3A_329 = tpu.memref_slice %arg8[%add3A_103, %dma_wait3A_328] : memref<40016x32xf32, #tpu.memory_space<vmem_shared>> -> memref<128x32xf32, #tpu.memory_space<vmem_shared>>
    %dma_wait3A_330 = arith.constant 0 : i32
    %dma_wait3A_331 = tpu.memref_slice %arg8[%add3A_103, %dma_wait3A_330] : memref<40016x32xf32, #tpu.memory_space<vmem_shared>> -> memref<128x32xf32, #tpu.memory_space<vmem_shared>>
    %dma_wait3A_332 = arith.constant 0 : i32
    %dma_wait3A_333 = arith.constant 0 : i32
    %dma_wait3A_334 = tpu.memref_slice %arg7[%dma_wait3A_332, %dma_wait3A_333] : memref<128x32xf32, #tpu.memory_space<vmem>> -> memref<128x32xf32, #tpu.memory_space<vmem>>
    tpu.wait_dma2 semaphore(%arg10 : memref<!tpu.dma_semaphore, #tpu.memory_space<semaphore_mem>>) src(%dma_wait3A_334 : memref<128x32xf32, #tpu.memory_space<vmem>>) dst(%dma_wait3A_331 : memref<128x32xf32, #tpu.memory_space<vmem_shared>>)
    %dma_wait3A_335 = arith.constant 0 : i32
    %dma_wait3A_336 = arith.constant 0 : i32
    %dma_wait3A_337 = tpu.memref_slice %arg7[%dma_wait3A_335, %dma_wait3A_336] : memref<128x32xf32, #tpu.memory_space<vmem>> -> memref<128x32xf32, #tpu.memory_space<vmem>>
    %dma_wait3A_338 = arith.constant 0 : i32
    %dma_wait3A_339 = tpu.memref_slice %arg8[%add3A_115, %dma_wait3A_338] : memref<40016x32xf32, #tpu.memory_space<vmem_shared>> -> memref<128x32xf32, #tpu.memory_space<vmem_shared>>
    %dma_wait3A_340 = arith.constant 0 : i32
    %dma_wait3A_341 = tpu.memref_slice %arg8[%add3A_115, %dma_wait3A_340] : memref<40016x32xf32, #tpu.memory_space<vmem_shared>> -> memref<128x32xf32, #tpu.memory_space<vmem_shared>>
    %dma_wait3A_342 = arith.constant 0 : i32
    %dma_wait3A_343 = arith.constant 0 : i32
    %dma_wait3A_344 = tpu.memref_slice %arg7[%dma_wait3A_342, %dma_wait3A_343] : memref<128x32xf32, #tpu.memory_space<vmem>> -> memref<128x32xf32, #tpu.memory_space<vmem>>
    tpu.wait_dma2 semaphore(%arg10 : memref<!tpu.dma_semaphore, #tpu.memory_space<semaphore_mem>>) src(%dma_wait3A_344 : memref<128x32xf32, #tpu.memory_space<vmem>>) dst(%dma_wait3A_341 : memref<128x32xf32, #tpu.memory_space<vmem_shared>>)
    %dma_wait3A_345 = arith.constant 0 : i32
    %dma_wait3A_346 = arith.constant 0 : i32
    %dma_wait3A_347 = tpu.memref_slice %arg7[%dma_wait3A_345, %dma_wait3A_346] : memref<128x32xf32, #tpu.memory_space<vmem>> -> memref<128x32xf32, #tpu.memory_space<vmem>>
    %dma_wait3A_348 = arith.constant 0 : i32
    %dma_wait3A_349 = tpu.memref_slice %arg8[%add3A_127, %dma_wait3A_348] : memref<40016x32xf32, #tpu.memory_space<vmem_shared>> -> memref<128x32xf32, #tpu.memory_space<vmem_shared>>
    %dma_wait3A_350 = arith.constant 0 : i32
    %dma_wait3A_351 = tpu.memref_slice %arg8[%add3A_127, %dma_wait3A_350] : memref<40016x32xf32, #tpu.memory_space<vmem_shared>> -> memref<128x32xf32, #tpu.memory_space<vmem_shared>>
    %dma_wait3A_352 = arith.constant 0 : i32
    %dma_wait3A_353 = arith.constant 0 : i32
    %dma_wait3A_354 = tpu.memref_slice %arg7[%dma_wait3A_352, %dma_wait3A_353] : memref<128x32xf32, #tpu.memory_space<vmem>> -> memref<128x32xf32, #tpu.memory_space<vmem>>
    tpu.wait_dma2 semaphore(%arg10 : memref<!tpu.dma_semaphore, #tpu.memory_space<semaphore_mem>>) src(%dma_wait3A_354 : memref<128x32xf32, #tpu.memory_space<vmem>>) dst(%dma_wait3A_351 : memref<128x32xf32, #tpu.memory_space<vmem_shared>>)
    %dma_wait3A_355 = arith.constant 0 : i32
    %dma_wait3A_356 = arith.constant 0 : i32
    %dma_wait3A_357 = tpu.memref_slice %arg7[%dma_wait3A_355, %dma_wait3A_356] : memref<128x32xf32, #tpu.memory_space<vmem>> -> memref<128x32xf32, #tpu.memory_space<vmem>>
    %dma_wait3A_358 = arith.constant 0 : i32
    %dma_wait3A_359 = tpu.memref_slice %arg8[%add3A_139, %dma_wait3A_358] : memref<40016x32xf32, #tpu.memory_space<vmem_shared>> -> memref<128x32xf32, #tpu.memory_space<vmem_shared>>
    %dma_wait3A_360 = arith.constant 0 : i32
    %dma_wait3A_361 = tpu.memref_slice %arg8[%add3A_139, %dma_wait3A_360] : memref<40016x32xf32, #tpu.memory_space<vmem_shared>> -> memref<128x32xf32, #tpu.memory_space<vmem_shared>>
    %dma_wait3A_362 = arith.constant 0 : i32
    %dma_wait3A_363 = arith.constant 0 : i32
    %dma_wait3A_364 = tpu.memref_slice %arg7[%dma_wait3A_362, %dma_wait3A_363] : memref<128x32xf32, #tpu.memory_space<vmem>> -> memref<128x32xf32, #tpu.memory_space<vmem>>
    tpu.wait_dma2 semaphore(%arg10 : memref<!tpu.dma_semaphore, #tpu.memory_space<semaphore_mem>>) src(%dma_wait3A_364 : memref<128x32xf32, #tpu.memory_space<vmem>>) dst(%dma_wait3A_361 : memref<128x32xf32, #tpu.memory_space<vmem_shared>>)
    %dma_wait3A_365 = arith.constant 0 : i32
    %dma_wait3A_366 = arith.constant 0 : i32
    %dma_wait3A_367 = tpu.memref_slice %arg7[%dma_wait3A_365, %dma_wait3A_366] : memref<128x32xf32, #tpu.memory_space<vmem>> -> memref<128x32xf32, #tpu.memory_space<vmem>>
    %dma_wait3A_368 = arith.constant 0 : i32
    %dma_wait3A_369 = tpu.memref_slice %arg8[%add3A_151, %dma_wait3A_368] : memref<40016x32xf32, #tpu.memory_space<vmem_shared>> -> memref<128x32xf32, #tpu.memory_space<vmem_shared>>
    %dma_wait3A_370 = arith.constant 0 : i32
    %dma_wait3A_371 = tpu.memref_slice %arg8[%add3A_151, %dma_wait3A_370] : memref<40016x32xf32, #tpu.memory_space<vmem_shared>> -> memref<128x32xf32, #tpu.memory_space<vmem_shared>>
    %dma_wait3A_372 = arith.constant 0 : i32
    %dma_wait3A_373 = arith.constant 0 : i32
    %dma_wait3A_374 = tpu.memref_slice %arg7[%dma_wait3A_372, %dma_wait3A_373] : memref<128x32xf32, #tpu.memory_space<vmem>> -> memref<128x32xf32, #tpu.memory_space<vmem>>
    tpu.wait_dma2 semaphore(%arg10 : memref<!tpu.dma_semaphore, #tpu.memory_space<semaphore_mem>>) src(%dma_wait3A_374 : memref<128x32xf32, #tpu.memory_space<vmem>>) dst(%dma_wait3A_371 : memref<128x32xf32, #tpu.memory_space<vmem_shared>>)
    %dma_wait3A_375 = arith.constant 0 : i32
    %dma_wait3A_376 = arith.constant 0 : i32
    %dma_wait3A_377 = tpu.memref_slice %arg7[%dma_wait3A_375, %dma_wait3A_376] : memref<128x32xf32, #tpu.memory_space<vmem>> -> memref<128x32xf32, #tpu.memory_space<vmem>>
    %dma_wait3A_378 = arith.constant 0 : i32
    %dma_wait3A_379 = tpu.memref_slice %arg8[%add3A_163, %dma_wait3A_378] : memref<40016x32xf32, #tpu.memory_space<vmem_shared>> -> memref<128x32xf32, #tpu.memory_space<vmem_shared>>
    %dma_wait3A_380 = arith.constant 0 : i32
    %dma_wait3A_381 = tpu.memref_slice %arg8[%add3A_163, %dma_wait3A_380] : memref<40016x32xf32, #tpu.memory_space<vmem_shared>> -> memref<128x32xf32, #tpu.memory_space<vmem_shared>>
    %dma_wait3A_382 = arith.constant 0 : i32
    %dma_wait3A_383 = arith.constant 0 : i32
    %dma_wait3A_384 = tpu.memref_slice %arg7[%dma_wait3A_382, %dma_wait3A_383] : memref<128x32xf32, #tpu.memory_space<vmem>> -> memref<128x32xf32, #tpu.memory_space<vmem>>
    tpu.wait_dma2 semaphore(%arg10 : memref<!tpu.dma_semaphore, #tpu.memory_space<semaphore_mem>>) src(%dma_wait3A_384 : memref<128x32xf32, #tpu.memory_space<vmem>>) dst(%dma_wait3A_381 : memref<128x32xf32, #tpu.memory_space<vmem_shared>>)
    %dma_wait3A_385 = arith.constant 0 : i32
    %dma_wait3A_386 = arith.constant 0 : i32
    %dma_wait3A_387 = tpu.memref_slice %arg7[%dma_wait3A_385, %dma_wait3A_386] : memref<128x32xf32, #tpu.memory_space<vmem>> -> memref<128x32xf32, #tpu.memory_space<vmem>>
    %dma_wait3A_388 = arith.constant 0 : i32
    %dma_wait3A_389 = tpu.memref_slice %arg8[%add3A_175, %dma_wait3A_388] : memref<40016x32xf32, #tpu.memory_space<vmem_shared>> -> memref<128x32xf32, #tpu.memory_space<vmem_shared>>
    %dma_wait3A_390 = arith.constant 0 : i32
    %dma_wait3A_391 = tpu.memref_slice %arg8[%add3A_175, %dma_wait3A_390] : memref<40016x32xf32, #tpu.memory_space<vmem_shared>> -> memref<128x32xf32, #tpu.memory_space<vmem_shared>>
    %dma_wait3A_392 = arith.constant 0 : i32
    %dma_wait3A_393 = arith.constant 0 : i32
    %dma_wait3A_394 = tpu.memref_slice %arg7[%dma_wait3A_392, %dma_wait3A_393] : memref<128x32xf32, #tpu.memory_space<vmem>> -> memref<128x32xf32, #tpu.memory_space<vmem>>
    tpu.wait_dma2 semaphore(%arg10 : memref<!tpu.dma_semaphore, #tpu.memory_space<semaphore_mem>>) src(%dma_wait3A_394 : memref<128x32xf32, #tpu.memory_space<vmem>>) dst(%dma_wait3A_391 : memref<128x32xf32, #tpu.memory_space<vmem_shared>>)
    %dma_wait3A_395 = arith.constant 0 : i32
    %dma_wait3A_396 = arith.constant 0 : i32
    %dma_wait3A_397 = tpu.memref_slice %arg7[%dma_wait3A_395, %dma_wait3A_396] : memref<128x32xf32, #tpu.memory_space<vmem>> -> memref<128x32xf32, #tpu.memory_space<vmem>>
    %dma_wait3A_398 = arith.constant 0 : i32
    %dma_wait3A_399 = tpu.memref_slice %arg8[%add3A_187, %dma_wait3A_398] : memref<40016x32xf32, #tpu.memory_space<vmem_shared>> -> memref<128x32xf32, #tpu.memory_space<vmem_shared>>
    %dma_wait3A_400 = arith.constant 0 : i32
    %dma_wait3A_401 = tpu.memref_slice %arg8[%add3A_187, %dma_wait3A_400] : memref<40016x32xf32, #tpu.memory_space<vmem_shared>> -> memref<128x32xf32, #tpu.memory_space<vmem_shared>>
    %dma_wait3A_402 = arith.constant 0 : i32
    %dma_wait3A_403 = arith.constant 0 : i32
    %dma_wait3A_404 = tpu.memref_slice %arg7[%dma_wait3A_402, %dma_wait3A_403] : memref<128x32xf32, #tpu.memory_space<vmem>> -> memref<128x32xf32, #tpu.memory_space<vmem>>
    tpu.wait_dma2 semaphore(%arg10 : memref<!tpu.dma_semaphore, #tpu.memory_space<semaphore_mem>>) src(%dma_wait3A_404 : memref<128x32xf32, #tpu.memory_space<vmem>>) dst(%dma_wait3A_401 : memref<128x32xf32, #tpu.memory_space<vmem_shared>>)
    %dma_wait3A_405 = arith.constant 0 : i32
    %dma_wait3A_406 = arith.constant 0 : i32
    %dma_wait3A_407 = tpu.memref_slice %arg7[%dma_wait3A_405, %dma_wait3A_406] : memref<128x32xf32, #tpu.memory_space<vmem>> -> memref<128x32xf32, #tpu.memory_space<vmem>>
    %dma_wait3A_408 = arith.constant 0 : i32
    %dma_wait3A_409 = tpu.memref_slice %arg8[%add3A_199, %dma_wait3A_408] : memref<40016x32xf32, #tpu.memory_space<vmem_shared>> -> memref<128x32xf32, #tpu.memory_space<vmem_shared>>
    %dma_wait3A_410 = arith.constant 0 : i32
    %dma_wait3A_411 = tpu.memref_slice %arg8[%add3A_199, %dma_wait3A_410] : memref<40016x32xf32, #tpu.memory_space<vmem_shared>> -> memref<128x32xf32, #tpu.memory_space<vmem_shared>>
    %dma_wait3A_412 = arith.constant 0 : i32
    %dma_wait3A_413 = arith.constant 0 : i32
    %dma_wait3A_414 = tpu.memref_slice %arg7[%dma_wait3A_412, %dma_wait3A_413] : memref<128x32xf32, #tpu.memory_space<vmem>> -> memref<128x32xf32, #tpu.memory_space<vmem>>
    tpu.wait_dma2 semaphore(%arg10 : memref<!tpu.dma_semaphore, #tpu.memory_space<semaphore_mem>>) src(%dma_wait3A_414 : memref<128x32xf32, #tpu.memory_space<vmem>>) dst(%dma_wait3A_411 : memref<128x32xf32, #tpu.memory_space<vmem_shared>>)
    %dma_wait3A_415 = arith.constant 0 : i32
    %dma_wait3A_416 = arith.constant 0 : i32
    %dma_wait3A_417 = tpu.memref_slice %arg7[%dma_wait3A_415, %dma_wait3A_416] : memref<128x32xf32, #tpu.memory_space<vmem>> -> memref<128x32xf32, #tpu.memory_space<vmem>>
    %dma_wait3A_418 = arith.constant 0 : i32
    %dma_wait3A_419 = tpu.memref_slice %arg8[%add3A_211, %dma_wait3A_418] : memref<40016x32xf32, #tpu.memory_space<vmem_shared>> -> memref<128x32xf32, #tpu.memory_space<vmem_shared>>
    %dma_wait3A_420 = arith.constant 0 : i32
    %dma_wait3A_421 = tpu.memref_slice %arg8[%add3A_211, %dma_wait3A_420] : memref<40016x32xf32, #tpu.memory_space<vmem_shared>> -> memref<128x32xf32, #tpu.memory_space<vmem_shared>>
    %dma_wait3A_422 = arith.constant 0 : i32
    %dma_wait3A_423 = arith.constant 0 : i32
    %dma_wait3A_424 = tpu.memref_slice %arg7[%dma_wait3A_422, %dma_wait3A_423] : memref<128x32xf32, #tpu.memory_space<vmem>> -> memref<128x32xf32, #tpu.memory_space<vmem>>
    tpu.wait_dma2 semaphore(%arg10 : memref<!tpu.dma_semaphore, #tpu.memory_space<semaphore_mem>>) src(%dma_wait3A_424 : memref<128x32xf32, #tpu.memory_space<vmem>>) dst(%dma_wait3A_421 : memref<128x32xf32, #tpu.memory_space<vmem_shared>>)
    %dma_wait3A_425 = arith.constant 0 : i32
    %dma_wait3A_426 = arith.constant 0 : i32
    %dma_wait3A_427 = tpu.memref_slice %arg7[%dma_wait3A_425, %dma_wait3A_426] : memref<128x32xf32, #tpu.memory_space<vmem>> -> memref<128x32xf32, #tpu.memory_space<vmem>>
    %dma_wait3A_428 = arith.constant 0 : i32
    %dma_wait3A_429 = tpu.memref_slice %arg8[%add3A_223, %dma_wait3A_428] : memref<40016x32xf32, #tpu.memory_space<vmem_shared>> -> memref<128x32xf32, #tpu.memory_space<vmem_shared>>
    %dma_wait3A_430 = arith.constant 0 : i32
    %dma_wait3A_431 = tpu.memref_slice %arg8[%add3A_223, %dma_wait3A_430] : memref<40016x32xf32, #tpu.memory_space<vmem_shared>> -> memref<128x32xf32, #tpu.memory_space<vmem_shared>>
    %dma_wait3A_432 = arith.constant 0 : i32
    %dma_wait3A_433 = arith.constant 0 : i32
    %dma_wait3A_434 = tpu.memref_slice %arg7[%dma_wait3A_432, %dma_wait3A_433] : memref<128x32xf32, #tpu.memory_space<vmem>> -> memref<128x32xf32, #tpu.memory_space<vmem>>
    tpu.wait_dma2 semaphore(%arg10 : memref<!tpu.dma_semaphore, #tpu.memory_space<semaphore_mem>>) src(%dma_wait3A_434 : memref<128x32xf32, #tpu.memory_space<vmem>>) dst(%dma_wait3A_431 : memref<128x32xf32, #tpu.memory_space<vmem_shared>>)
    %dma_wait3A_435 = arith.constant 0 : i32
    %dma_wait3A_436 = arith.constant 0 : i32
    %dma_wait3A_437 = tpu.memref_slice %arg7[%dma_wait3A_435, %dma_wait3A_436] : memref<128x32xf32, #tpu.memory_space<vmem>> -> memref<68x32xf32, #tpu.memory_space<vmem>>
    %dma_wait3A_438 = arith.constant 0 : i32
    %dma_wait3A_439 = tpu.memref_slice %arg8[%add3A_235, %dma_wait3A_438] : memref<40016x32xf32, #tpu.memory_space<vmem_shared>> -> memref<68x32xf32, #tpu.memory_space<vmem_shared>>
    %dma_wait3A_440 = arith.constant 0 : i32
    %dma_wait3A_441 = tpu.memref_slice %arg8[%add3A_235, %dma_wait3A_440] : memref<40016x32xf32, #tpu.memory_space<vmem_shared>> -> memref<68x32xf32, #tpu.memory_space<vmem_shared>>
    %dma_wait3A_442 = arith.constant 0 : i32
    %dma_wait3A_443 = arith.constant 0 : i32
    %dma_wait3A_444 = tpu.memref_slice %arg7[%dma_wait3A_442, %dma_wait3A_443] : memref<128x32xf32, #tpu.memory_space<vmem>> -> memref<68x32xf32, #tpu.memory_space<vmem>>
    tpu.wait_dma2 semaphore(%arg10 : memref<!tpu.dma_semaphore, #tpu.memory_space<semaphore_mem>>) src(%dma_wait3A_444 : memref<68x32xf32, #tpu.memory_space<vmem>>) dst(%dma_wait3A_441 : memref<68x32xf32, #tpu.memory_space<vmem_shared>>)
    %barrier3A = arith.constant 0 : index
    tpu.barrier barrier_id(%barrier3A)
    %mul3A_445 = arith.constant 2704 : i32
    %mul3A_446 = arith.muli %arg1, %mul3A_445 : i32
    %add3A_447 = arith.constant 0 : i32
    %add3A_448 = arith.addi %add3A_447, %mul3A_446 : i32
    %run_scoped3A = arith.constant 0 : i32
    "tpu.region"() ({
      %run_scoped3A_2304 = tpu.sem_alloc : memref<!tpu.dma_semaphore, #tpu.memory_space<semaphore_mem>>
      %dma_start3A_2305 = arith.constant 0 : i32
      %dma_start3A_2306 = arith.constant 0 : i32
      %dma_start3A_2307 = tpu.memref_slice %arg3[%run_scoped3A, %arg1, %dma_start3A_2305, %dma_start3A_2306] : memref<4x16x22x128xi32, #tpu.memory_space<hbm>> -> memref<1x1x22x128xi32, #tpu.memory_space<hbm>>
      %dma_start3A_2308 = tpu.memref_squeeze %dma_start3A_2307 : memref<1x1x22x128xi32, #tpu.memory_space<hbm>> -> memref<22x128xi32, #tpu.memory_space<hbm>>
      %dma_start3A_2309 = arith.constant 0 : i32
      %dma_start3A_2310 = arith.constant 0 : i32
      %dma_start3A_2311 = tpu.memref_slice %arg3[%run_scoped3A, %arg1, %dma_start3A_2309, %dma_start3A_2310] : memref<4x16x22x128xi32, #tpu.memory_space<hbm>> -> memref<1x1x22x128xi32, #tpu.memory_space<hbm>>
      %dma_start3A_2312 = tpu.memref_squeeze %dma_start3A_2311 : memref<1x1x22x128xi32, #tpu.memory_space<hbm>> -> memref<22x128xi32, #tpu.memory_space<hbm>>
      tpu.enqueue_dma source(%dma_start3A_2312 : memref<22x128xi32, #tpu.memory_space<hbm>>) target(%arg6 : memref<22x128xi32, #tpu.memory_space<vmem>>) target_semaphore(%run_scoped3A_2304 : memref<!tpu.dma_semaphore, #tpu.memory_space<semaphore_mem>>)
      %dma_wait3A_2313 = arith.constant 0 : i32
      %dma_wait3A_2314 = arith.constant 0 : i32
      %dma_wait3A_2315 = tpu.memref_slice %arg3[%run_scoped3A, %arg1, %dma_wait3A_2313, %dma_wait3A_2314] : memref<4x16x22x128xi32, #tpu.memory_space<hbm>> -> memref<1x1x22x128xi32, #tpu.memory_space<hbm>>
      %dma_wait3A_2316 = tpu.memref_squeeze %dma_wait3A_2315 : memref<1x1x22x128xi32, #tpu.memory_space<hbm>> -> memref<22x128xi32, #tpu.memory_space<hbm>>
      %dma_wait3A_2317 = arith.constant 0 : i32
      %dma_wait3A_2318 = arith.constant 0 : i32
      %dma_wait3A_2319 = tpu.memref_slice %arg3[%run_scoped3A, %arg1, %dma_wait3A_2317, %dma_wait3A_2318] : memref<4x16x22x128xi32, #tpu.memory_space<hbm>> -> memref<1x1x22x128xi32, #tpu.memory_space<hbm>>
      %dma_wait3A_2320 = tpu.memref_squeeze %dma_wait3A_2319 : memref<1x1x22x128xi32, #tpu.memory_space<hbm>> -> memref<22x128xi32, #tpu.memory_space<hbm>>
      tpu.wait_dma2 semaphore(%run_scoped3A_2304 : memref<!tpu.dma_semaphore, #tpu.memory_space<semaphore_mem>>) src(%dma_wait3A_2320 : memref<22x128xi32, #tpu.memory_space<hbm>>) dst(%arg6 : memref<22x128xi32, #tpu.memory_space<vmem>>)
      tpu.yield
    }) : () -> ()
    %scan3A_449 = arith.constant 0 : i32
    %scan3A_450 = arith.constant 21 : i32
    %scan3A_451 = arith.addi %scan3A_449, %scan3A_450 : i32
    %scan3A_452 = arith.constant 1 : i32
    scf.for %scan3A_2304 = %scan3A_449 to %scan3A_451 step %scan3A_452  : i32 {
      %mul3A_2305 = arith.constant 1 : i32
      %mul3A_2306 = arith.muli %scan3A_2304, %mul3A_2305 : i32
      %add3A_2307 = arith.constant 0 : i32
      %add3A_2308 = arith.addi %add3A_2307, %mul3A_2306 : i32
      %broadcast_in_dim3A_2309 = arith.constant 0 : i32
      %broadcast_in_dim3A_2310 = vector.broadcast %broadcast_in_dim3A_2309 : i32 to vector<16xi32>
      %get3A_2311 = arith.index_cast %add3A_2308 : i32 to index
      %get3A_2312 = arith.constant 0 : index
      %get3A_2313 = tpu.vector_load %arg6[%get3A_2311, %get3A_2312] {strides = array<i32>} : memref<22x128xi32, #tpu.memory_space<vmem>>, vector<16xi32>,
      %ne3A_2314 = arith.constant 40000 : i32
      %ne3A_2315 = vector.broadcast %ne3A_2314 : i32 to vector<16xi32>
      %ne3A_2316 = arith.cmpi ne, %get3A_2313, %ne3A_2315 : vector<16xi32>
      %jit3A_2317 = arith.constant 1 : i32
      %jit3A_2318 = arith.constant 0 : i32
      %broadcast_in_dim3A_2319 = vector.broadcast %jit3A_2317 : i32 to vector<16xi32>
      %broadcast_in_dim3A_2320 = vector.broadcast %jit3A_2318 : i32 to vector<16xi32>
      %select_n3A_2321 = arith.select %ne3A_2316, %broadcast_in_dim3A_2319, %broadcast_in_dim3A_2320 : vector<16xi1>, vector<16xi32>
      %add3A_2322 = arith.addi %broadcast_in_dim3A_2310, %select_n3A_2321 : vector<16xi32>
      %get3A_2323 = arith.index_cast %add3A_2308 : i32 to index
      %get3A_2324 = arith.constant 16 : index
      %get3A_2325 = tpu.vector_load %arg6[%get3A_2323, %get3A_2324] {strides = array<i32>} : memref<22x128xi32, #tpu.memory_space<vmem>>, vector<16xi32>,
      %ne3A_2326 = arith.constant 40000 : i32
      %ne3A_2327 = vector.broadcast %ne3A_2326 : i32 to vector<16xi32>
      %ne3A_2328 = arith.cmpi ne, %get3A_2325, %ne3A_2327 : vector<16xi32>
      %jit3A_2329 = arith.constant 1 : i32
      %jit3A_2330 = arith.constant 0 : i32
      %broadcast_in_dim3A_2331 = vector.broadcast %jit3A_2329 : i32 to vector<16xi32>
      %broadcast_in_dim3A_2332 = vector.broadcast %jit3A_2330 : i32 to vector<16xi32>
      %select_n3A_2333 = arith.select %ne3A_2328, %broadcast_in_dim3A_2331, %broadcast_in_dim3A_2332 : vector<16xi1>, vector<16xi32>
      %add3A_2334 = arith.addi %add3A_2322, %select_n3A_2333 : vector<16xi32>
      %get3A_2335 = arith.index_cast %add3A_2308 : i32 to index
      %get3A_2336 = arith.constant 32 : index
      %get3A_2337 = tpu.vector_load %arg6[%get3A_2335, %get3A_2336] {strides = array<i32>} : memref<22x128xi32, #tpu.memory_space<vmem>>, vector<16xi32>,
      %ne3A_2338 = arith.constant 40000 : i32
      %ne3A_2339 = vector.broadcast %ne3A_2338 : i32 to vector<16xi32>
      %ne3A_2340 = arith.cmpi ne, %get3A_2337, %ne3A_2339 : vector<16xi32>
      %jit3A_2341 = arith.constant 1 : i32
      %jit3A_2342 = arith.constant 0 : i32
      %broadcast_in_dim3A_2343 = vector.broadcast %jit3A_2341 : i32 to vector<16xi32>
      %broadcast_in_dim3A_2344 = vector.broadcast %jit3A_2342 : i32 to vector<16xi32>
      %select_n3A_2345 = arith.select %ne3A_2340, %broadcast_in_dim3A_2343, %broadcast_in_dim3A_2344 : vector<16xi1>, vector<16xi32>
      %add3A_2346 = arith.addi %add3A_2334, %select_n3A_2345 : vector<16xi32>
      %get3A_2347 = arith.index_cast %add3A_2308 : i32 to index
      %get3A_2348 = arith.constant 48 : index
      %get3A_2349 = tpu.vector_load %arg6[%get3A_2347, %get3A_2348] {strides = array<i32>} : memref<22x128xi32, #tpu.memory_space<vmem>>, vector<16xi32>,
      %ne3A_2350 = arith.constant 40000 : i32
      %ne3A_2351 = vector.broadcast %ne3A_2350 : i32 to vector<16xi32>
      %ne3A_2352 = arith.cmpi ne, %get3A_2349, %ne3A_2351 : vector<16xi32>
      %jit3A_2353 = arith.constant 1 : i32
      %jit3A_2354 = arith.constant 0 : i32
      %broadcast_in_dim3A_2355 = vector.broadcast %jit3A_2353 : i32 to vector<16xi32>
      %broadcast_in_dim3A_2356 = vector.broadcast %jit3A_2354 : i32 to vector<16xi32>
      %select_n3A_2357 = arith.select %ne3A_2352, %broadcast_in_dim3A_2355, %broadcast_in_dim3A_2356 : vector<16xi1>, vector<16xi32>
      %add3A_2358 = arith.addi %add3A_2346, %select_n3A_2357 : vector<16xi32>
      %get3A_2359 = arith.index_cast %add3A_2308 : i32 to index
      %get3A_2360 = arith.constant 64 : index
      %get3A_2361 = tpu.vector_load %arg6[%get3A_2359, %get3A_2360] {strides = array<i32>} : memref<22x128xi32, #tpu.memory_space<vmem>>, vector<16xi32>,
      %ne3A_2362 = arith.constant 40000 : i32
      %ne3A_2363 = vector.broadcast %ne3A_2362 : i32 to vector<16xi32>
      %ne3A_2364 = arith.cmpi ne, %get3A_2361, %ne3A_2363 : vector<16xi32>
      %jit3A_2365 = arith.constant 1 : i32
      %jit3A_2366 = arith.constant 0 : i32
      %broadcast_in_dim3A_2367 = vector.broadcast %jit3A_2365 : i32 to vector<16xi32>
      %broadcast_in_dim3A_2368 = vector.broadcast %jit3A_2366 : i32 to vector<16xi32>
      %select_n3A_2369 = arith.select %ne3A_2364, %broadcast_in_dim3A_2367, %broadcast_in_dim3A_2368 : vector<16xi1>, vector<16xi32>
      %add3A_2370 = arith.addi %add3A_2358, %select_n3A_2369 : vector<16xi32>
      %get3A_2371 = arith.index_cast %add3A_2308 : i32 to index
      %get3A_2372 = arith.constant 80 : index
      %get3A_2373 = tpu.vector_load %arg6[%get3A_2371, %get3A_2372] {strides = array<i32>} : memref<22x128xi32, #tpu.memory_space<vmem>>, vector<16xi32>,
      %ne3A_2374 = arith.constant 40000 : i32
      %ne3A_2375 = vector.broadcast %ne3A_2374 : i32 to vector<16xi32>
      %ne3A_2376 = arith.cmpi ne, %get3A_2373, %ne3A_2375 : vector<16xi32>
      %jit3A_2377 = arith.constant 1 : i32
      %jit3A_2378 = arith.constant 0 : i32
      %broadcast_in_dim3A_2379 = vector.broadcast %jit3A_2377 : i32 to vector<16xi32>
      %broadcast_in_dim3A_2380 = vector.broadcast %jit3A_2378 : i32 to vector<16xi32>
      %select_n3A_2381 = arith.select %ne3A_2376, %broadcast_in_dim3A_2379, %broadcast_in_dim3A_2380 : vector<16xi1>, vector<16xi32>
      %add3A_2382 = arith.addi %add3A_2370, %select_n3A_2381 : vector<16xi32>
      %get3A_2383 = arith.index_cast %add3A_2308 : i32 to index
      %get3A_2384 = arith.constant 96 : index
      %get3A_2385 = tpu.vector_load %arg6[%get3A_2383, %get3A_2384] {strides = array<i32>} : memref<22x128xi32, #tpu.memory_space<vmem>>, vector<16xi32>,
      %ne3A_2386 = arith.constant 40000 : i32
      %ne3A_2387 = vector.broadcast %ne3A_2386 : i32 to vector<16xi32>
      %ne3A_2388 = arith.cmpi ne, %get3A_2385, %ne3A_2387 : vector<16xi32>
      %jit3A_2389 = arith.constant 1 : i32
      %jit3A_2390 = arith.constant 0 : i32
      %broadcast_in_dim3A_2391 = vector.broadcast %jit3A_2389 : i32 to vector<16xi32>
      %broadcast_in_dim3A_2392 = vector.broadcast %jit3A_2390 : i32 to vector<16xi32>
      %select_n3A_2393 = arith.select %ne3A_2388, %broadcast_in_dim3A_2391, %broadcast_in_dim3A_2392 : vector<16xi1>, vector<16xi32>
      %add3A_2394 = arith.addi %add3A_2382, %select_n3A_2393 : vector<16xi32>
      %get3A_2395 = arith.index_cast %add3A_2308 : i32 to index
      %get3A_2396 = arith.constant 112 : index
      %get3A_2397 = tpu.vector_load %arg6[%get3A_2395, %get3A_2396] {strides = array<i32>} : memref<22x128xi32, #tpu.memory_space<vmem>>, vector<16xi32>,
      %ne3A_2398 = arith.constant 40000 : i32
      %ne3A_2399 = vector.broadcast %ne3A_2398 : i32 to vector<16xi32>
      %ne3A_2400 = arith.cmpi ne, %get3A_2397, %ne3A_2399 : vector<16xi32>
      %jit3A_2401 = arith.constant 1 : i32
      %jit3A_2402 = arith.constant 0 : i32
      %broadcast_in_dim3A_2403 = vector.broadcast %jit3A_2401 : i32 to vector<16xi32>
      %broadcast_in_dim3A_2404 = vector.broadcast %jit3A_2402 : i32 to vector<16xi32>
      %select_n3A_2405 = arith.select %ne3A_2400, %broadcast_in_dim3A_2403, %broadcast_in_dim3A_2404 : vector<16xi1>, vector<16xi32>
      %add3A_2406 = arith.addi %add3A_2394, %select_n3A_2405 : vector<16xi32>
      %reduce_sum3A_2407 = arith.constant true
      %reduce_sum3A_2408 = vector.broadcast %reduce_sum3A_2407 : i1 to vector<16xi1>
      %reduce_sum3A_2409 = tpu.scan <sum>, %add3A_2406 masked %reduce_sum3A_2408 : vector<16xi32>, vector<16xi1> -> vector<16xi32>
      %reduce_sum3A_2410 = vector.extract %reduce_sum3A_2409[15] : i32 from vector<16xi32>
      %gt3A_2411 = arith.constant 0 : i32
      %gt3A_2412 = arith.cmpi sgt, %reduce_sum3A_2410, %gt3A_2411 : i32
      %convert_element_type3A_2413 = arith.extui %gt3A_2412 : i1 to i32
      %cond3A_2414 = arith.constant 0 : i32
      %cond3A_2415 = arith.cmpi ne, %convert_element_type3A_2413, %cond3A_2414 : i32
      scf.if %cond3A_2415 {
        %mul3A_2416 = arith.constant 128 : i32
        %mul3A_2417 = arith.muli %add3A_2308, %mul3A_2416 : i32
        %add3A_2418 = arith.addi %add3A_448, %mul3A_2417 : i32
        "tpu.region"() ({
          %run_scoped3A_2419 = tpu.sem_alloc : memref<!tpu.dma_semaphore, #tpu.memory_space<semaphore_mem>>
          %dma_start3A_2420 = tpu.memref_slice %arg2[%add3A_2418, %mul3A_0] : memref<173184x64xf32, #tpu.memory_space<hbm>> -> memref<128x32xf32, #tpu.memory_space<hbm>>
          %dma_start3A_2421 = tpu.memref_slice %arg2[%add3A_2418, %mul3A_0] : memref<173184x64xf32, #tpu.memory_space<hbm>> -> memref<128x32xf32, #tpu.memory_space<hbm>>
          tpu.enqueue_dma source(%dma_start3A_2421 : memref<128x32xf32, #tpu.memory_space<hbm>>) target(%arg5 : memref<128x32xf32, #tpu.memory_space<vmem>>) target_semaphore(%run_scoped3A_2419 : memref<!tpu.dma_semaphore, #tpu.memory_space<semaphore_mem>>)
          %dma_wait3A_2422 = tpu.memref_slice %arg2[%add3A_2418, %mul3A_0] : memref<173184x64xf32, #tpu.memory_space<hbm>> -> memref<128x32xf32, #tpu.memory_space<hbm>>
          %dma_wait3A_2423 = tpu.memref_slice %arg2[%add3A_2418, %mul3A_0] : memref<173184x64xf32, #tpu.memory_space<hbm>> -> memref<128x32xf32, #tpu.memory_space<hbm>>
          tpu.wait_dma2 semaphore(%run_scoped3A_2419 : memref<!tpu.dma_semaphore, #tpu.memory_space<semaphore_mem>>) src(%dma_wait3A_2423 : memref<128x32xf32, #tpu.memory_space<hbm>>) dst(%arg5 : memref<128x32xf32, #tpu.memory_space<vmem>>)
          tpu.yield
        }) : () -> ()
        "tpu.region"() ({
          %run_scoped3A_2419 = tpu.sem_alloc : memref<!tpu.dma_semaphore, #tpu.memory_space<semaphore_mem>>
          %dma_start3A_2420 = arith.constant 0 : i32
          %dma_start3A_2421 = tpu.memref_slice %arg6[%add3A_2308, %dma_start3A_2420] : memref<22x128xi32, #tpu.memory_space<vmem>> -> memref<1x128xi32, #tpu.memory_space<vmem>>
          %dma_start3A_2422 = tpu.memref_squeeze %dma_start3A_2421 : memref<1x128xi32, #tpu.memory_space<vmem>> -> memref<128xi32, #tpu.memory_space<vmem>>
          %dma_start3A_2423 = arith.constant 0 : i32
          %dma_start3A_2424 = arith.constant 0 : i32
          %dma_start3A_2425 = tpu.memref_slice %arg8[%dma_start3A_2423, %dma_start3A_2424] : memref<40016x32xf32, #tpu.memory_space<vmem_shared>> -> memref<40016x32xf32, #tpu.memory_space<vmem_shared>>
          tpu.enqueue_indirect_dma source(%arg5 : memref<128x32xf32, #tpu.memory_space<vmem>>) target(%dma_start3A_2425 : memref<40016x32xf32, #tpu.memory_space<vmem_shared>>) offsets(%dma_start3A_2422 : memref<128xi32, #tpu.memory_space<vmem>>) semaphore(%run_scoped3A_2419 : memref<!tpu.dma_semaphore, #tpu.memory_space<semaphore_mem>>) {add = true}
          %dma_wait3A_2426 = arith.constant 0 : i32
          %dma_wait3A_2427 = tpu.memref_slice %arg6[%add3A_2308, %dma_wait3A_2426] : memref<22x128xi32, #tpu.memory_space<vmem>> -> memref<1x128xi32, #tpu.memory_space<vmem>>
          %dma_wait3A_2428 = tpu.memref_squeeze %dma_wait3A_2427 : memref<1x128xi32, #tpu.memory_space<vmem>> -> memref<128xi32, #tpu.memory_space<vmem>>
          %dma_wait3A_2429 = arith.constant 0 : i32
          %dma_wait3A_2430 = arith.constant 0 : i32
          %dma_wait3A_2431 = tpu.memref_slice %arg8[%dma_wait3A_2429, %dma_wait3A_2430] : memref<40016x32xf32, #tpu.memory_space<vmem_shared>> -> memref<40016x32xf32, #tpu.memory_space<vmem_shared>>
          tpu.wait_indirect_dma semaphore(%run_scoped3A_2419 : memref<!tpu.dma_semaphore, #tpu.memory_space<semaphore_mem>>) src(%arg5 : memref<128x32xf32, #tpu.memory_space<vmem>>) dst(%dma_wait3A_2431 : memref<40016x32xf32, #tpu.memory_space<vmem_shared>>)
          tpu.yield
        }) : () -> ()
      } else {
      }
    }
    %scan3A_453 = arith.constant 21 : i32
    %broadcast_in_dim3A_454 = arith.constant 0 : i32
    %broadcast_in_dim3A_455 = vector.broadcast %broadcast_in_dim3A_454 : i32 to vector<16xi32>
    %get3A = arith.constant 21 : i32
    %get3A_456 = arith.index_cast %get3A : i32 to index
    %get3A_457 = arith.constant 0 : index
    %get3A_458 = tpu.vector_load %arg6[%get3A_456, %get3A_457] {strides = array<i32>} : memref<22x128xi32, #tpu.memory_space<vmem>>, vector<16xi32>,
    %ne3A = arith.constant 40000 : i32
    %ne3A_459 = vector.broadcast %ne3A : i32 to vector<16xi32>
    %ne3A_460 = arith.cmpi ne, %get3A_458, %ne3A_459 : vector<16xi32>
    %jit3A = arith.constant 1 : i32
    %jit3A_461 = arith.constant 0 : i32
    %broadcast_in_dim3A_462 = vector.broadcast %jit3A : i32 to vector<16xi32>
    %broadcast_in_dim3A_463 = vector.broadcast %jit3A_461 : i32 to vector<16xi32>
    %select_n3A = arith.select %ne3A_460, %broadcast_in_dim3A_462, %broadcast_in_dim3A_463 : vector<16xi1>, vector<16xi32>
    %add3A_464 = arith.addi %broadcast_in_dim3A_455, %select_n3A : vector<16xi32>
    %get3A_465 = arith.constant 21 : i32
    %get3A_466 = arith.index_cast %get3A_465 : i32 to index
    %get3A_467 = arith.constant 16 : index
    %get3A_468 = tpu.vector_load %arg6[%get3A_466, %get3A_467] {strides = array<i32>} : memref<22x128xi32, #tpu.memory_space<vmem>>, vector<16xi32>,
    %ne3A_469 = arith.constant 40000 : i32
    %ne3A_470 = vector.broadcast %ne3A_469 : i32 to vector<16xi32>
    %ne3A_471 = arith.cmpi ne, %get3A_468, %ne3A_470 : vector<16xi32>
    %jit3A_472 = arith.constant 1 : i32
    %jit3A_473 = arith.constant 0 : i32
    %broadcast_in_dim3A_474 = vector.broadcast %jit3A_472 : i32 to vector<16xi32>
    %broadcast_in_dim3A_475 = vector.broadcast %jit3A_473 : i32 to vector<16xi32>
    %select_n3A_476 = arith.select %ne3A_471, %broadcast_in_dim3A_474, %broadcast_in_dim3A_475 : vector<16xi1>, vector<16xi32>
    %add3A_477 = arith.addi %add3A_464, %select_n3A_476 : vector<16xi32>
    %get3A_478 = arith.constant 21 : i32
    %get3A_479 = arith.index_cast %get3A_478 : i32 to index
    %get3A_480 = arith.constant 32 : index
    %get3A_481 = tpu.vector_load %arg6[%get3A_479, %get3A_480] {strides = array<i32>} : memref<22x128xi32, #tpu.memory_space<vmem>>, vector<16xi32>,
    %ne3A_482 = arith.constant 40000 : i32
    %ne3A_483 = vector.broadcast %ne3A_482 : i32 to vector<16xi32>
    %ne3A_484 = arith.cmpi ne, %get3A_481, %ne3A_483 : vector<16xi32>
    %jit3A_485 = arith.constant 1 : i32
    %jit3A_486 = arith.constant 0 : i32
    %broadcast_in_dim3A_487 = vector.broadcast %jit3A_485 : i32 to vector<16xi32>
    %broadcast_in_dim3A_488 = vector.broadcast %jit3A_486 : i32 to vector<16xi32>
    %select_n3A_489 = arith.select %ne3A_484, %broadcast_in_dim3A_487, %broadcast_in_dim3A_488 : vector<16xi1>, vector<16xi32>
    %add3A_490 = arith.addi %add3A_477, %select_n3A_489 : vector<16xi32>
    %get3A_491 = arith.constant 21 : i32
    %get3A_492 = arith.index_cast %get3A_491 : i32 to index
    %get3A_493 = arith.constant 48 : index
    %get3A_494 = tpu.vector_load %arg6[%get3A_492, %get3A_493] {strides = array<i32>} : memref<22x128xi32, #tpu.memory_space<vmem>>, vector<16xi32>,
    %ne3A_495 = arith.constant 40000 : i32
    %ne3A_496 = vector.broadcast %ne3A_495 : i32 to vector<16xi32>
    %ne3A_497 = arith.cmpi ne, %get3A_494, %ne3A_496 : vector<16xi32>
    %jit3A_498 = arith.constant 1 : i32
    %jit3A_499 = arith.constant 0 : i32
    %broadcast_in_dim3A_500 = vector.broadcast %jit3A_498 : i32 to vector<16xi32>
    %broadcast_in_dim3A_501 = vector.broadcast %jit3A_499 : i32 to vector<16xi32>
    %select_n3A_502 = arith.select %ne3A_497, %broadcast_in_dim3A_500, %broadcast_in_dim3A_501 : vector<16xi1>, vector<16xi32>
    %add3A_503 = arith.addi %add3A_490, %select_n3A_502 : vector<16xi32>
    %get3A_504 = arith.constant 21 : i32
    %get3A_505 = arith.index_cast %get3A_504 : i32 to index
    %get3A_506 = arith.constant 64 : index
    %get3A_507 = tpu.vector_load %arg6[%get3A_505, %get3A_506] {strides = array<i32>} : memref<22x128xi32, #tpu.memory_space<vmem>>, vector<16xi32>,
    %ne3A_508 = arith.constant 40000 : i32
    %ne3A_509 = vector.broadcast %ne3A_508 : i32 to vector<16xi32>
    %ne3A_510 = arith.cmpi ne, %get3A_507, %ne3A_509 : vector<16xi32>
    %jit3A_511 = arith.constant 1 : i32
    %jit3A_512 = arith.constant 0 : i32
    %broadcast_in_dim3A_513 = vector.broadcast %jit3A_511 : i32 to vector<16xi32>
    %broadcast_in_dim3A_514 = vector.broadcast %jit3A_512 : i32 to vector<16xi32>
    %select_n3A_515 = arith.select %ne3A_510, %broadcast_in_dim3A_513, %broadcast_in_dim3A_514 : vector<16xi1>, vector<16xi32>
    %add3A_516 = arith.addi %add3A_503, %select_n3A_515 : vector<16xi32>
    %get3A_517 = arith.constant 21 : i32
    %get3A_518 = arith.index_cast %get3A_517 : i32 to index
    %get3A_519 = arith.constant 80 : index
    %get3A_520 = tpu.vector_load %arg6[%get3A_518, %get3A_519] {strides = array<i32>} : memref<22x128xi32, #tpu.memory_space<vmem>>, vector<16xi32>,
    %ne3A_521 = arith.constant 40000 : i32
    %ne3A_522 = vector.broadcast %ne3A_521 : i32 to vector<16xi32>
    %ne3A_523 = arith.cmpi ne, %get3A_520, %ne3A_522 : vector<16xi32>
    %jit3A_524 = arith.constant 1 : i32
    %jit3A_525 = arith.constant 0 : i32
    %broadcast_in_dim3A_526 = vector.broadcast %jit3A_524 : i32 to vector<16xi32>
    %broadcast_in_dim3A_527 = vector.broadcast %jit3A_525 : i32 to vector<16xi32>
    %select_n3A_528 = arith.select %ne3A_523, %broadcast_in_dim3A_526, %broadcast_in_dim3A_527 : vector<16xi1>, vector<16xi32>
    %add3A_529 = arith.addi %add3A_516, %select_n3A_528 : vector<16xi32>
    %get3A_530 = arith.constant 21 : i32
    %get3A_531 = arith.index_cast %get3A_530 : i32 to index
    %get3A_532 = arith.constant 96 : index
    %get3A_533 = tpu.vector_load %arg6[%get3A_531, %get3A_532] {strides = array<i32>} : memref<22x128xi32, #tpu.memory_space<vmem>>, vector<16xi32>,
    %ne3A_534 = arith.constant 40000 : i32
    %ne3A_535 = vector.broadcast %ne3A_534 : i32 to vector<16xi32>
    %ne3A_536 = arith.cmpi ne, %get3A_533, %ne3A_535 : vector<16xi32>
    %jit3A_537 = arith.constant 1 : i32
    %jit3A_538 = arith.constant 0 : i32
    %broadcast_in_dim3A_539 = vector.broadcast %jit3A_537 : i32 to vector<16xi32>
    %broadcast_in_dim3A_540 = vector.broadcast %jit3A_538 : i32 to vector<16xi32>
    %select_n3A_541 = arith.select %ne3A_536, %broadcast_in_dim3A_539, %broadcast_in_dim3A_540 : vector<16xi1>, vector<16xi32>
    %add3A_542 = arith.addi %add3A_529, %select_n3A_541 : vector<16xi32>
    %get3A_543 = arith.constant 21 : i32
    %get3A_544 = arith.index_cast %get3A_543 : i32 to index
    %get3A_545 = arith.constant 112 : index
    %get3A_546 = tpu.vector_load %arg6[%get3A_544, %get3A_545] {strides = array<i32>} : memref<22x128xi32, #tpu.memory_space<vmem>>, vector<16xi32>,
    %ne3A_547 = arith.constant 40000 : i32
    %ne3A_548 = vector.broadcast %ne3A_547 : i32 to vector<16xi32>
    %ne3A_549 = arith.cmpi ne, %get3A_546, %ne3A_548 : vector<16xi32>
    %jit3A_550 = arith.constant 1 : i32
    %jit3A_551 = arith.constant 0 : i32
    %broadcast_in_dim3A_552 = vector.broadcast %jit3A_550 : i32 to vector<16xi32>
    %broadcast_in_dim3A_553 = vector.broadcast %jit3A_551 : i32 to vector<16xi32>
    %select_n3A_554 = arith.select %ne3A_549, %broadcast_in_dim3A_552, %broadcast_in_dim3A_553 : vector<16xi1>, vector<16xi32>
    %add3A_555 = arith.addi %add3A_542, %select_n3A_554 : vector<16xi32>
    %reduce_sum3A = arith.constant true
    %reduce_sum3A_556 = vector.broadcast %reduce_sum3A : i1 to vector<16xi1>
    %reduce_sum3A_557 = tpu.scan <sum>, %add3A_555 masked %reduce_sum3A_556 : vector<16xi32>, vector<16xi1> -> vector<16xi32>
    %reduce_sum3A_558 = vector.extract %reduce_sum3A_557[15] : i32 from vector<16xi32>
    %gt3A = arith.constant 0 : i32
    %gt3A_559 = arith.cmpi sgt, %reduce_sum3A_558, %gt3A : i32
    %convert_element_type3A = arith.extui %gt3A_559 : i1 to i32
    %cond3A = arith.constant 0 : i32
    %cond3A_560 = arith.cmpi ne, %convert_element_type3A, %cond3A : i32
    scf.if %cond3A_560 {
      %add3A_2304 = arith.constant 2688 : i32
      %add3A_2305 = arith.addi %add3A_448, %add3A_2304 : i32
      "tpu.region"() ({
        %run_scoped3A_2311 = tpu.sem_alloc : memref<!tpu.dma_semaphore, #tpu.memory_space<semaphore_mem>>
        %dma_start3A_2312 = arith.constant 0 : i32
        %dma_start3A_2313 = arith.constant 0 : i32
        %dma_start3A_2314 = tpu.memref_slice %arg5[%dma_start3A_2312, %dma_start3A_2313] : memref<128x32xf32, #tpu.memory_space<vmem>> -> memref<16x32xf32, #tpu.memory_space<vmem>>
        %dma_start3A_2315 = tpu.memref_slice %arg2[%add3A_2305, %mul3A_0] : memref<173184x64xf32, #tpu.memory_space<hbm>> -> memref<16x32xf32, #tpu.memory_space<hbm>>
        %dma_start3A_2316 = arith.constant 0 : i32
        %dma_start3A_2317 = arith.constant 0 : i32
        %dma_start3A_2318 = tpu.memref_slice %arg5[%dma_start3A_2316, %dma_start3A_2317] : memref<128x32xf32, #tpu.memory_space<vmem>> -> memref<16x32xf32, #tpu.memory_space<vmem>>
        %dma_start3A_2319 = tpu.memref_slice %arg2[%add3A_2305, %mul3A_0] : memref<173184x64xf32, #tpu.memory_space<hbm>> -> memref<16x32xf32, #tpu.memory_space<hbm>>
        tpu.enqueue_dma source(%dma_start3A_2319 : memref<16x32xf32, #tpu.memory_space<hbm>>) target(%dma_start3A_2318 : memref<16x32xf32, #tpu.memory_space<vmem>>) target_semaphore(%run_scoped3A_2311 : memref<!tpu.dma_semaphore, #tpu.memory_space<semaphore_mem>>)
        %dma_wait3A_2320 = arith.constant 0 : i32
        %dma_wait3A_2321 = arith.constant 0 : i32
        %dma_wait3A_2322 = tpu.memref_slice %arg5[%dma_wait3A_2320, %dma_wait3A_2321] : memref<128x32xf32, #tpu.memory_space<vmem>> -> memref<16x32xf32, #tpu.memory_space<vmem>>
        %dma_wait3A_2323 = tpu.memref_slice %arg2[%add3A_2305, %mul3A_0] : memref<173184x64xf32, #tpu.memory_space<hbm>> -> memref<16x32xf32, #tpu.memory_space<hbm>>
        %dma_wait3A_2324 = arith.constant 0 : i32
        %dma_wait3A_2325 = arith.constant 0 : i32
        %dma_wait3A_2326 = tpu.memref_slice %arg5[%dma_wait3A_2324, %dma_wait3A_2325] : memref<128x32xf32, #tpu.memory_space<vmem>> -> memref<16x32xf32, #tpu.memory_space<vmem>>
        %dma_wait3A_2327 = tpu.memref_slice %arg2[%add3A_2305, %mul3A_0] : memref<173184x64xf32, #tpu.memory_space<hbm>> -> memref<16x32xf32, #tpu.memory_space<hbm>>
        tpu.wait_dma2 semaphore(%run_scoped3A_2311 : memref<!tpu.dma_semaphore, #tpu.memory_space<semaphore_mem>>) src(%dma_wait3A_2327 : memref<16x32xf32, #tpu.memory_space<hbm>>) dst(%dma_wait3A_2326 : memref<16x32xf32, #tpu.memory_space<vmem>>)
        tpu.yield
      }) : () -> ()
      %eq3A = arith.constant 15 : i32
      %eq3A_2306 = arith.cmpi eq, %arg1, %eq3A : i32
      %convert_element_type3A_2307 = arith.extui %eq3A_2306 : i1 to i32
      %cond3A_2308 = arith.constant 0 : i32
      %cond3A_2309 = arith.cmpi ne, %convert_element_type3A_2307, %cond3A_2308 : i32
      scf.if %cond3A_2309 {
        %add3A_2311 = arith.constant 2704 : i32
        %add3A_2312 = arith.addi %add3A_448, %add3A_2311 : i32
        "tpu.region"() ({
          %run_scoped3A_2313 = tpu.sem_alloc : memref<!tpu.dma_semaphore, #tpu.memory_space<semaphore_mem>>
          %dma_start3A_2314 = arith.constant 16 : i32
          %dma_start3A_2315 = arith.constant 0 : i32
          %dma_start3A_2316 = tpu.memref_slice %arg5[%dma_start3A_2314, %dma_start3A_2315] : memref<128x32xf32, #tpu.memory_space<vmem>> -> memref<32x32xf32, #tpu.memory_space<vmem>>
          %dma_start3A_2317 = tpu.memref_slice %arg2[%add3A_2312, %mul3A_0] : memref<173184x64xf32, #tpu.memory_space<hbm>> -> memref<32x32xf32, #tpu.memory_space<hbm>>
          %dma_start3A_2318 = arith.constant 16 : i32
          %dma_start3A_2319 = arith.constant 0 : i32
          %dma_start3A_2320 = tpu.memref_slice %arg5[%dma_start3A_2318, %dma_start3A_2319] : memref<128x32xf32, #tpu.memory_space<vmem>> -> memref<32x32xf32, #tpu.memory_space<vmem>>
          %dma_start3A_2321 = tpu.memref_slice %arg2[%add3A_2312, %mul3A_0] : memref<173184x64xf32, #tpu.memory_space<hbm>> -> memref<32x32xf32, #tpu.memory_space<hbm>>
          tpu.enqueue_dma source(%dma_start3A_2321 : memref<32x32xf32, #tpu.memory_space<hbm>>) target(%dma_start3A_2320 : memref<32x32xf32, #tpu.memory_space<vmem>>) target_semaphore(%run_scoped3A_2313 : memref<!tpu.dma_semaphore, #tpu.memory_space<semaphore_mem>>)
          %dma_wait3A_2322 = arith.constant 16 : i32
          %dma_wait3A_2323 = arith.constant 0 : i32
          %dma_wait3A_2324 = tpu.memref_slice %arg5[%dma_wait3A_2322, %dma_wait3A_2323] : memref<128x32xf32, #tpu.memory_space<vmem>> -> memref<32x32xf32, #tpu.memory_space<vmem>>
          %dma_wait3A_2325 = tpu.memref_slice %arg2[%add3A_2312, %mul3A_0] : memref<173184x64xf32, #tpu.memory_space<hbm>> -> memref<32x32xf32, #tpu.memory_space<hbm>>
          %dma_wait3A_2326 = arith.constant 16 : i32
          %dma_wait3A_2327 = arith.constant 0 : i32
          %dma_wait3A_2328 = tpu.memref_slice %arg5[%dma_wait3A_2326, %dma_wait3A_2327] : memref<128x32xf32, #tpu.memory_space<vmem>> -> memref<32x32xf32, #tpu.memory_space<vmem>>
          %dma_wait3A_2329 = tpu.memref_slice %arg2[%add3A_2312, %mul3A_0] : memref<173184x64xf32, #tpu.memory_space<hbm>> -> memref<32x32xf32, #tpu.memory_space<hbm>>
          tpu.wait_dma2 semaphore(%run_scoped3A_2313 : memref<!tpu.dma_semaphore, #tpu.memory_space<semaphore_mem>>) src(%dma_wait3A_2329 : memref<32x32xf32, #tpu.memory_space<hbm>>) dst(%dma_wait3A_2328 : memref<32x32xf32, #tpu.memory_space<vmem>>)
          tpu.yield
        }) : () -> ()
      } else {
      }
      %run_scoped3A_2310 = arith.constant 21 : i32
      "tpu.region"() ({
        %run_scoped3A_2311 = tpu.sem_alloc : memref<!tpu.dma_semaphore, #tpu.memory_space<semaphore_mem>>
        %dma_start3A_2312 = arith.constant 0 : i32
        %dma_start3A_2313 = tpu.memref_slice %arg6[%run_scoped3A_2310, %dma_start3A_2312] : memref<22x128xi32, #tpu.memory_space<vmem>> -> memref<1x128xi32, #tpu.memory_space<vmem>>
        %dma_start3A_2314 = tpu.memref_squeeze %dma_start3A_2313 : memref<1x128xi32, #tpu.memory_space<vmem>> -> memref<128xi32, #tpu.memory_space<vmem>>
        %dma_start3A_2315 = arith.constant 0 : i32
        %dma_start3A_2316 = arith.constant 0 : i32
        %dma_start3A_2317 = tpu.memref_slice %arg8[%dma_start3A_2315, %dma_start3A_2316] : memref<40016x32xf32, #tpu.memory_space<vmem_shared>> -> memref<40016x32xf32, #tpu.memory_space<vmem_shared>>
        tpu.enqueue_indirect_dma source(%arg5 : memref<128x32xf32, #tpu.memory_space<vmem>>) target(%dma_start3A_2317 : memref<40016x32xf32, #tpu.memory_space<vmem_shared>>) offsets(%dma_start3A_2314 : memref<128xi32, #tpu.memory_space<vmem>>) semaphore(%run_scoped3A_2311 : memref<!tpu.dma_semaphore, #tpu.memory_space<semaphore_mem>>) {add = true}
        %dma_wait3A_2318 = arith.constant 0 : i32
        %dma_wait3A_2319 = tpu.memref_slice %arg6[%run_scoped3A_2310, %dma_wait3A_2318] : memref<22x128xi32, #tpu.memory_space<vmem>> -> memref<1x128xi32, #tpu.memory_space<vmem>>
        %dma_wait3A_2320 = tpu.memref_squeeze %dma_wait3A_2319 : memref<1x128xi32, #tpu.memory_space<vmem>> -> memref<128xi32, #tpu.memory_space<vmem>>
        %dma_wait3A_2321 = arith.constant 0 : i32
        %dma_wait3A_2322 = arith.constant 0 : i32
        %dma_wait3A_2323 = tpu.memref_slice %arg8[%dma_wait3A_2321, %dma_wait3A_2322] : memref<40016x32xf32, #tpu.memory_space<vmem_shared>> -> memref<40016x32xf32, #tpu.memory_space<vmem_shared>>
        tpu.wait_indirect_dma semaphore(%run_scoped3A_2311 : memref<!tpu.dma_semaphore, #tpu.memory_space<semaphore_mem>>) src(%arg5 : memref<128x32xf32, #tpu.memory_space<vmem>>) dst(%dma_wait3A_2323 : memref<40016x32xf32, #tpu.memory_space<vmem_shared>>)
        tpu.yield
      }) : () -> ()
    } else {
    }
    %barrier3A_561 = arith.constant 0 : index
    tpu.barrier barrier_id(%barrier3A_561)
    %dma_start3A_562 = arith.constant 0 : i32
    %dma_start3A_563 = tpu.memref_slice %arg4[%dma_start3A_562, %mul3A_7, %mul3A_0] : memref<4x40000x64xf32, #tpu.memory_space<hbm>> -> memref<1x2500x32xf32, #tpu.memory_space<hbm>>
    %dma_start3A_564 = tpu.memref_squeeze %dma_start3A_563 : memref<1x2500x32xf32, #tpu.memory_space<hbm>> -> memref<2500x32xf32, #tpu.memory_space<hbm>>
    %dma_start3A_565 = arith.constant 0 : i32
    %dma_start3A_566 = tpu.memref_slice %arg8[%mul3A_7, %dma_start3A_565] : memref<40016x32xf32, #tpu.memory_space<vmem_shared>> -> memref<2500x32xf32, #tpu.memory_space<vmem_shared>>
    tpu.enqueue_dma source(%dma_start3A_566 : memref<2500x32xf32, #tpu.memory_space<vmem_shared>>) target(%dma_start3A_564 : memref<2500x32xf32, #tpu.memory_space<hbm>>) target_semaphore(%arg9 : memref<!tpu.dma_semaphore, #tpu.memory_space<semaphore_mem>>)
    %dma_wait3A_567 = arith.constant 0 : i32
    %dma_wait3A_568 = tpu.memref_slice %arg4[%dma_wait3A_567, %mul3A_7, %mul3A_0] : memref<4x40000x64xf32, #tpu.memory_space<hbm>> -> memref<1x2500x32xf32, #tpu.memory_space<hbm>>
    %dma_wait3A_569 = tpu.memref_squeeze %dma_wait3A_568 : memref<1x2500x32xf32, #tpu.memory_space<hbm>> -> memref<2500x32xf32, #tpu.memory_space<hbm>>
    %dma_wait3A_570 = arith.constant 0 : i32
    %dma_wait3A_571 = tpu.memref_slice %arg8[%mul3A_7, %dma_wait3A_570] : memref<40016x32xf32, #tpu.memory_space<vmem_shared>> -> memref<2500x32xf32, #tpu.memory_space<vmem_shared>>
    tpu.wait_dma2 semaphore(%arg9 : memref<!tpu.dma_semaphore, #tpu.memory_space<semaphore_mem>>) src(%dma_wait3A_571 : memref<2500x32xf32, #tpu.memory_space<vmem_shared>>) dst(%dma_wait3A_569 : memref<2500x32xf32, #tpu.memory_space<hbm>>)
    %add3A_572 = arith.constant 0 : i32
    %add3A_573 = arith.addi %mul3A_7, %add3A_572 : i32
    %dma_start3A_574 = arith.constant 0 : i32
    %dma_start3A_575 = arith.constant 0 : i32
    %dma_start3A_576 = tpu.memref_slice %arg7[%dma_start3A_574, %dma_start3A_575] : memref<128x32xf32, #tpu.memory_space<vmem>> -> memref<128x32xf32, #tpu.memory_space<vmem>>
    %dma_start3A_577 = arith.constant 0 : i32
    %dma_start3A_578 = tpu.memref_slice %arg8[%add3A_573, %dma_start3A_577] : memref<40016x32xf32, #tpu.memory_space<vmem_shared>> -> memref<128x32xf32, #tpu.memory_space<vmem_shared>>
    %dma_start3A_579 = arith.constant 0 : i32
    %dma_start3A_580 = tpu.memref_slice %arg8[%add3A_573, %dma_start3A_579] : memref<40016x32xf32, #tpu.memory_space<vmem_shared>> -> memref<128x32xf32, #tpu.memory_space<vmem_shared>>
    %dma_start3A_581 = arith.constant 0 : i32
    %dma_start3A_582 = arith.constant 0 : i32
    %dma_start3A_583 = tpu.memref_slice %arg7[%dma_start3A_581, %dma_start3A_582] : memref<128x32xf32, #tpu.memory_space<vmem>> -> memref<128x32xf32, #tpu.memory_space<vmem>>
    tpu.enqueue_dma source(%dma_start3A_583 : memref<128x32xf32, #tpu.memory_space<vmem>>) target(%dma_start3A_580 : memref<128x32xf32, #tpu.memory_space<vmem_shared>>) target_semaphore(%arg10 : memref<!tpu.dma_semaphore, #tpu.memory_space<semaphore_mem>>)
    %add3A_584 = arith.constant 128 : i32
    %add3A_585 = arith.addi %mul3A_7, %add3A_584 : i32
    %dma_start3A_586 = arith.constant 0 : i32
    %dma_start3A_587 = arith.constant 0 : i32
    %dma_start3A_588 = tpu.memref_slice %arg7[%dma_start3A_586, %dma_start3A_587] : memref<128x32xf32, #tpu.memory_space<vmem>> -> memref<128x32xf32, #tpu.memory_space<vmem>>
    %dma_start3A_589 = arith.constant 0 : i32
    %dma_start3A_590 = tpu.memref_slice %arg8[%add3A_585, %dma_start3A_589] : memref<40016x32xf32, #tpu.memory_space<vmem_shared>> -> memref<128x32xf32, #tpu.memory_space<vmem_shared>>
    %dma_start3A_591 = arith.constant 0 : i32
    %dma_start3A_592 = tpu.memref_slice %arg8[%add3A_585, %dma_start3A_591] : memref<40016x32xf32, #tpu.memory_space<vmem_shared>> -> memref<128x32xf32, #tpu.memory_space<vmem_shared>>
    %dma_start3A_593 = arith.constant 0 : i32
    %dma_start3A_594 = arith.constant 0 : i32
    %dma_start3A_595 = tpu.memref_slice %arg7[%dma_start3A_593, %dma_start3A_594] : memref<128x32xf32, #tpu.memory_space<vmem>> -> memref<128x32xf32, #tpu.memory_space<vmem>>
    tpu.enqueue_dma source(%dma_start3A_595 : memref<128x32xf32, #tpu.memory_space<vmem>>) target(%dma_start3A_592 : memref<128x32xf32, #tpu.memory_space<vmem_shared>>) target_semaphore(%arg10 : memref<!tpu.dma_semaphore, #tpu.memory_space<semaphore_mem>>)
    %add3A_596 = arith.constant 256 : i32
    %add3A_597 = arith.addi %mul3A_7, %add3A_596 : i32
    %dma_start3A_598 = arith.constant 0 : i32
    %dma_start3A_599 = arith.constant 0 : i32
    %dma_start3A_600 = tpu.memref_slice %arg7[%dma_start3A_598, %dma_start3A_599] : memref<128x32xf32, #tpu.memory_space<vmem>> -> memref<128x32xf32, #tpu.memory_space<vmem>>
    %dma_start3A_601 = arith.constant 0 : i32
    %dma_start3A_602 = tpu.memref_slice %arg8[%add3A_597, %dma_start3A_601] : memref<40016x32xf32, #tpu.memory_space<vmem_shared>> -> memref<128x32xf32, #tpu.memory_space<vmem_shared>>
    %dma_start3A_603 = arith.constant 0 : i32
    %dma_start3A_604 = tpu.memref_slice %arg8[%add3A_597, %dma_start3A_603] : memref<40016x32xf32, #tpu.memory_space<vmem_shared>> -> memref<128x32xf32, #tpu.memory_space<vmem_shared>>
    %dma_start3A_605 = arith.constant 0 : i32
    %dma_start3A_606 = arith.constant 0 : i32
    %dma_start3A_607 = tpu.memref_slice %arg7[%dma_start3A_605, %dma_start3A_606] : memref<128x32xf32, #tpu.memory_space<vmem>> -> memref<128x32xf32, #tpu.memory_space<vmem>>
    tpu.enqueue_dma source(%dma_start3A_607 : memref<128x32xf32, #tpu.memory_space<vmem>>) target(%dma_start3A_604 : memref<128x32xf32, #tpu.memory_space<vmem_shared>>) target_semaphore(%arg10 : memref<!tpu.dma_semaphore, #tpu.memory_space<semaphore_mem>>)
    %add3A_608 = arith.constant 384 : i32
    %add3A_609 = arith.addi %mul3A_7, %add3A_608 : i32
    %dma_start3A_610 = arith.constant 0 : i32
    %dma_start3A_611 = arith.constant 0 : i32
    %dma_start3A_612 = tpu.memref_slice %arg7[%dma_start3A_610, %dma_start3A_611] : memref<128x32xf32, #tpu.memory_space<vmem>> -> memref<128x32xf32, #tpu.memory_space<vmem>>
    %dma_start3A_613 = arith.constant 0 : i32
    %dma_start3A_614 = tpu.memref_slice %arg8[%add3A_609, %dma_start3A_613] : memref<40016x32xf32, #tpu.memory_space<vmem_shared>> -> memref<128x32xf32, #tpu.memory_space<vmem_shared>>
    %dma_start3A_615 = arith.constant 0 : i32
    %dma_start3A_616 = tpu.memref_slice %arg8[%add3A_609, %dma_start3A_615] : memref<40016x32xf32, #tpu.memory_space<vmem_shared>> -> memref<128x32xf32, #tpu.memory_space<vmem_shared>>
    %dma_start3A_617 = arith.constant 0 : i32
    %dma_start3A_618 = arith.constant 0 : i32
    %dma_start3A_619 = tpu.memref_slice %arg7[%dma_start3A_617, %dma_start3A_618] : memref<128x32xf32, #tpu.memory_space<vmem>> -> memref<128x32xf32, #tpu.memory_space<vmem>>
    tpu.enqueue_dma source(%dma_start3A_619 : memref<128x32xf32, #tpu.memory_space<vmem>>) target(%dma_start3A_616 : memref<128x32xf32, #tpu.memory_space<vmem_shared>>) target_semaphore(%arg10 : memref<!tpu.dma_semaphore, #tpu.memory_space<semaphore_mem>>)
    %add3A_620 = arith.constant 512 : i32
    %add3A_621 = arith.addi %mul3A_7, %add3A_620 : i32
    %dma_start3A_622 = arith.constant 0 : i32
    %dma_start3A_623 = arith.constant 0 : i32
    %dma_start3A_624 = tpu.memref_slice %arg7[%dma_start3A_622, %dma_start3A_623] : memref<128x32xf32, #tpu.memory_space<vmem>> -> memref<128x32xf32, #tpu.memory_space<vmem>>
    %dma_start3A_625 = arith.constant 0 : i32
    %dma_start3A_626 = tpu.memref_slice %arg8[%add3A_621, %dma_start3A_625] : memref<40016x32xf32, #tpu.memory_space<vmem_shared>> -> memref<128x32xf32, #tpu.memory_space<vmem_shared>>
    %dma_start3A_627 = arith.constant 0 : i32
    %dma_start3A_628 = tpu.memref_slice %arg8[%add3A_621, %dma_start3A_627] : memref<40016x32xf32, #tpu.memory_space<vmem_shared>> -> memref<128x32xf32, #tpu.memory_space<vmem_shared>>
    %dma_start3A_629 = arith.constant 0 : i32
    %dma_start3A_630 = arith.constant 0 : i32
    %dma_start3A_631 = tpu.memref_slice %arg7[%dma_start3A_629, %dma_start3A_630] : memref<128x32xf32, #tpu.memory_space<vmem>> -> memref<128x32xf32, #tpu.memory_space<vmem>>
    tpu.enqueue_dma source(%dma_start3A_631 : memref<128x32xf32, #tpu.memory_space<vmem>>) target(%dma_start3A_628 : memref<128x32xf32, #tpu.memory_space<vmem_shared>>) target_semaphore(%arg10 : memref<!tpu.dma_semaphore, #tpu.memory_space<semaphore_mem>>)
    %add3A_632 = arith.constant 640 : i32
    %add3A_633 = arith.addi %mul3A_7, %add3A_632 : i32
    %dma_start3A_634 = arith.constant 0 : i32
    %dma_start3A_635 = arith.constant 0 : i32
    %dma_start3A_636 = tpu.memref_slice %arg7[%dma_start3A_634, %dma_start3A_635] : memref<128x32xf32, #tpu.memory_space<vmem>> -> memref<128x32xf32, #tpu.memory_space<vmem>>
    %dma_start3A_637 = arith.constant 0 : i32
    %dma_start3A_638 = tpu.memref_slice %arg8[%add3A_633, %dma_start3A_637] : memref<40016x32xf32, #tpu.memory_space<vmem_shared>> -> memref<128x32xf32, #tpu.memory_space<vmem_shared>>
    %dma_start3A_639 = arith.constant 0 : i32
    %dma_start3A_640 = tpu.memref_slice %arg8[%add3A_633, %dma_start3A_639] : memref<40016x32xf32, #tpu.memory_space<vmem_shared>> -> memref<128x32xf32, #tpu.memory_space<vmem_shared>>
    %dma_start3A_641 = arith.constant 0 : i32
    %dma_start3A_642 = arith.constant 0 : i32
    %dma_start3A_643 = tpu.memref_slice %arg7[%dma_start3A_641, %dma_start3A_642] : memref<128x32xf32, #tpu.memory_space<vmem>> -> memref<128x32xf32, #tpu.memory_space<vmem>>
    tpu.enqueue_dma source(%dma_start3A_643 : memref<128x32xf32, #tpu.memory_space<vmem>>) target(%dma_start3A_640 : memref<128x32xf32, #tpu.memory_space<vmem_shared>>) target_semaphore(%arg10 : memref<!tpu.dma_semaphore, #tpu.memory_space<semaphore_mem>>)
    %add3A_644 = arith.constant 768 : i32
    %add3A_645 = arith.addi %mul3A_7, %add3A_644 : i32
    %dma_start3A_646 = arith.constant 0 : i32
    %dma_start3A_647 = arith.constant 0 : i32
    %dma_start3A_648 = tpu.memref_slice %arg7[%dma_start3A_646, %dma_start3A_647] : memref<128x32xf32, #tpu.memory_space<vmem>> -> memref<128x32xf32, #tpu.memory_space<vmem>>
    %dma_start3A_649 = arith.constant 0 : i32
    %dma_start3A_650 = tpu.memref_slice %arg8[%add3A_645, %dma_start3A_649] : memref<40016x32xf32, #tpu.memory_space<vmem_shared>> -> memref<128x32xf32, #tpu.memory_space<vmem_shared>>
    %dma_start3A_651 = arith.constant 0 : i32
    %dma_start3A_652 = tpu.memref_slice %arg8[%add3A_645, %dma_start3A_651] : memref<40016x32xf32, #tpu.memory_space<vmem_shared>> -> memref<128x32xf32, #tpu.memory_space<vmem_shared>>
    %dma_start3A_653 = arith.constant 0 : i32
    %dma_start3A_654 = arith.constant 0 : i32
    %dma_start3A_655 = tpu.memref_slice %arg7[%dma_start3A_653, %dma_start3A_654] : memref<128x32xf32, #tpu.memory_space<vmem>> -> memref<128x32xf32, #tpu.memory_space<vmem>>
    tpu.enqueue_dma source(%dma_start3A_655 : memref<128x32xf32, #tpu.memory_space<vmem>>) target(%dma_start3A_652 : memref<128x32xf32, #tpu.memory_space<vmem_shared>>) target_semaphore(%arg10 : memref<!tpu.dma_semaphore, #tpu.memory_space<semaphore_mem>>)
    %add3A_656 = arith.constant 896 : i32
    %add3A_657 = arith.addi %mul3A_7, %add3A_656 : i32
    %dma_start3A_658 = arith.constant 0 : i32
    %dma_start3A_659 = arith.constant 0 : i32
    %dma_start3A_660 = tpu.memref_slice %arg7[%dma_start3A_658, %dma_start3A_659] : memref<128x32xf32, #tpu.memory_space<vmem>> -> memref<128x32xf32, #tpu.memory_space<vmem>>
    %dma_start3A_661 = arith.constant 0 : i32
    %dma_start3A_662 = tpu.memref_slice %arg8[%add3A_657, %dma_start3A_661] : memref<40016x32xf32, #tpu.memory_space<vmem_shared>> -> memref<128x32xf32, #tpu.memory_space<vmem_shared>>
    %dma_start3A_663 = arith.constant 0 : i32
    %dma_start3A_664 = tpu.memref_slice %arg8[%add3A_657, %dma_start3A_663] : memref<40016x32xf32, #tpu.memory_space<vmem_shared>> -> memref<128x32xf32, #tpu.memory_space<vmem_shared>>
    %dma_start3A_665 = arith.constant 0 : i32
    %dma_start3A_666 = arith.constant 0 : i32
    %dma_start3A_667 = tpu.memref_slice %arg7[%dma_start3A_665, %dma_start3A_666] : memref<128x32xf32, #tpu.memory_space<vmem>> -> memref<128x32xf32, #tpu.memory_space<vmem>>
    tpu.enqueue_dma source(%dma_start3A_667 : memref<128x32xf32, #tpu.memory_space<vmem>>) target(%dma_start3A_664 : memref<128x32xf32, #tpu.memory_space<vmem_shared>>) target_semaphore(%arg10 : memref<!tpu.dma_semaphore, #tpu.memory_space<semaphore_mem>>)
    %add3A_668 = arith.constant 1024 : i32
    %add3A_669 = arith.addi %mul3A_7, %add3A_668 : i32
    %dma_start3A_670 = arith.constant 0 : i32
    %dma_start3A_671 = arith.constant 0 : i32
    %dma_start3A_672 = tpu.memref_slice %arg7[%dma_start3A_670, %dma_start3A_671] : memref<128x32xf32, #tpu.memory_space<vmem>> -> memref<128x32xf32, #tpu.memory_space<vmem>>
    %dma_start3A_673 = arith.constant 0 : i32
    %dma_start3A_674 = tpu.memref_slice %arg8[%add3A_669, %dma_start3A_673] : memref<40016x32xf32, #tpu.memory_space<vmem_shared>> -> memref<128x32xf32, #tpu.memory_space<vmem_shared>>
    %dma_start3A_675 = arith.constant 0 : i32
    %dma_start3A_676 = tpu.memref_slice %arg8[%add3A_669, %dma_start3A_675] : memref<40016x32xf32, #tpu.memory_space<vmem_shared>> -> memref<128x32xf32, #tpu.memory_space<vmem_shared>>
    %dma_start3A_677 = arith.constant 0 : i32
    %dma_start3A_678 = arith.constant 0 : i32
    %dma_start3A_679 = tpu.memref_slice %arg7[%dma_start3A_677, %dma_start3A_678] : memref<128x32xf32, #tpu.memory_space<vmem>> -> memref<128x32xf32, #tpu.memory_space<vmem>>
    tpu.enqueue_dma source(%dma_start3A_679 : memref<128x32xf32, #tpu.memory_space<vmem>>) target(%dma_start3A_676 : memref<128x32xf32, #tpu.memory_space<vmem_shared>>) target_semaphore(%arg10 : memref<!tpu.dma_semaphore, #tpu.memory_space<semaphore_mem>>)
    %add3A_680 = arith.constant 1152 : i32
    %add3A_681 = arith.addi %mul3A_7, %add3A_680 : i32
    %dma_start3A_682 = arith.constant 0 : i32
    %dma_start3A_683 = arith.constant 0 : i32
    %dma_start3A_684 = tpu.memref_slice %arg7[%dma_start3A_682, %dma_start3A_683] : memref<128x32xf32, #tpu.memory_space<vmem>> -> memref<128x32xf32, #tpu.memory_space<vmem>>
    %dma_start3A_685 = arith.constant 0 : i32
    %dma_start3A_686 = tpu.memref_slice %arg8[%add3A_681, %dma_start3A_685] : memref<40016x32xf32, #tpu.memory_space<vmem_shared>> -> memref<128x32xf32, #tpu.memory_space<vmem_shared>>
    %dma_start3A_687 = arith.constant 0 : i32
    %dma_start3A_688 = tpu.memref_slice %arg8[%add3A_681, %dma_start3A_687] : memref<40016x32xf32, #tpu.memory_space<vmem_shared>> -> memref<128x32xf32, #tpu.memory_space<vmem_shared>>
    %dma_start3A_689 = arith.constant 0 : i32
    %dma_start3A_690 = arith.constant 0 : i32
    %dma_start3A_691 = tpu.memref_slice %arg7[%dma_start3A_689, %dma_start3A_690] : memref<128x32xf32, #tpu.memory_space<vmem>> -> memref<128x32xf32, #tpu.memory_space<vmem>>
    tpu.enqueue_dma source(%dma_start3A_691 : memref<128x32xf32, #tpu.memory_space<vmem>>) target(%dma_start3A_688 : memref<128x32xf32, #tpu.memory_space<vmem_shared>>) target_semaphore(%arg10 : memref<!tpu.dma_semaphore, #tpu.memory_space<semaphore_mem>>)
    %add3A_692 = arith.constant 1280 : i32
    %add3A_693 = arith.addi %mul3A_7, %add3A_692 : i32
    %dma_start3A_694 = arith.constant 0 : i32
    %dma_start3A_695 = arith.constant 0 : i32
    %dma_start3A_696 = tpu.memref_slice %arg7[%dma_start3A_694, %dma_start3A_695] : memref<128x32xf32, #tpu.memory_space<vmem>> -> memref<128x32xf32, #tpu.memory_space<vmem>>
    %dma_start3A_697 = arith.constant 0 : i32
    %dma_start3A_698 = tpu.memref_slice %arg8[%add3A_693, %dma_start3A_697] : memref<40016x32xf32, #tpu.memory_space<vmem_shared>> -> memref<128x32xf32, #tpu.memory_space<vmem_shared>>
    %dma_start3A_699 = arith.constant 0 : i32
    %dma_start3A_700 = tpu.memref_slice %arg8[%add3A_693, %dma_start3A_699] : memref<40016x32xf32, #tpu.memory_space<vmem_shared>> -> memref<128x32xf32, #tpu.memory_space<vmem_shared>>
    %dma_start3A_701 = arith.constant 0 : i32
    %dma_start3A_702 = arith.constant 0 : i32
    %dma_start3A_703 = tpu.memref_slice %arg7[%dma_start3A_701, %dma_start3A_702] : memref<128x32xf32, #tpu.memory_space<vmem>> -> memref<128x32xf32, #tpu.memory_space<vmem>>
    tpu.enqueue_dma source(%dma_start3A_703 : memref<128x32xf32, #tpu.memory_space<vmem>>) target(%dma_start3A_700 : memref<128x32xf32, #tpu.memory_space<vmem_shared>>) target_semaphore(%arg10 : memref<!tpu.dma_semaphore, #tpu.memory_space<semaphore_mem>>)
    %add3A_704 = arith.constant 1408 : i32
    %add3A_705 = arith.addi %mul3A_7, %add3A_704 : i32
    %dma_start3A_706 = arith.constant 0 : i32
    %dma_start3A_707 = arith.constant 0 : i32
    %dma_start3A_708 = tpu.memref_slice %arg7[%dma_start3A_706, %dma_start3A_707] : memref<128x32xf32, #tpu.memory_space<vmem>> -> memref<128x32xf32, #tpu.memory_space<vmem>>
    %dma_start3A_709 = arith.constant 0 : i32
    %dma_start3A_710 = tpu.memref_slice %arg8[%add3A_705, %dma_start3A_709] : memref<40016x32xf32, #tpu.memory_space<vmem_shared>> -> memref<128x32xf32, #tpu.memory_space<vmem_shared>>
    %dma_start3A_711 = arith.constant 0 : i32
    %dma_start3A_712 = tpu.memref_slice %arg8[%add3A_705, %dma_start3A_711] : memref<40016x32xf32, #tpu.memory_space<vmem_shared>> -> memref<128x32xf32, #tpu.memory_space<vmem_shared>>
    %dma_start3A_713 = arith.constant 0 : i32
    %dma_start3A_714 = arith.constant 0 : i32
    %dma_start3A_715 = tpu.memref_slice %arg7[%dma_start3A_713, %dma_start3A_714] : memref<128x32xf32, #tpu.memory_space<vmem>> -> memref<128x32xf32, #tpu.memory_space<vmem>>
    tpu.enqueue_dma source(%dma_start3A_715 : memref<128x32xf32, #tpu.memory_space<vmem>>) target(%dma_start3A_712 : memref<128x32xf32, #tpu.memory_space<vmem_shared>>) target_semaphore(%arg10 : memref<!tpu.dma_semaphore, #tpu.memory_space<semaphore_mem>>)
    %add3A_716 = arith.constant 1536 : i32
    %add3A_717 = arith.addi %mul3A_7, %add3A_716 : i32
    %dma_start3A_718 = arith.constant 0 : i32
    %dma_start3A_719 = arith.constant 0 : i32
    %dma_start3A_720 = tpu.memref_slice %arg7[%dma_start3A_718, %dma_start3A_719] : memref<128x32xf32, #tpu.memory_space<vmem>> -> memref<128x32xf32, #tpu.memory_space<vmem>>
    %dma_start3A_721 = arith.constant 0 : i32
    %dma_start3A_722 = tpu.memref_slice %arg8[%add3A_717, %dma_start3A_721] : memref<40016x32xf32, #tpu.memory_space<vmem_shared>> -> memref<128x32xf32, #tpu.memory_space<vmem_shared>>
    %dma_start3A_723 = arith.constant 0 : i32
    %dma_start3A_724 = tpu.memref_slice %arg8[%add3A_717, %dma_start3A_723] : memref<40016x32xf32, #tpu.memory_space<vmem_shared>> -> memref<128x32xf32, #tpu.memory_space<vmem_shared>>
    %dma_start3A_725 = arith.constant 0 : i32
    %dma_start3A_726 = arith.constant 0 : i32
    %dma_start3A_727 = tpu.memref_slice %arg7[%dma_start3A_725, %dma_start3A_726] : memref<128x32xf32, #tpu.memory_space<vmem>> -> memref<128x32xf32, #tpu.memory_space<vmem>>
    tpu.enqueue_dma source(%dma_start3A_727 : memref<128x32xf32, #tpu.memory_space<vmem>>) target(%dma_start3A_724 : memref<128x32xf32, #tpu.memory_space<vmem_shared>>) target_semaphore(%arg10 : memref<!tpu.dma_semaphore, #tpu.memory_space<semaphore_mem>>)
    %add3A_728 = arith.constant 1664 : i32
    %add3A_729 = arith.addi %mul3A_7, %add3A_728 : i32
    %dma_start3A_730 = arith.constant 0 : i32
    %dma_start3A_731 = arith.constant 0 : i32
    %dma_start3A_732 = tpu.memref_slice %arg7[%dma_start3A_730, %dma_start3A_731] : memref<128x32xf32, #tpu.memory_space<vmem>> -> memref<128x32xf32, #tpu.memory_space<vmem>>
    %dma_start3A_733 = arith.constant 0 : i32
    %dma_start3A_734 = tpu.memref_slice %arg8[%add3A_729, %dma_start3A_733] : memref<40016x32xf32, #tpu.memory_space<vmem_shared>> -> memref<128x32xf32, #tpu.memory_space<vmem_shared>>
    %dma_start3A_735 = arith.constant 0 : i32
    %dma_start3A_736 = tpu.memref_slice %arg8[%add3A_729, %dma_start3A_735] : memref<40016x32xf32, #tpu.memory_space<vmem_shared>> -> memref<128x32xf32, #tpu.memory_space<vmem_shared>>
    %dma_start3A_737 = arith.constant 0 : i32
    %dma_start3A_738 = arith.constant 0 : i32
    %dma_start3A_739 = tpu.memref_slice %arg7[%dma_start3A_737, %dma_start3A_738] : memref<128x32xf32, #tpu.memory_space<vmem>> -> memref<128x32xf32, #tpu.memory_space<vmem>>
    tpu.enqueue_dma source(%dma_start3A_739 : memref<128x32xf32, #tpu.memory_space<vmem>>) target(%dma_start3A_736 : memref<128x32xf32, #tpu.memory_space<vmem_shared>>) target_semaphore(%arg10 : memref<!tpu.dma_semaphore, #tpu.memory_space<semaphore_mem>>)
    %add3A_740 = arith.constant 1792 : i32
    %add3A_741 = arith.addi %mul3A_7, %add3A_740 : i32
    %dma_start3A_742 = arith.constant 0 : i32
    %dma_start3A_743 = arith.constant 0 : i32
    %dma_start3A_744 = tpu.memref_slice %arg7[%dma_start3A_742, %dma_start3A_743] : memref<128x32xf32, #tpu.memory_space<vmem>> -> memref<128x32xf32, #tpu.memory_space<vmem>>
    %dma_start3A_745 = arith.constant 0 : i32
    %dma_start3A_746 = tpu.memref_slice %arg8[%add3A_741, %dma_start3A_745] : memref<40016x32xf32, #tpu.memory_space<vmem_shared>> -> memref<128x32xf32, #tpu.memory_space<vmem_shared>>
    %dma_start3A_747 = arith.constant 0 : i32
    %dma_start3A_748 = tpu.memref_slice %arg8[%add3A_741, %dma_start3A_747] : memref<40016x32xf32, #tpu.memory_space<vmem_shared>> -> memref<128x32xf32, #tpu.memory_space<vmem_shared>>
    %dma_start3A_749 = arith.constant 0 : i32
    %dma_start3A_750 = arith.constant 0 : i32
    %dma_start3A_751 = tpu.memref_slice %arg7[%dma_start3A_749, %dma_start3A_750] : memref<128x32xf32, #tpu.memory_space<vmem>> -> memref<128x32xf32, #tpu.memory_space<vmem>>
    tpu.enqueue_dma source(%dma_start3A_751 : memref<128x32xf32, #tpu.memory_space<vmem>>) target(%dma_start3A_748 : memref<128x32xf32, #tpu.memory_space<vmem_shared>>) target_semaphore(%arg10 : memref<!tpu.dma_semaphore, #tpu.memory_space<semaphore_mem>>)
    %add3A_752 = arith.constant 1920 : i32
    %add3A_753 = arith.addi %mul3A_7, %add3A_752 : i32
    %dma_start3A_754 = arith.constant 0 : i32
    %dma_start3A_755 = arith.constant 0 : i32
    %dma_start3A_756 = tpu.memref_slice %arg7[%dma_start3A_754, %dma_start3A_755] : memref<128x32xf32, #tpu.memory_space<vmem>> -> memref<128x32xf32, #tpu.memory_space<vmem>>
    %dma_start3A_757 = arith.constant 0 : i32
    %dma_start3A_758 = tpu.memref_slice %arg8[%add3A_753, %dma_start3A_757] : memref<40016x32xf32, #tpu.memory_space<vmem_shared>> -> memref<128x32xf32, #tpu.memory_space<vmem_shared>>
    %dma_start3A_759 = arith.constant 0 : i32
    %dma_start3A_760 = tpu.memref_slice %arg8[%add3A_753, %dma_start3A_759] : memref<40016x32xf32, #tpu.memory_space<vmem_shared>> -> memref<128x32xf32, #tpu.memory_space<vmem_shared>>
    %dma_start3A_761 = arith.constant 0 : i32
    %dma_start3A_762 = arith.constant 0 : i32
    %dma_start3A_763 = tpu.memref_slice %arg7[%dma_start3A_761, %dma_start3A_762] : memref<128x32xf32, #tpu.memory_space<vmem>> -> memref<128x32xf32, #tpu.memory_space<vmem>>
    tpu.enqueue_dma source(%dma_start3A_763 : memref<128x32xf32, #tpu.memory_space<vmem>>) target(%dma_start3A_760 : memref<128x32xf32, #tpu.memory_space<vmem_shared>>) target_semaphore(%arg10 : memref<!tpu.dma_semaphore, #tpu.memory_space<semaphore_mem>>)
    %add3A_764 = arith.constant 2048 : i32
    %add3A_765 = arith.addi %mul3A_7, %add3A_764 : i32
    %dma_start3A_766 = arith.constant 0 : i32
    %dma_start3A_767 = arith.constant 0 : i32
    %dma_start3A_768 = tpu.memref_slice %arg7[%dma_start3A_766, %dma_start3A_767] : memref<128x32xf32, #tpu.memory_space<vmem>> -> memref<128x32xf32, #tpu.memory_space<vmem>>
    %dma_start3A_769 = arith.constant 0 : i32
    %dma_start3A_770 = tpu.memref_slice %arg8[%add3A_765, %dma_start3A_769] : memref<40016x32xf32, #tpu.memory_space<vmem_shared>> -> memref<128x32xf32, #tpu.memory_space<vmem_shared>>
    %dma_start3A_771 = arith.constant 0 : i32
    %dma_start3A_772 = tpu.memref_slice %arg8[%add3A_765, %dma_start3A_771] : memref<40016x32xf32, #tpu.memory_space<vmem_shared>> -> memref<128x32xf32, #tpu.memory_space<vmem_shared>>
    %dma_start3A_773 = arith.constant 0 : i32
    %dma_start3A_774 = arith.constant 0 : i32
    %dma_start3A_775 = tpu.memref_slice %arg7[%dma_start3A_773, %dma_start3A_774] : memref<128x32xf32, #tpu.memory_space<vmem>> -> memref<128x32xf32, #tpu.memory_space<vmem>>
    tpu.enqueue_dma source(%dma_start3A_775 : memref<128x32xf32, #tpu.memory_space<vmem>>) target(%dma_start3A_772 : memref<128x32xf32, #tpu.memory_space<vmem_shared>>) target_semaphore(%arg10 : memref<!tpu.dma_semaphore, #tpu.memory_space<semaphore_mem>>)
    %add3A_776 = arith.constant 2176 : i32
    %add3A_777 = arith.addi %mul3A_7, %add3A_776 : i32
    %dma_start3A_778 = arith.constant 0 : i32
    %dma_start3A_779 = arith.constant 0 : i32
    %dma_start3A_780 = tpu.memref_slice %arg7[%dma_start3A_778, %dma_start3A_779] : memref<128x32xf32, #tpu.memory_space<vmem>> -> memref<128x32xf32, #tpu.memory_space<vmem>>
    %dma_start3A_781 = arith.constant 0 : i32
    %dma_start3A_782 = tpu.memref_slice %arg8[%add3A_777, %dma_start3A_781] : memref<40016x32xf32, #tpu.memory_space<vmem_shared>> -> memref<128x32xf32, #tpu.memory_space<vmem_shared>>
    %dma_start3A_783 = arith.constant 0 : i32
    %dma_start3A_784 = tpu.memref_slice %arg8[%add3A_777, %dma_start3A_783] : memref<40016x32xf32, #tpu.memory_space<vmem_shared>> -> memref<128x32xf32, #tpu.memory_space<vmem_shared>>
    %dma_start3A_785 = arith.constant 0 : i32
    %dma_start3A_786 = arith.constant 0 : i32
    %dma_start3A_787 = tpu.memref_slice %arg7[%dma_start3A_785, %dma_start3A_786] : memref<128x32xf32, #tpu.memory_space<vmem>> -> memref<128x32xf32, #tpu.memory_space<vmem>>
    tpu.enqueue_dma source(%dma_start3A_787 : memref<128x32xf32, #tpu.memory_space<vmem>>) target(%dma_start3A_784 : memref<128x32xf32, #tpu.memory_space<vmem_shared>>) target_semaphore(%arg10 : memref<!tpu.dma_semaphore, #tpu.memory_space<semaphore_mem>>)
    %add3A_788 = arith.constant 2304 : i32
    %add3A_789 = arith.addi %mul3A_7, %add3A_788 : i32
    %dma_start3A_790 = arith.constant 0 : i32
    %dma_start3A_791 = arith.constant 0 : i32
    %dma_start3A_792 = tpu.memref_slice %arg7[%dma_start3A_790, %dma_start3A_791] : memref<128x32xf32, #tpu.memory_space<vmem>> -> memref<128x32xf32, #tpu.memory_space<vmem>>
    %dma_start3A_793 = arith.constant 0 : i32
    %dma_start3A_794 = tpu.memref_slice %arg8[%add3A_789, %dma_start3A_793] : memref<40016x32xf32, #tpu.memory_space<vmem_shared>> -> memref<128x32xf32, #tpu.memory_space<vmem_shared>>
    %dma_start3A_795 = arith.constant 0 : i32
    %dma_start3A_796 = tpu.memref_slice %arg8[%add3A_789, %dma_start3A_795] : memref<40016x32xf32, #tpu.memory_space<vmem_shared>> -> memref<128x32xf32, #tpu.memory_space<vmem_shared>>
    %dma_start3A_797 = arith.constant 0 : i32
    %dma_start3A_798 = arith.constant 0 : i32
    %dma_start3A_799 = tpu.memref_slice %arg7[%dma_start3A_797, %dma_start3A_798] : memref<128x32xf32, #tpu.memory_space<vmem>> -> memref<128x32xf32, #tpu.memory_space<vmem>>
    tpu.enqueue_dma source(%dma_start3A_799 : memref<128x32xf32, #tpu.memory_space<vmem>>) target(%dma_start3A_796 : memref<128x32xf32, #tpu.memory_space<vmem_shared>>) target_semaphore(%arg10 : memref<!tpu.dma_semaphore, #tpu.memory_space<semaphore_mem>>)
    %add3A_800 = arith.constant 2432 : i32
    %add3A_801 = arith.addi %mul3A_7, %add3A_800 : i32
    %dma_start3A_802 = arith.constant 0 : i32
    %dma_start3A_803 = arith.constant 0 : i32
    %dma_start3A_804 = tpu.memref_slice %arg7[%dma_start3A_802, %dma_start3A_803] : memref<128x32xf32, #tpu.memory_space<vmem>> -> memref<68x32xf32, #tpu.memory_space<vmem>>
    %dma_start3A_805 = arith.constant 0 : i32
    %dma_start3A_806 = tpu.memref_slice %arg8[%add3A_801, %dma_start3A_805] : memref<40016x32xf32, #tpu.memory_space<vmem_shared>> -> memref<68x32xf32, #tpu.memory_space<vmem_shared>>
    %dma_start3A_807 = arith.constant 0 : i32
    %dma_start3A_808 = tpu.memref_slice %arg8[%add3A_801, %dma_start3A_807] : memref<40016x32xf32, #tpu.memory_space<vmem_shared>> -> memref<68x32xf32, #tpu.memory_space<vmem_shared>>
    %dma_start3A_809 = arith.constant 0 : i32
    %dma_start3A_810 = arith.constant 0 : i32
    %dma_start3A_811 = tpu.memref_slice %arg7[%dma_start3A_809, %dma_start3A_810] : memref<128x32xf32, #tpu.memory_space<vmem>> -> memref<68x32xf32, #tpu.memory_space<vmem>>
    tpu.enqueue_dma source(%dma_start3A_811 : memref<68x32xf32, #tpu.memory_space<vmem>>) target(%dma_start3A_808 : memref<68x32xf32, #tpu.memory_space<vmem_shared>>) target_semaphore(%arg10 : memref<!tpu.dma_semaphore, #tpu.memory_space<semaphore_mem>>)
    %dma_wait3A_812 = arith.constant 0 : i32
    %dma_wait3A_813 = arith.constant 0 : i32
    %dma_wait3A_814 = tpu.memref_slice %arg7[%dma_wait3A_812, %dma_wait3A_813] : memref<128x32xf32, #tpu.memory_space<vmem>> -> memref<128x32xf32, #tpu.memory_space<vmem>>
    %dma_wait3A_815 = arith.constant 0 : i32
    %dma_wait3A_816 = tpu.memref_slice %arg8[%add3A_573, %dma_wait3A_815] : memref<40016x32xf32, #tpu.memory_space<vmem_shared>> -> memref<128x32xf32, #tpu.memory_space<vmem_shared>>
    %dma_wait3A_817 = arith.constant 0 : i32
    %dma_wait3A_818 = tpu.memref_slice %arg8[%add3A_573, %dma_wait3A_817] : memref<40016x32xf32, #tpu.memory_space<vmem_shared>> -> memref<128x32xf32, #tpu.memory_space<vmem_shared>>
    %dma_wait3A_819 = arith.constant 0 : i32
    %dma_wait3A_820 = arith.constant 0 : i32
    %dma_wait3A_821 = tpu.memref_slice %arg7[%dma_wait3A_819, %dma_wait3A_820] : memref<128x32xf32, #tpu.memory_space<vmem>> -> memref<128x32xf32, #tpu.memory_space<vmem>>
    tpu.wait_dma2 semaphore(%arg10 : memref<!tpu.dma_semaphore, #tpu.memory_space<semaphore_mem>>) src(%dma_wait3A_821 : memref<128x32xf32, #tpu.memory_space<vmem>>) dst(%dma_wait3A_818 : memref<128x32xf32, #tpu.memory_space<vmem_shared>>)
    %dma_wait3A_822 = arith.constant 0 : i32
    %dma_wait3A_823 = arith.constant 0 : i32
    %dma_wait3A_824 = tpu.memref_slice %arg7[%dma_wait3A_822, %dma_wait3A_823] : memref<128x32xf32, #tpu.memory_space<vmem>> -> memref<128x32xf32, #tpu.memory_space<vmem>>
    %dma_wait3A_825 = arith.constant 0 : i32
    %dma_wait3A_826 = tpu.memref_slice %arg8[%add3A_585, %dma_wait3A_825] : memref<40016x32xf32, #tpu.memory_space<vmem_shared>> -> memref<128x32xf32, #tpu.memory_space<vmem_shared>>
    %dma_wait3A_827 = arith.constant 0 : i32
    %dma_wait3A_828 = tpu.memref_slice %arg8[%add3A_585, %dma_wait3A_827] : memref<40016x32xf32, #tpu.memory_space<vmem_shared>> -> memref<128x32xf32, #tpu.memory_space<vmem_shared>>
    %dma_wait3A_829 = arith.constant 0 : i32
    %dma_wait3A_830 = arith.constant 0 : i32
    %dma_wait3A_831 = tpu.memref_slice %arg7[%dma_wait3A_829, %dma_wait3A_830] : memref<128x32xf32, #tpu.memory_space<vmem>> -> memref<128x32xf32, #tpu.memory_space<vmem>>
    tpu.wait_dma2 semaphore(%arg10 : memref<!tpu.dma_semaphore, #tpu.memory_space<semaphore_mem>>) src(%dma_wait3A_831 : memref<128x32xf32, #tpu.memory_space<vmem>>) dst(%dma_wait3A_828 : memref<128x32xf32, #tpu.memory_space<vmem_shared>>)
    %dma_wait3A_832 = arith.constant 0 : i32
    %dma_wait3A_833 = arith.constant 0 : i32
    %dma_wait3A_834 = tpu.memref_slice %arg7[%dma_wait3A_832, %dma_wait3A_833] : memref<128x32xf32, #tpu.memory_space<vmem>> -> memref<128x32xf32, #tpu.memory_space<vmem>>
    %dma_wait3A_835 = arith.constant 0 : i32
    %dma_wait3A_836 = tpu.memref_slice %arg8[%add3A_597, %dma_wait3A_835] : memref<40016x32xf32, #tpu.memory_space<vmem_shared>> -> memref<128x32xf32, #tpu.memory_space<vmem_shared>>
    %dma_wait3A_837 = arith.constant 0 : i32
    %dma_wait3A_838 = tpu.memref_slice %arg8[%add3A_597, %dma_wait3A_837] : memref<40016x32xf32, #tpu.memory_space<vmem_shared>> -> memref<128x32xf32, #tpu.memory_space<vmem_shared>>
    %dma_wait3A_839 = arith.constant 0 : i32
    %dma_wait3A_840 = arith.constant 0 : i32
    %dma_wait3A_841 = tpu.memref_slice %arg7[%dma_wait3A_839, %dma_wait3A_840] : memref<128x32xf32, #tpu.memory_space<vmem>> -> memref<128x32xf32, #tpu.memory_space<vmem>>
    tpu.wait_dma2 semaphore(%arg10 : memref<!tpu.dma_semaphore, #tpu.memory_space<semaphore_mem>>) src(%dma_wait3A_841 : memref<128x32xf32, #tpu.memory_space<vmem>>) dst(%dma_wait3A_838 : memref<128x32xf32, #tpu.memory_space<vmem_shared>>)
    %dma_wait3A_842 = arith.constant 0 : i32
    %dma_wait3A_843 = arith.constant 0 : i32
    %dma_wait3A_844 = tpu.memref_slice %arg7[%dma_wait3A_842, %dma_wait3A_843] : memref<128x32xf32, #tpu.memory_space<vmem>> -> memref<128x32xf32, #tpu.memory_space<vmem>>
    %dma_wait3A_845 = arith.constant 0 : i32
    %dma_wait3A_846 = tpu.memref_slice %arg8[%add3A_609, %dma_wait3A_845] : memref<40016x32xf32, #tpu.memory_space<vmem_shared>> -> memref<128x32xf32, #tpu.memory_space<vmem_shared>>
    %dma_wait3A_847 = arith.constant 0 : i32
    %dma_wait3A_848 = tpu.memref_slice %arg8[%add3A_609, %dma_wait3A_847] : memref<40016x32xf32, #tpu.memory_space<vmem_shared>> -> memref<128x32xf32, #tpu.memory_space<vmem_shared>>
    %dma_wait3A_849 = arith.constant 0 : i32
    %dma_wait3A_850 = arith.constant 0 : i32
    %dma_wait3A_851 = tpu.memref_slice %arg7[%dma_wait3A_849, %dma_wait3A_850] : memref<128x32xf32, #tpu.memory_space<vmem>> -> memref<128x32xf32, #tpu.memory_space<vmem>>
    tpu.wait_dma2 semaphore(%arg10 : memref<!tpu.dma_semaphore, #tpu.memory_space<semaphore_mem>>) src(%dma_wait3A_851 : memref<128x32xf32, #tpu.memory_space<vmem>>) dst(%dma_wait3A_848 : memref<128x32xf32, #tpu.memory_space<vmem_shared>>)
    %dma_wait3A_852 = arith.constant 0 : i32
    %dma_wait3A_853 = arith.constant 0 : i32
    %dma_wait3A_854 = tpu.memref_slice %arg7[%dma_wait3A_852, %dma_wait3A_853] : memref<128x32xf32, #tpu.memory_space<vmem>> -> memref<128x32xf32, #tpu.memory_space<vmem>>
    %dma_wait3A_855 = arith.constant 0 : i32
    %dma_wait3A_856 = tpu.memref_slice %arg8[%add3A_621, %dma_wait3A_855] : memref<40016x32xf32, #tpu.memory_space<vmem_shared>> -> memref<128x32xf32, #tpu.memory_space<vmem_shared>>
    %dma_wait3A_857 = arith.constant 0 : i32
    %dma_wait3A_858 = tpu.memref_slice %arg8[%add3A_621, %dma_wait3A_857] : memref<40016x32xf32, #tpu.memory_space<vmem_shared>> -> memref<128x32xf32, #tpu.memory_space<vmem_shared>>
    %dma_wait3A_859 = arith.constant 0 : i32
    %dma_wait3A_860 = arith.constant 0 : i32
    %dma_wait3A_861 = tpu.memref_slice %arg7[%dma_wait3A_859, %dma_wait3A_860] : memref<128x32xf32, #tpu.memory_space<vmem>> -> memref<128x32xf32, #tpu.memory_space<vmem>>
    tpu.wait_dma2 semaphore(%arg10 : memref<!tpu.dma_semaphore, #tpu.memory_space<semaphore_mem>>) src(%dma_wait3A_861 : memref<128x32xf32, #tpu.memory_space<vmem>>) dst(%dma_wait3A_858 : memref<128x32xf32, #tpu.memory_space<vmem_shared>>)
    %dma_wait3A_862 = arith.constant 0 : i32
    %dma_wait3A_863 = arith.constant 0 : i32
    %dma_wait3A_864 = tpu.memref_slice %arg7[%dma_wait3A_862, %dma_wait3A_863] : memref<128x32xf32, #tpu.memory_space<vmem>> -> memref<128x32xf32, #tpu.memory_space<vmem>>
    %dma_wait3A_865 = arith.constant 0 : i32
    %dma_wait3A_866 = tpu.memref_slice %arg8[%add3A_633, %dma_wait3A_865] : memref<40016x32xf32, #tpu.memory_space<vmem_shared>> -> memref<128x32xf32, #tpu.memory_space<vmem_shared>>
    %dma_wait3A_867 = arith.constant 0 : i32
    %dma_wait3A_868 = tpu.memref_slice %arg8[%add3A_633, %dma_wait3A_867] : memref<40016x32xf32, #tpu.memory_space<vmem_shared>> -> memref<128x32xf32, #tpu.memory_space<vmem_shared>>
    %dma_wait3A_869 = arith.constant 0 : i32
    %dma_wait3A_870 = arith.constant 0 : i32
    %dma_wait3A_871 = tpu.memref_slice %arg7[%dma_wait3A_869, %dma_wait3A_870] : memref<128x32xf32, #tpu.memory_space<vmem>> -> memref<128x32xf32, #tpu.memory_space<vmem>>
    tpu.wait_dma2 semaphore(%arg10 : memref<!tpu.dma_semaphore, #tpu.memory_space<semaphore_mem>>) src(%dma_wait3A_871 : memref<128x32xf32, #tpu.memory_space<vmem>>) dst(%dma_wait3A_868 : memref<128x32xf32, #tpu.memory_space<vmem_shared>>)
    %dma_wait3A_872 = arith.constant 0 : i32
    %dma_wait3A_873 = arith.constant 0 : i32
    %dma_wait3A_874 = tpu.memref_slice %arg7[%dma_wait3A_872, %dma_wait3A_873] : memref<128x32xf32, #tpu.memory_space<vmem>> -> memref<128x32xf32, #tpu.memory_space<vmem>>
    %dma_wait3A_875 = arith.constant 0 : i32
    %dma_wait3A_876 = tpu.memref_slice %arg8[%add3A_645, %dma_wait3A_875] : memref<40016x32xf32, #tpu.memory_space<vmem_shared>> -> memref<128x32xf32, #tpu.memory_space<vmem_shared>>
    %dma_wait3A_877 = arith.constant 0 : i32
    %dma_wait3A_878 = tpu.memref_slice %arg8[%add3A_645, %dma_wait3A_877] : memref<40016x32xf32, #tpu.memory_space<vmem_shared>> -> memref<128x32xf32, #tpu.memory_space<vmem_shared>>
    %dma_wait3A_879 = arith.constant 0 : i32
    %dma_wait3A_880 = arith.constant 0 : i32
    %dma_wait3A_881 = tpu.memref_slice %arg7[%dma_wait3A_879, %dma_wait3A_880] : memref<128x32xf32, #tpu.memory_space<vmem>> -> memref<128x32xf32, #tpu.memory_space<vmem>>
    tpu.wait_dma2 semaphore(%arg10 : memref<!tpu.dma_semaphore, #tpu.memory_space<semaphore_mem>>) src(%dma_wait3A_881 : memref<128x32xf32, #tpu.memory_space<vmem>>) dst(%dma_wait3A_878 : memref<128x32xf32, #tpu.memory_space<vmem_shared>>)
    %dma_wait3A_882 = arith.constant 0 : i32
    %dma_wait3A_883 = arith.constant 0 : i32
    %dma_wait3A_884 = tpu.memref_slice %arg7[%dma_wait3A_882, %dma_wait3A_883] : memref<128x32xf32, #tpu.memory_space<vmem>> -> memref<128x32xf32, #tpu.memory_space<vmem>>
    %dma_wait3A_885 = arith.constant 0 : i32
    %dma_wait3A_886 = tpu.memref_slice %arg8[%add3A_657, %dma_wait3A_885] : memref<40016x32xf32, #tpu.memory_space<vmem_shared>> -> memref<128x32xf32, #tpu.memory_space<vmem_shared>>
    %dma_wait3A_887 = arith.constant 0 : i32
    %dma_wait3A_888 = tpu.memref_slice %arg8[%add3A_657, %dma_wait3A_887] : memref<40016x32xf32, #tpu.memory_space<vmem_shared>> -> memref<128x32xf32, #tpu.memory_space<vmem_shared>>
    %dma_wait3A_889 = arith.constant 0 : i32
    %dma_wait3A_890 = arith.constant 0 : i32
    %dma_wait3A_891 = tpu.memref_slice %arg7[%dma_wait3A_889, %dma_wait3A_890] : memref<128x32xf32, #tpu.memory_space<vmem>> -> memref<128x32xf32, #tpu.memory_space<vmem>>
    tpu.wait_dma2 semaphore(%arg10 : memref<!tpu.dma_semaphore, #tpu.memory_space<semaphore_mem>>) src(%dma_wait3A_891 : memref<128x32xf32, #tpu.memory_space<vmem>>) dst(%dma_wait3A_888 : memref<128x32xf32, #tpu.memory_space<vmem_shared>>)
    %dma_wait3A_892 = arith.constant 0 : i32
    %dma_wait3A_893 = arith.constant 0 : i32
    %dma_wait3A_894 = tpu.memref_slice %arg7[%dma_wait3A_892, %dma_wait3A_893] : memref<128x32xf32, #tpu.memory_space<vmem>> -> memref<128x32xf32, #tpu.memory_space<vmem>>
    %dma_wait3A_895 = arith.constant 0 : i32
    %dma_wait3A_896 = tpu.memref_slice %arg8[%add3A_669, %dma_wait3A_895] : memref<40016x32xf32, #tpu.memory_space<vmem_shared>> -> memref<128x32xf32, #tpu.memory_space<vmem_shared>>
    %dma_wait3A_897 = arith.constant 0 : i32
    %dma_wait3A_898 = tpu.memref_slice %arg8[%add3A_669, %dma_wait3A_897] : memref<40016x32xf32, #tpu.memory_space<vmem_shared>> -> memref<128x32xf32, #tpu.memory_space<vmem_shared>>
    %dma_wait3A_899 = arith.constant 0 : i32
    %dma_wait3A_900 = arith.constant 0 : i32
    %dma_wait3A_901 = tpu.memref_slice %arg7[%dma_wait3A_899, %dma_wait3A_900] : memref<128x32xf32, #tpu.memory_space<vmem>> -> memref<128x32xf32, #tpu.memory_space<vmem>>
    tpu.wait_dma2 semaphore(%arg10 : memref<!tpu.dma_semaphore, #tpu.memory_space<semaphore_mem>>) src(%dma_wait3A_901 : memref<128x32xf32, #tpu.memory_space<vmem>>) dst(%dma_wait3A_898 : memref<128x32xf32, #tpu.memory_space<vmem_shared>>)
    %dma_wait3A_902 = arith.constant 0 : i32
    %dma_wait3A_903 = arith.constant 0 : i32
    %dma_wait3A_904 = tpu.memref_slice %arg7[%dma_wait3A_902, %dma_wait3A_903] : memref<128x32xf32, #tpu.memory_space<vmem>> -> memref<128x32xf32, #tpu.memory_space<vmem>>
    %dma_wait3A_905 = arith.constant 0 : i32
    %dma_wait3A_906 = tpu.memref_slice %arg8[%add3A_681, %dma_wait3A_905] : memref<40016x32xf32, #tpu.memory_space<vmem_shared>> -> memref<128x32xf32, #tpu.memory_space<vmem_shared>>
    %dma_wait3A_907 = arith.constant 0 : i32
    %dma_wait3A_908 = tpu.memref_slice %arg8[%add3A_681, %dma_wait3A_907] : memref<40016x32xf32, #tpu.memory_space<vmem_shared>> -> memref<128x32xf32, #tpu.memory_space<vmem_shared>>
    %dma_wait3A_909 = arith.constant 0 : i32
    %dma_wait3A_910 = arith.constant 0 : i32
    %dma_wait3A_911 = tpu.memref_slice %arg7[%dma_wait3A_909, %dma_wait3A_910] : memref<128x32xf32, #tpu.memory_space<vmem>> -> memref<128x32xf32, #tpu.memory_space<vmem>>
    tpu.wait_dma2 semaphore(%arg10 : memref<!tpu.dma_semaphore, #tpu.memory_space<semaphore_mem>>) src(%dma_wait3A_911 : memref<128x32xf32, #tpu.memory_space<vmem>>) dst(%dma_wait3A_908 : memref<128x32xf32, #tpu.memory_space<vmem_shared>>)
    %dma_wait3A_912 = arith.constant 0 : i32
    %dma_wait3A_913 = arith.constant 0 : i32
    %dma_wait3A_914 = tpu.memref_slice %arg7[%dma_wait3A_912, %dma_wait3A_913] : memref<128x32xf32, #tpu.memory_space<vmem>> -> memref<128x32xf32, #tpu.memory_space<vmem>>
    %dma_wait3A_915 = arith.constant 0 : i32
    %dma_wait3A_916 = tpu.memref_slice %arg8[%add3A_693, %dma_wait3A_915] : memref<40016x32xf32, #tpu.memory_space<vmem_shared>> -> memref<128x32xf32, #tpu.memory_space<vmem_shared>>
    %dma_wait3A_917 = arith.constant 0 : i32
    %dma_wait3A_918 = tpu.memref_slice %arg8[%add3A_693, %dma_wait3A_917] : memref<40016x32xf32, #tpu.memory_space<vmem_shared>> -> memref<128x32xf32, #tpu.memory_space<vmem_shared>>
    %dma_wait3A_919 = arith.constant 0 : i32
    %dma_wait3A_920 = arith.constant 0 : i32
    %dma_wait3A_921 = tpu.memref_slice %arg7[%dma_wait3A_919, %dma_wait3A_920] : memref<128x32xf32, #tpu.memory_space<vmem>> -> memref<128x32xf32, #tpu.memory_space<vmem>>
    tpu.wait_dma2 semaphore(%arg10 : memref<!tpu.dma_semaphore, #tpu.memory_space<semaphore_mem>>) src(%dma_wait3A_921 : memref<128x32xf32, #tpu.memory_space<vmem>>) dst(%dma_wait3A_918 : memref<128x32xf32, #tpu.memory_space<vmem_shared>>)
    %dma_wait3A_922 = arith.constant 0 : i32
    %dma_wait3A_923 = arith.constant 0 : i32
    %dma_wait3A_924 = tpu.memref_slice %arg7[%dma_wait3A_922, %dma_wait3A_923] : memref<128x32xf32, #tpu.memory_space<vmem>> -> memref<128x32xf32, #tpu.memory_space<vmem>>
    %dma_wait3A_925 = arith.constant 0 : i32
    %dma_wait3A_926 = tpu.memref_slice %arg8[%add3A_705, %dma_wait3A_925] : memref<40016x32xf32, #tpu.memory_space<vmem_shared>> -> memref<128x32xf32, #tpu.memory_space<vmem_shared>>
    %dma_wait3A_927 = arith.constant 0 : i32
    %dma_wait3A_928 = tpu.memref_slice %arg8[%add3A_705, %dma_wait3A_927] : memref<40016x32xf32, #tpu.memory_space<vmem_shared>> -> memref<128x32xf32, #tpu.memory_space<vmem_shared>>
    %dma_wait3A_929 = arith.constant 0 : i32
    %dma_wait3A_930 = arith.constant 0 : i32
    %dma_wait3A_931 = tpu.memref_slice %arg7[%dma_wait3A_929, %dma_wait3A_930] : memref<128x32xf32, #tpu.memory_space<vmem>> -> memref<128x32xf32, #tpu.memory_space<vmem>>
    tpu.wait_dma2 semaphore(%arg10 : memref<!tpu.dma_semaphore, #tpu.memory_space<semaphore_mem>>) src(%dma_wait3A_931 : memref<128x32xf32, #tpu.memory_space<vmem>>) dst(%dma_wait3A_928 : memref<128x32xf32, #tpu.memory_space<vmem_shared>>)
    %dma_wait3A_932 = arith.constant 0 : i32
    %dma_wait3A_933 = arith.constant 0 : i32
    %dma_wait3A_934 = tpu.memref_slice %arg7[%dma_wait3A_932, %dma_wait3A_933] : memref<128x32xf32, #tpu.memory_space<vmem>> -> memref<128x32xf32, #tpu.memory_space<vmem>>
    %dma_wait3A_935 = arith.constant 0 : i32
    %dma_wait3A_936 = tpu.memref_slice %arg8[%add3A_717, %dma_wait3A_935] : memref<40016x32xf32, #tpu.memory_space<vmem_shared>> -> memref<128x32xf32, #tpu.memory_space<vmem_shared>>
    %dma_wait3A_937 = arith.constant 0 : i32
    %dma_wait3A_938 = tpu.memref_slice %arg8[%add3A_717, %dma_wait3A_937] : memref<40016x32xf32, #tpu.memory_space<vmem_shared>> -> memref<128x32xf32, #tpu.memory_space<vmem_shared>>
    %dma_wait3A_939 = arith.constant 0 : i32
    %dma_wait3A_940 = arith.constant 0 : i32
    %dma_wait3A_941 = tpu.memref_slice %arg7[%dma_wait3A_939, %dma_wait3A_940] : memref<128x32xf32, #tpu.memory_space<vmem>> -> memref<128x32xf32, #tpu.memory_space<vmem>>
    tpu.wait_dma2 semaphore(%arg10 : memref<!tpu.dma_semaphore, #tpu.memory_space<semaphore_mem>>) src(%dma_wait3A_941 : memref<128x32xf32, #tpu.memory_space<vmem>>) dst(%dma_wait3A_938 : memref<128x32xf32, #tpu.memory_space<vmem_shared>>)
    %dma_wait3A_942 = arith.constant 0 : i32
    %dma_wait3A_943 = arith.constant 0 : i32
    %dma_wait3A_944 = tpu.memref_slice %arg7[%dma_wait3A_942, %dma_wait3A_943] : memref<128x32xf32, #tpu.memory_space<vmem>> -> memref<128x32xf32, #tpu.memory_space<vmem>>
    %dma_wait3A_945 = arith.constant 0 : i32
    %dma_wait3A_946 = tpu.memref_slice %arg8[%add3A_729, %dma_wait3A_945] : memref<40016x32xf32, #tpu.memory_space<vmem_shared>> -> memref<128x32xf32, #tpu.memory_space<vmem_shared>>
    %dma_wait3A_947 = arith.constant 0 : i32
    %dma_wait3A_948 = tpu.memref_slice %arg8[%add3A_729, %dma_wait3A_947] : memref<40016x32xf32, #tpu.memory_space<vmem_shared>> -> memref<128x32xf32, #tpu.memory_space<vmem_shared>>
    %dma_wait3A_949 = arith.constant 0 : i32
    %dma_wait3A_950 = arith.constant 0 : i32
    %dma_wait3A_951 = tpu.memref_slice %arg7[%dma_wait3A_949, %dma_wait3A_950] : memref<128x32xf32, #tpu.memory_space<vmem>> -> memref<128x32xf32, #tpu.memory_space<vmem>>
    tpu.wait_dma2 semaphore(%arg10 : memref<!tpu.dma_semaphore, #tpu.memory_space<semaphore_mem>>) src(%dma_wait3A_951 : memref<128x32xf32, #tpu.memory_space<vmem>>) dst(%dma_wait3A_948 : memref<128x32xf32, #tpu.memory_space<vmem_shared>>)
    %dma_wait3A_952 = arith.constant 0 : i32
    %dma_wait3A_953 = arith.constant 0 : i32
    %dma_wait3A_954 = tpu.memref_slice %arg7[%dma_wait3A_952, %dma_wait3A_953] : memref<128x32xf32, #tpu.memory_space<vmem>> -> memref<128x32xf32, #tpu.memory_space<vmem>>
    %dma_wait3A_955 = arith.constant 0 : i32
    %dma_wait3A_956 = tpu.memref_slice %arg8[%add3A_741, %dma_wait3A_955] : memref<40016x32xf32, #tpu.memory_space<vmem_shared>> -> memref<128x32xf32, #tpu.memory_space<vmem_shared>>
    %dma_wait3A_957 = arith.constant 0 : i32
    %dma_wait3A_958 = tpu.memref_slice %arg8[%add3A_741, %dma_wait3A_957] : memref<40016x32xf32, #tpu.memory_space<vmem_shared>> -> memref<128x32xf32, #tpu.memory_space<vmem_shared>>
    %dma_wait3A_959 = arith.constant 0 : i32
    %dma_wait3A_960 = arith.constant 0 : i32
    %dma_wait3A_961 = tpu.memref_slice %arg7[%dma_wait3A_959, %dma_wait3A_960] : memref<128x32xf32, #tpu.memory_space<vmem>> -> memref<128x32xf32, #tpu.memory_space<vmem>>
    tpu.wait_dma2 semaphore(%arg10 : memref<!tpu.dma_semaphore, #tpu.memory_space<semaphore_mem>>) src(%dma_wait3A_961 : memref<128x32xf32, #tpu.memory_space<vmem>>) dst(%dma_wait3A_958 : memref<128x32xf32, #tpu.memory_space<vmem_shared>>)
    %dma_wait3A_962 = arith.constant 0 : i32
    %dma_wait3A_963 = arith.constant 0 : i32
    %dma_wait3A_964 = tpu.memref_slice %arg7[%dma_wait3A_962, %dma_wait3A_963] : memref<128x32xf32, #tpu.memory_space<vmem>> -> memref<128x32xf32, #tpu.memory_space<vmem>>
    %dma_wait3A_965 = arith.constant 0 : i32
    %dma_wait3A_966 = tpu.memref_slice %arg8[%add3A_753, %dma_wait3A_965] : memref<40016x32xf32, #tpu.memory_space<vmem_shared>> -> memref<128x32xf32, #tpu.memory_space<vmem_shared>>
    %dma_wait3A_967 = arith.constant 0 : i32
    %dma_wait3A_968 = tpu.memref_slice %arg8[%add3A_753, %dma_wait3A_967] : memref<40016x32xf32, #tpu.memory_space<vmem_shared>> -> memref<128x32xf32, #tpu.memory_space<vmem_shared>>
    %dma_wait3A_969 = arith.constant 0 : i32
    %dma_wait3A_970 = arith.constant 0 : i32
    %dma_wait3A_971 = tpu.memref_slice %arg7[%dma_wait3A_969, %dma_wait3A_970] : memref<128x32xf32, #tpu.memory_space<vmem>> -> memref<128x32xf32, #tpu.memory_space<vmem>>
    tpu.wait_dma2 semaphore(%arg10 : memref<!tpu.dma_semaphore, #tpu.memory_space<semaphore_mem>>) src(%dma_wait3A_971 : memref<128x32xf32, #tpu.memory_space<vmem>>) dst(%dma_wait3A_968 : memref<128x32xf32, #tpu.memory_space<vmem_shared>>)
    %dma_wait3A_972 = arith.constant 0 : i32
    %dma_wait3A_973 = arith.constant 0 : i32
    %dma_wait3A_974 = tpu.memref_slice %arg7[%dma_wait3A_972, %dma_wait3A_973] : memref<128x32xf32, #tpu.memory_space<vmem>> -> memref<128x32xf32, #tpu.memory_space<vmem>>
    %dma_wait3A_975 = arith.constant 0 : i32
    %dma_wait3A_976 = tpu.memref_slice %arg8[%add3A_765, %dma_wait3A_975] : memref<40016x32xf32, #tpu.memory_space<vmem_shared>> -> memref<128x32xf32, #tpu.memory_space<vmem_shared>>
    %dma_wait3A_977 = arith.constant 0 : i32
    %dma_wait3A_978 = tpu.memref_slice %arg8[%add3A_765, %dma_wait3A_977] : memref<40016x32xf32, #tpu.memory_space<vmem_shared>> -> memref<128x32xf32, #tpu.memory_space<vmem_shared>>
    %dma_wait3A_979 = arith.constant 0 : i32
    %dma_wait3A_980 = arith.constant 0 : i32
    %dma_wait3A_981 = tpu.memref_slice %arg7[%dma_wait3A_979, %dma_wait3A_980] : memref<128x32xf32, #tpu.memory_space<vmem>> -> memref<128x32xf32, #tpu.memory_space<vmem>>
    tpu.wait_dma2 semaphore(%arg10 : memref<!tpu.dma_semaphore, #tpu.memory_space<semaphore_mem>>) src(%dma_wait3A_981 : memref<128x32xf32, #tpu.memory_space<vmem>>) dst(%dma_wait3A_978 : memref<128x32xf32, #tpu.memory_space<vmem_shared>>)
    %dma_wait3A_982 = arith.constant 0 : i32
    %dma_wait3A_983 = arith.constant 0 : i32
    %dma_wait3A_984 = tpu.memref_slice %arg7[%dma_wait3A_982, %dma_wait3A_983] : memref<128x32xf32, #tpu.memory_space<vmem>> -> memref<128x32xf32, #tpu.memory_space<vmem>>
    %dma_wait3A_985 = arith.constant 0 : i32
    %dma_wait3A_986 = tpu.memref_slice %arg8[%add3A_777, %dma_wait3A_985] : memref<40016x32xf32, #tpu.memory_space<vmem_shared>> -> memref<128x32xf32, #tpu.memory_space<vmem_shared>>
    %dma_wait3A_987 = arith.constant 0 : i32
    %dma_wait3A_988 = tpu.memref_slice %arg8[%add3A_777, %dma_wait3A_987] : memref<40016x32xf32, #tpu.memory_space<vmem_shared>> -> memref<128x32xf32, #tpu.memory_space<vmem_shared>>
    %dma_wait3A_989 = arith.constant 0 : i32
    %dma_wait3A_990 = arith.constant 0 : i32
    %dma_wait3A_991 = tpu.memref_slice %arg7[%dma_wait3A_989, %dma_wait3A_990] : memref<128x32xf32, #tpu.memory_space<vmem>> -> memref<128x32xf32, #tpu.memory_space<vmem>>
    tpu.wait_dma2 semaphore(%arg10 : memref<!tpu.dma_semaphore, #tpu.memory_space<semaphore_mem>>) src(%dma_wait3A_991 : memref<128x32xf32, #tpu.memory_space<vmem>>) dst(%dma_wait3A_988 : memref<128x32xf32, #tpu.memory_space<vmem_shared>>)
    %dma_wait3A_992 = arith.constant 0 : i32
    %dma_wait3A_993 = arith.constant 0 : i32
    %dma_wait3A_994 = tpu.memref_slice %arg7[%dma_wait3A_992, %dma_wait3A_993] : memref<128x32xf32, #tpu.memory_space<vmem>> -> memref<128x32xf32, #tpu.memory_space<vmem>>
    %dma_wait3A_995 = arith.constant 0 : i32
    %dma_wait3A_996 = tpu.memref_slice %arg8[%add3A_789, %dma_wait3A_995] : memref<40016x32xf32, #tpu.memory_space<vmem_shared>> -> memref<128x32xf32, #tpu.memory_space<vmem_shared>>
    %dma_wait3A_997 = arith.constant 0 : i32
    %dma_wait3A_998 = tpu.memref_slice %arg8[%add3A_789, %dma_wait3A_997] : memref<40016x32xf32, #tpu.memory_space<vmem_shared>> -> memref<128x32xf32, #tpu.memory_space<vmem_shared>>
    %dma_wait3A_999 = arith.constant 0 : i32
    %dma_wait3A_1000 = arith.constant 0 : i32
    %dma_wait3A_1001 = tpu.memref_slice %arg7[%dma_wait3A_999, %dma_wait3A_1000] : memref<128x32xf32, #tpu.memory_space<vmem>> -> memref<128x32xf32, #tpu.memory_space<vmem>>
    tpu.wait_dma2 semaphore(%arg10 : memref<!tpu.dma_semaphore, #tpu.memory_space<semaphore_mem>>) src(%dma_wait3A_1001 : memref<128x32xf32, #tpu.memory_space<vmem>>) dst(%dma_wait3A_998 : memref<128x32xf32, #tpu.memory_space<vmem_shared>>)
    %dma_wait3A_1002 = arith.constant 0 : i32
    %dma_wait3A_1003 = arith.constant 0 : i32
    %dma_wait3A_1004 = tpu.memref_slice %arg7[%dma_wait3A_1002, %dma_wait3A_1003] : memref<128x32xf32, #tpu.memory_space<vmem>> -> memref<68x32xf32, #tpu.memory_space<vmem>>
    %dma_wait3A_1005 = arith.constant 0 : i32
    %dma_wait3A_1006 = tpu.memref_slice %arg8[%add3A_801, %dma_wait3A_1005] : memref<40016x32xf32, #tpu.memory_space<vmem_shared>> -> memref<68x32xf32, #tpu.memory_space<vmem_shared>>
    %dma_wait3A_1007 = arith.constant 0 : i32
    %dma_wait3A_1008 = tpu.memref_slice %arg8[%add3A_801, %dma_wait3A_1007] : memref<40016x32xf32, #tpu.memory_space<vmem_shared>> -> memref<68x32xf32, #tpu.memory_space<vmem_shared>>
    %dma_wait3A_1009 = arith.constant 0 : i32
    %dma_wait3A_1010 = arith.constant 0 : i32
    %dma_wait3A_1011 = tpu.memref_slice %arg7[%dma_wait3A_1009, %dma_wait3A_1010] : memref<128x32xf32, #tpu.memory_space<vmem>> -> memref<68x32xf32, #tpu.memory_space<vmem>>
    tpu.wait_dma2 semaphore(%arg10 : memref<!tpu.dma_semaphore, #tpu.memory_space<semaphore_mem>>) src(%dma_wait3A_1011 : memref<68x32xf32, #tpu.memory_space<vmem>>) dst(%dma_wait3A_1008 : memref<68x32xf32, #tpu.memory_space<vmem_shared>>)
    %barrier3A_1012 = arith.constant 0 : index
    tpu.barrier barrier_id(%barrier3A_1012)
    %mul3A_1013 = arith.constant 2704 : i32
    %mul3A_1014 = arith.muli %arg1, %mul3A_1013 : i32
    %add3A_1015 = arith.constant 43296 : i32
    %add3A_1016 = arith.addi %add3A_1015, %mul3A_1014 : i32
    %run_scoped3A_1017 = arith.constant 1 : i32
    "tpu.region"() ({
      %run_scoped3A_2304 = tpu.sem_alloc : memref<!tpu.dma_semaphore, #tpu.memory_space<semaphore_mem>>
      %dma_start3A_2305 = arith.constant 0 : i32
      %dma_start3A_2306 = arith.constant 0 : i32
      %dma_start3A_2307 = tpu.memref_slice %arg3[%run_scoped3A_1017, %arg1, %dma_start3A_2305, %dma_start3A_2306] : memref<4x16x22x128xi32, #tpu.memory_space<hbm>> -> memref<1x1x22x128xi32, #tpu.memory_space<hbm>>
      %dma_start3A_2308 = tpu.memref_squeeze %dma_start3A_2307 : memref<1x1x22x128xi32, #tpu.memory_space<hbm>> -> memref<22x128xi32, #tpu.memory_space<hbm>>
      %dma_start3A_2309 = arith.constant 0 : i32
      %dma_start3A_2310 = arith.constant 0 : i32
      %dma_start3A_2311 = tpu.memref_slice %arg3[%run_scoped3A_1017, %arg1, %dma_start3A_2309, %dma_start3A_2310] : memref<4x16x22x128xi32, #tpu.memory_space<hbm>> -> memref<1x1x22x128xi32, #tpu.memory_space<hbm>>
      %dma_start3A_2312 = tpu.memref_squeeze %dma_start3A_2311 : memref<1x1x22x128xi32, #tpu.memory_space<hbm>> -> memref<22x128xi32, #tpu.memory_space<hbm>>
      tpu.enqueue_dma source(%dma_start3A_2312 : memref<22x128xi32, #tpu.memory_space<hbm>>) target(%arg6 : memref<22x128xi32, #tpu.memory_space<vmem>>) target_semaphore(%run_scoped3A_2304 : memref<!tpu.dma_semaphore, #tpu.memory_space<semaphore_mem>>)
      %dma_wait3A_2313 = arith.constant 0 : i32
      %dma_wait3A_2314 = arith.constant 0 : i32
      %dma_wait3A_2315 = tpu.memref_slice %arg3[%run_scoped3A_1017, %arg1, %dma_wait3A_2313, %dma_wait3A_2314] : memref<4x16x22x128xi32, #tpu.memory_space<hbm>> -> memref<1x1x22x128xi32, #tpu.memory_space<hbm>>
      %dma_wait3A_2316 = tpu.memref_squeeze %dma_wait3A_2315 : memref<1x1x22x128xi32, #tpu.memory_space<hbm>> -> memref<22x128xi32, #tpu.memory_space<hbm>>
      %dma_wait3A_2317 = arith.constant 0 : i32
      %dma_wait3A_2318 = arith.constant 0 : i32
      %dma_wait3A_2319 = tpu.memref_slice %arg3[%run_scoped3A_1017, %arg1, %dma_wait3A_2317, %dma_wait3A_2318] : memref<4x16x22x128xi32, #tpu.memory_space<hbm>> -> memref<1x1x22x128xi32, #tpu.memory_space<hbm>>
      %dma_wait3A_2320 = tpu.memref_squeeze %dma_wait3A_2319 : memref<1x1x22x128xi32, #tpu.memory_space<hbm>> -> memref<22x128xi32, #tpu.memory_space<hbm>>
      tpu.wait_dma2 semaphore(%run_scoped3A_2304 : memref<!tpu.dma_semaphore, #tpu.memory_space<semaphore_mem>>) src(%dma_wait3A_2320 : memref<22x128xi32, #tpu.memory_space<hbm>>) dst(%arg6 : memref<22x128xi32, #tpu.memory_space<vmem>>)
      tpu.yield
    }) : () -> ()
    %scan3A_1018 = arith.constant 0 : i32
    %scan3A_1019 = arith.constant 21 : i32
    %scan3A_1020 = arith.addi %scan3A_1018, %scan3A_1019 : i32
    %scan3A_1021 = arith.constant 1 : i32
    scf.for %scan3A_2304 = %scan3A_1018 to %scan3A_1020 step %scan3A_1021  : i32 {
      %mul3A_2305 = arith.constant 1 : i32
      %mul3A_2306 = arith.muli %scan3A_2304, %mul3A_2305 : i32
      %add3A_2307 = arith.constant 0 : i32
      %add3A_2308 = arith.addi %add3A_2307, %mul3A_2306 : i32
      %broadcast_in_dim3A_2309 = arith.constant 0 : i32
      %broadcast_in_dim3A_2310 = vector.broadcast %broadcast_in_dim3A_2309 : i32 to vector<16xi32>
      %get3A_2311 = arith.index_cast %add3A_2308 : i32 to index
      %get3A_2312 = arith.constant 0 : index
      %get3A_2313 = tpu.vector_load %arg6[%get3A_2311, %get3A_2312] {strides = array<i32>} : memref<22x128xi32, #tpu.memory_space<vmem>>, vector<16xi32>,
      %ne3A_2314 = arith.constant 40000 : i32
      %ne3A_2315 = vector.broadcast %ne3A_2314 : i32 to vector<16xi32>
      %ne3A_2316 = arith.cmpi ne, %get3A_2313, %ne3A_2315 : vector<16xi32>
      %jit3A_2317 = arith.constant 1 : i32
      %jit3A_2318 = arith.constant 0 : i32
      %broadcast_in_dim3A_2319 = vector.broadcast %jit3A_2317 : i32 to vector<16xi32>
      %broadcast_in_dim3A_2320 = vector.broadcast %jit3A_2318 : i32 to vector<16xi32>
      %select_n3A_2321 = arith.select %ne3A_2316, %broadcast_in_dim3A_2319, %broadcast_in_dim3A_2320 : vector<16xi1>, vector<16xi32>
      %add3A_2322 = arith.addi %broadcast_in_dim3A_2310, %select_n3A_2321 : vector<16xi32>
      %get3A_2323 = arith.index_cast %add3A_2308 : i32 to index
      %get3A_2324 = arith.constant 16 : index
      %get3A_2325 = tpu.vector_load %arg6[%get3A_2323, %get3A_2324] {strides = array<i32>} : memref<22x128xi32, #tpu.memory_space<vmem>>, vector<16xi32>,
      %ne3A_2326 = arith.constant 40000 : i32
      %ne3A_2327 = vector.broadcast %ne3A_2326 : i32 to vector<16xi32>
      %ne3A_2328 = arith.cmpi ne, %get3A_2325, %ne3A_2327 : vector<16xi32>
      %jit3A_2329 = arith.constant 1 : i32
      %jit3A_2330 = arith.constant 0 : i32
      %broadcast_in_dim3A_2331 = vector.broadcast %jit3A_2329 : i32 to vector<16xi32>
      %broadcast_in_dim3A_2332 = vector.broadcast %jit3A_2330 : i32 to vector<16xi32>
      %select_n3A_2333 = arith.select %ne3A_2328, %broadcast_in_dim3A_2331, %broadcast_in_dim3A_2332 : vector<16xi1>, vector<16xi32>
      %add3A_2334 = arith.addi %add3A_2322, %select_n3A_2333 : vector<16xi32>
      %get3A_2335 = arith.index_cast %add3A_2308 : i32 to index
      %get3A_2336 = arith.constant 32 : index
      %get3A_2337 = tpu.vector_load %arg6[%get3A_2335, %get3A_2336] {strides = array<i32>} : memref<22x128xi32, #tpu.memory_space<vmem>>, vector<16xi32>,
      %ne3A_2338 = arith.constant 40000 : i32
      %ne3A_2339 = vector.broadcast %ne3A_2338 : i32 to vector<16xi32>
      %ne3A_2340 = arith.cmpi ne, %get3A_2337, %ne3A_2339 : vector<16xi32>
      %jit3A_2341 = arith.constant 1 : i32
      %jit3A_2342 = arith.constant 0 : i32
      %broadcast_in_dim3A_2343 = vector.broadcast %jit3A_2341 : i32 to vector<16xi32>
      %broadcast_in_dim3A_2344 = vector.broadcast %jit3A_2342 : i32 to vector<16xi32>
      %select_n3A_2345 = arith.select %ne3A_2340, %broadcast_in_dim3A_2343, %broadcast_in_dim3A_2344 : vector<16xi1>, vector<16xi32>
      %add3A_2346 = arith.addi %add3A_2334, %select_n3A_2345 : vector<16xi32>
      %get3A_2347 = arith.index_cast %add3A_2308 : i32 to index
      %get3A_2348 = arith.constant 48 : index
      %get3A_2349 = tpu.vector_load %arg6[%get3A_2347, %get3A_2348] {strides = array<i32>} : memref<22x128xi32, #tpu.memory_space<vmem>>, vector<16xi32>,
      %ne3A_2350 = arith.constant 40000 : i32
      %ne3A_2351 = vector.broadcast %ne3A_2350 : i32 to vector<16xi32>
      %ne3A_2352 = arith.cmpi ne, %get3A_2349, %ne3A_2351 : vector<16xi32>
      %jit3A_2353 = arith.constant 1 : i32
      %jit3A_2354 = arith.constant 0 : i32
      %broadcast_in_dim3A_2355 = vector.broadcast %jit3A_2353 : i32 to vector<16xi32>
      %broadcast_in_dim3A_2356 = vector.broadcast %jit3A_2354 : i32 to vector<16xi32>
      %select_n3A_2357 = arith.select %ne3A_2352, %broadcast_in_dim3A_2355, %broadcast_in_dim3A_2356 : vector<16xi1>, vector<16xi32>
      %add3A_2358 = arith.addi %add3A_2346, %select_n3A_2357 : vector<16xi32>
      %get3A_2359 = arith.index_cast %add3A_2308 : i32 to index
      %get3A_2360 = arith.constant 64 : index
      %get3A_2361 = tpu.vector_load %arg6[%get3A_2359, %get3A_2360] {strides = array<i32>} : memref<22x128xi32, #tpu.memory_space<vmem>>, vector<16xi32>,
      %ne3A_2362 = arith.constant 40000 : i32
      %ne3A_2363 = vector.broadcast %ne3A_2362 : i32 to vector<16xi32>
      %ne3A_2364 = arith.cmpi ne, %get3A_2361, %ne3A_2363 : vector<16xi32>
      %jit3A_2365 = arith.constant 1 : i32
      %jit3A_2366 = arith.constant 0 : i32
      %broadcast_in_dim3A_2367 = vector.broadcast %jit3A_2365 : i32 to vector<16xi32>
      %broadcast_in_dim3A_2368 = vector.broadcast %jit3A_2366 : i32 to vector<16xi32>
      %select_n3A_2369 = arith.select %ne3A_2364, %broadcast_in_dim3A_2367, %broadcast_in_dim3A_2368 : vector<16xi1>, vector<16xi32>
      %add3A_2370 = arith.addi %add3A_2358, %select_n3A_2369 : vector<16xi32>
      %get3A_2371 = arith.index_cast %add3A_2308 : i32 to index
      %get3A_2372 = arith.constant 80 : index
      %get3A_2373 = tpu.vector_load %arg6[%get3A_2371, %get3A_2372] {strides = array<i32>} : memref<22x128xi32, #tpu.memory_space<vmem>>, vector<16xi32>,
      %ne3A_2374 = arith.constant 40000 : i32
      %ne3A_2375 = vector.broadcast %ne3A_2374 : i32 to vector<16xi32>
      %ne3A_2376 = arith.cmpi ne, %get3A_2373, %ne3A_2375 : vector<16xi32>
      %jit3A_2377 = arith.constant 1 : i32
      %jit3A_2378 = arith.constant 0 : i32
      %broadcast_in_dim3A_2379 = vector.broadcast %jit3A_2377 : i32 to vector<16xi32>
      %broadcast_in_dim3A_2380 = vector.broadcast %jit3A_2378 : i32 to vector<16xi32>
      %select_n3A_2381 = arith.select %ne3A_2376, %broadcast_in_dim3A_2379, %broadcast_in_dim3A_2380 : vector<16xi1>, vector<16xi32>
      %add3A_2382 = arith.addi %add3A_2370, %select_n3A_2381 : vector<16xi32>
      %get3A_2383 = arith.index_cast %add3A_2308 : i32 to index
      %get3A_2384 = arith.constant 96 : index
      %get3A_2385 = tpu.vector_load %arg6[%get3A_2383, %get3A_2384] {strides = array<i32>} : memref<22x128xi32, #tpu.memory_space<vmem>>, vector<16xi32>,
      %ne3A_2386 = arith.constant 40000 : i32
      %ne3A_2387 = vector.broadcast %ne3A_2386 : i32 to vector<16xi32>
      %ne3A_2388 = arith.cmpi ne, %get3A_2385, %ne3A_2387 : vector<16xi32>
      %jit3A_2389 = arith.constant 1 : i32
      %jit3A_2390 = arith.constant 0 : i32
      %broadcast_in_dim3A_2391 = vector.broadcast %jit3A_2389 : i32 to vector<16xi32>
      %broadcast_in_dim3A_2392 = vector.broadcast %jit3A_2390 : i32 to vector<16xi32>
      %select_n3A_2393 = arith.select %ne3A_2388, %broadcast_in_dim3A_2391, %broadcast_in_dim3A_2392 : vector<16xi1>, vector<16xi32>
      %add3A_2394 = arith.addi %add3A_2382, %select_n3A_2393 : vector<16xi32>
      %get3A_2395 = arith.index_cast %add3A_2308 : i32 to index
      %get3A_2396 = arith.constant 112 : index
      %get3A_2397 = tpu.vector_load %arg6[%get3A_2395, %get3A_2396] {strides = array<i32>} : memref<22x128xi32, #tpu.memory_space<vmem>>, vector<16xi32>,
      %ne3A_2398 = arith.constant 40000 : i32
      %ne3A_2399 = vector.broadcast %ne3A_2398 : i32 to vector<16xi32>
      %ne3A_2400 = arith.cmpi ne, %get3A_2397, %ne3A_2399 : vector<16xi32>
      %jit3A_2401 = arith.constant 1 : i32
      %jit3A_2402 = arith.constant 0 : i32
      %broadcast_in_dim3A_2403 = vector.broadcast %jit3A_2401 : i32 to vector<16xi32>
      %broadcast_in_dim3A_2404 = vector.broadcast %jit3A_2402 : i32 to vector<16xi32>
      %select_n3A_2405 = arith.select %ne3A_2400, %broadcast_in_dim3A_2403, %broadcast_in_dim3A_2404 : vector<16xi1>, vector<16xi32>
      %add3A_2406 = arith.addi %add3A_2394, %select_n3A_2405 : vector<16xi32>
      %reduce_sum3A_2407 = arith.constant true
      %reduce_sum3A_2408 = vector.broadcast %reduce_sum3A_2407 : i1 to vector<16xi1>
      %reduce_sum3A_2409 = tpu.scan <sum>, %add3A_2406 masked %reduce_sum3A_2408 : vector<16xi32>, vector<16xi1> -> vector<16xi32>
      %reduce_sum3A_2410 = vector.extract %reduce_sum3A_2409[15] : i32 from vector<16xi32>
      %gt3A_2411 = arith.constant 0 : i32
      %gt3A_2412 = arith.cmpi sgt, %reduce_sum3A_2410, %gt3A_2411 : i32
      %convert_element_type3A_2413 = arith.extui %gt3A_2412 : i1 to i32
      %cond3A_2414 = arith.constant 0 : i32
      %cond3A_2415 = arith.cmpi ne, %convert_element_type3A_2413, %cond3A_2414 : i32
      scf.if %cond3A_2415 {
        %mul3A_2416 = arith.constant 128 : i32
        %mul3A_2417 = arith.muli %add3A_2308, %mul3A_2416 : i32
        %add3A_2418 = arith.addi %add3A_1016, %mul3A_2417 : i32
        "tpu.region"() ({
          %run_scoped3A_2419 = tpu.sem_alloc : memref<!tpu.dma_semaphore, #tpu.memory_space<semaphore_mem>>
          %dma_start3A_2420 = tpu.memref_slice %arg2[%add3A_2418, %mul3A_0] : memref<173184x64xf32, #tpu.memory_space<hbm>> -> memref<128x32xf32, #tpu.memory_space<hbm>>
          %dma_start3A_2421 = tpu.memref_slice %arg2[%add3A_2418, %mul3A_0] : memref<173184x64xf32, #tpu.memory_space<hbm>> -> memref<128x32xf32, #tpu.memory_space<hbm>>
          tpu.enqueue_dma source(%dma_start3A_2421 : memref<128x32xf32, #tpu.memory_space<hbm>>) target(%arg5 : memref<128x32xf32, #tpu.memory_space<vmem>>) target_semaphore(%run_scoped3A_2419 : memref<!tpu.dma_semaphore, #tpu.memory_space<semaphore_mem>>)
          %dma_wait3A_2422 = tpu.memref_slice %arg2[%add3A_2418, %mul3A_0] : memref<173184x64xf32, #tpu.memory_space<hbm>> -> memref<128x32xf32, #tpu.memory_space<hbm>>
          %dma_wait3A_2423 = tpu.memref_slice %arg2[%add3A_2418, %mul3A_0] : memref<173184x64xf32, #tpu.memory_space<hbm>> -> memref<128x32xf32, #tpu.memory_space<hbm>>
          tpu.wait_dma2 semaphore(%run_scoped3A_2419 : memref<!tpu.dma_semaphore, #tpu.memory_space<semaphore_mem>>) src(%dma_wait3A_2423 : memref<128x32xf32, #tpu.memory_space<hbm>>) dst(%arg5 : memref<128x32xf32, #tpu.memory_space<vmem>>)
          tpu.yield
        }) : () -> ()
        "tpu.region"() ({
          %run_scoped3A_2419 = tpu.sem_alloc : memref<!tpu.dma_semaphore, #tpu.memory_space<semaphore_mem>>
          %dma_start3A_2420 = arith.constant 0 : i32
          %dma_start3A_2421 = tpu.memref_slice %arg6[%add3A_2308, %dma_start3A_2420] : memref<22x128xi32, #tpu.memory_space<vmem>> -> memref<1x128xi32, #tpu.memory_space<vmem>>
          %dma_start3A_2422 = tpu.memref_squeeze %dma_start3A_2421 : memref<1x128xi32, #tpu.memory_space<vmem>> -> memref<128xi32, #tpu.memory_space<vmem>>
          %dma_start3A_2423 = arith.constant 0 : i32
          %dma_start3A_2424 = arith.constant 0 : i32
          %dma_start3A_2425 = tpu.memref_slice %arg8[%dma_start3A_2423, %dma_start3A_2424] : memref<40016x32xf32, #tpu.memory_space<vmem_shared>> -> memref<40016x32xf32, #tpu.memory_space<vmem_shared>>
          tpu.enqueue_indirect_dma source(%arg5 : memref<128x32xf32, #tpu.memory_space<vmem>>) target(%dma_start3A_2425 : memref<40016x32xf32, #tpu.memory_space<vmem_shared>>) offsets(%dma_start3A_2422 : memref<128xi32, #tpu.memory_space<vmem>>) semaphore(%run_scoped3A_2419 : memref<!tpu.dma_semaphore, #tpu.memory_space<semaphore_mem>>) {add = true}
          %dma_wait3A_2426 = arith.constant 0 : i32
          %dma_wait3A_2427 = tpu.memref_slice %arg6[%add3A_2308, %dma_wait3A_2426] : memref<22x128xi32, #tpu.memory_space<vmem>> -> memref<1x128xi32, #tpu.memory_space<vmem>>
          %dma_wait3A_2428 = tpu.memref_squeeze %dma_wait3A_2427 : memref<1x128xi32, #tpu.memory_space<vmem>> -> memref<128xi32, #tpu.memory_space<vmem>>
          %dma_wait3A_2429 = arith.constant 0 : i32
          %dma_wait3A_2430 = arith.constant 0 : i32
          %dma_wait3A_2431 = tpu.memref_slice %arg8[%dma_wait3A_2429, %dma_wait3A_2430] : memref<40016x32xf32, #tpu.memory_space<vmem_shared>> -> memref<40016x32xf32, #tpu.memory_space<vmem_shared>>
          tpu.wait_indirect_dma semaphore(%run_scoped3A_2419 : memref<!tpu.dma_semaphore, #tpu.memory_space<semaphore_mem>>) src(%arg5 : memref<128x32xf32, #tpu.memory_space<vmem>>) dst(%dma_wait3A_2431 : memref<40016x32xf32, #tpu.memory_space<vmem_shared>>)
          tpu.yield
        }) : () -> ()
      } else {
      }
    }
    %scan3A_1022 = arith.constant 21 : i32
    %broadcast_in_dim3A_1023 = arith.constant 0 : i32
    %broadcast_in_dim3A_1024 = vector.broadcast %broadcast_in_dim3A_1023 : i32 to vector<16xi32>
    %get3A_1025 = arith.constant 21 : i32
    %get3A_1026 = arith.index_cast %get3A_1025 : i32 to index
    %get3A_1027 = arith.constant 0 : index
    %get3A_1028 = tpu.vector_load %arg6[%get3A_1026, %get3A_1027] {strides = array<i32>} : memref<22x128xi32, #tpu.memory_space<vmem>>, vector<16xi32>,
    %ne3A_1029 = arith.constant 40000 : i32
    %ne3A_1030 = vector.broadcast %ne3A_1029 : i32 to vector<16xi32>
    %ne3A_1031 = arith.cmpi ne, %get3A_1028, %ne3A_1030 : vector<16xi32>
    %jit3A_1032 = arith.constant 1 : i32
    %jit3A_1033 = arith.constant 0 : i32
    %broadcast_in_dim3A_1034 = vector.broadcast %jit3A_1032 : i32 to vector<16xi32>
    %broadcast_in_dim3A_1035 = vector.broadcast %jit3A_1033 : i32 to vector<16xi32>
    %select_n3A_1036 = arith.select %ne3A_1031, %broadcast_in_dim3A_1034, %broadcast_in_dim3A_1035 : vector<16xi1>, vector<16xi32>
    %add3A_1037 = arith.addi %broadcast_in_dim3A_1024, %select_n3A_1036 : vector<16xi32>
    %get3A_1038 = arith.constant 21 : i32
    %get3A_1039 = arith.index_cast %get3A_1038 : i32 to index
    %get3A_1040 = arith.constant 16 : index
    %get3A_1041 = tpu.vector_load %arg6[%get3A_1039, %get3A_1040] {strides = array<i32>} : memref<22x128xi32, #tpu.memory_space<vmem>>, vector<16xi32>,
    %ne3A_1042 = arith.constant 40000 : i32
    %ne3A_1043 = vector.broadcast %ne3A_1042 : i32 to vector<16xi32>
    %ne3A_1044 = arith.cmpi ne, %get3A_1041, %ne3A_1043 : vector<16xi32>
    %jit3A_1045 = arith.constant 1 : i32
    %jit3A_1046 = arith.constant 0 : i32
    %broadcast_in_dim3A_1047 = vector.broadcast %jit3A_1045 : i32 to vector<16xi32>
    %broadcast_in_dim3A_1048 = vector.broadcast %jit3A_1046 : i32 to vector<16xi32>
    %select_n3A_1049 = arith.select %ne3A_1044, %broadcast_in_dim3A_1047, %broadcast_in_dim3A_1048 : vector<16xi1>, vector<16xi32>
    %add3A_1050 = arith.addi %add3A_1037, %select_n3A_1049 : vector<16xi32>
    %get3A_1051 = arith.constant 21 : i32
    %get3A_1052 = arith.index_cast %get3A_1051 : i32 to index
    %get3A_1053 = arith.constant 32 : index
    %get3A_1054 = tpu.vector_load %arg6[%get3A_1052, %get3A_1053] {strides = array<i32>} : memref<22x128xi32, #tpu.memory_space<vmem>>, vector<16xi32>,
    %ne3A_1055 = arith.constant 40000 : i32
    %ne3A_1056 = vector.broadcast %ne3A_1055 : i32 to vector<16xi32>
    %ne3A_1057 = arith.cmpi ne, %get3A_1054, %ne3A_1056 : vector<16xi32>
    %jit3A_1058 = arith.constant 1 : i32
    %jit3A_1059 = arith.constant 0 : i32
    %broadcast_in_dim3A_1060 = vector.broadcast %jit3A_1058 : i32 to vector<16xi32>
    %broadcast_in_dim3A_1061 = vector.broadcast %jit3A_1059 : i32 to vector<16xi32>
    %select_n3A_1062 = arith.select %ne3A_1057, %broadcast_in_dim3A_1060, %broadcast_in_dim3A_1061 : vector<16xi1>, vector<16xi32>
    %add3A_1063 = arith.addi %add3A_1050, %select_n3A_1062 : vector<16xi32>
    %get3A_1064 = arith.constant 21 : i32
    %get3A_1065 = arith.index_cast %get3A_1064 : i32 to index
    %get3A_1066 = arith.constant 48 : index
    %get3A_1067 = tpu.vector_load %arg6[%get3A_1065, %get3A_1066] {strides = array<i32>} : memref<22x128xi32, #tpu.memory_space<vmem>>, vector<16xi32>,
    %ne3A_1068 = arith.constant 40000 : i32
    %ne3A_1069 = vector.broadcast %ne3A_1068 : i32 to vector<16xi32>
    %ne3A_1070 = arith.cmpi ne, %get3A_1067, %ne3A_1069 : vector<16xi32>
    %jit3A_1071 = arith.constant 1 : i32
    %jit3A_1072 = arith.constant 0 : i32
    %broadcast_in_dim3A_1073 = vector.broadcast %jit3A_1071 : i32 to vector<16xi32>
    %broadcast_in_dim3A_1074 = vector.broadcast %jit3A_1072 : i32 to vector<16xi32>
    %select_n3A_1075 = arith.select %ne3A_1070, %broadcast_in_dim3A_1073, %broadcast_in_dim3A_1074 : vector<16xi1>, vector<16xi32>
    %add3A_1076 = arith.addi %add3A_1063, %select_n3A_1075 : vector<16xi32>
    %get3A_1077 = arith.constant 21 : i32
    %get3A_1078 = arith.index_cast %get3A_1077 : i32 to index
    %get3A_1079 = arith.constant 64 : index
    %get3A_1080 = tpu.vector_load %arg6[%get3A_1078, %get3A_1079] {strides = array<i32>} : memref<22x128xi32, #tpu.memory_space<vmem>>, vector<16xi32>,
    %ne3A_1081 = arith.constant 40000 : i32
    %ne3A_1082 = vector.broadcast %ne3A_1081 : i32 to vector<16xi32>
    %ne3A_1083 = arith.cmpi ne, %get3A_1080, %ne3A_1082 : vector<16xi32>
    %jit3A_1084 = arith.constant 1 : i32
    %jit3A_1085 = arith.constant 0 : i32
    %broadcast_in_dim3A_1086 = vector.broadcast %jit3A_1084 : i32 to vector<16xi32>
    %broadcast_in_dim3A_1087 = vector.broadcast %jit3A_1085 : i32 to vector<16xi32>
    %select_n3A_1088 = arith.select %ne3A_1083, %broadcast_in_dim3A_1086, %broadcast_in_dim3A_1087 : vector<16xi1>, vector<16xi32>
    %add3A_1089 = arith.addi %add3A_1076, %select_n3A_1088 : vector<16xi32>
    %get3A_1090 = arith.constant 21 : i32
    %get3A_1091 = arith.index_cast %get3A_1090 : i32 to index
    %get3A_1092 = arith.constant 80 : index
    %get3A_1093 = tpu.vector_load %arg6[%get3A_1091, %get3A_1092] {strides = array<i32>} : memref<22x128xi32, #tpu.memory_space<vmem>>, vector<16xi32>,
    %ne3A_1094 = arith.constant 40000 : i32
    %ne3A_1095 = vector.broadcast %ne3A_1094 : i32 to vector<16xi32>
    %ne3A_1096 = arith.cmpi ne, %get3A_1093, %ne3A_1095 : vector<16xi32>
    %jit3A_1097 = arith.constant 1 : i32
    %jit3A_1098 = arith.constant 0 : i32
    %broadcast_in_dim3A_1099 = vector.broadcast %jit3A_1097 : i32 to vector<16xi32>
    %broadcast_in_dim3A_1100 = vector.broadcast %jit3A_1098 : i32 to vector<16xi32>
    %select_n3A_1101 = arith.select %ne3A_1096, %broadcast_in_dim3A_1099, %broadcast_in_dim3A_1100 : vector<16xi1>, vector<16xi32>
    %add3A_1102 = arith.addi %add3A_1089, %select_n3A_1101 : vector<16xi32>
    %get3A_1103 = arith.constant 21 : i32
    %get3A_1104 = arith.index_cast %get3A_1103 : i32 to index
    %get3A_1105 = arith.constant 96 : index
    %get3A_1106 = tpu.vector_load %arg6[%get3A_1104, %get3A_1105] {strides = array<i32>} : memref<22x128xi32, #tpu.memory_space<vmem>>, vector<16xi32>,
    %ne3A_1107 = arith.constant 40000 : i32
    %ne3A_1108 = vector.broadcast %ne3A_1107 : i32 to vector<16xi32>
    %ne3A_1109 = arith.cmpi ne, %get3A_1106, %ne3A_1108 : vector<16xi32>
    %jit3A_1110 = arith.constant 1 : i32
    %jit3A_1111 = arith.constant 0 : i32
    %broadcast_in_dim3A_1112 = vector.broadcast %jit3A_1110 : i32 to vector<16xi32>
    %broadcast_in_dim3A_1113 = vector.broadcast %jit3A_1111 : i32 to vector<16xi32>
    %select_n3A_1114 = arith.select %ne3A_1109, %broadcast_in_dim3A_1112, %broadcast_in_dim3A_1113 : vector<16xi1>, vector<16xi32>
    %add3A_1115 = arith.addi %add3A_1102, %select_n3A_1114 : vector<16xi32>
    %get3A_1116 = arith.constant 21 : i32
    %get3A_1117 = arith.index_cast %get3A_1116 : i32 to index
    %get3A_1118 = arith.constant 112 : index
    %get3A_1119 = tpu.vector_load %arg6[%get3A_1117, %get3A_1118] {strides = array<i32>} : memref<22x128xi32, #tpu.memory_space<vmem>>, vector<16xi32>,
    %ne3A_1120 = arith.constant 40000 : i32
    %ne3A_1121 = vector.broadcast %ne3A_1120 : i32 to vector<16xi32>
    %ne3A_1122 = arith.cmpi ne, %get3A_1119, %ne3A_1121 : vector<16xi32>
    %jit3A_1123 = arith.constant 1 : i32
    %jit3A_1124 = arith.constant 0 : i32
    %broadcast_in_dim3A_1125 = vector.broadcast %jit3A_1123 : i32 to vector<16xi32>
    %broadcast_in_dim3A_1126 = vector.broadcast %jit3A_1124 : i32 to vector<16xi32>
    %select_n3A_1127 = arith.select %ne3A_1122, %broadcast_in_dim3A_1125, %broadcast_in_dim3A_1126 : vector<16xi1>, vector<16xi32>
    %add3A_1128 = arith.addi %add3A_1115, %select_n3A_1127 : vector<16xi32>
    %reduce_sum3A_1129 = arith.constant true
    %reduce_sum3A_1130 = vector.broadcast %reduce_sum3A_1129 : i1 to vector<16xi1>
    %reduce_sum3A_1131 = tpu.scan <sum>, %add3A_1128 masked %reduce_sum3A_1130 : vector<16xi32>, vector<16xi1> -> vector<16xi32>
    %reduce_sum3A_1132 = vector.extract %reduce_sum3A_1131[15] : i32 from vector<16xi32>
    %gt3A_1133 = arith.constant 0 : i32
    %gt3A_1134 = arith.cmpi sgt, %reduce_sum3A_1132, %gt3A_1133 : i32
    %convert_element_type3A_1135 = arith.extui %gt3A_1134 : i1 to i32
    %cond3A_1136 = arith.constant 0 : i32
    %cond3A_1137 = arith.cmpi ne, %convert_element_type3A_1135, %cond3A_1136 : i32
    scf.if %cond3A_1137 {
      %add3A_2304 = arith.constant 2688 : i32
      %add3A_2305 = arith.addi %add3A_1016, %add3A_2304 : i32
      "tpu.region"() ({
        %run_scoped3A_2311 = tpu.sem_alloc : memref<!tpu.dma_semaphore, #tpu.memory_space<semaphore_mem>>
        %dma_start3A_2312 = arith.constant 0 : i32
        %dma_start3A_2313 = arith.constant 0 : i32
        %dma_start3A_2314 = tpu.memref_slice %arg5[%dma_start3A_2312, %dma_start3A_2313] : memref<128x32xf32, #tpu.memory_space<vmem>> -> memref<16x32xf32, #tpu.memory_space<vmem>>
        %dma_start3A_2315 = tpu.memref_slice %arg2[%add3A_2305, %mul3A_0] : memref<173184x64xf32, #tpu.memory_space<hbm>> -> memref<16x32xf32, #tpu.memory_space<hbm>>
        %dma_start3A_2316 = arith.constant 0 : i32
        %dma_start3A_2317 = arith.constant 0 : i32
        %dma_start3A_2318 = tpu.memref_slice %arg5[%dma_start3A_2316, %dma_start3A_2317] : memref<128x32xf32, #tpu.memory_space<vmem>> -> memref<16x32xf32, #tpu.memory_space<vmem>>
        %dma_start3A_2319 = tpu.memref_slice %arg2[%add3A_2305, %mul3A_0] : memref<173184x64xf32, #tpu.memory_space<hbm>> -> memref<16x32xf32, #tpu.memory_space<hbm>>
        tpu.enqueue_dma source(%dma_start3A_2319 : memref<16x32xf32, #tpu.memory_space<hbm>>) target(%dma_start3A_2318 : memref<16x32xf32, #tpu.memory_space<vmem>>) target_semaphore(%run_scoped3A_2311 : memref<!tpu.dma_semaphore, #tpu.memory_space<semaphore_mem>>)
        %dma_wait3A_2320 = arith.constant 0 : i32
        %dma_wait3A_2321 = arith.constant 0 : i32
        %dma_wait3A_2322 = tpu.memref_slice %arg5[%dma_wait3A_2320, %dma_wait3A_2321] : memref<128x32xf32, #tpu.memory_space<vmem>> -> memref<16x32xf32, #tpu.memory_space<vmem>>
        %dma_wait3A_2323 = tpu.memref_slice %arg2[%add3A_2305, %mul3A_0] : memref<173184x64xf32, #tpu.memory_space<hbm>> -> memref<16x32xf32, #tpu.memory_space<hbm>>
        %dma_wait3A_2324 = arith.constant 0 : i32
        %dma_wait3A_2325 = arith.constant 0 : i32
        %dma_wait3A_2326 = tpu.memref_slice %arg5[%dma_wait3A_2324, %dma_wait3A_2325] : memref<128x32xf32, #tpu.memory_space<vmem>> -> memref<16x32xf32, #tpu.memory_space<vmem>>
        %dma_wait3A_2327 = tpu.memref_slice %arg2[%add3A_2305, %mul3A_0] : memref<173184x64xf32, #tpu.memory_space<hbm>> -> memref<16x32xf32, #tpu.memory_space<hbm>>
        tpu.wait_dma2 semaphore(%run_scoped3A_2311 : memref<!tpu.dma_semaphore, #tpu.memory_space<semaphore_mem>>) src(%dma_wait3A_2327 : memref<16x32xf32, #tpu.memory_space<hbm>>) dst(%dma_wait3A_2326 : memref<16x32xf32, #tpu.memory_space<vmem>>)
        tpu.yield
      }) : () -> ()
      %eq3A = arith.constant 15 : i32
      %eq3A_2306 = arith.cmpi eq, %arg1, %eq3A : i32
      %convert_element_type3A_2307 = arith.extui %eq3A_2306 : i1 to i32
      %cond3A_2308 = arith.constant 0 : i32
      %cond3A_2309 = arith.cmpi ne, %convert_element_type3A_2307, %cond3A_2308 : i32
      scf.if %cond3A_2309 {
        %add3A_2311 = arith.constant 2704 : i32
        %add3A_2312 = arith.addi %add3A_1016, %add3A_2311 : i32
        "tpu.region"() ({
          %run_scoped3A_2313 = tpu.sem_alloc : memref<!tpu.dma_semaphore, #tpu.memory_space<semaphore_mem>>
          %dma_start3A_2314 = arith.constant 16 : i32
          %dma_start3A_2315 = arith.constant 0 : i32
          %dma_start3A_2316 = tpu.memref_slice %arg5[%dma_start3A_2314, %dma_start3A_2315] : memref<128x32xf32, #tpu.memory_space<vmem>> -> memref<32x32xf32, #tpu.memory_space<vmem>>
          %dma_start3A_2317 = tpu.memref_slice %arg2[%add3A_2312, %mul3A_0] : memref<173184x64xf32, #tpu.memory_space<hbm>> -> memref<32x32xf32, #tpu.memory_space<hbm>>
          %dma_start3A_2318 = arith.constant 16 : i32
          %dma_start3A_2319 = arith.constant 0 : i32
          %dma_start3A_2320 = tpu.memref_slice %arg5[%dma_start3A_2318, %dma_start3A_2319] : memref<128x32xf32, #tpu.memory_space<vmem>> -> memref<32x32xf32, #tpu.memory_space<vmem>>
          %dma_start3A_2321 = tpu.memref_slice %arg2[%add3A_2312, %mul3A_0] : memref<173184x64xf32, #tpu.memory_space<hbm>> -> memref<32x32xf32, #tpu.memory_space<hbm>>
          tpu.enqueue_dma source(%dma_start3A_2321 : memref<32x32xf32, #tpu.memory_space<hbm>>) target(%dma_start3A_2320 : memref<32x32xf32, #tpu.memory_space<vmem>>) target_semaphore(%run_scoped3A_2313 : memref<!tpu.dma_semaphore, #tpu.memory_space<semaphore_mem>>)
          %dma_wait3A_2322 = arith.constant 16 : i32
          %dma_wait3A_2323 = arith.constant 0 : i32
          %dma_wait3A_2324 = tpu.memref_slice %arg5[%dma_wait3A_2322, %dma_wait3A_2323] : memref<128x32xf32, #tpu.memory_space<vmem>> -> memref<32x32xf32, #tpu.memory_space<vmem>>
          %dma_wait3A_2325 = tpu.memref_slice %arg2[%add3A_2312, %mul3A_0] : memref<173184x64xf32, #tpu.memory_space<hbm>> -> memref<32x32xf32, #tpu.memory_space<hbm>>
          %dma_wait3A_2326 = arith.constant 16 : i32
          %dma_wait3A_2327 = arith.constant 0 : i32
          %dma_wait3A_2328 = tpu.memref_slice %arg5[%dma_wait3A_2326, %dma_wait3A_2327] : memref<128x32xf32, #tpu.memory_space<vmem>> -> memref<32x32xf32, #tpu.memory_space<vmem>>
          %dma_wait3A_2329 = tpu.memref_slice %arg2[%add3A_2312, %mul3A_0] : memref<173184x64xf32, #tpu.memory_space<hbm>> -> memref<32x32xf32, #tpu.memory_space<hbm>>
          tpu.wait_dma2 semaphore(%run_scoped3A_2313 : memref<!tpu.dma_semaphore, #tpu.memory_space<semaphore_mem>>) src(%dma_wait3A_2329 : memref<32x32xf32, #tpu.memory_space<hbm>>) dst(%dma_wait3A_2328 : memref<32x32xf32, #tpu.memory_space<vmem>>)
          tpu.yield
        }) : () -> ()
      } else {
      }
      %run_scoped3A_2310 = arith.constant 21 : i32
      "tpu.region"() ({
        %run_scoped3A_2311 = tpu.sem_alloc : memref<!tpu.dma_semaphore, #tpu.memory_space<semaphore_mem>>
        %dma_start3A_2312 = arith.constant 0 : i32
        %dma_start3A_2313 = tpu.memref_slice %arg6[%run_scoped3A_2310, %dma_start3A_2312] : memref<22x128xi32, #tpu.memory_space<vmem>> -> memref<1x128xi32, #tpu.memory_space<vmem>>
        %dma_start3A_2314 = tpu.memref_squeeze %dma_start3A_2313 : memref<1x128xi32, #tpu.memory_space<vmem>> -> memref<128xi32, #tpu.memory_space<vmem>>
        %dma_start3A_2315 = arith.constant 0 : i32
        %dma_start3A_2316 = arith.constant 0 : i32
        %dma_start3A_2317 = tpu.memref_slice %arg8[%dma_start3A_2315, %dma_start3A_2316] : memref<40016x32xf32, #tpu.memory_space<vmem_shared>> -> memref<40016x32xf32, #tpu.memory_space<vmem_shared>>
        tpu.enqueue_indirect_dma source(%arg5 : memref<128x32xf32, #tpu.memory_space<vmem>>) target(%dma_start3A_2317 : memref<40016x32xf32, #tpu.memory_space<vmem_shared>>) offsets(%dma_start3A_2314 : memref<128xi32, #tpu.memory_space<vmem>>) semaphore(%run_scoped3A_2311 : memref<!tpu.dma_semaphore, #tpu.memory_space<semaphore_mem>>) {add = true}
        %dma_wait3A_2318 = arith.constant 0 : i32
        %dma_wait3A_2319 = tpu.memref_slice %arg6[%run_scoped3A_2310, %dma_wait3A_2318] : memref<22x128xi32, #tpu.memory_space<vmem>> -> memref<1x128xi32, #tpu.memory_space<vmem>>
        %dma_wait3A_2320 = tpu.memref_squeeze %dma_wait3A_2319 : memref<1x128xi32, #tpu.memory_space<vmem>> -> memref<128xi32, #tpu.memory_space<vmem>>
        %dma_wait3A_2321 = arith.constant 0 : i32
        %dma_wait3A_2322 = arith.constant 0 : i32
        %dma_wait3A_2323 = tpu.memref_slice %arg8[%dma_wait3A_2321, %dma_wait3A_2322] : memref<40016x32xf32, #tpu.memory_space<vmem_shared>> -> memref<40016x32xf32, #tpu.memory_space<vmem_shared>>
        tpu.wait_indirect_dma semaphore(%run_scoped3A_2311 : memref<!tpu.dma_semaphore, #tpu.memory_space<semaphore_mem>>) src(%arg5 : memref<128x32xf32, #tpu.memory_space<vmem>>) dst(%dma_wait3A_2323 : memref<40016x32xf32, #tpu.memory_space<vmem_shared>>)
        tpu.yield
      }) : () -> ()
    } else {
    }
    %barrier3A_1138 = arith.constant 0 : index
    tpu.barrier barrier_id(%barrier3A_1138)
    %dma_start3A_1139 = arith.constant 1 : i32
    %dma_start3A_1140 = tpu.memref_slice %arg4[%dma_start3A_1139, %mul3A_7, %mul3A_0] : memref<4x40000x64xf32, #tpu.memory_space<hbm>> -> memref<1x2500x32xf32, #tpu.memory_space<hbm>>
    %dma_start3A_1141 = tpu.memref_squeeze %dma_start3A_1140 : memref<1x2500x32xf32, #tpu.memory_space<hbm>> -> memref<2500x32xf32, #tpu.memory_space<hbm>>
    %dma_start3A_1142 = arith.constant 0 : i32
    %dma_start3A_1143 = tpu.memref_slice %arg8[%mul3A_7, %dma_start3A_1142] : memref<40016x32xf32, #tpu.memory_space<vmem_shared>> -> memref<2500x32xf32, #tpu.memory_space<vmem_shared>>
    tpu.enqueue_dma source(%dma_start3A_1143 : memref<2500x32xf32, #tpu.memory_space<vmem_shared>>) target(%dma_start3A_1141 : memref<2500x32xf32, #tpu.memory_space<hbm>>) target_semaphore(%arg9 : memref<!tpu.dma_semaphore, #tpu.memory_space<semaphore_mem>>)
    %dma_wait3A_1144 = arith.constant 1 : i32
    %dma_wait3A_1145 = tpu.memref_slice %arg4[%dma_wait3A_1144, %mul3A_7, %mul3A_0] : memref<4x40000x64xf32, #tpu.memory_space<hbm>> -> memref<1x2500x32xf32, #tpu.memory_space<hbm>>
    %dma_wait3A_1146 = tpu.memref_squeeze %dma_wait3A_1145 : memref<1x2500x32xf32, #tpu.memory_space<hbm>> -> memref<2500x32xf32, #tpu.memory_space<hbm>>
    %dma_wait3A_1147 = arith.constant 0 : i32
    %dma_wait3A_1148 = tpu.memref_slice %arg8[%mul3A_7, %dma_wait3A_1147] : memref<40016x32xf32, #tpu.memory_space<vmem_shared>> -> memref<2500x32xf32, #tpu.memory_space<vmem_shared>>
    tpu.wait_dma2 semaphore(%arg9 : memref<!tpu.dma_semaphore, #tpu.memory_space<semaphore_mem>>) src(%dma_wait3A_1148 : memref<2500x32xf32, #tpu.memory_space<vmem_shared>>) dst(%dma_wait3A_1146 : memref<2500x32xf32, #tpu.memory_space<hbm>>)
    %add3A_1149 = arith.constant 0 : i32
    %add3A_1150 = arith.addi %mul3A_7, %add3A_1149 : i32
    %dma_start3A_1151 = arith.constant 0 : i32
    %dma_start3A_1152 = arith.constant 0 : i32
    %dma_start3A_1153 = tpu.memref_slice %arg7[%dma_start3A_1151, %dma_start3A_1152] : memref<128x32xf32, #tpu.memory_space<vmem>> -> memref<128x32xf32, #tpu.memory_space<vmem>>
    %dma_start3A_1154 = arith.constant 0 : i32
    %dma_start3A_1155 = tpu.memref_slice %arg8[%add3A_1150, %dma_start3A_1154] : memref<40016x32xf32, #tpu.memory_space<vmem_shared>> -> memref<128x32xf32, #tpu.memory_space<vmem_shared>>
    %dma_start3A_1156 = arith.constant 0 : i32
    %dma_start3A_1157 = tpu.memref_slice %arg8[%add3A_1150, %dma_start3A_1156] : memref<40016x32xf32, #tpu.memory_space<vmem_shared>> -> memref<128x32xf32, #tpu.memory_space<vmem_shared>>
    %dma_start3A_1158 = arith.constant 0 : i32
    %dma_start3A_1159 = arith.constant 0 : i32
    %dma_start3A_1160 = tpu.memref_slice %arg7[%dma_start3A_1158, %dma_start3A_1159] : memref<128x32xf32, #tpu.memory_space<vmem>> -> memref<128x32xf32, #tpu.memory_space<vmem>>
    tpu.enqueue_dma source(%dma_start3A_1160 : memref<128x32xf32, #tpu.memory_space<vmem>>) target(%dma_start3A_1157 : memref<128x32xf32, #tpu.memory_space<vmem_shared>>) target_semaphore(%arg10 : memref<!tpu.dma_semaphore, #tpu.memory_space<semaphore_mem>>)
    %add3A_1161 = arith.constant 128 : i32
    %add3A_1162 = arith.addi %mul3A_7, %add3A_1161 : i32
    %dma_start3A_1163 = arith.constant 0 : i32
    %dma_start3A_1164 = arith.constant 0 : i32
    %dma_start3A_1165 = tpu.memref_slice %arg7[%dma_start3A_1163, %dma_start3A_1164] : memref<128x32xf32, #tpu.memory_space<vmem>> -> memref<128x32xf32, #tpu.memory_space<vmem>>
    %dma_start3A_1166 = arith.constant 0 : i32
    %dma_start3A_1167 = tpu.memref_slice %arg8[%add3A_1162, %dma_start3A_1166] : memref<40016x32xf32, #tpu.memory_space<vmem_shared>> -> memref<128x32xf32, #tpu.memory_space<vmem_shared>>
    %dma_start3A_1168 = arith.constant 0 : i32
    %dma_start3A_1169 = tpu.memref_slice %arg8[%add3A_1162, %dma_start3A_1168] : memref<40016x32xf32, #tpu.memory_space<vmem_shared>> -> memref<128x32xf32, #tpu.memory_space<vmem_shared>>
    %dma_start3A_1170 = arith.constant 0 : i32
    %dma_start3A_1171 = arith.constant 0 : i32
    %dma_start3A_1172 = tpu.memref_slice %arg7[%dma_start3A_1170, %dma_start3A_1171] : memref<128x32xf32, #tpu.memory_space<vmem>> -> memref<128x32xf32, #tpu.memory_space<vmem>>
    tpu.enqueue_dma source(%dma_start3A_1172 : memref<128x32xf32, #tpu.memory_space<vmem>>) target(%dma_start3A_1169 : memref<128x32xf32, #tpu.memory_space<vmem_shared>>) target_semaphore(%arg10 : memref<!tpu.dma_semaphore, #tpu.memory_space<semaphore_mem>>)
    %add3A_1173 = arith.constant 256 : i32
    %add3A_1174 = arith.addi %mul3A_7, %add3A_1173 : i32
    %dma_start3A_1175 = arith.constant 0 : i32
    %dma_start3A_1176 = arith.constant 0 : i32
    %dma_start3A_1177 = tpu.memref_slice %arg7[%dma_start3A_1175, %dma_start3A_1176] : memref<128x32xf32, #tpu.memory_space<vmem>> -> memref<128x32xf32, #tpu.memory_space<vmem>>
    %dma_start3A_1178 = arith.constant 0 : i32
    %dma_start3A_1179 = tpu.memref_slice %arg8[%add3A_1174, %dma_start3A_1178] : memref<40016x32xf32, #tpu.memory_space<vmem_shared>> -> memref<128x32xf32, #tpu.memory_space<vmem_shared>>
    %dma_start3A_1180 = arith.constant 0 : i32
    %dma_start3A_1181 = tpu.memref_slice %arg8[%add3A_1174, %dma_start3A_1180] : memref<40016x32xf32, #tpu.memory_space<vmem_shared>> -> memref<128x32xf32, #tpu.memory_space<vmem_shared>>
    %dma_start3A_1182 = arith.constant 0 : i32
    %dma_start3A_1183 = arith.constant 0 : i32
    %dma_start3A_1184 = tpu.memref_slice %arg7[%dma_start3A_1182, %dma_start3A_1183] : memref<128x32xf32, #tpu.memory_space<vmem>> -> memref<128x32xf32, #tpu.memory_space<vmem>>
    tpu.enqueue_dma source(%dma_start3A_1184 : memref<128x32xf32, #tpu.memory_space<vmem>>) target(%dma_start3A_1181 : memref<128x32xf32, #tpu.memory_space<vmem_shared>>) target_semaphore(%arg10 : memref<!tpu.dma_semaphore, #tpu.memory_space<semaphore_mem>>)
    %add3A_1185 = arith.constant 384 : i32
    %add3A_1186 = arith.addi %mul3A_7, %add3A_1185 : i32
    %dma_start3A_1187 = arith.constant 0 : i32
    %dma_start3A_1188 = arith.constant 0 : i32
    %dma_start3A_1189 = tpu.memref_slice %arg7[%dma_start3A_1187, %dma_start3A_1188] : memref<128x32xf32, #tpu.memory_space<vmem>> -> memref<128x32xf32, #tpu.memory_space<vmem>>
    %dma_start3A_1190 = arith.constant 0 : i32
    %dma_start3A_1191 = tpu.memref_slice %arg8[%add3A_1186, %dma_start3A_1190] : memref<40016x32xf32, #tpu.memory_space<vmem_shared>> -> memref<128x32xf32, #tpu.memory_space<vmem_shared>>
    %dma_start3A_1192 = arith.constant 0 : i32
    %dma_start3A_1193 = tpu.memref_slice %arg8[%add3A_1186, %dma_start3A_1192] : memref<40016x32xf32, #tpu.memory_space<vmem_shared>> -> memref<128x32xf32, #tpu.memory_space<vmem_shared>>
    %dma_start3A_1194 = arith.constant 0 : i32
    %dma_start3A_1195 = arith.constant 0 : i32
    %dma_start3A_1196 = tpu.memref_slice %arg7[%dma_start3A_1194, %dma_start3A_1195] : memref<128x32xf32, #tpu.memory_space<vmem>> -> memref<128x32xf32, #tpu.memory_space<vmem>>
    tpu.enqueue_dma source(%dma_start3A_1196 : memref<128x32xf32, #tpu.memory_space<vmem>>) target(%dma_start3A_1193 : memref<128x32xf32, #tpu.memory_space<vmem_shared>>) target_semaphore(%arg10 : memref<!tpu.dma_semaphore, #tpu.memory_space<semaphore_mem>>)
    %add3A_1197 = arith.constant 512 : i32
    %add3A_1198 = arith.addi %mul3A_7, %add3A_1197 : i32
    %dma_start3A_1199 = arith.constant 0 : i32
    %dma_start3A_1200 = arith.constant 0 : i32
    %dma_start3A_1201 = tpu.memref_slice %arg7[%dma_start3A_1199, %dma_start3A_1200] : memref<128x32xf32, #tpu.memory_space<vmem>> -> memref<128x32xf32, #tpu.memory_space<vmem>>
    %dma_start3A_1202 = arith.constant 0 : i32
    %dma_start3A_1203 = tpu.memref_slice %arg8[%add3A_1198, %dma_start3A_1202] : memref<40016x32xf32, #tpu.memory_space<vmem_shared>> -> memref<128x32xf32, #tpu.memory_space<vmem_shared>>
    %dma_start3A_1204 = arith.constant 0 : i32
    %dma_start3A_1205 = tpu.memref_slice %arg8[%add3A_1198, %dma_start3A_1204] : memref<40016x32xf32, #tpu.memory_space<vmem_shared>> -> memref<128x32xf32, #tpu.memory_space<vmem_shared>>
    %dma_start3A_1206 = arith.constant 0 : i32
    %dma_start3A_1207 = arith.constant 0 : i32
    %dma_start3A_1208 = tpu.memref_slice %arg7[%dma_start3A_1206, %dma_start3A_1207] : memref<128x32xf32, #tpu.memory_space<vmem>> -> memref<128x32xf32, #tpu.memory_space<vmem>>
    tpu.enqueue_dma source(%dma_start3A_1208 : memref<128x32xf32, #tpu.memory_space<vmem>>) target(%dma_start3A_1205 : memref<128x32xf32, #tpu.memory_space<vmem_shared>>) target_semaphore(%arg10 : memref<!tpu.dma_semaphore, #tpu.memory_space<semaphore_mem>>)
    %add3A_1209 = arith.constant 640 : i32
    %add3A_1210 = arith.addi %mul3A_7, %add3A_1209 : i32
    %dma_start3A_1211 = arith.constant 0 : i32
    %dma_start3A_1212 = arith.constant 0 : i32
    %dma_start3A_1213 = tpu.memref_slice %arg7[%dma_start3A_1211, %dma_start3A_1212] : memref<128x32xf32, #tpu.memory_space<vmem>> -> memref<128x32xf32, #tpu.memory_space<vmem>>
    %dma_start3A_1214 = arith.constant 0 : i32
    %dma_start3A_1215 = tpu.memref_slice %arg8[%add3A_1210, %dma_start3A_1214] : memref<40016x32xf32, #tpu.memory_space<vmem_shared>> -> memref<128x32xf32, #tpu.memory_space<vmem_shared>>
    %dma_start3A_1216 = arith.constant 0 : i32
    %dma_start3A_1217 = tpu.memref_slice %arg8[%add3A_1210, %dma_start3A_1216] : memref<40016x32xf32, #tpu.memory_space<vmem_shared>> -> memref<128x32xf32, #tpu.memory_space<vmem_shared>>
    %dma_start3A_1218 = arith.constant 0 : i32
    %dma_start3A_1219 = arith.constant 0 : i32
    %dma_start3A_1220 = tpu.memref_slice %arg7[%dma_start3A_1218, %dma_start3A_1219] : memref<128x32xf32, #tpu.memory_space<vmem>> -> memref<128x32xf32, #tpu.memory_space<vmem>>
    tpu.enqueue_dma source(%dma_start3A_1220 : memref<128x32xf32, #tpu.memory_space<vmem>>) target(%dma_start3A_1217 : memref<128x32xf32, #tpu.memory_space<vmem_shared>>) target_semaphore(%arg10 : memref<!tpu.dma_semaphore, #tpu.memory_space<semaphore_mem>>)
    %add3A_1221 = arith.constant 768 : i32
    %add3A_1222 = arith.addi %mul3A_7, %add3A_1221 : i32
    %dma_start3A_1223 = arith.constant 0 : i32
    %dma_start3A_1224 = arith.constant 0 : i32
    %dma_start3A_1225 = tpu.memref_slice %arg7[%dma_start3A_1223, %dma_start3A_1224] : memref<128x32xf32, #tpu.memory_space<vmem>> -> memref<128x32xf32, #tpu.memory_space<vmem>>
    %dma_start3A_1226 = arith.constant 0 : i32
    %dma_start3A_1227 = tpu.memref_slice %arg8[%add3A_1222, %dma_start3A_1226] : memref<40016x32xf32, #tpu.memory_space<vmem_shared>> -> memref<128x32xf32, #tpu.memory_space<vmem_shared>>
    %dma_start3A_1228 = arith.constant 0 : i32
    %dma_start3A_1229 = tpu.memref_slice %arg8[%add3A_1222, %dma_start3A_1228] : memref<40016x32xf32, #tpu.memory_space<vmem_shared>> -> memref<128x32xf32, #tpu.memory_space<vmem_shared>>
    %dma_start3A_1230 = arith.constant 0 : i32
    %dma_start3A_1231 = arith.constant 0 : i32
    %dma_start3A_1232 = tpu.memref_slice %arg7[%dma_start3A_1230, %dma_start3A_1231] : memref<128x32xf32, #tpu.memory_space<vmem>> -> memref<128x32xf32, #tpu.memory_space<vmem>>
    tpu.enqueue_dma source(%dma_start3A_1232 : memref<128x32xf32, #tpu.memory_space<vmem>>) target(%dma_start3A_1229 : memref<128x32xf32, #tpu.memory_space<vmem_shared>>) target_semaphore(%arg10 : memref<!tpu.dma_semaphore, #tpu.memory_space<semaphore_mem>>)
    %add3A_1233 = arith.constant 896 : i32
    %add3A_1234 = arith.addi %mul3A_7, %add3A_1233 : i32
    %dma_start3A_1235 = arith.constant 0 : i32
    %dma_start3A_1236 = arith.constant 0 : i32
    %dma_start3A_1237 = tpu.memref_slice %arg7[%dma_start3A_1235, %dma_start3A_1236] : memref<128x32xf32, #tpu.memory_space<vmem>> -> memref<128x32xf32, #tpu.memory_space<vmem>>
    %dma_start3A_1238 = arith.constant 0 : i32
    %dma_start3A_1239 = tpu.memref_slice %arg8[%add3A_1234, %dma_start3A_1238] : memref<40016x32xf32, #tpu.memory_space<vmem_shared>> -> memref<128x32xf32, #tpu.memory_space<vmem_shared>>
    %dma_start3A_1240 = arith.constant 0 : i32
    %dma_start3A_1241 = tpu.memref_slice %arg8[%add3A_1234, %dma_start3A_1240] : memref<40016x32xf32, #tpu.memory_space<vmem_shared>> -> memref<128x32xf32, #tpu.memory_space<vmem_shared>>
    %dma_start3A_1242 = arith.constant 0 : i32
    %dma_start3A_1243 = arith.constant 0 : i32
    %dma_start3A_1244 = tpu.memref_slice %arg7[%dma_start3A_1242, %dma_start3A_1243] : memref<128x32xf32, #tpu.memory_space<vmem>> -> memref<128x32xf32, #tpu.memory_space<vmem>>
    tpu.enqueue_dma source(%dma_start3A_1244 : memref<128x32xf32, #tpu.memory_space<vmem>>) target(%dma_start3A_1241 : memref<128x32xf32, #tpu.memory_space<vmem_shared>>) target_semaphore(%arg10 : memref<!tpu.dma_semaphore, #tpu.memory_space<semaphore_mem>>)
    %add3A_1245 = arith.constant 1024 : i32
    %add3A_1246 = arith.addi %mul3A_7, %add3A_1245 : i32
    %dma_start3A_1247 = arith.constant 0 : i32
    %dma_start3A_1248 = arith.constant 0 : i32
    %dma_start3A_1249 = tpu.memref_slice %arg7[%dma_start3A_1247, %dma_start3A_1248] : memref<128x32xf32, #tpu.memory_space<vmem>> -> memref<128x32xf32, #tpu.memory_space<vmem>>
    %dma_start3A_1250 = arith.constant 0 : i32
    %dma_start3A_1251 = tpu.memref_slice %arg8[%add3A_1246, %dma_start3A_1250] : memref<40016x32xf32, #tpu.memory_space<vmem_shared>> -> memref<128x32xf32, #tpu.memory_space<vmem_shared>>
    %dma_start3A_1252 = arith.constant 0 : i32
    %dma_start3A_1253 = tpu.memref_slice %arg8[%add3A_1246, %dma_start3A_1252] : memref<40016x32xf32, #tpu.memory_space<vmem_shared>> -> memref<128x32xf32, #tpu.memory_space<vmem_shared>>
    %dma_start3A_1254 = arith.constant 0 : i32
    %dma_start3A_1255 = arith.constant 0 : i32
    %dma_start3A_1256 = tpu.memref_slice %arg7[%dma_start3A_1254, %dma_start3A_1255] : memref<128x32xf32, #tpu.memory_space<vmem>> -> memref<128x32xf32, #tpu.memory_space<vmem>>
    tpu.enqueue_dma source(%dma_start3A_1256 : memref<128x32xf32, #tpu.memory_space<vmem>>) target(%dma_start3A_1253 : memref<128x32xf32, #tpu.memory_space<vmem_shared>>) target_semaphore(%arg10 : memref<!tpu.dma_semaphore, #tpu.memory_space<semaphore_mem>>)
    %add3A_1257 = arith.constant 1152 : i32
    %add3A_1258 = arith.addi %mul3A_7, %add3A_1257 : i32
    %dma_start3A_1259 = arith.constant 0 : i32
    %dma_start3A_1260 = arith.constant 0 : i32
    %dma_start3A_1261 = tpu.memref_slice %arg7[%dma_start3A_1259, %dma_start3A_1260] : memref<128x32xf32, #tpu.memory_space<vmem>> -> memref<128x32xf32, #tpu.memory_space<vmem>>
    %dma_start3A_1262 = arith.constant 0 : i32
    %dma_start3A_1263 = tpu.memref_slice %arg8[%add3A_1258, %dma_start3A_1262] : memref<40016x32xf32, #tpu.memory_space<vmem_shared>> -> memref<128x32xf32, #tpu.memory_space<vmem_shared>>
    %dma_start3A_1264 = arith.constant 0 : i32
    %dma_start3A_1265 = tpu.memref_slice %arg8[%add3A_1258, %dma_start3A_1264] : memref<40016x32xf32, #tpu.memory_space<vmem_shared>> -> memref<128x32xf32, #tpu.memory_space<vmem_shared>>
    %dma_start3A_1266 = arith.constant 0 : i32
    %dma_start3A_1267 = arith.constant 0 : i32
    %dma_start3A_1268 = tpu.memref_slice %arg7[%dma_start3A_1266, %dma_start3A_1267] : memref<128x32xf32, #tpu.memory_space<vmem>> -> memref<128x32xf32, #tpu.memory_space<vmem>>
    tpu.enqueue_dma source(%dma_start3A_1268 : memref<128x32xf32, #tpu.memory_space<vmem>>) target(%dma_start3A_1265 : memref<128x32xf32, #tpu.memory_space<vmem_shared>>) target_semaphore(%arg10 : memref<!tpu.dma_semaphore, #tpu.memory_space<semaphore_mem>>)
    %add3A_1269 = arith.constant 1280 : i32
    %add3A_1270 = arith.addi %mul3A_7, %add3A_1269 : i32
    %dma_start3A_1271 = arith.constant 0 : i32
    %dma_start3A_1272 = arith.constant 0 : i32
    %dma_start3A_1273 = tpu.memref_slice %arg7[%dma_start3A_1271, %dma_start3A_1272] : memref<128x32xf32, #tpu.memory_space<vmem>> -> memref<128x32xf32, #tpu.memory_space<vmem>>
    %dma_start3A_1274 = arith.constant 0 : i32
    %dma_start3A_1275 = tpu.memref_slice %arg8[%add3A_1270, %dma_start3A_1274] : memref<40016x32xf32, #tpu.memory_space<vmem_shared>> -> memref<128x32xf32, #tpu.memory_space<vmem_shared>>
    %dma_start3A_1276 = arith.constant 0 : i32
    %dma_start3A_1277 = tpu.memref_slice %arg8[%add3A_1270, %dma_start3A_1276] : memref<40016x32xf32, #tpu.memory_space<vmem_shared>> -> memref<128x32xf32, #tpu.memory_space<vmem_shared>>
    %dma_start3A_1278 = arith.constant 0 : i32
    %dma_start3A_1279 = arith.constant 0 : i32
    %dma_start3A_1280 = tpu.memref_slice %arg7[%dma_start3A_1278, %dma_start3A_1279] : memref<128x32xf32, #tpu.memory_space<vmem>> -> memref<128x32xf32, #tpu.memory_space<vmem>>
    tpu.enqueue_dma source(%dma_start3A_1280 : memref<128x32xf32, #tpu.memory_space<vmem>>) target(%dma_start3A_1277 : memref<128x32xf32, #tpu.memory_space<vmem_shared>>) target_semaphore(%arg10 : memref<!tpu.dma_semaphore, #tpu.memory_space<semaphore_mem>>)
    %add3A_1281 = arith.constant 1408 : i32
    %add3A_1282 = arith.addi %mul3A_7, %add3A_1281 : i32
    %dma_start3A_1283 = arith.constant 0 : i32
    %dma_start3A_1284 = arith.constant 0 : i32
    %dma_start3A_1285 = tpu.memref_slice %arg7[%dma_start3A_1283, %dma_start3A_1284] : memref<128x32xf32, #tpu.memory_space<vmem>> -> memref<128x32xf32, #tpu.memory_space<vmem>>
    %dma_start3A_1286 = arith.constant 0 : i32
    %dma_start3A_1287 = tpu.memref_slice %arg8[%add3A_1282, %dma_start3A_1286] : memref<40016x32xf32, #tpu.memory_space<vmem_shared>> -> memref<128x32xf32, #tpu.memory_space<vmem_shared>>
    %dma_start3A_1288 = arith.constant 0 : i32
    %dma_start3A_1289 = tpu.memref_slice %arg8[%add3A_1282, %dma_start3A_1288] : memref<40016x32xf32, #tpu.memory_space<vmem_shared>> -> memref<128x32xf32, #tpu.memory_space<vmem_shared>>
    %dma_start3A_1290 = arith.constant 0 : i32
    %dma_start3A_1291 = arith.constant 0 : i32
    %dma_start3A_1292 = tpu.memref_slice %arg7[%dma_start3A_1290, %dma_start3A_1291] : memref<128x32xf32, #tpu.memory_space<vmem>> -> memref<128x32xf32, #tpu.memory_space<vmem>>
    tpu.enqueue_dma source(%dma_start3A_1292 : memref<128x32xf32, #tpu.memory_space<vmem>>) target(%dma_start3A_1289 : memref<128x32xf32, #tpu.memory_space<vmem_shared>>) target_semaphore(%arg10 : memref<!tpu.dma_semaphore, #tpu.memory_space<semaphore_mem>>)
    %add3A_1293 = arith.constant 1536 : i32
    %add3A_1294 = arith.addi %mul3A_7, %add3A_1293 : i32
    %dma_start3A_1295 = arith.constant 0 : i32
    %dma_start3A_1296 = arith.constant 0 : i32
    %dma_start3A_1297 = tpu.memref_slice %arg7[%dma_start3A_1295, %dma_start3A_1296] : memref<128x32xf32, #tpu.memory_space<vmem>> -> memref<128x32xf32, #tpu.memory_space<vmem>>
    %dma_start3A_1298 = arith.constant 0 : i32
    %dma_start3A_1299 = tpu.memref_slice %arg8[%add3A_1294, %dma_start3A_1298] : memref<40016x32xf32, #tpu.memory_space<vmem_shared>> -> memref<128x32xf32, #tpu.memory_space<vmem_shared>>
    %dma_start3A_1300 = arith.constant 0 : i32
    %dma_start3A_1301 = tpu.memref_slice %arg8[%add3A_1294, %dma_start3A_1300] : memref<40016x32xf32, #tpu.memory_space<vmem_shared>> -> memref<128x32xf32, #tpu.memory_space<vmem_shared>>
    %dma_start3A_1302 = arith.constant 0 : i32
    %dma_start3A_1303 = arith.constant 0 : i32
    %dma_start3A_1304 = tpu.memref_slice %arg7[%dma_start3A_1302, %dma_start3A_1303] : memref<128x32xf32, #tpu.memory_space<vmem>> -> memref<128x32xf32, #tpu.memory_space<vmem>>
    tpu.enqueue_dma source(%dma_start3A_1304 : memref<128x32xf32, #tpu.memory_space<vmem>>) target(%dma_start3A_1301 : memref<128x32xf32, #tpu.memory_space<vmem_shared>>) target_semaphore(%arg10 : memref<!tpu.dma_semaphore, #tpu.memory_space<semaphore_mem>>)
    %add3A_1305 = arith.constant 1664 : i32
    %add3A_1306 = arith.addi %mul3A_7, %add3A_1305 : i32
    %dma_start3A_1307 = arith.constant 0 : i32
    %dma_start3A_1308 = arith.constant 0 : i32
    %dma_start3A_1309 = tpu.memref_slice %arg7[%dma_start3A_1307, %dma_start3A_1308] : memref<128x32xf32, #tpu.memory_space<vmem>> -> memref<128x32xf32, #tpu.memory_space<vmem>>
    %dma_start3A_1310 = arith.constant 0 : i32
    %dma_start3A_1311 = tpu.memref_slice %arg8[%add3A_1306, %dma_start3A_1310] : memref<40016x32xf32, #tpu.memory_space<vmem_shared>> -> memref<128x32xf32, #tpu.memory_space<vmem_shared>>
    %dma_start3A_1312 = arith.constant 0 : i32
    %dma_start3A_1313 = tpu.memref_slice %arg8[%add3A_1306, %dma_start3A_1312] : memref<40016x32xf32, #tpu.memory_space<vmem_shared>> -> memref<128x32xf32, #tpu.memory_space<vmem_shared>>
    %dma_start3A_1314 = arith.constant 0 : i32
    %dma_start3A_1315 = arith.constant 0 : i32
    %dma_start3A_1316 = tpu.memref_slice %arg7[%dma_start3A_1314, %dma_start3A_1315] : memref<128x32xf32, #tpu.memory_space<vmem>> -> memref<128x32xf32, #tpu.memory_space<vmem>>
    tpu.enqueue_dma source(%dma_start3A_1316 : memref<128x32xf32, #tpu.memory_space<vmem>>) target(%dma_start3A_1313 : memref<128x32xf32, #tpu.memory_space<vmem_shared>>) target_semaphore(%arg10 : memref<!tpu.dma_semaphore, #tpu.memory_space<semaphore_mem>>)
    %add3A_1317 = arith.constant 1792 : i32
    %add3A_1318 = arith.addi %mul3A_7, %add3A_1317 : i32
    %dma_start3A_1319 = arith.constant 0 : i32
    %dma_start3A_1320 = arith.constant 0 : i32
    %dma_start3A_1321 = tpu.memref_slice %arg7[%dma_start3A_1319, %dma_start3A_1320] : memref<128x32xf32, #tpu.memory_space<vmem>> -> memref<128x32xf32, #tpu.memory_space<vmem>>
    %dma_start3A_1322 = arith.constant 0 : i32
    %dma_start3A_1323 = tpu.memref_slice %arg8[%add3A_1318, %dma_start3A_1322] : memref<40016x32xf32, #tpu.memory_space<vmem_shared>> -> memref<128x32xf32, #tpu.memory_space<vmem_shared>>
    %dma_start3A_1324 = arith.constant 0 : i32
    %dma_start3A_1325 = tpu.memref_slice %arg8[%add3A_1318, %dma_start3A_1324] : memref<40016x32xf32, #tpu.memory_space<vmem_shared>> -> memref<128x32xf32, #tpu.memory_space<vmem_shared>>
    %dma_start3A_1326 = arith.constant 0 : i32
    %dma_start3A_1327 = arith.constant 0 : i32
    %dma_start3A_1328 = tpu.memref_slice %arg7[%dma_start3A_1326, %dma_start3A_1327] : memref<128x32xf32, #tpu.memory_space<vmem>> -> memref<128x32xf32, #tpu.memory_space<vmem>>
    tpu.enqueue_dma source(%dma_start3A_1328 : memref<128x32xf32, #tpu.memory_space<vmem>>) target(%dma_start3A_1325 : memref<128x32xf32, #tpu.memory_space<vmem_shared>>) target_semaphore(%arg10 : memref<!tpu.dma_semaphore, #tpu.memory_space<semaphore_mem>>)
    %add3A_1329 = arith.constant 1920 : i32
    %add3A_1330 = arith.addi %mul3A_7, %add3A_1329 : i32
    %dma_start3A_1331 = arith.constant 0 : i32
    %dma_start3A_1332 = arith.constant 0 : i32
    %dma_start3A_1333 = tpu.memref_slice %arg7[%dma_start3A_1331, %dma_start3A_1332] : memref<128x32xf32, #tpu.memory_space<vmem>> -> memref<128x32xf32, #tpu.memory_space<vmem>>
    %dma_start3A_1334 = arith.constant 0 : i32
    %dma_start3A_1335 = tpu.memref_slice %arg8[%add3A_1330, %dma_start3A_1334] : memref<40016x32xf32, #tpu.memory_space<vmem_shared>> -> memref<128x32xf32, #tpu.memory_space<vmem_shared>>
    %dma_start3A_1336 = arith.constant 0 : i32
    %dma_start3A_1337 = tpu.memref_slice %arg8[%add3A_1330, %dma_start3A_1336] : memref<40016x32xf32, #tpu.memory_space<vmem_shared>> -> memref<128x32xf32, #tpu.memory_space<vmem_shared>>
    %dma_start3A_1338 = arith.constant 0 : i32
    %dma_start3A_1339 = arith.constant 0 : i32
    %dma_start3A_1340 = tpu.memref_slice %arg7[%dma_start3A_1338, %dma_start3A_1339] : memref<128x32xf32, #tpu.memory_space<vmem>> -> memref<128x32xf32, #tpu.memory_space<vmem>>
    tpu.enqueue_dma source(%dma_start3A_1340 : memref<128x32xf32, #tpu.memory_space<vmem>>) target(%dma_start3A_1337 : memref<128x32xf32, #tpu.memory_space<vmem_shared>>) target_semaphore(%arg10 : memref<!tpu.dma_semaphore, #tpu.memory_space<semaphore_mem>>)
    %add3A_1341 = arith.constant 2048 : i32
    %add3A_1342 = arith.addi %mul3A_7, %add3A_1341 : i32
    %dma_start3A_1343 = arith.constant 0 : i32
    %dma_start3A_1344 = arith.constant 0 : i32
    %dma_start3A_1345 = tpu.memref_slice %arg7[%dma_start3A_1343, %dma_start3A_1344] : memref<128x32xf32, #tpu.memory_space<vmem>> -> memref<128x32xf32, #tpu.memory_space<vmem>>
    %dma_start3A_1346 = arith.constant 0 : i32
    %dma_start3A_1347 = tpu.memref_slice %arg8[%add3A_1342, %dma_start3A_1346] : memref<40016x32xf32, #tpu.memory_space<vmem_shared>> -> memref<128x32xf32, #tpu.memory_space<vmem_shared>>
    %dma_start3A_1348 = arith.constant 0 : i32
    %dma_start3A_1349 = tpu.memref_slice %arg8[%add3A_1342, %dma_start3A_1348] : memref<40016x32xf32, #tpu.memory_space<vmem_shared>> -> memref<128x32xf32, #tpu.memory_space<vmem_shared>>
    %dma_start3A_1350 = arith.constant 0 : i32
    %dma_start3A_1351 = arith.constant 0 : i32
    %dma_start3A_1352 = tpu.memref_slice %arg7[%dma_start3A_1350, %dma_start3A_1351] : memref<128x32xf32, #tpu.memory_space<vmem>> -> memref<128x32xf32, #tpu.memory_space<vmem>>
    tpu.enqueue_dma source(%dma_start3A_1352 : memref<128x32xf32, #tpu.memory_space<vmem>>) target(%dma_start3A_1349 : memref<128x32xf32, #tpu.memory_space<vmem_shared>>) target_semaphore(%arg10 : memref<!tpu.dma_semaphore, #tpu.memory_space<semaphore_mem>>)
    %add3A_1353 = arith.constant 2176 : i32
    %add3A_1354 = arith.addi %mul3A_7, %add3A_1353 : i32
    %dma_start3A_1355 = arith.constant 0 : i32
    %dma_start3A_1356 = arith.constant 0 : i32
    %dma_start3A_1357 = tpu.memref_slice %arg7[%dma_start3A_1355, %dma_start3A_1356] : memref<128x32xf32, #tpu.memory_space<vmem>> -> memref<128x32xf32, #tpu.memory_space<vmem>>
    %dma_start3A_1358 = arith.constant 0 : i32
    %dma_start3A_1359 = tpu.memref_slice %arg8[%add3A_1354, %dma_start3A_1358] : memref<40016x32xf32, #tpu.memory_space<vmem_shared>> -> memref<128x32xf32, #tpu.memory_space<vmem_shared>>
    %dma_start3A_1360 = arith.constant 0 : i32
    %dma_start3A_1361 = tpu.memref_slice %arg8[%add3A_1354, %dma_start3A_1360] : memref<40016x32xf32, #tpu.memory_space<vmem_shared>> -> memref<128x32xf32, #tpu.memory_space<vmem_shared>>
    %dma_start3A_1362 = arith.constant 0 : i32
    %dma_start3A_1363 = arith.constant 0 : i32
    %dma_start3A_1364 = tpu.memref_slice %arg7[%dma_start3A_1362, %dma_start3A_1363] : memref<128x32xf32, #tpu.memory_space<vmem>> -> memref<128x32xf32, #tpu.memory_space<vmem>>
    tpu.enqueue_dma source(%dma_start3A_1364 : memref<128x32xf32, #tpu.memory_space<vmem>>) target(%dma_start3A_1361 : memref<128x32xf32, #tpu.memory_space<vmem_shared>>) target_semaphore(%arg10 : memref<!tpu.dma_semaphore, #tpu.memory_space<semaphore_mem>>)
    %add3A_1365 = arith.constant 2304 : i32
    %add3A_1366 = arith.addi %mul3A_7, %add3A_1365 : i32
    %dma_start3A_1367 = arith.constant 0 : i32
    %dma_start3A_1368 = arith.constant 0 : i32
    %dma_start3A_1369 = tpu.memref_slice %arg7[%dma_start3A_1367, %dma_start3A_1368] : memref<128x32xf32, #tpu.memory_space<vmem>> -> memref<128x32xf32, #tpu.memory_space<vmem>>
    %dma_start3A_1370 = arith.constant 0 : i32
    %dma_start3A_1371 = tpu.memref_slice %arg8[%add3A_1366, %dma_start3A_1370] : memref<40016x32xf32, #tpu.memory_space<vmem_shared>> -> memref<128x32xf32, #tpu.memory_space<vmem_shared>>
    %dma_start3A_1372 = arith.constant 0 : i32
    %dma_start3A_1373 = tpu.memref_slice %arg8[%add3A_1366, %dma_start3A_1372] : memref<40016x32xf32, #tpu.memory_space<vmem_shared>> -> memref<128x32xf32, #tpu.memory_space<vmem_shared>>
    %dma_start3A_1374 = arith.constant 0 : i32
    %dma_start3A_1375 = arith.constant 0 : i32
    %dma_start3A_1376 = tpu.memref_slice %arg7[%dma_start3A_1374, %dma_start3A_1375] : memref<128x32xf32, #tpu.memory_space<vmem>> -> memref<128x32xf32, #tpu.memory_space<vmem>>
    tpu.enqueue_dma source(%dma_start3A_1376 : memref<128x32xf32, #tpu.memory_space<vmem>>) target(%dma_start3A_1373 : memref<128x32xf32, #tpu.memory_space<vmem_shared>>) target_semaphore(%arg10 : memref<!tpu.dma_semaphore, #tpu.memory_space<semaphore_mem>>)
    %add3A_1377 = arith.constant 2432 : i32
    %add3A_1378 = arith.addi %mul3A_7, %add3A_1377 : i32
    %dma_start3A_1379 = arith.constant 0 : i32
    %dma_start3A_1380 = arith.constant 0 : i32
    %dma_start3A_1381 = tpu.memref_slice %arg7[%dma_start3A_1379, %dma_start3A_1380] : memref<128x32xf32, #tpu.memory_space<vmem>> -> memref<68x32xf32, #tpu.memory_space<vmem>>
    %dma_start3A_1382 = arith.constant 0 : i32
    %dma_start3A_1383 = tpu.memref_slice %arg8[%add3A_1378, %dma_start3A_1382] : memref<40016x32xf32, #tpu.memory_space<vmem_shared>> -> memref<68x32xf32, #tpu.memory_space<vmem_shared>>
    %dma_start3A_1384 = arith.constant 0 : i32
    %dma_start3A_1385 = tpu.memref_slice %arg8[%add3A_1378, %dma_start3A_1384] : memref<40016x32xf32, #tpu.memory_space<vmem_shared>> -> memref<68x32xf32, #tpu.memory_space<vmem_shared>>
    %dma_start3A_1386 = arith.constant 0 : i32
    %dma_start3A_1387 = arith.constant 0 : i32
    %dma_start3A_1388 = tpu.memref_slice %arg7[%dma_start3A_1386, %dma_start3A_1387] : memref<128x32xf32, #tpu.memory_space<vmem>> -> memref<68x32xf32, #tpu.memory_space<vmem>>
    tpu.enqueue_dma source(%dma_start3A_1388 : memref<68x32xf32, #tpu.memory_space<vmem>>) target(%dma_start3A_1385 : memref<68x32xf32, #tpu.memory_space<vmem_shared>>) target_semaphore(%arg10 : memref<!tpu.dma_semaphore, #tpu.memory_space<semaphore_mem>>)
    %dma_wait3A_1389 = arith.constant 0 : i32
    %dma_wait3A_1390 = arith.constant 0 : i32
    %dma_wait3A_1391 = tpu.memref_slice %arg7[%dma_wait3A_1389, %dma_wait3A_1390] : memref<128x32xf32, #tpu.memory_space<vmem>> -> memref<128x32xf32, #tpu.memory_space<vmem>>
    %dma_wait3A_1392 = arith.constant 0 : i32
    %dma_wait3A_1393 = tpu.memref_slice %arg8[%add3A_1150, %dma_wait3A_1392] : memref<40016x32xf32, #tpu.memory_space<vmem_shared>> -> memref<128x32xf32, #tpu.memory_space<vmem_shared>>
    %dma_wait3A_1394 = arith.constant 0 : i32
    %dma_wait3A_1395 = tpu.memref_slice %arg8[%add3A_1150, %dma_wait3A_1394] : memref<40016x32xf32, #tpu.memory_space<vmem_shared>> -> memref<128x32xf32, #tpu.memory_space<vmem_shared>>
    %dma_wait3A_1396 = arith.constant 0 : i32
    %dma_wait3A_1397 = arith.constant 0 : i32
    %dma_wait3A_1398 = tpu.memref_slice %arg7[%dma_wait3A_1396, %dma_wait3A_1397] : memref<128x32xf32, #tpu.memory_space<vmem>> -> memref<128x32xf32, #tpu.memory_space<vmem>>
    tpu.wait_dma2 semaphore(%arg10 : memref<!tpu.dma_semaphore, #tpu.memory_space<semaphore_mem>>) src(%dma_wait3A_1398 : memref<128x32xf32, #tpu.memory_space<vmem>>) dst(%dma_wait3A_1395 : memref<128x32xf32, #tpu.memory_space<vmem_shared>>)
    %dma_wait3A_1399 = arith.constant 0 : i32
    %dma_wait3A_1400 = arith.constant 0 : i32
    %dma_wait3A_1401 = tpu.memref_slice %arg7[%dma_wait3A_1399, %dma_wait3A_1400] : memref<128x32xf32, #tpu.memory_space<vmem>> -> memref<128x32xf32, #tpu.memory_space<vmem>>
    %dma_wait3A_1402 = arith.constant 0 : i32
    %dma_wait3A_1403 = tpu.memref_slice %arg8[%add3A_1162, %dma_wait3A_1402] : memref<40016x32xf32, #tpu.memory_space<vmem_shared>> -> memref<128x32xf32, #tpu.memory_space<vmem_shared>>
    %dma_wait3A_1404 = arith.constant 0 : i32
    %dma_wait3A_1405 = tpu.memref_slice %arg8[%add3A_1162, %dma_wait3A_1404] : memref<40016x32xf32, #tpu.memory_space<vmem_shared>> -> memref<128x32xf32, #tpu.memory_space<vmem_shared>>
    %dma_wait3A_1406 = arith.constant 0 : i32
    %dma_wait3A_1407 = arith.constant 0 : i32
    %dma_wait3A_1408 = tpu.memref_slice %arg7[%dma_wait3A_1406, %dma_wait3A_1407] : memref<128x32xf32, #tpu.memory_space<vmem>> -> memref<128x32xf32, #tpu.memory_space<vmem>>
    tpu.wait_dma2 semaphore(%arg10 : memref<!tpu.dma_semaphore, #tpu.memory_space<semaphore_mem>>) src(%dma_wait3A_1408 : memref<128x32xf32, #tpu.memory_space<vmem>>) dst(%dma_wait3A_1405 : memref<128x32xf32, #tpu.memory_space<vmem_shared>>)
    %dma_wait3A_1409 = arith.constant 0 : i32
    %dma_wait3A_1410 = arith.constant 0 : i32
    %dma_wait3A_1411 = tpu.memref_slice %arg7[%dma_wait3A_1409, %dma_wait3A_1410] : memref<128x32xf32, #tpu.memory_space<vmem>> -> memref<128x32xf32, #tpu.memory_space<vmem>>
    %dma_wait3A_1412 = arith.constant 0 : i32
    %dma_wait3A_1413 = tpu.memref_slice %arg8[%add3A_1174, %dma_wait3A_1412] : memref<40016x32xf32, #tpu.memory_space<vmem_shared>> -> memref<128x32xf32, #tpu.memory_space<vmem_shared>>
    %dma_wait3A_1414 = arith.constant 0 : i32
    %dma_wait3A_1415 = tpu.memref_slice %arg8[%add3A_1174, %dma_wait3A_1414] : memref<40016x32xf32, #tpu.memory_space<vmem_shared>> -> memref<128x32xf32, #tpu.memory_space<vmem_shared>>
    %dma_wait3A_1416 = arith.constant 0 : i32
    %dma_wait3A_1417 = arith.constant 0 : i32
    %dma_wait3A_1418 = tpu.memref_slice %arg7[%dma_wait3A_1416, %dma_wait3A_1417] : memref<128x32xf32, #tpu.memory_space<vmem>> -> memref<128x32xf32, #tpu.memory_space<vmem>>
    tpu.wait_dma2 semaphore(%arg10 : memref<!tpu.dma_semaphore, #tpu.memory_space<semaphore_mem>>) src(%dma_wait3A_1418 : memref<128x32xf32, #tpu.memory_space<vmem>>) dst(%dma_wait3A_1415 : memref<128x32xf32, #tpu.memory_space<vmem_shared>>)
    %dma_wait3A_1419 = arith.constant 0 : i32
    %dma_wait3A_1420 = arith.constant 0 : i32
    %dma_wait3A_1421 = tpu.memref_slice %arg7[%dma_wait3A_1419, %dma_wait3A_1420] : memref<128x32xf32, #tpu.memory_space<vmem>> -> memref<128x32xf32, #tpu.memory_space<vmem>>
    %dma_wait3A_1422 = arith.constant 0 : i32
    %dma_wait3A_1423 = tpu.memref_slice %arg8[%add3A_1186, %dma_wait3A_1422] : memref<40016x32xf32, #tpu.memory_space<vmem_shared>> -> memref<128x32xf32, #tpu.memory_space<vmem_shared>>
    %dma_wait3A_1424 = arith.constant 0 : i32
    %dma_wait3A_1425 = tpu.memref_slice %arg8[%add3A_1186, %dma_wait3A_1424] : memref<40016x32xf32, #tpu.memory_space<vmem_shared>> -> memref<128x32xf32, #tpu.memory_space<vmem_shared>>
    %dma_wait3A_1426 = arith.constant 0 : i32
    %dma_wait3A_1427 = arith.constant 0 : i32
    %dma_wait3A_1428 = tpu.memref_slice %arg7[%dma_wait3A_1426, %dma_wait3A_1427] : memref<128x32xf32, #tpu.memory_space<vmem>> -> memref<128x32xf32, #tpu.memory_space<vmem>>
    tpu.wait_dma2 semaphore(%arg10 : memref<!tpu.dma_semaphore, #tpu.memory_space<semaphore_mem>>) src(%dma_wait3A_1428 : memref<128x32xf32, #tpu.memory_space<vmem>>) dst(%dma_wait3A_1425 : memref<128x32xf32, #tpu.memory_space<vmem_shared>>)
    %dma_wait3A_1429 = arith.constant 0 : i32
    %dma_wait3A_1430 = arith.constant 0 : i32
    %dma_wait3A_1431 = tpu.memref_slice %arg7[%dma_wait3A_1429, %dma_wait3A_1430] : memref<128x32xf32, #tpu.memory_space<vmem>> -> memref<128x32xf32, #tpu.memory_space<vmem>>
    %dma_wait3A_1432 = arith.constant 0 : i32
    %dma_wait3A_1433 = tpu.memref_slice %arg8[%add3A_1198, %dma_wait3A_1432] : memref<40016x32xf32, #tpu.memory_space<vmem_shared>> -> memref<128x32xf32, #tpu.memory_space<vmem_shared>>
    %dma_wait3A_1434 = arith.constant 0 : i32
    %dma_wait3A_1435 = tpu.memref_slice %arg8[%add3A_1198, %dma_wait3A_1434] : memref<40016x32xf32, #tpu.memory_space<vmem_shared>> -> memref<128x32xf32, #tpu.memory_space<vmem_shared>>
    %dma_wait3A_1436 = arith.constant 0 : i32
    %dma_wait3A_1437 = arith.constant 0 : i32
    %dma_wait3A_1438 = tpu.memref_slice %arg7[%dma_wait3A_1436, %dma_wait3A_1437] : memref<128x32xf32, #tpu.memory_space<vmem>> -> memref<128x32xf32, #tpu.memory_space<vmem>>
    tpu.wait_dma2 semaphore(%arg10 : memref<!tpu.dma_semaphore, #tpu.memory_space<semaphore_mem>>) src(%dma_wait3A_1438 : memref<128x32xf32, #tpu.memory_space<vmem>>) dst(%dma_wait3A_1435 : memref<128x32xf32, #tpu.memory_space<vmem_shared>>)
    %dma_wait3A_1439 = arith.constant 0 : i32
    %dma_wait3A_1440 = arith.constant 0 : i32
    %dma_wait3A_1441 = tpu.memref_slice %arg7[%dma_wait3A_1439, %dma_wait3A_1440] : memref<128x32xf32, #tpu.memory_space<vmem>> -> memref<128x32xf32, #tpu.memory_space<vmem>>
    %dma_wait3A_1442 = arith.constant 0 : i32
    %dma_wait3A_1443 = tpu.memref_slice %arg8[%add3A_1210, %dma_wait3A_1442] : memref<40016x32xf32, #tpu.memory_space<vmem_shared>> -> memref<128x32xf32, #tpu.memory_space<vmem_shared>>
    %dma_wait3A_1444 = arith.constant 0 : i32
    %dma_wait3A_1445 = tpu.memref_slice %arg8[%add3A_1210, %dma_wait3A_1444] : memref<40016x32xf32, #tpu.memory_space<vmem_shared>> -> memref<128x32xf32, #tpu.memory_space<vmem_shared>>
    %dma_wait3A_1446 = arith.constant 0 : i32
    %dma_wait3A_1447 = arith.constant 0 : i32
    %dma_wait3A_1448 = tpu.memref_slice %arg7[%dma_wait3A_1446, %dma_wait3A_1447] : memref<128x32xf32, #tpu.memory_space<vmem>> -> memref<128x32xf32, #tpu.memory_space<vmem>>
    tpu.wait_dma2 semaphore(%arg10 : memref<!tpu.dma_semaphore, #tpu.memory_space<semaphore_mem>>) src(%dma_wait3A_1448 : memref<128x32xf32, #tpu.memory_space<vmem>>) dst(%dma_wait3A_1445 : memref<128x32xf32, #tpu.memory_space<vmem_shared>>)
    %dma_wait3A_1449 = arith.constant 0 : i32
    %dma_wait3A_1450 = arith.constant 0 : i32
    %dma_wait3A_1451 = tpu.memref_slice %arg7[%dma_wait3A_1449, %dma_wait3A_1450] : memref<128x32xf32, #tpu.memory_space<vmem>> -> memref<128x32xf32, #tpu.memory_space<vmem>>
    %dma_wait3A_1452 = arith.constant 0 : i32
    %dma_wait3A_1453 = tpu.memref_slice %arg8[%add3A_1222, %dma_wait3A_1452] : memref<40016x32xf32, #tpu.memory_space<vmem_shared>> -> memref<128x32xf32, #tpu.memory_space<vmem_shared>>
    %dma_wait3A_1454 = arith.constant 0 : i32
    %dma_wait3A_1455 = tpu.memref_slice %arg8[%add3A_1222, %dma_wait3A_1454] : memref<40016x32xf32, #tpu.memory_space<vmem_shared>> -> memref<128x32xf32, #tpu.memory_space<vmem_shared>>
    %dma_wait3A_1456 = arith.constant 0 : i32
    %dma_wait3A_1457 = arith.constant 0 : i32
    %dma_wait3A_1458 = tpu.memref_slice %arg7[%dma_wait3A_1456, %dma_wait3A_1457] : memref<128x32xf32, #tpu.memory_space<vmem>> -> memref<128x32xf32, #tpu.memory_space<vmem>>
    tpu.wait_dma2 semaphore(%arg10 : memref<!tpu.dma_semaphore, #tpu.memory_space<semaphore_mem>>) src(%dma_wait3A_1458 : memref<128x32xf32, #tpu.memory_space<vmem>>) dst(%dma_wait3A_1455 : memref<128x32xf32, #tpu.memory_space<vmem_shared>>)
    %dma_wait3A_1459 = arith.constant 0 : i32
    %dma_wait3A_1460 = arith.constant 0 : i32
    %dma_wait3A_1461 = tpu.memref_slice %arg7[%dma_wait3A_1459, %dma_wait3A_1460] : memref<128x32xf32, #tpu.memory_space<vmem>> -> memref<128x32xf32, #tpu.memory_space<vmem>>
    %dma_wait3A_1462 = arith.constant 0 : i32
    %dma_wait3A_1463 = tpu.memref_slice %arg8[%add3A_1234, %dma_wait3A_1462] : memref<40016x32xf32, #tpu.memory_space<vmem_shared>> -> memref<128x32xf32, #tpu.memory_space<vmem_shared>>
    %dma_wait3A_1464 = arith.constant 0 : i32
    %dma_wait3A_1465 = tpu.memref_slice %arg8[%add3A_1234, %dma_wait3A_1464] : memref<40016x32xf32, #tpu.memory_space<vmem_shared>> -> memref<128x32xf32, #tpu.memory_space<vmem_shared>>
    %dma_wait3A_1466 = arith.constant 0 : i32
    %dma_wait3A_1467 = arith.constant 0 : i32
    %dma_wait3A_1468 = tpu.memref_slice %arg7[%dma_wait3A_1466, %dma_wait3A_1467] : memref<128x32xf32, #tpu.memory_space<vmem>> -> memref<128x32xf32, #tpu.memory_space<vmem>>
    tpu.wait_dma2 semaphore(%arg10 : memref<!tpu.dma_semaphore, #tpu.memory_space<semaphore_mem>>) src(%dma_wait3A_1468 : memref<128x32xf32, #tpu.memory_space<vmem>>) dst(%dma_wait3A_1465 : memref<128x32xf32, #tpu.memory_space<vmem_shared>>)
    %dma_wait3A_1469 = arith.constant 0 : i32
    %dma_wait3A_1470 = arith.constant 0 : i32
    %dma_wait3A_1471 = tpu.memref_slice %arg7[%dma_wait3A_1469, %dma_wait3A_1470] : memref<128x32xf32, #tpu.memory_space<vmem>> -> memref<128x32xf32, #tpu.memory_space<vmem>>
    %dma_wait3A_1472 = arith.constant 0 : i32
    %dma_wait3A_1473 = tpu.memref_slice %arg8[%add3A_1246, %dma_wait3A_1472] : memref<40016x32xf32, #tpu.memory_space<vmem_shared>> -> memref<128x32xf32, #tpu.memory_space<vmem_shared>>
    %dma_wait3A_1474 = arith.constant 0 : i32
    %dma_wait3A_1475 = tpu.memref_slice %arg8[%add3A_1246, %dma_wait3A_1474] : memref<40016x32xf32, #tpu.memory_space<vmem_shared>> -> memref<128x32xf32, #tpu.memory_space<vmem_shared>>
    %dma_wait3A_1476 = arith.constant 0 : i32
    %dma_wait3A_1477 = arith.constant 0 : i32
    %dma_wait3A_1478 = tpu.memref_slice %arg7[%dma_wait3A_1476, %dma_wait3A_1477] : memref<128x32xf32, #tpu.memory_space<vmem>> -> memref<128x32xf32, #tpu.memory_space<vmem>>
    tpu.wait_dma2 semaphore(%arg10 : memref<!tpu.dma_semaphore, #tpu.memory_space<semaphore_mem>>) src(%dma_wait3A_1478 : memref<128x32xf32, #tpu.memory_space<vmem>>) dst(%dma_wait3A_1475 : memref<128x32xf32, #tpu.memory_space<vmem_shared>>)
    %dma_wait3A_1479 = arith.constant 0 : i32
    %dma_wait3A_1480 = arith.constant 0 : i32
    %dma_wait3A_1481 = tpu.memref_slice %arg7[%dma_wait3A_1479, %dma_wait3A_1480] : memref<128x32xf32, #tpu.memory_space<vmem>> -> memref<128x32xf32, #tpu.memory_space<vmem>>
    %dma_wait3A_1482 = arith.constant 0 : i32
    %dma_wait3A_1483 = tpu.memref_slice %arg8[%add3A_1258, %dma_wait3A_1482] : memref<40016x32xf32, #tpu.memory_space<vmem_shared>> -> memref<128x32xf32, #tpu.memory_space<vmem_shared>>
    %dma_wait3A_1484 = arith.constant 0 : i32
    %dma_wait3A_1485 = tpu.memref_slice %arg8[%add3A_1258, %dma_wait3A_1484] : memref<40016x32xf32, #tpu.memory_space<vmem_shared>> -> memref<128x32xf32, #tpu.memory_space<vmem_shared>>
    %dma_wait3A_1486 = arith.constant 0 : i32
    %dma_wait3A_1487 = arith.constant 0 : i32
    %dma_wait3A_1488 = tpu.memref_slice %arg7[%dma_wait3A_1486, %dma_wait3A_1487] : memref<128x32xf32, #tpu.memory_space<vmem>> -> memref<128x32xf32, #tpu.memory_space<vmem>>
    tpu.wait_dma2 semaphore(%arg10 : memref<!tpu.dma_semaphore, #tpu.memory_space<semaphore_mem>>) src(%dma_wait3A_1488 : memref<128x32xf32, #tpu.memory_space<vmem>>) dst(%dma_wait3A_1485 : memref<128x32xf32, #tpu.memory_space<vmem_shared>>)
    %dma_wait3A_1489 = arith.constant 0 : i32
    %dma_wait3A_1490 = arith.constant 0 : i32
    %dma_wait3A_1491 = tpu.memref_slice %arg7[%dma_wait3A_1489, %dma_wait3A_1490] : memref<128x32xf32, #tpu.memory_space<vmem>> -> memref<128x32xf32, #tpu.memory_space<vmem>>
    %dma_wait3A_1492 = arith.constant 0 : i32
    %dma_wait3A_1493 = tpu.memref_slice %arg8[%add3A_1270, %dma_wait3A_1492] : memref<40016x32xf32, #tpu.memory_space<vmem_shared>> -> memref<128x32xf32, #tpu.memory_space<vmem_shared>>
    %dma_wait3A_1494 = arith.constant 0 : i32
    %dma_wait3A_1495 = tpu.memref_slice %arg8[%add3A_1270, %dma_wait3A_1494] : memref<40016x32xf32, #tpu.memory_space<vmem_shared>> -> memref<128x32xf32, #tpu.memory_space<vmem_shared>>
    %dma_wait3A_1496 = arith.constant 0 : i32
    %dma_wait3A_1497 = arith.constant 0 : i32
    %dma_wait3A_1498 = tpu.memref_slice %arg7[%dma_wait3A_1496, %dma_wait3A_1497] : memref<128x32xf32, #tpu.memory_space<vmem>> -> memref<128x32xf32, #tpu.memory_space<vmem>>
    tpu.wait_dma2 semaphore(%arg10 : memref<!tpu.dma_semaphore, #tpu.memory_space<semaphore_mem>>) src(%dma_wait3A_1498 : memref<128x32xf32, #tpu.memory_space<vmem>>) dst(%dma_wait3A_1495 : memref<128x32xf32, #tpu.memory_space<vmem_shared>>)
    %dma_wait3A_1499 = arith.constant 0 : i32
    %dma_wait3A_1500 = arith.constant 0 : i32
    %dma_wait3A_1501 = tpu.memref_slice %arg7[%dma_wait3A_1499, %dma_wait3A_1500] : memref<128x32xf32, #tpu.memory_space<vmem>> -> memref<128x32xf32, #tpu.memory_space<vmem>>
    %dma_wait3A_1502 = arith.constant 0 : i32
    %dma_wait3A_1503 = tpu.memref_slice %arg8[%add3A_1282, %dma_wait3A_1502] : memref<40016x32xf32, #tpu.memory_space<vmem_shared>> -> memref<128x32xf32, #tpu.memory_space<vmem_shared>>
    %dma_wait3A_1504 = arith.constant 0 : i32
    %dma_wait3A_1505 = tpu.memref_slice %arg8[%add3A_1282, %dma_wait3A_1504] : memref<40016x32xf32, #tpu.memory_space<vmem_shared>> -> memref<128x32xf32, #tpu.memory_space<vmem_shared>>
    %dma_wait3A_1506 = arith.constant 0 : i32
    %dma_wait3A_1507 = arith.constant 0 : i32
    %dma_wait3A_1508 = tpu.memref_slice %arg7[%dma_wait3A_1506, %dma_wait3A_1507] : memref<128x32xf32, #tpu.memory_space<vmem>> -> memref<128x32xf32, #tpu.memory_space<vmem>>
    tpu.wait_dma2 semaphore(%arg10 : memref<!tpu.dma_semaphore, #tpu.memory_space<semaphore_mem>>) src(%dma_wait3A_1508 : memref<128x32xf32, #tpu.memory_space<vmem>>) dst(%dma_wait3A_1505 : memref<128x32xf32, #tpu.memory_space<vmem_shared>>)
    %dma_wait3A_1509 = arith.constant 0 : i32
    %dma_wait3A_1510 = arith.constant 0 : i32
    %dma_wait3A_1511 = tpu.memref_slice %arg7[%dma_wait3A_1509, %dma_wait3A_1510] : memref<128x32xf32, #tpu.memory_space<vmem>> -> memref<128x32xf32, #tpu.memory_space<vmem>>
    %dma_wait3A_1512 = arith.constant 0 : i32
    %dma_wait3A_1513 = tpu.memref_slice %arg8[%add3A_1294, %dma_wait3A_1512] : memref<40016x32xf32, #tpu.memory_space<vmem_shared>> -> memref<128x32xf32, #tpu.memory_space<vmem_shared>>
    %dma_wait3A_1514 = arith.constant 0 : i32
    %dma_wait3A_1515 = tpu.memref_slice %arg8[%add3A_1294, %dma_wait3A_1514] : memref<40016x32xf32, #tpu.memory_space<vmem_shared>> -> memref<128x32xf32, #tpu.memory_space<vmem_shared>>
    %dma_wait3A_1516 = arith.constant 0 : i32
    %dma_wait3A_1517 = arith.constant 0 : i32
    %dma_wait3A_1518 = tpu.memref_slice %arg7[%dma_wait3A_1516, %dma_wait3A_1517] : memref<128x32xf32, #tpu.memory_space<vmem>> -> memref<128x32xf32, #tpu.memory_space<vmem>>
    tpu.wait_dma2 semaphore(%arg10 : memref<!tpu.dma_semaphore, #tpu.memory_space<semaphore_mem>>) src(%dma_wait3A_1518 : memref<128x32xf32, #tpu.memory_space<vmem>>) dst(%dma_wait3A_1515 : memref<128x32xf32, #tpu.memory_space<vmem_shared>>)
    %dma_wait3A_1519 = arith.constant 0 : i32
    %dma_wait3A_1520 = arith.constant 0 : i32
    %dma_wait3A_1521 = tpu.memref_slice %arg7[%dma_wait3A_1519, %dma_wait3A_1520] : memref<128x32xf32, #tpu.memory_space<vmem>> -> memref<128x32xf32, #tpu.memory_space<vmem>>
    %dma_wait3A_1522 = arith.constant 0 : i32
    %dma_wait3A_1523 = tpu.memref_slice %arg8[%add3A_1306, %dma_wait3A_1522] : memref<40016x32xf32, #tpu.memory_space<vmem_shared>> -> memref<128x32xf32, #tpu.memory_space<vmem_shared>>
    %dma_wait3A_1524 = arith.constant 0 : i32
    %dma_wait3A_1525 = tpu.memref_slice %arg8[%add3A_1306, %dma_wait3A_1524] : memref<40016x32xf32, #tpu.memory_space<vmem_shared>> -> memref<128x32xf32, #tpu.memory_space<vmem_shared>>
    %dma_wait3A_1526 = arith.constant 0 : i32
    %dma_wait3A_1527 = arith.constant 0 : i32
    %dma_wait3A_1528 = tpu.memref_slice %arg7[%dma_wait3A_1526, %dma_wait3A_1527] : memref<128x32xf32, #tpu.memory_space<vmem>> -> memref<128x32xf32, #tpu.memory_space<vmem>>
    tpu.wait_dma2 semaphore(%arg10 : memref<!tpu.dma_semaphore, #tpu.memory_space<semaphore_mem>>) src(%dma_wait3A_1528 : memref<128x32xf32, #tpu.memory_space<vmem>>) dst(%dma_wait3A_1525 : memref<128x32xf32, #tpu.memory_space<vmem_shared>>)
    %dma_wait3A_1529 = arith.constant 0 : i32
    %dma_wait3A_1530 = arith.constant 0 : i32
    %dma_wait3A_1531 = tpu.memref_slice %arg7[%dma_wait3A_1529, %dma_wait3A_1530] : memref<128x32xf32, #tpu.memory_space<vmem>> -> memref<128x32xf32, #tpu.memory_space<vmem>>
    %dma_wait3A_1532 = arith.constant 0 : i32
    %dma_wait3A_1533 = tpu.memref_slice %arg8[%add3A_1318, %dma_wait3A_1532] : memref<40016x32xf32, #tpu.memory_space<vmem_shared>> -> memref<128x32xf32, #tpu.memory_space<vmem_shared>>
    %dma_wait3A_1534 = arith.constant 0 : i32
    %dma_wait3A_1535 = tpu.memref_slice %arg8[%add3A_1318, %dma_wait3A_1534] : memref<40016x32xf32, #tpu.memory_space<vmem_shared>> -> memref<128x32xf32, #tpu.memory_space<vmem_shared>>
    %dma_wait3A_1536 = arith.constant 0 : i32
    %dma_wait3A_1537 = arith.constant 0 : i32
    %dma_wait3A_1538 = tpu.memref_slice %arg7[%dma_wait3A_1536, %dma_wait3A_1537] : memref<128x32xf32, #tpu.memory_space<vmem>> -> memref<128x32xf32, #tpu.memory_space<vmem>>
    tpu.wait_dma2 semaphore(%arg10 : memref<!tpu.dma_semaphore, #tpu.memory_space<semaphore_mem>>) src(%dma_wait3A_1538 : memref<128x32xf32, #tpu.memory_space<vmem>>) dst(%dma_wait3A_1535 : memref<128x32xf32, #tpu.memory_space<vmem_shared>>)
    %dma_wait3A_1539 = arith.constant 0 : i32
    %dma_wait3A_1540 = arith.constant 0 : i32
    %dma_wait3A_1541 = tpu.memref_slice %arg7[%dma_wait3A_1539, %dma_wait3A_1540] : memref<128x32xf32, #tpu.memory_space<vmem>> -> memref<128x32xf32, #tpu.memory_space<vmem>>
    %dma_wait3A_1542 = arith.constant 0 : i32
    %dma_wait3A_1543 = tpu.memref_slice %arg8[%add3A_1330, %dma_wait3A_1542] : memref<40016x32xf32, #tpu.memory_space<vmem_shared>> -> memref<128x32xf32, #tpu.memory_space<vmem_shared>>
    %dma_wait3A_1544 = arith.constant 0 : i32
    %dma_wait3A_1545 = tpu.memref_slice %arg8[%add3A_1330, %dma_wait3A_1544] : memref<40016x32xf32, #tpu.memory_space<vmem_shared>> -> memref<128x32xf32, #tpu.memory_space<vmem_shared>>
    %dma_wait3A_1546 = arith.constant 0 : i32
    %dma_wait3A_1547 = arith.constant 0 : i32
    %dma_wait3A_1548 = tpu.memref_slice %arg7[%dma_wait3A_1546, %dma_wait3A_1547] : memref<128x32xf32, #tpu.memory_space<vmem>> -> memref<128x32xf32, #tpu.memory_space<vmem>>
    tpu.wait_dma2 semaphore(%arg10 : memref<!tpu.dma_semaphore, #tpu.memory_space<semaphore_mem>>) src(%dma_wait3A_1548 : memref<128x32xf32, #tpu.memory_space<vmem>>) dst(%dma_wait3A_1545 : memref<128x32xf32, #tpu.memory_space<vmem_shared>>)
    %dma_wait3A_1549 = arith.constant 0 : i32
    %dma_wait3A_1550 = arith.constant 0 : i32
    %dma_wait3A_1551 = tpu.memref_slice %arg7[%dma_wait3A_1549, %dma_wait3A_1550] : memref<128x32xf32, #tpu.memory_space<vmem>> -> memref<128x32xf32, #tpu.memory_space<vmem>>
    %dma_wait3A_1552 = arith.constant 0 : i32
    %dma_wait3A_1553 = tpu.memref_slice %arg8[%add3A_1342, %dma_wait3A_1552] : memref<40016x32xf32, #tpu.memory_space<vmem_shared>> -> memref<128x32xf32, #tpu.memory_space<vmem_shared>>
    %dma_wait3A_1554 = arith.constant 0 : i32
    %dma_wait3A_1555 = tpu.memref_slice %arg8[%add3A_1342, %dma_wait3A_1554] : memref<40016x32xf32, #tpu.memory_space<vmem_shared>> -> memref<128x32xf32, #tpu.memory_space<vmem_shared>>
    %dma_wait3A_1556 = arith.constant 0 : i32
    %dma_wait3A_1557 = arith.constant 0 : i32
    %dma_wait3A_1558 = tpu.memref_slice %arg7[%dma_wait3A_1556, %dma_wait3A_1557] : memref<128x32xf32, #tpu.memory_space<vmem>> -> memref<128x32xf32, #tpu.memory_space<vmem>>
    tpu.wait_dma2 semaphore(%arg10 : memref<!tpu.dma_semaphore, #tpu.memory_space<semaphore_mem>>) src(%dma_wait3A_1558 : memref<128x32xf32, #tpu.memory_space<vmem>>) dst(%dma_wait3A_1555 : memref<128x32xf32, #tpu.memory_space<vmem_shared>>)
    %dma_wait3A_1559 = arith.constant 0 : i32
    %dma_wait3A_1560 = arith.constant 0 : i32
    %dma_wait3A_1561 = tpu.memref_slice %arg7[%dma_wait3A_1559, %dma_wait3A_1560] : memref<128x32xf32, #tpu.memory_space<vmem>> -> memref<128x32xf32, #tpu.memory_space<vmem>>
    %dma_wait3A_1562 = arith.constant 0 : i32
    %dma_wait3A_1563 = tpu.memref_slice %arg8[%add3A_1354, %dma_wait3A_1562] : memref<40016x32xf32, #tpu.memory_space<vmem_shared>> -> memref<128x32xf32, #tpu.memory_space<vmem_shared>>
    %dma_wait3A_1564 = arith.constant 0 : i32
    %dma_wait3A_1565 = tpu.memref_slice %arg8[%add3A_1354, %dma_wait3A_1564] : memref<40016x32xf32, #tpu.memory_space<vmem_shared>> -> memref<128x32xf32, #tpu.memory_space<vmem_shared>>
    %dma_wait3A_1566 = arith.constant 0 : i32
    %dma_wait3A_1567 = arith.constant 0 : i32
    %dma_wait3A_1568 = tpu.memref_slice %arg7[%dma_wait3A_1566, %dma_wait3A_1567] : memref<128x32xf32, #tpu.memory_space<vmem>> -> memref<128x32xf32, #tpu.memory_space<vmem>>
    tpu.wait_dma2 semaphore(%arg10 : memref<!tpu.dma_semaphore, #tpu.memory_space<semaphore_mem>>) src(%dma_wait3A_1568 : memref<128x32xf32, #tpu.memory_space<vmem>>) dst(%dma_wait3A_1565 : memref<128x32xf32, #tpu.memory_space<vmem_shared>>)
    %dma_wait3A_1569 = arith.constant 0 : i32
    %dma_wait3A_1570 = arith.constant 0 : i32
    %dma_wait3A_1571 = tpu.memref_slice %arg7[%dma_wait3A_1569, %dma_wait3A_1570] : memref<128x32xf32, #tpu.memory_space<vmem>> -> memref<128x32xf32, #tpu.memory_space<vmem>>
    %dma_wait3A_1572 = arith.constant 0 : i32
    %dma_wait3A_1573 = tpu.memref_slice %arg8[%add3A_1366, %dma_wait3A_1572] : memref<40016x32xf32, #tpu.memory_space<vmem_shared>> -> memref<128x32xf32, #tpu.memory_space<vmem_shared>>
    %dma_wait3A_1574 = arith.constant 0 : i32
    %dma_wait3A_1575 = tpu.memref_slice %arg8[%add3A_1366, %dma_wait3A_1574] : memref<40016x32xf32, #tpu.memory_space<vmem_shared>> -> memref<128x32xf32, #tpu.memory_space<vmem_shared>>
    %dma_wait3A_1576 = arith.constant 0 : i32
    %dma_wait3A_1577 = arith.constant 0 : i32
    %dma_wait3A_1578 = tpu.memref_slice %arg7[%dma_wait3A_1576, %dma_wait3A_1577] : memref<128x32xf32, #tpu.memory_space<vmem>> -> memref<128x32xf32, #tpu.memory_space<vmem>>
    tpu.wait_dma2 semaphore(%arg10 : memref<!tpu.dma_semaphore, #tpu.memory_space<semaphore_mem>>) src(%dma_wait3A_1578 : memref<128x32xf32, #tpu.memory_space<vmem>>) dst(%dma_wait3A_1575 : memref<128x32xf32, #tpu.memory_space<vmem_shared>>)
    %dma_wait3A_1579 = arith.constant 0 : i32
    %dma_wait3A_1580 = arith.constant 0 : i32
    %dma_wait3A_1581 = tpu.memref_slice %arg7[%dma_wait3A_1579, %dma_wait3A_1580] : memref<128x32xf32, #tpu.memory_space<vmem>> -> memref<68x32xf32, #tpu.memory_space<vmem>>
    %dma_wait3A_1582 = arith.constant 0 : i32
    %dma_wait3A_1583 = tpu.memref_slice %arg8[%add3A_1378, %dma_wait3A_1582] : memref<40016x32xf32, #tpu.memory_space<vmem_shared>> -> memref<68x32xf32, #tpu.memory_space<vmem_shared>>
    %dma_wait3A_1584 = arith.constant 0 : i32
    %dma_wait3A_1585 = tpu.memref_slice %arg8[%add3A_1378, %dma_wait3A_1584] : memref<40016x32xf32, #tpu.memory_space<vmem_shared>> -> memref<68x32xf32, #tpu.memory_space<vmem_shared>>
    %dma_wait3A_1586 = arith.constant 0 : i32
    %dma_wait3A_1587 = arith.constant 0 : i32
    %dma_wait3A_1588 = tpu.memref_slice %arg7[%dma_wait3A_1586, %dma_wait3A_1587] : memref<128x32xf32, #tpu.memory_space<vmem>> -> memref<68x32xf32, #tpu.memory_space<vmem>>
    tpu.wait_dma2 semaphore(%arg10 : memref<!tpu.dma_semaphore, #tpu.memory_space<semaphore_mem>>) src(%dma_wait3A_1588 : memref<68x32xf32, #tpu.memory_space<vmem>>) dst(%dma_wait3A_1585 : memref<68x32xf32, #tpu.memory_space<vmem_shared>>)
    %barrier3A_1589 = arith.constant 0 : index
    tpu.barrier barrier_id(%barrier3A_1589)
    %mul3A_1590 = arith.constant 2704 : i32
    %mul3A_1591 = arith.muli %arg1, %mul3A_1590 : i32
    %add3A_1592 = arith.constant 86592 : i32
    %add3A_1593 = arith.addi %add3A_1592, %mul3A_1591 : i32
    %run_scoped3A_1594 = arith.constant 2 : i32
    "tpu.region"() ({
      %run_scoped3A_2304 = tpu.sem_alloc : memref<!tpu.dma_semaphore, #tpu.memory_space<semaphore_mem>>
      %dma_start3A_2305 = arith.constant 0 : i32
      %dma_start3A_2306 = arith.constant 0 : i32
      %dma_start3A_2307 = tpu.memref_slice %arg3[%run_scoped3A_1594, %arg1, %dma_start3A_2305, %dma_start3A_2306] : memref<4x16x22x128xi32, #tpu.memory_space<hbm>> -> memref<1x1x22x128xi32, #tpu.memory_space<hbm>>
      %dma_start3A_2308 = tpu.memref_squeeze %dma_start3A_2307 : memref<1x1x22x128xi32, #tpu.memory_space<hbm>> -> memref<22x128xi32, #tpu.memory_space<hbm>>
      %dma_start3A_2309 = arith.constant 0 : i32
      %dma_start3A_2310 = arith.constant 0 : i32
      %dma_start3A_2311 = tpu.memref_slice %arg3[%run_scoped3A_1594, %arg1, %dma_start3A_2309, %dma_start3A_2310] : memref<4x16x22x128xi32, #tpu.memory_space<hbm>> -> memref<1x1x22x128xi32, #tpu.memory_space<hbm>>
      %dma_start3A_2312 = tpu.memref_squeeze %dma_start3A_2311 : memref<1x1x22x128xi32, #tpu.memory_space<hbm>> -> memref<22x128xi32, #tpu.memory_space<hbm>>
      tpu.enqueue_dma source(%dma_start3A_2312 : memref<22x128xi32, #tpu.memory_space<hbm>>) target(%arg6 : memref<22x128xi32, #tpu.memory_space<vmem>>) target_semaphore(%run_scoped3A_2304 : memref<!tpu.dma_semaphore, #tpu.memory_space<semaphore_mem>>)
      %dma_wait3A_2313 = arith.constant 0 : i32
      %dma_wait3A_2314 = arith.constant 0 : i32
      %dma_wait3A_2315 = tpu.memref_slice %arg3[%run_scoped3A_1594, %arg1, %dma_wait3A_2313, %dma_wait3A_2314] : memref<4x16x22x128xi32, #tpu.memory_space<hbm>> -> memref<1x1x22x128xi32, #tpu.memory_space<hbm>>
      %dma_wait3A_2316 = tpu.memref_squeeze %dma_wait3A_2315 : memref<1x1x22x128xi32, #tpu.memory_space<hbm>> -> memref<22x128xi32, #tpu.memory_space<hbm>>
      %dma_wait3A_2317 = arith.constant 0 : i32
      %dma_wait3A_2318 = arith.constant 0 : i32
      %dma_wait3A_2319 = tpu.memref_slice %arg3[%run_scoped3A_1594, %arg1, %dma_wait3A_2317, %dma_wait3A_2318] : memref<4x16x22x128xi32, #tpu.memory_space<hbm>> -> memref<1x1x22x128xi32, #tpu.memory_space<hbm>>
      %dma_wait3A_2320 = tpu.memref_squeeze %dma_wait3A_2319 : memref<1x1x22x128xi32, #tpu.memory_space<hbm>> -> memref<22x128xi32, #tpu.memory_space<hbm>>
      tpu.wait_dma2 semaphore(%run_scoped3A_2304 : memref<!tpu.dma_semaphore, #tpu.memory_space<semaphore_mem>>) src(%dma_wait3A_2320 : memref<22x128xi32, #tpu.memory_space<hbm>>) dst(%arg6 : memref<22x128xi32, #tpu.memory_space<vmem>>)
      tpu.yield
    }) : () -> ()
    %scan3A_1595 = arith.constant 0 : i32
    %scan3A_1596 = arith.constant 21 : i32
    %scan3A_1597 = arith.addi %scan3A_1595, %scan3A_1596 : i32
    %scan3A_1598 = arith.constant 1 : i32
    scf.for %scan3A_2304 = %scan3A_1595 to %scan3A_1597 step %scan3A_1598  : i32 {
      %mul3A_2305 = arith.constant 1 : i32
      %mul3A_2306 = arith.muli %scan3A_2304, %mul3A_2305 : i32
      %add3A_2307 = arith.constant 0 : i32
      %add3A_2308 = arith.addi %add3A_2307, %mul3A_2306 : i32
      %broadcast_in_dim3A_2309 = arith.constant 0 : i32
      %broadcast_in_dim3A_2310 = vector.broadcast %broadcast_in_dim3A_2309 : i32 to vector<16xi32>
      %get3A_2311 = arith.index_cast %add3A_2308 : i32 to index
      %get3A_2312 = arith.constant 0 : index
      %get3A_2313 = tpu.vector_load %arg6[%get3A_2311, %get3A_2312] {strides = array<i32>} : memref<22x128xi32, #tpu.memory_space<vmem>>, vector<16xi32>,
      %ne3A_2314 = arith.constant 40000 : i32
      %ne3A_2315 = vector.broadcast %ne3A_2314 : i32 to vector<16xi32>
      %ne3A_2316 = arith.cmpi ne, %get3A_2313, %ne3A_2315 : vector<16xi32>
      %jit3A_2317 = arith.constant 1 : i32
      %jit3A_2318 = arith.constant 0 : i32
      %broadcast_in_dim3A_2319 = vector.broadcast %jit3A_2317 : i32 to vector<16xi32>
      %broadcast_in_dim3A_2320 = vector.broadcast %jit3A_2318 : i32 to vector<16xi32>
      %select_n3A_2321 = arith.select %ne3A_2316, %broadcast_in_dim3A_2319, %broadcast_in_dim3A_2320 : vector<16xi1>, vector<16xi32>
      %add3A_2322 = arith.addi %broadcast_in_dim3A_2310, %select_n3A_2321 : vector<16xi32>
      %get3A_2323 = arith.index_cast %add3A_2308 : i32 to index
      %get3A_2324 = arith.constant 16 : index
      %get3A_2325 = tpu.vector_load %arg6[%get3A_2323, %get3A_2324] {strides = array<i32>} : memref<22x128xi32, #tpu.memory_space<vmem>>, vector<16xi32>,
      %ne3A_2326 = arith.constant 40000 : i32
      %ne3A_2327 = vector.broadcast %ne3A_2326 : i32 to vector<16xi32>
      %ne3A_2328 = arith.cmpi ne, %get3A_2325, %ne3A_2327 : vector<16xi32>
      %jit3A_2329 = arith.constant 1 : i32
      %jit3A_2330 = arith.constant 0 : i32
      %broadcast_in_dim3A_2331 = vector.broadcast %jit3A_2329 : i32 to vector<16xi32>
      %broadcast_in_dim3A_2332 = vector.broadcast %jit3A_2330 : i32 to vector<16xi32>
      %select_n3A_2333 = arith.select %ne3A_2328, %broadcast_in_dim3A_2331, %broadcast_in_dim3A_2332 : vector<16xi1>, vector<16xi32>
      %add3A_2334 = arith.addi %add3A_2322, %select_n3A_2333 : vector<16xi32>
      %get3A_2335 = arith.index_cast %add3A_2308 : i32 to index
      %get3A_2336 = arith.constant 32 : index
      %get3A_2337 = tpu.vector_load %arg6[%get3A_2335, %get3A_2336] {strides = array<i32>} : memref<22x128xi32, #tpu.memory_space<vmem>>, vector<16xi32>,
      %ne3A_2338 = arith.constant 40000 : i32
      %ne3A_2339 = vector.broadcast %ne3A_2338 : i32 to vector<16xi32>
      %ne3A_2340 = arith.cmpi ne, %get3A_2337, %ne3A_2339 : vector<16xi32>
      %jit3A_2341 = arith.constant 1 : i32
      %jit3A_2342 = arith.constant 0 : i32
      %broadcast_in_dim3A_2343 = vector.broadcast %jit3A_2341 : i32 to vector<16xi32>
      %broadcast_in_dim3A_2344 = vector.broadcast %jit3A_2342 : i32 to vector<16xi32>
      %select_n3A_2345 = arith.select %ne3A_2340, %broadcast_in_dim3A_2343, %broadcast_in_dim3A_2344 : vector<16xi1>, vector<16xi32>
      %add3A_2346 = arith.addi %add3A_2334, %select_n3A_2345 : vector<16xi32>
      %get3A_2347 = arith.index_cast %add3A_2308 : i32 to index
      %get3A_2348 = arith.constant 48 : index
      %get3A_2349 = tpu.vector_load %arg6[%get3A_2347, %get3A_2348] {strides = array<i32>} : memref<22x128xi32, #tpu.memory_space<vmem>>, vector<16xi32>,
      %ne3A_2350 = arith.constant 40000 : i32
      %ne3A_2351 = vector.broadcast %ne3A_2350 : i32 to vector<16xi32>
      %ne3A_2352 = arith.cmpi ne, %get3A_2349, %ne3A_2351 : vector<16xi32>
      %jit3A_2353 = arith.constant 1 : i32
      %jit3A_2354 = arith.constant 0 : i32
      %broadcast_in_dim3A_2355 = vector.broadcast %jit3A_2353 : i32 to vector<16xi32>
      %broadcast_in_dim3A_2356 = vector.broadcast %jit3A_2354 : i32 to vector<16xi32>
      %select_n3A_2357 = arith.select %ne3A_2352, %broadcast_in_dim3A_2355, %broadcast_in_dim3A_2356 : vector<16xi1>, vector<16xi32>
      %add3A_2358 = arith.addi %add3A_2346, %select_n3A_2357 : vector<16xi32>
      %get3A_2359 = arith.index_cast %add3A_2308 : i32 to index
      %get3A_2360 = arith.constant 64 : index
      %get3A_2361 = tpu.vector_load %arg6[%get3A_2359, %get3A_2360] {strides = array<i32>} : memref<22x128xi32, #tpu.memory_space<vmem>>, vector<16xi32>,
      %ne3A_2362 = arith.constant 40000 : i32
      %ne3A_2363 = vector.broadcast %ne3A_2362 : i32 to vector<16xi32>
      %ne3A_2364 = arith.cmpi ne, %get3A_2361, %ne3A_2363 : vector<16xi32>
      %jit3A_2365 = arith.constant 1 : i32
      %jit3A_2366 = arith.constant 0 : i32
      %broadcast_in_dim3A_2367 = vector.broadcast %jit3A_2365 : i32 to vector<16xi32>
      %broadcast_in_dim3A_2368 = vector.broadcast %jit3A_2366 : i32 to vector<16xi32>
      %select_n3A_2369 = arith.select %ne3A_2364, %broadcast_in_dim3A_2367, %broadcast_in_dim3A_2368 : vector<16xi1>, vector<16xi32>
      %add3A_2370 = arith.addi %add3A_2358, %select_n3A_2369 : vector<16xi32>
      %get3A_2371 = arith.index_cast %add3A_2308 : i32 to index
      %get3A_2372 = arith.constant 80 : index
      %get3A_2373 = tpu.vector_load %arg6[%get3A_2371, %get3A_2372] {strides = array<i32>} : memref<22x128xi32, #tpu.memory_space<vmem>>, vector<16xi32>,
      %ne3A_2374 = arith.constant 40000 : i32
      %ne3A_2375 = vector.broadcast %ne3A_2374 : i32 to vector<16xi32>
      %ne3A_2376 = arith.cmpi ne, %get3A_2373, %ne3A_2375 : vector<16xi32>
      %jit3A_2377 = arith.constant 1 : i32
      %jit3A_2378 = arith.constant 0 : i32
      %broadcast_in_dim3A_2379 = vector.broadcast %jit3A_2377 : i32 to vector<16xi32>
      %broadcast_in_dim3A_2380 = vector.broadcast %jit3A_2378 : i32 to vector<16xi32>
      %select_n3A_2381 = arith.select %ne3A_2376, %broadcast_in_dim3A_2379, %broadcast_in_dim3A_2380 : vector<16xi1>, vector<16xi32>
      %add3A_2382 = arith.addi %add3A_2370, %select_n3A_2381 : vector<16xi32>
      %get3A_2383 = arith.index_cast %add3A_2308 : i32 to index
      %get3A_2384 = arith.constant 96 : index
      %get3A_2385 = tpu.vector_load %arg6[%get3A_2383, %get3A_2384] {strides = array<i32>} : memref<22x128xi32, #tpu.memory_space<vmem>>, vector<16xi32>,
      %ne3A_2386 = arith.constant 40000 : i32
      %ne3A_2387 = vector.broadcast %ne3A_2386 : i32 to vector<16xi32>
      %ne3A_2388 = arith.cmpi ne, %get3A_2385, %ne3A_2387 : vector<16xi32>
      %jit3A_2389 = arith.constant 1 : i32
      %jit3A_2390 = arith.constant 0 : i32
      %broadcast_in_dim3A_2391 = vector.broadcast %jit3A_2389 : i32 to vector<16xi32>
      %broadcast_in_dim3A_2392 = vector.broadcast %jit3A_2390 : i32 to vector<16xi32>
      %select_n3A_2393 = arith.select %ne3A_2388, %broadcast_in_dim3A_2391, %broadcast_in_dim3A_2392 : vector<16xi1>, vector<16xi32>
      %add3A_2394 = arith.addi %add3A_2382, %select_n3A_2393 : vector<16xi32>
      %get3A_2395 = arith.index_cast %add3A_2308 : i32 to index
      %get3A_2396 = arith.constant 112 : index
      %get3A_2397 = tpu.vector_load %arg6[%get3A_2395, %get3A_2396] {strides = array<i32>} : memref<22x128xi32, #tpu.memory_space<vmem>>, vector<16xi32>,
      %ne3A_2398 = arith.constant 40000 : i32
      %ne3A_2399 = vector.broadcast %ne3A_2398 : i32 to vector<16xi32>
      %ne3A_2400 = arith.cmpi ne, %get3A_2397, %ne3A_2399 : vector<16xi32>
      %jit3A_2401 = arith.constant 1 : i32
      %jit3A_2402 = arith.constant 0 : i32
      %broadcast_in_dim3A_2403 = vector.broadcast %jit3A_2401 : i32 to vector<16xi32>
      %broadcast_in_dim3A_2404 = vector.broadcast %jit3A_2402 : i32 to vector<16xi32>
      %select_n3A_2405 = arith.select %ne3A_2400, %broadcast_in_dim3A_2403, %broadcast_in_dim3A_2404 : vector<16xi1>, vector<16xi32>
      %add3A_2406 = arith.addi %add3A_2394, %select_n3A_2405 : vector<16xi32>
      %reduce_sum3A_2407 = arith.constant true
      %reduce_sum3A_2408 = vector.broadcast %reduce_sum3A_2407 : i1 to vector<16xi1>
      %reduce_sum3A_2409 = tpu.scan <sum>, %add3A_2406 masked %reduce_sum3A_2408 : vector<16xi32>, vector<16xi1> -> vector<16xi32>
      %reduce_sum3A_2410 = vector.extract %reduce_sum3A_2409[15] : i32 from vector<16xi32>
      %gt3A_2411 = arith.constant 0 : i32
      %gt3A_2412 = arith.cmpi sgt, %reduce_sum3A_2410, %gt3A_2411 : i32
      %convert_element_type3A_2413 = arith.extui %gt3A_2412 : i1 to i32
      %cond3A_2414 = arith.constant 0 : i32
      %cond3A_2415 = arith.cmpi ne, %convert_element_type3A_2413, %cond3A_2414 : i32
      scf.if %cond3A_2415 {
        %mul3A_2416 = arith.constant 128 : i32
        %mul3A_2417 = arith.muli %add3A_2308, %mul3A_2416 : i32
        %add3A_2418 = arith.addi %add3A_1593, %mul3A_2417 : i32
        "tpu.region"() ({
          %run_scoped3A_2419 = tpu.sem_alloc : memref<!tpu.dma_semaphore, #tpu.memory_space<semaphore_mem>>
          %dma_start3A_2420 = tpu.memref_slice %arg2[%add3A_2418, %mul3A_0] : memref<173184x64xf32, #tpu.memory_space<hbm>> -> memref<128x32xf32, #tpu.memory_space<hbm>>
          %dma_start3A_2421 = tpu.memref_slice %arg2[%add3A_2418, %mul3A_0] : memref<173184x64xf32, #tpu.memory_space<hbm>> -> memref<128x32xf32, #tpu.memory_space<hbm>>
          tpu.enqueue_dma source(%dma_start3A_2421 : memref<128x32xf32, #tpu.memory_space<hbm>>) target(%arg5 : memref<128x32xf32, #tpu.memory_space<vmem>>) target_semaphore(%run_scoped3A_2419 : memref<!tpu.dma_semaphore, #tpu.memory_space<semaphore_mem>>)
          %dma_wait3A_2422 = tpu.memref_slice %arg2[%add3A_2418, %mul3A_0] : memref<173184x64xf32, #tpu.memory_space<hbm>> -> memref<128x32xf32, #tpu.memory_space<hbm>>
          %dma_wait3A_2423 = tpu.memref_slice %arg2[%add3A_2418, %mul3A_0] : memref<173184x64xf32, #tpu.memory_space<hbm>> -> memref<128x32xf32, #tpu.memory_space<hbm>>
          tpu.wait_dma2 semaphore(%run_scoped3A_2419 : memref<!tpu.dma_semaphore, #tpu.memory_space<semaphore_mem>>) src(%dma_wait3A_2423 : memref<128x32xf32, #tpu.memory_space<hbm>>) dst(%arg5 : memref<128x32xf32, #tpu.memory_space<vmem>>)
          tpu.yield
        }) : () -> ()
        "tpu.region"() ({
          %run_scoped3A_2419 = tpu.sem_alloc : memref<!tpu.dma_semaphore, #tpu.memory_space<semaphore_mem>>
          %dma_start3A_2420 = arith.constant 0 : i32
          %dma_start3A_2421 = tpu.memref_slice %arg6[%add3A_2308, %dma_start3A_2420] : memref<22x128xi32, #tpu.memory_space<vmem>> -> memref<1x128xi32, #tpu.memory_space<vmem>>
          %dma_start3A_2422 = tpu.memref_squeeze %dma_start3A_2421 : memref<1x128xi32, #tpu.memory_space<vmem>> -> memref<128xi32, #tpu.memory_space<vmem>>
          %dma_start3A_2423 = arith.constant 0 : i32
          %dma_start3A_2424 = arith.constant 0 : i32
          %dma_start3A_2425 = tpu.memref_slice %arg8[%dma_start3A_2423, %dma_start3A_2424] : memref<40016x32xf32, #tpu.memory_space<vmem_shared>> -> memref<40016x32xf32, #tpu.memory_space<vmem_shared>>
          tpu.enqueue_indirect_dma source(%arg5 : memref<128x32xf32, #tpu.memory_space<vmem>>) target(%dma_start3A_2425 : memref<40016x32xf32, #tpu.memory_space<vmem_shared>>) offsets(%dma_start3A_2422 : memref<128xi32, #tpu.memory_space<vmem>>) semaphore(%run_scoped3A_2419 : memref<!tpu.dma_semaphore, #tpu.memory_space<semaphore_mem>>) {add = true}
          %dma_wait3A_2426 = arith.constant 0 : i32
          %dma_wait3A_2427 = tpu.memref_slice %arg6[%add3A_2308, %dma_wait3A_2426] : memref<22x128xi32, #tpu.memory_space<vmem>> -> memref<1x128xi32, #tpu.memory_space<vmem>>
          %dma_wait3A_2428 = tpu.memref_squeeze %dma_wait3A_2427 : memref<1x128xi32, #tpu.memory_space<vmem>> -> memref<128xi32, #tpu.memory_space<vmem>>
          %dma_wait3A_2429 = arith.constant 0 : i32
          %dma_wait3A_2430 = arith.constant 0 : i32
          %dma_wait3A_2431 = tpu.memref_slice %arg8[%dma_wait3A_2429, %dma_wait3A_2430] : memref<40016x32xf32, #tpu.memory_space<vmem_shared>> -> memref<40016x32xf32, #tpu.memory_space<vmem_shared>>
          tpu.wait_indirect_dma semaphore(%run_scoped3A_2419 : memref<!tpu.dma_semaphore, #tpu.memory_space<semaphore_mem>>) src(%arg5 : memref<128x32xf32, #tpu.memory_space<vmem>>) dst(%dma_wait3A_2431 : memref<40016x32xf32, #tpu.memory_space<vmem_shared>>)
          tpu.yield
        }) : () -> ()
      } else {
      }
    }
    %scan3A_1599 = arith.constant 21 : i32
    %broadcast_in_dim3A_1600 = arith.constant 0 : i32
    %broadcast_in_dim3A_1601 = vector.broadcast %broadcast_in_dim3A_1600 : i32 to vector<16xi32>
    %get3A_1602 = arith.constant 21 : i32
    %get3A_1603 = arith.index_cast %get3A_1602 : i32 to index
    %get3A_1604 = arith.constant 0 : index
    %get3A_1605 = tpu.vector_load %arg6[%get3A_1603, %get3A_1604] {strides = array<i32>} : memref<22x128xi32, #tpu.memory_space<vmem>>, vector<16xi32>,
    %ne3A_1606 = arith.constant 40000 : i32
    %ne3A_1607 = vector.broadcast %ne3A_1606 : i32 to vector<16xi32>
    %ne3A_1608 = arith.cmpi ne, %get3A_1605, %ne3A_1607 : vector<16xi32>
    %jit3A_1609 = arith.constant 1 : i32
    %jit3A_1610 = arith.constant 0 : i32
    %broadcast_in_dim3A_1611 = vector.broadcast %jit3A_1609 : i32 to vector<16xi32>
    %broadcast_in_dim3A_1612 = vector.broadcast %jit3A_1610 : i32 to vector<16xi32>
    %select_n3A_1613 = arith.select %ne3A_1608, %broadcast_in_dim3A_1611, %broadcast_in_dim3A_1612 : vector<16xi1>, vector<16xi32>
    %add3A_1614 = arith.addi %broadcast_in_dim3A_1601, %select_n3A_1613 : vector<16xi32>
    %get3A_1615 = arith.constant 21 : i32
    %get3A_1616 = arith.index_cast %get3A_1615 : i32 to index
    %get3A_1617 = arith.constant 16 : index
    %get3A_1618 = tpu.vector_load %arg6[%get3A_1616, %get3A_1617] {strides = array<i32>} : memref<22x128xi32, #tpu.memory_space<vmem>>, vector<16xi32>,
    %ne3A_1619 = arith.constant 40000 : i32
    %ne3A_1620 = vector.broadcast %ne3A_1619 : i32 to vector<16xi32>
    %ne3A_1621 = arith.cmpi ne, %get3A_1618, %ne3A_1620 : vector<16xi32>
    %jit3A_1622 = arith.constant 1 : i32
    %jit3A_1623 = arith.constant 0 : i32
    %broadcast_in_dim3A_1624 = vector.broadcast %jit3A_1622 : i32 to vector<16xi32>
    %broadcast_in_dim3A_1625 = vector.broadcast %jit3A_1623 : i32 to vector<16xi32>
    %select_n3A_1626 = arith.select %ne3A_1621, %broadcast_in_dim3A_1624, %broadcast_in_dim3A_1625 : vector<16xi1>, vector<16xi32>
    %add3A_1627 = arith.addi %add3A_1614, %select_n3A_1626 : vector<16xi32>
    %get3A_1628 = arith.constant 21 : i32
    %get3A_1629 = arith.index_cast %get3A_1628 : i32 to index
    %get3A_1630 = arith.constant 32 : index
    %get3A_1631 = tpu.vector_load %arg6[%get3A_1629, %get3A_1630] {strides = array<i32>} : memref<22x128xi32, #tpu.memory_space<vmem>>, vector<16xi32>,
    %ne3A_1632 = arith.constant 40000 : i32
    %ne3A_1633 = vector.broadcast %ne3A_1632 : i32 to vector<16xi32>
    %ne3A_1634 = arith.cmpi ne, %get3A_1631, %ne3A_1633 : vector<16xi32>
    %jit3A_1635 = arith.constant 1 : i32
    %jit3A_1636 = arith.constant 0 : i32
    %broadcast_in_dim3A_1637 = vector.broadcast %jit3A_1635 : i32 to vector<16xi32>
    %broadcast_in_dim3A_1638 = vector.broadcast %jit3A_1636 : i32 to vector<16xi32>
    %select_n3A_1639 = arith.select %ne3A_1634, %broadcast_in_dim3A_1637, %broadcast_in_dim3A_1638 : vector<16xi1>, vector<16xi32>
    %add3A_1640 = arith.addi %add3A_1627, %select_n3A_1639 : vector<16xi32>
    %get3A_1641 = arith.constant 21 : i32
    %get3A_1642 = arith.index_cast %get3A_1641 : i32 to index
    %get3A_1643 = arith.constant 48 : index
    %get3A_1644 = tpu.vector_load %arg6[%get3A_1642, %get3A_1643] {strides = array<i32>} : memref<22x128xi32, #tpu.memory_space<vmem>>, vector<16xi32>,
    %ne3A_1645 = arith.constant 40000 : i32
    %ne3A_1646 = vector.broadcast %ne3A_1645 : i32 to vector<16xi32>
    %ne3A_1647 = arith.cmpi ne, %get3A_1644, %ne3A_1646 : vector<16xi32>
    %jit3A_1648 = arith.constant 1 : i32
    %jit3A_1649 = arith.constant 0 : i32
    %broadcast_in_dim3A_1650 = vector.broadcast %jit3A_1648 : i32 to vector<16xi32>
    %broadcast_in_dim3A_1651 = vector.broadcast %jit3A_1649 : i32 to vector<16xi32>
    %select_n3A_1652 = arith.select %ne3A_1647, %broadcast_in_dim3A_1650, %broadcast_in_dim3A_1651 : vector<16xi1>, vector<16xi32>
    %add3A_1653 = arith.addi %add3A_1640, %select_n3A_1652 : vector<16xi32>
    %get3A_1654 = arith.constant 21 : i32
    %get3A_1655 = arith.index_cast %get3A_1654 : i32 to index
    %get3A_1656 = arith.constant 64 : index
    %get3A_1657 = tpu.vector_load %arg6[%get3A_1655, %get3A_1656] {strides = array<i32>} : memref<22x128xi32, #tpu.memory_space<vmem>>, vector<16xi32>,
    %ne3A_1658 = arith.constant 40000 : i32
    %ne3A_1659 = vector.broadcast %ne3A_1658 : i32 to vector<16xi32>
    %ne3A_1660 = arith.cmpi ne, %get3A_1657, %ne3A_1659 : vector<16xi32>
    %jit3A_1661 = arith.constant 1 : i32
    %jit3A_1662 = arith.constant 0 : i32
    %broadcast_in_dim3A_1663 = vector.broadcast %jit3A_1661 : i32 to vector<16xi32>
    %broadcast_in_dim3A_1664 = vector.broadcast %jit3A_1662 : i32 to vector<16xi32>
    %select_n3A_1665 = arith.select %ne3A_1660, %broadcast_in_dim3A_1663, %broadcast_in_dim3A_1664 : vector<16xi1>, vector<16xi32>
    %add3A_1666 = arith.addi %add3A_1653, %select_n3A_1665 : vector<16xi32>
    %get3A_1667 = arith.constant 21 : i32
    %get3A_1668 = arith.index_cast %get3A_1667 : i32 to index
    %get3A_1669 = arith.constant 80 : index
    %get3A_1670 = tpu.vector_load %arg6[%get3A_1668, %get3A_1669] {strides = array<i32>} : memref<22x128xi32, #tpu.memory_space<vmem>>, vector<16xi32>,
    %ne3A_1671 = arith.constant 40000 : i32
    %ne3A_1672 = vector.broadcast %ne3A_1671 : i32 to vector<16xi32>
    %ne3A_1673 = arith.cmpi ne, %get3A_1670, %ne3A_1672 : vector<16xi32>
    %jit3A_1674 = arith.constant 1 : i32
    %jit3A_1675 = arith.constant 0 : i32
    %broadcast_in_dim3A_1676 = vector.broadcast %jit3A_1674 : i32 to vector<16xi32>
    %broadcast_in_dim3A_1677 = vector.broadcast %jit3A_1675 : i32 to vector<16xi32>
    %select_n3A_1678 = arith.select %ne3A_1673, %broadcast_in_dim3A_1676, %broadcast_in_dim3A_1677 : vector<16xi1>, vector<16xi32>
    %add3A_1679 = arith.addi %add3A_1666, %select_n3A_1678 : vector<16xi32>
    %get3A_1680 = arith.constant 21 : i32
    %get3A_1681 = arith.index_cast %get3A_1680 : i32 to index
    %get3A_1682 = arith.constant 96 : index
    %get3A_1683 = tpu.vector_load %arg6[%get3A_1681, %get3A_1682] {strides = array<i32>} : memref<22x128xi32, #tpu.memory_space<vmem>>, vector<16xi32>,
    %ne3A_1684 = arith.constant 40000 : i32
    %ne3A_1685 = vector.broadcast %ne3A_1684 : i32 to vector<16xi32>
    %ne3A_1686 = arith.cmpi ne, %get3A_1683, %ne3A_1685 : vector<16xi32>
    %jit3A_1687 = arith.constant 1 : i32
    %jit3A_1688 = arith.constant 0 : i32
    %broadcast_in_dim3A_1689 = vector.broadcast %jit3A_1687 : i32 to vector<16xi32>
    %broadcast_in_dim3A_1690 = vector.broadcast %jit3A_1688 : i32 to vector<16xi32>
    %select_n3A_1691 = arith.select %ne3A_1686, %broadcast_in_dim3A_1689, %broadcast_in_dim3A_1690 : vector<16xi1>, vector<16xi32>
    %add3A_1692 = arith.addi %add3A_1679, %select_n3A_1691 : vector<16xi32>
    %get3A_1693 = arith.constant 21 : i32
    %get3A_1694 = arith.index_cast %get3A_1693 : i32 to index
    %get3A_1695 = arith.constant 112 : index
    %get3A_1696 = tpu.vector_load %arg6[%get3A_1694, %get3A_1695] {strides = array<i32>} : memref<22x128xi32, #tpu.memory_space<vmem>>, vector<16xi32>,
    %ne3A_1697 = arith.constant 40000 : i32
    %ne3A_1698 = vector.broadcast %ne3A_1697 : i32 to vector<16xi32>
    %ne3A_1699 = arith.cmpi ne, %get3A_1696, %ne3A_1698 : vector<16xi32>
    %jit3A_1700 = arith.constant 1 : i32
    %jit3A_1701 = arith.constant 0 : i32
    %broadcast_in_dim3A_1702 = vector.broadcast %jit3A_1700 : i32 to vector<16xi32>
    %broadcast_in_dim3A_1703 = vector.broadcast %jit3A_1701 : i32 to vector<16xi32>
    %select_n3A_1704 = arith.select %ne3A_1699, %broadcast_in_dim3A_1702, %broadcast_in_dim3A_1703 : vector<16xi1>, vector<16xi32>
    %add3A_1705 = arith.addi %add3A_1692, %select_n3A_1704 : vector<16xi32>
    %reduce_sum3A_1706 = arith.constant true
    %reduce_sum3A_1707 = vector.broadcast %reduce_sum3A_1706 : i1 to vector<16xi1>
    %reduce_sum3A_1708 = tpu.scan <sum>, %add3A_1705 masked %reduce_sum3A_1707 : vector<16xi32>, vector<16xi1> -> vector<16xi32>
    %reduce_sum3A_1709 = vector.extract %reduce_sum3A_1708[15] : i32 from vector<16xi32>
    %gt3A_1710 = arith.constant 0 : i32
    %gt3A_1711 = arith.cmpi sgt, %reduce_sum3A_1709, %gt3A_1710 : i32
    %convert_element_type3A_1712 = arith.extui %gt3A_1711 : i1 to i32
    %cond3A_1713 = arith.constant 0 : i32
    %cond3A_1714 = arith.cmpi ne, %convert_element_type3A_1712, %cond3A_1713 : i32
    scf.if %cond3A_1714 {
      %add3A_2304 = arith.constant 2688 : i32
      %add3A_2305 = arith.addi %add3A_1593, %add3A_2304 : i32
      "tpu.region"() ({
        %run_scoped3A_2311 = tpu.sem_alloc : memref<!tpu.dma_semaphore, #tpu.memory_space<semaphore_mem>>
        %dma_start3A_2312 = arith.constant 0 : i32
        %dma_start3A_2313 = arith.constant 0 : i32
        %dma_start3A_2314 = tpu.memref_slice %arg5[%dma_start3A_2312, %dma_start3A_2313] : memref<128x32xf32, #tpu.memory_space<vmem>> -> memref<16x32xf32, #tpu.memory_space<vmem>>
        %dma_start3A_2315 = tpu.memref_slice %arg2[%add3A_2305, %mul3A_0] : memref<173184x64xf32, #tpu.memory_space<hbm>> -> memref<16x32xf32, #tpu.memory_space<hbm>>
        %dma_start3A_2316 = arith.constant 0 : i32
        %dma_start3A_2317 = arith.constant 0 : i32
        %dma_start3A_2318 = tpu.memref_slice %arg5[%dma_start3A_2316, %dma_start3A_2317] : memref<128x32xf32, #tpu.memory_space<vmem>> -> memref<16x32xf32, #tpu.memory_space<vmem>>
        %dma_start3A_2319 = tpu.memref_slice %arg2[%add3A_2305, %mul3A_0] : memref<173184x64xf32, #tpu.memory_space<hbm>> -> memref<16x32xf32, #tpu.memory_space<hbm>>
        tpu.enqueue_dma source(%dma_start3A_2319 : memref<16x32xf32, #tpu.memory_space<hbm>>) target(%dma_start3A_2318 : memref<16x32xf32, #tpu.memory_space<vmem>>) target_semaphore(%run_scoped3A_2311 : memref<!tpu.dma_semaphore, #tpu.memory_space<semaphore_mem>>)
        %dma_wait3A_2320 = arith.constant 0 : i32
        %dma_wait3A_2321 = arith.constant 0 : i32
        %dma_wait3A_2322 = tpu.memref_slice %arg5[%dma_wait3A_2320, %dma_wait3A_2321] : memref<128x32xf32, #tpu.memory_space<vmem>> -> memref<16x32xf32, #tpu.memory_space<vmem>>
        %dma_wait3A_2323 = tpu.memref_slice %arg2[%add3A_2305, %mul3A_0] : memref<173184x64xf32, #tpu.memory_space<hbm>> -> memref<16x32xf32, #tpu.memory_space<hbm>>
        %dma_wait3A_2324 = arith.constant 0 : i32
        %dma_wait3A_2325 = arith.constant 0 : i32
        %dma_wait3A_2326 = tpu.memref_slice %arg5[%dma_wait3A_2324, %dma_wait3A_2325] : memref<128x32xf32, #tpu.memory_space<vmem>> -> memref<16x32xf32, #tpu.memory_space<vmem>>
        %dma_wait3A_2327 = tpu.memref_slice %arg2[%add3A_2305, %mul3A_0] : memref<173184x64xf32, #tpu.memory_space<hbm>> -> memref<16x32xf32, #tpu.memory_space<hbm>>
        tpu.wait_dma2 semaphore(%run_scoped3A_2311 : memref<!tpu.dma_semaphore, #tpu.memory_space<semaphore_mem>>) src(%dma_wait3A_2327 : memref<16x32xf32, #tpu.memory_space<hbm>>) dst(%dma_wait3A_2326 : memref<16x32xf32, #tpu.memory_space<vmem>>)
        tpu.yield
      }) : () -> ()
      %eq3A = arith.constant 15 : i32
      %eq3A_2306 = arith.cmpi eq, %arg1, %eq3A : i32
      %convert_element_type3A_2307 = arith.extui %eq3A_2306 : i1 to i32
      %cond3A_2308 = arith.constant 0 : i32
      %cond3A_2309 = arith.cmpi ne, %convert_element_type3A_2307, %cond3A_2308 : i32
      scf.if %cond3A_2309 {
        %add3A_2311 = arith.constant 2704 : i32
        %add3A_2312 = arith.addi %add3A_1593, %add3A_2311 : i32
        "tpu.region"() ({
          %run_scoped3A_2313 = tpu.sem_alloc : memref<!tpu.dma_semaphore, #tpu.memory_space<semaphore_mem>>
          %dma_start3A_2314 = arith.constant 16 : i32
          %dma_start3A_2315 = arith.constant 0 : i32
          %dma_start3A_2316 = tpu.memref_slice %arg5[%dma_start3A_2314, %dma_start3A_2315] : memref<128x32xf32, #tpu.memory_space<vmem>> -> memref<32x32xf32, #tpu.memory_space<vmem>>
          %dma_start3A_2317 = tpu.memref_slice %arg2[%add3A_2312, %mul3A_0] : memref<173184x64xf32, #tpu.memory_space<hbm>> -> memref<32x32xf32, #tpu.memory_space<hbm>>
          %dma_start3A_2318 = arith.constant 16 : i32
          %dma_start3A_2319 = arith.constant 0 : i32
          %dma_start3A_2320 = tpu.memref_slice %arg5[%dma_start3A_2318, %dma_start3A_2319] : memref<128x32xf32, #tpu.memory_space<vmem>> -> memref<32x32xf32, #tpu.memory_space<vmem>>
          %dma_start3A_2321 = tpu.memref_slice %arg2[%add3A_2312, %mul3A_0] : memref<173184x64xf32, #tpu.memory_space<hbm>> -> memref<32x32xf32, #tpu.memory_space<hbm>>
          tpu.enqueue_dma source(%dma_start3A_2321 : memref<32x32xf32, #tpu.memory_space<hbm>>) target(%dma_start3A_2320 : memref<32x32xf32, #tpu.memory_space<vmem>>) target_semaphore(%run_scoped3A_2313 : memref<!tpu.dma_semaphore, #tpu.memory_space<semaphore_mem>>)
          %dma_wait3A_2322 = arith.constant 16 : i32
          %dma_wait3A_2323 = arith.constant 0 : i32
          %dma_wait3A_2324 = tpu.memref_slice %arg5[%dma_wait3A_2322, %dma_wait3A_2323] : memref<128x32xf32, #tpu.memory_space<vmem>> -> memref<32x32xf32, #tpu.memory_space<vmem>>
          %dma_wait3A_2325 = tpu.memref_slice %arg2[%add3A_2312, %mul3A_0] : memref<173184x64xf32, #tpu.memory_space<hbm>> -> memref<32x32xf32, #tpu.memory_space<hbm>>
          %dma_wait3A_2326 = arith.constant 16 : i32
          %dma_wait3A_2327 = arith.constant 0 : i32
          %dma_wait3A_2328 = tpu.memref_slice %arg5[%dma_wait3A_2326, %dma_wait3A_2327] : memref<128x32xf32, #tpu.memory_space<vmem>> -> memref<32x32xf32, #tpu.memory_space<vmem>>
          %dma_wait3A_2329 = tpu.memref_slice %arg2[%add3A_2312, %mul3A_0] : memref<173184x64xf32, #tpu.memory_space<hbm>> -> memref<32x32xf32, #tpu.memory_space<hbm>>
          tpu.wait_dma2 semaphore(%run_scoped3A_2313 : memref<!tpu.dma_semaphore, #tpu.memory_space<semaphore_mem>>) src(%dma_wait3A_2329 : memref<32x32xf32, #tpu.memory_space<hbm>>) dst(%dma_wait3A_2328 : memref<32x32xf32, #tpu.memory_space<vmem>>)
          tpu.yield
        }) : () -> ()
      } else {
      }
      %run_scoped3A_2310 = arith.constant 21 : i32
      "tpu.region"() ({
        %run_scoped3A_2311 = tpu.sem_alloc : memref<!tpu.dma_semaphore, #tpu.memory_space<semaphore_mem>>
        %dma_start3A_2312 = arith.constant 0 : i32
        %dma_start3A_2313 = tpu.memref_slice %arg6[%run_scoped3A_2310, %dma_start3A_2312] : memref<22x128xi32, #tpu.memory_space<vmem>> -> memref<1x128xi32, #tpu.memory_space<vmem>>
        %dma_start3A_2314 = tpu.memref_squeeze %dma_start3A_2313 : memref<1x128xi32, #tpu.memory_space<vmem>> -> memref<128xi32, #tpu.memory_space<vmem>>
        %dma_start3A_2315 = arith.constant 0 : i32
        %dma_start3A_2316 = arith.constant 0 : i32
        %dma_start3A_2317 = tpu.memref_slice %arg8[%dma_start3A_2315, %dma_start3A_2316] : memref<40016x32xf32, #tpu.memory_space<vmem_shared>> -> memref<40016x32xf32, #tpu.memory_space<vmem_shared>>
        tpu.enqueue_indirect_dma source(%arg5 : memref<128x32xf32, #tpu.memory_space<vmem>>) target(%dma_start3A_2317 : memref<40016x32xf32, #tpu.memory_space<vmem_shared>>) offsets(%dma_start3A_2314 : memref<128xi32, #tpu.memory_space<vmem>>) semaphore(%run_scoped3A_2311 : memref<!tpu.dma_semaphore, #tpu.memory_space<semaphore_mem>>) {add = true}
        %dma_wait3A_2318 = arith.constant 0 : i32
        %dma_wait3A_2319 = tpu.memref_slice %arg6[%run_scoped3A_2310, %dma_wait3A_2318] : memref<22x128xi32, #tpu.memory_space<vmem>> -> memref<1x128xi32, #tpu.memory_space<vmem>>
        %dma_wait3A_2320 = tpu.memref_squeeze %dma_wait3A_2319 : memref<1x128xi32, #tpu.memory_space<vmem>> -> memref<128xi32, #tpu.memory_space<vmem>>
        %dma_wait3A_2321 = arith.constant 0 : i32
        %dma_wait3A_2322 = arith.constant 0 : i32
        %dma_wait3A_2323 = tpu.memref_slice %arg8[%dma_wait3A_2321, %dma_wait3A_2322] : memref<40016x32xf32, #tpu.memory_space<vmem_shared>> -> memref<40016x32xf32, #tpu.memory_space<vmem_shared>>
        tpu.wait_indirect_dma semaphore(%run_scoped3A_2311 : memref<!tpu.dma_semaphore, #tpu.memory_space<semaphore_mem>>) src(%arg5 : memref<128x32xf32, #tpu.memory_space<vmem>>) dst(%dma_wait3A_2323 : memref<40016x32xf32, #tpu.memory_space<vmem_shared>>)
        tpu.yield
      }) : () -> ()
    } else {
    }
    %barrier3A_1715 = arith.constant 0 : index
    tpu.barrier barrier_id(%barrier3A_1715)
    %dma_start3A_1716 = arith.constant 2 : i32
    %dma_start3A_1717 = tpu.memref_slice %arg4[%dma_start3A_1716, %mul3A_7, %mul3A_0] : memref<4x40000x64xf32, #tpu.memory_space<hbm>> -> memref<1x2500x32xf32, #tpu.memory_space<hbm>>
    %dma_start3A_1718 = tpu.memref_squeeze %dma_start3A_1717 : memref<1x2500x32xf32, #tpu.memory_space<hbm>> -> memref<2500x32xf32, #tpu.memory_space<hbm>>
    %dma_start3A_1719 = arith.constant 0 : i32
    %dma_start3A_1720 = tpu.memref_slice %arg8[%mul3A_7, %dma_start3A_1719] : memref<40016x32xf32, #tpu.memory_space<vmem_shared>> -> memref<2500x32xf32, #tpu.memory_space<vmem_shared>>
    tpu.enqueue_dma source(%dma_start3A_1720 : memref<2500x32xf32, #tpu.memory_space<vmem_shared>>) target(%dma_start3A_1718 : memref<2500x32xf32, #tpu.memory_space<hbm>>) target_semaphore(%arg9 : memref<!tpu.dma_semaphore, #tpu.memory_space<semaphore_mem>>)
    %dma_wait3A_1721 = arith.constant 2 : i32
    %dma_wait3A_1722 = tpu.memref_slice %arg4[%dma_wait3A_1721, %mul3A_7, %mul3A_0] : memref<4x40000x64xf32, #tpu.memory_space<hbm>> -> memref<1x2500x32xf32, #tpu.memory_space<hbm>>
    %dma_wait3A_1723 = tpu.memref_squeeze %dma_wait3A_1722 : memref<1x2500x32xf32, #tpu.memory_space<hbm>> -> memref<2500x32xf32, #tpu.memory_space<hbm>>
    %dma_wait3A_1724 = arith.constant 0 : i32
    %dma_wait3A_1725 = tpu.memref_slice %arg8[%mul3A_7, %dma_wait3A_1724] : memref<40016x32xf32, #tpu.memory_space<vmem_shared>> -> memref<2500x32xf32, #tpu.memory_space<vmem_shared>>
    tpu.wait_dma2 semaphore(%arg9 : memref<!tpu.dma_semaphore, #tpu.memory_space<semaphore_mem>>) src(%dma_wait3A_1725 : memref<2500x32xf32, #tpu.memory_space<vmem_shared>>) dst(%dma_wait3A_1723 : memref<2500x32xf32, #tpu.memory_space<hbm>>)
    %add3A_1726 = arith.constant 0 : i32
    %add3A_1727 = arith.addi %mul3A_7, %add3A_1726 : i32
    %dma_start3A_1728 = arith.constant 0 : i32
    %dma_start3A_1729 = arith.constant 0 : i32
    %dma_start3A_1730 = tpu.memref_slice %arg7[%dma_start3A_1728, %dma_start3A_1729] : memref<128x32xf32, #tpu.memory_space<vmem>> -> memref<128x32xf32, #tpu.memory_space<vmem>>
    %dma_start3A_1731 = arith.constant 0 : i32
    %dma_start3A_1732 = tpu.memref_slice %arg8[%add3A_1727, %dma_start3A_1731] : memref<40016x32xf32, #tpu.memory_space<vmem_shared>> -> memref<128x32xf32, #tpu.memory_space<vmem_shared>>
    %dma_start3A_1733 = arith.constant 0 : i32
    %dma_start3A_1734 = tpu.memref_slice %arg8[%add3A_1727, %dma_start3A_1733] : memref<40016x32xf32, #tpu.memory_space<vmem_shared>> -> memref<128x32xf32, #tpu.memory_space<vmem_shared>>
    %dma_start3A_1735 = arith.constant 0 : i32
    %dma_start3A_1736 = arith.constant 0 : i32
    %dma_start3A_1737 = tpu.memref_slice %arg7[%dma_start3A_1735, %dma_start3A_1736] : memref<128x32xf32, #tpu.memory_space<vmem>> -> memref<128x32xf32, #tpu.memory_space<vmem>>
    tpu.enqueue_dma source(%dma_start3A_1737 : memref<128x32xf32, #tpu.memory_space<vmem>>) target(%dma_start3A_1734 : memref<128x32xf32, #tpu.memory_space<vmem_shared>>) target_semaphore(%arg10 : memref<!tpu.dma_semaphore, #tpu.memory_space<semaphore_mem>>)
    %add3A_1738 = arith.constant 128 : i32
    %add3A_1739 = arith.addi %mul3A_7, %add3A_1738 : i32
    %dma_start3A_1740 = arith.constant 0 : i32
    %dma_start3A_1741 = arith.constant 0 : i32
    %dma_start3A_1742 = tpu.memref_slice %arg7[%dma_start3A_1740, %dma_start3A_1741] : memref<128x32xf32, #tpu.memory_space<vmem>> -> memref<128x32xf32, #tpu.memory_space<vmem>>
    %dma_start3A_1743 = arith.constant 0 : i32
    %dma_start3A_1744 = tpu.memref_slice %arg8[%add3A_1739, %dma_start3A_1743] : memref<40016x32xf32, #tpu.memory_space<vmem_shared>> -> memref<128x32xf32, #tpu.memory_space<vmem_shared>>
    %dma_start3A_1745 = arith.constant 0 : i32
    %dma_start3A_1746 = tpu.memref_slice %arg8[%add3A_1739, %dma_start3A_1745] : memref<40016x32xf32, #tpu.memory_space<vmem_shared>> -> memref<128x32xf32, #tpu.memory_space<vmem_shared>>
    %dma_start3A_1747 = arith.constant 0 : i32
    %dma_start3A_1748 = arith.constant 0 : i32
    %dma_start3A_1749 = tpu.memref_slice %arg7[%dma_start3A_1747, %dma_start3A_1748] : memref<128x32xf32, #tpu.memory_space<vmem>> -> memref<128x32xf32, #tpu.memory_space<vmem>>
    tpu.enqueue_dma source(%dma_start3A_1749 : memref<128x32xf32, #tpu.memory_space<vmem>>) target(%dma_start3A_1746 : memref<128x32xf32, #tpu.memory_space<vmem_shared>>) target_semaphore(%arg10 : memref<!tpu.dma_semaphore, #tpu.memory_space<semaphore_mem>>)
    %add3A_1750 = arith.constant 256 : i32
    %add3A_1751 = arith.addi %mul3A_7, %add3A_1750 : i32
    %dma_start3A_1752 = arith.constant 0 : i32
    %dma_start3A_1753 = arith.constant 0 : i32
    %dma_start3A_1754 = tpu.memref_slice %arg7[%dma_start3A_1752, %dma_start3A_1753] : memref<128x32xf32, #tpu.memory_space<vmem>> -> memref<128x32xf32, #tpu.memory_space<vmem>>
    %dma_start3A_1755 = arith.constant 0 : i32
    %dma_start3A_1756 = tpu.memref_slice %arg8[%add3A_1751, %dma_start3A_1755] : memref<40016x32xf32, #tpu.memory_space<vmem_shared>> -> memref<128x32xf32, #tpu.memory_space<vmem_shared>>
    %dma_start3A_1757 = arith.constant 0 : i32
    %dma_start3A_1758 = tpu.memref_slice %arg8[%add3A_1751, %dma_start3A_1757] : memref<40016x32xf32, #tpu.memory_space<vmem_shared>> -> memref<128x32xf32, #tpu.memory_space<vmem_shared>>
    %dma_start3A_1759 = arith.constant 0 : i32
    %dma_start3A_1760 = arith.constant 0 : i32
    %dma_start3A_1761 = tpu.memref_slice %arg7[%dma_start3A_1759, %dma_start3A_1760] : memref<128x32xf32, #tpu.memory_space<vmem>> -> memref<128x32xf32, #tpu.memory_space<vmem>>
    tpu.enqueue_dma source(%dma_start3A_1761 : memref<128x32xf32, #tpu.memory_space<vmem>>) target(%dma_start3A_1758 : memref<128x32xf32, #tpu.memory_space<vmem_shared>>) target_semaphore(%arg10 : memref<!tpu.dma_semaphore, #tpu.memory_space<semaphore_mem>>)
    %add3A_1762 = arith.constant 384 : i32
    %add3A_1763 = arith.addi %mul3A_7, %add3A_1762 : i32
    %dma_start3A_1764 = arith.constant 0 : i32
    %dma_start3A_1765 = arith.constant 0 : i32
    %dma_start3A_1766 = tpu.memref_slice %arg7[%dma_start3A_1764, %dma_start3A_1765] : memref<128x32xf32, #tpu.memory_space<vmem>> -> memref<128x32xf32, #tpu.memory_space<vmem>>
    %dma_start3A_1767 = arith.constant 0 : i32
    %dma_start3A_1768 = tpu.memref_slice %arg8[%add3A_1763, %dma_start3A_1767] : memref<40016x32xf32, #tpu.memory_space<vmem_shared>> -> memref<128x32xf32, #tpu.memory_space<vmem_shared>>
    %dma_start3A_1769 = arith.constant 0 : i32
    %dma_start3A_1770 = tpu.memref_slice %arg8[%add3A_1763, %dma_start3A_1769] : memref<40016x32xf32, #tpu.memory_space<vmem_shared>> -> memref<128x32xf32, #tpu.memory_space<vmem_shared>>
    %dma_start3A_1771 = arith.constant 0 : i32
    %dma_start3A_1772 = arith.constant 0 : i32
    %dma_start3A_1773 = tpu.memref_slice %arg7[%dma_start3A_1771, %dma_start3A_1772] : memref<128x32xf32, #tpu.memory_space<vmem>> -> memref<128x32xf32, #tpu.memory_space<vmem>>
    tpu.enqueue_dma source(%dma_start3A_1773 : memref<128x32xf32, #tpu.memory_space<vmem>>) target(%dma_start3A_1770 : memref<128x32xf32, #tpu.memory_space<vmem_shared>>) target_semaphore(%arg10 : memref<!tpu.dma_semaphore, #tpu.memory_space<semaphore_mem>>)
    %add3A_1774 = arith.constant 512 : i32
    %add3A_1775 = arith.addi %mul3A_7, %add3A_1774 : i32
    %dma_start3A_1776 = arith.constant 0 : i32
    %dma_start3A_1777 = arith.constant 0 : i32
    %dma_start3A_1778 = tpu.memref_slice %arg7[%dma_start3A_1776, %dma_start3A_1777] : memref<128x32xf32, #tpu.memory_space<vmem>> -> memref<128x32xf32, #tpu.memory_space<vmem>>
    %dma_start3A_1779 = arith.constant 0 : i32
    %dma_start3A_1780 = tpu.memref_slice %arg8[%add3A_1775, %dma_start3A_1779] : memref<40016x32xf32, #tpu.memory_space<vmem_shared>> -> memref<128x32xf32, #tpu.memory_space<vmem_shared>>
    %dma_start3A_1781 = arith.constant 0 : i32
    %dma_start3A_1782 = tpu.memref_slice %arg8[%add3A_1775, %dma_start3A_1781] : memref<40016x32xf32, #tpu.memory_space<vmem_shared>> -> memref<128x32xf32, #tpu.memory_space<vmem_shared>>
    %dma_start3A_1783 = arith.constant 0 : i32
    %dma_start3A_1784 = arith.constant 0 : i32
    %dma_start3A_1785 = tpu.memref_slice %arg7[%dma_start3A_1783, %dma_start3A_1784] : memref<128x32xf32, #tpu.memory_space<vmem>> -> memref<128x32xf32, #tpu.memory_space<vmem>>
    tpu.enqueue_dma source(%dma_start3A_1785 : memref<128x32xf32, #tpu.memory_space<vmem>>) target(%dma_start3A_1782 : memref<128x32xf32, #tpu.memory_space<vmem_shared>>) target_semaphore(%arg10 : memref<!tpu.dma_semaphore, #tpu.memory_space<semaphore_mem>>)
    %add3A_1786 = arith.constant 640 : i32
    %add3A_1787 = arith.addi %mul3A_7, %add3A_1786 : i32
    %dma_start3A_1788 = arith.constant 0 : i32
    %dma_start3A_1789 = arith.constant 0 : i32
    %dma_start3A_1790 = tpu.memref_slice %arg7[%dma_start3A_1788, %dma_start3A_1789] : memref<128x32xf32, #tpu.memory_space<vmem>> -> memref<128x32xf32, #tpu.memory_space<vmem>>
    %dma_start3A_1791 = arith.constant 0 : i32
    %dma_start3A_1792 = tpu.memref_slice %arg8[%add3A_1787, %dma_start3A_1791] : memref<40016x32xf32, #tpu.memory_space<vmem_shared>> -> memref<128x32xf32, #tpu.memory_space<vmem_shared>>
    %dma_start3A_1793 = arith.constant 0 : i32
    %dma_start3A_1794 = tpu.memref_slice %arg8[%add3A_1787, %dma_start3A_1793] : memref<40016x32xf32, #tpu.memory_space<vmem_shared>> -> memref<128x32xf32, #tpu.memory_space<vmem_shared>>
    %dma_start3A_1795 = arith.constant 0 : i32
    %dma_start3A_1796 = arith.constant 0 : i32
    %dma_start3A_1797 = tpu.memref_slice %arg7[%dma_start3A_1795, %dma_start3A_1796] : memref<128x32xf32, #tpu.memory_space<vmem>> -> memref<128x32xf32, #tpu.memory_space<vmem>>
    tpu.enqueue_dma source(%dma_start3A_1797 : memref<128x32xf32, #tpu.memory_space<vmem>>) target(%dma_start3A_1794 : memref<128x32xf32, #tpu.memory_space<vmem_shared>>) target_semaphore(%arg10 : memref<!tpu.dma_semaphore, #tpu.memory_space<semaphore_mem>>)
    %add3A_1798 = arith.constant 768 : i32
    %add3A_1799 = arith.addi %mul3A_7, %add3A_1798 : i32
    %dma_start3A_1800 = arith.constant 0 : i32
    %dma_start3A_1801 = arith.constant 0 : i32
    %dma_start3A_1802 = tpu.memref_slice %arg7[%dma_start3A_1800, %dma_start3A_1801] : memref<128x32xf32, #tpu.memory_space<vmem>> -> memref<128x32xf32, #tpu.memory_space<vmem>>
    %dma_start3A_1803 = arith.constant 0 : i32
    %dma_start3A_1804 = tpu.memref_slice %arg8[%add3A_1799, %dma_start3A_1803] : memref<40016x32xf32, #tpu.memory_space<vmem_shared>> -> memref<128x32xf32, #tpu.memory_space<vmem_shared>>
    %dma_start3A_1805 = arith.constant 0 : i32
    %dma_start3A_1806 = tpu.memref_slice %arg8[%add3A_1799, %dma_start3A_1805] : memref<40016x32xf32, #tpu.memory_space<vmem_shared>> -> memref<128x32xf32, #tpu.memory_space<vmem_shared>>
    %dma_start3A_1807 = arith.constant 0 : i32
    %dma_start3A_1808 = arith.constant 0 : i32
    %dma_start3A_1809 = tpu.memref_slice %arg7[%dma_start3A_1807, %dma_start3A_1808] : memref<128x32xf32, #tpu.memory_space<vmem>> -> memref<128x32xf32, #tpu.memory_space<vmem>>
    tpu.enqueue_dma source(%dma_start3A_1809 : memref<128x32xf32, #tpu.memory_space<vmem>>) target(%dma_start3A_1806 : memref<128x32xf32, #tpu.memory_space<vmem_shared>>) target_semaphore(%arg10 : memref<!tpu.dma_semaphore, #tpu.memory_space<semaphore_mem>>)
    %add3A_1810 = arith.constant 896 : i32
    %add3A_1811 = arith.addi %mul3A_7, %add3A_1810 : i32
    %dma_start3A_1812 = arith.constant 0 : i32
    %dma_start3A_1813 = arith.constant 0 : i32
    %dma_start3A_1814 = tpu.memref_slice %arg7[%dma_start3A_1812, %dma_start3A_1813] : memref<128x32xf32, #tpu.memory_space<vmem>> -> memref<128x32xf32, #tpu.memory_space<vmem>>
    %dma_start3A_1815 = arith.constant 0 : i32
    %dma_start3A_1816 = tpu.memref_slice %arg8[%add3A_1811, %dma_start3A_1815] : memref<40016x32xf32, #tpu.memory_space<vmem_shared>> -> memref<128x32xf32, #tpu.memory_space<vmem_shared>>
    %dma_start3A_1817 = arith.constant 0 : i32
    %dma_start3A_1818 = tpu.memref_slice %arg8[%add3A_1811, %dma_start3A_1817] : memref<40016x32xf32, #tpu.memory_space<vmem_shared>> -> memref<128x32xf32, #tpu.memory_space<vmem_shared>>
    %dma_start3A_1819 = arith.constant 0 : i32
    %dma_start3A_1820 = arith.constant 0 : i32
    %dma_start3A_1821 = tpu.memref_slice %arg7[%dma_start3A_1819, %dma_start3A_1820] : memref<128x32xf32, #tpu.memory_space<vmem>> -> memref<128x32xf32, #tpu.memory_space<vmem>>
    tpu.enqueue_dma source(%dma_start3A_1821 : memref<128x32xf32, #tpu.memory_space<vmem>>) target(%dma_start3A_1818 : memref<128x32xf32, #tpu.memory_space<vmem_shared>>) target_semaphore(%arg10 : memref<!tpu.dma_semaphore, #tpu.memory_space<semaphore_mem>>)
    %add3A_1822 = arith.constant 1024 : i32
    %add3A_1823 = arith.addi %mul3A_7, %add3A_1822 : i32
    %dma_start3A_1824 = arith.constant 0 : i32
    %dma_start3A_1825 = arith.constant 0 : i32
    %dma_start3A_1826 = tpu.memref_slice %arg7[%dma_start3A_1824, %dma_start3A_1825] : memref<128x32xf32, #tpu.memory_space<vmem>> -> memref<128x32xf32, #tpu.memory_space<vmem>>
    %dma_start3A_1827 = arith.constant 0 : i32
    %dma_start3A_1828 = tpu.memref_slice %arg8[%add3A_1823, %dma_start3A_1827] : memref<40016x32xf32, #tpu.memory_space<vmem_shared>> -> memref<128x32xf32, #tpu.memory_space<vmem_shared>>
    %dma_start3A_1829 = arith.constant 0 : i32
    %dma_start3A_1830 = tpu.memref_slice %arg8[%add3A_1823, %dma_start3A_1829] : memref<40016x32xf32, #tpu.memory_space<vmem_shared>> -> memref<128x32xf32, #tpu.memory_space<vmem_shared>>
    %dma_start3A_1831 = arith.constant 0 : i32
    %dma_start3A_1832 = arith.constant 0 : i32
    %dma_start3A_1833 = tpu.memref_slice %arg7[%dma_start3A_1831, %dma_start3A_1832] : memref<128x32xf32, #tpu.memory_space<vmem>> -> memref<128x32xf32, #tpu.memory_space<vmem>>
    tpu.enqueue_dma source(%dma_start3A_1833 : memref<128x32xf32, #tpu.memory_space<vmem>>) target(%dma_start3A_1830 : memref<128x32xf32, #tpu.memory_space<vmem_shared>>) target_semaphore(%arg10 : memref<!tpu.dma_semaphore, #tpu.memory_space<semaphore_mem>>)
    %add3A_1834 = arith.constant 1152 : i32
    %add3A_1835 = arith.addi %mul3A_7, %add3A_1834 : i32
    %dma_start3A_1836 = arith.constant 0 : i32
    %dma_start3A_1837 = arith.constant 0 : i32
    %dma_start3A_1838 = tpu.memref_slice %arg7[%dma_start3A_1836, %dma_start3A_1837] : memref<128x32xf32, #tpu.memory_space<vmem>> -> memref<128x32xf32, #tpu.memory_space<vmem>>
    %dma_start3A_1839 = arith.constant 0 : i32
    %dma_start3A_1840 = tpu.memref_slice %arg8[%add3A_1835, %dma_start3A_1839] : memref<40016x32xf32, #tpu.memory_space<vmem_shared>> -> memref<128x32xf32, #tpu.memory_space<vmem_shared>>
    %dma_start3A_1841 = arith.constant 0 : i32
    %dma_start3A_1842 = tpu.memref_slice %arg8[%add3A_1835, %dma_start3A_1841] : memref<40016x32xf32, #tpu.memory_space<vmem_shared>> -> memref<128x32xf32, #tpu.memory_space<vmem_shared>>
    %dma_start3A_1843 = arith.constant 0 : i32
    %dma_start3A_1844 = arith.constant 0 : i32
    %dma_start3A_1845 = tpu.memref_slice %arg7[%dma_start3A_1843, %dma_start3A_1844] : memref<128x32xf32, #tpu.memory_space<vmem>> -> memref<128x32xf32, #tpu.memory_space<vmem>>
    tpu.enqueue_dma source(%dma_start3A_1845 : memref<128x32xf32, #tpu.memory_space<vmem>>) target(%dma_start3A_1842 : memref<128x32xf32, #tpu.memory_space<vmem_shared>>) target_semaphore(%arg10 : memref<!tpu.dma_semaphore, #tpu.memory_space<semaphore_mem>>)
    %add3A_1846 = arith.constant 1280 : i32
    %add3A_1847 = arith.addi %mul3A_7, %add3A_1846 : i32
    %dma_start3A_1848 = arith.constant 0 : i32
    %dma_start3A_1849 = arith.constant 0 : i32
    %dma_start3A_1850 = tpu.memref_slice %arg7[%dma_start3A_1848, %dma_start3A_1849] : memref<128x32xf32, #tpu.memory_space<vmem>> -> memref<128x32xf32, #tpu.memory_space<vmem>>
    %dma_start3A_1851 = arith.constant 0 : i32
    %dma_start3A_1852 = tpu.memref_slice %arg8[%add3A_1847, %dma_start3A_1851] : memref<40016x32xf32, #tpu.memory_space<vmem_shared>> -> memref<128x32xf32, #tpu.memory_space<vmem_shared>>
    %dma_start3A_1853 = arith.constant 0 : i32
    %dma_start3A_1854 = tpu.memref_slice %arg8[%add3A_1847, %dma_start3A_1853] : memref<40016x32xf32, #tpu.memory_space<vmem_shared>> -> memref<128x32xf32, #tpu.memory_space<vmem_shared>>
    %dma_start3A_1855 = arith.constant 0 : i32
    %dma_start3A_1856 = arith.constant 0 : i32
    %dma_start3A_1857 = tpu.memref_slice %arg7[%dma_start3A_1855, %dma_start3A_1856] : memref<128x32xf32, #tpu.memory_space<vmem>> -> memref<128x32xf32, #tpu.memory_space<vmem>>
    tpu.enqueue_dma source(%dma_start3A_1857 : memref<128x32xf32, #tpu.memory_space<vmem>>) target(%dma_start3A_1854 : memref<128x32xf32, #tpu.memory_space<vmem_shared>>) target_semaphore(%arg10 : memref<!tpu.dma_semaphore, #tpu.memory_space<semaphore_mem>>)
    %add3A_1858 = arith.constant 1408 : i32
    %add3A_1859 = arith.addi %mul3A_7, %add3A_1858 : i32
    %dma_start3A_1860 = arith.constant 0 : i32
    %dma_start3A_1861 = arith.constant 0 : i32
    %dma_start3A_1862 = tpu.memref_slice %arg7[%dma_start3A_1860, %dma_start3A_1861] : memref<128x32xf32, #tpu.memory_space<vmem>> -> memref<128x32xf32, #tpu.memory_space<vmem>>
    %dma_start3A_1863 = arith.constant 0 : i32
    %dma_start3A_1864 = tpu.memref_slice %arg8[%add3A_1859, %dma_start3A_1863] : memref<40016x32xf32, #tpu.memory_space<vmem_shared>> -> memref<128x32xf32, #tpu.memory_space<vmem_shared>>
    %dma_start3A_1865 = arith.constant 0 : i32
    %dma_start3A_1866 = tpu.memref_slice %arg8[%add3A_1859, %dma_start3A_1865] : memref<40016x32xf32, #tpu.memory_space<vmem_shared>> -> memref<128x32xf32, #tpu.memory_space<vmem_shared>>
    %dma_start3A_1867 = arith.constant 0 : i32
    %dma_start3A_1868 = arith.constant 0 : i32
    %dma_start3A_1869 = tpu.memref_slice %arg7[%dma_start3A_1867, %dma_start3A_1868] : memref<128x32xf32, #tpu.memory_space<vmem>> -> memref<128x32xf32, #tpu.memory_space<vmem>>
    tpu.enqueue_dma source(%dma_start3A_1869 : memref<128x32xf32, #tpu.memory_space<vmem>>) target(%dma_start3A_1866 : memref<128x32xf32, #tpu.memory_space<vmem_shared>>) target_semaphore(%arg10 : memref<!tpu.dma_semaphore, #tpu.memory_space<semaphore_mem>>)
    %add3A_1870 = arith.constant 1536 : i32
    %add3A_1871 = arith.addi %mul3A_7, %add3A_1870 : i32
    %dma_start3A_1872 = arith.constant 0 : i32
    %dma_start3A_1873 = arith.constant 0 : i32
    %dma_start3A_1874 = tpu.memref_slice %arg7[%dma_start3A_1872, %dma_start3A_1873] : memref<128x32xf32, #tpu.memory_space<vmem>> -> memref<128x32xf32, #tpu.memory_space<vmem>>
    %dma_start3A_1875 = arith.constant 0 : i32
    %dma_start3A_1876 = tpu.memref_slice %arg8[%add3A_1871, %dma_start3A_1875] : memref<40016x32xf32, #tpu.memory_space<vmem_shared>> -> memref<128x32xf32, #tpu.memory_space<vmem_shared>>
    %dma_start3A_1877 = arith.constant 0 : i32
    %dma_start3A_1878 = tpu.memref_slice %arg8[%add3A_1871, %dma_start3A_1877] : memref<40016x32xf32, #tpu.memory_space<vmem_shared>> -> memref<128x32xf32, #tpu.memory_space<vmem_shared>>
    %dma_start3A_1879 = arith.constant 0 : i32
    %dma_start3A_1880 = arith.constant 0 : i32
    %dma_start3A_1881 = tpu.memref_slice %arg7[%dma_start3A_1879, %dma_start3A_1880] : memref<128x32xf32, #tpu.memory_space<vmem>> -> memref<128x32xf32, #tpu.memory_space<vmem>>
    tpu.enqueue_dma source(%dma_start3A_1881 : memref<128x32xf32, #tpu.memory_space<vmem>>) target(%dma_start3A_1878 : memref<128x32xf32, #tpu.memory_space<vmem_shared>>) target_semaphore(%arg10 : memref<!tpu.dma_semaphore, #tpu.memory_space<semaphore_mem>>)
    %add3A_1882 = arith.constant 1664 : i32
    %add3A_1883 = arith.addi %mul3A_7, %add3A_1882 : i32
    %dma_start3A_1884 = arith.constant 0 : i32
    %dma_start3A_1885 = arith.constant 0 : i32
    %dma_start3A_1886 = tpu.memref_slice %arg7[%dma_start3A_1884, %dma_start3A_1885] : memref<128x32xf32, #tpu.memory_space<vmem>> -> memref<128x32xf32, #tpu.memory_space<vmem>>
    %dma_start3A_1887 = arith.constant 0 : i32
    %dma_start3A_1888 = tpu.memref_slice %arg8[%add3A_1883, %dma_start3A_1887] : memref<40016x32xf32, #tpu.memory_space<vmem_shared>> -> memref<128x32xf32, #tpu.memory_space<vmem_shared>>
    %dma_start3A_1889 = arith.constant 0 : i32
    %dma_start3A_1890 = tpu.memref_slice %arg8[%add3A_1883, %dma_start3A_1889] : memref<40016x32xf32, #tpu.memory_space<vmem_shared>> -> memref<128x32xf32, #tpu.memory_space<vmem_shared>>
    %dma_start3A_1891 = arith.constant 0 : i32
    %dma_start3A_1892 = arith.constant 0 : i32
    %dma_start3A_1893 = tpu.memref_slice %arg7[%dma_start3A_1891, %dma_start3A_1892] : memref<128x32xf32, #tpu.memory_space<vmem>> -> memref<128x32xf32, #tpu.memory_space<vmem>>
    tpu.enqueue_dma source(%dma_start3A_1893 : memref<128x32xf32, #tpu.memory_space<vmem>>) target(%dma_start3A_1890 : memref<128x32xf32, #tpu.memory_space<vmem_shared>>) target_semaphore(%arg10 : memref<!tpu.dma_semaphore, #tpu.memory_space<semaphore_mem>>)
    %add3A_1894 = arith.constant 1792 : i32
    %add3A_1895 = arith.addi %mul3A_7, %add3A_1894 : i32
    %dma_start3A_1896 = arith.constant 0 : i32
    %dma_start3A_1897 = arith.constant 0 : i32
    %dma_start3A_1898 = tpu.memref_slice %arg7[%dma_start3A_1896, %dma_start3A_1897] : memref<128x32xf32, #tpu.memory_space<vmem>> -> memref<128x32xf32, #tpu.memory_space<vmem>>
    %dma_start3A_1899 = arith.constant 0 : i32
    %dma_start3A_1900 = tpu.memref_slice %arg8[%add3A_1895, %dma_start3A_1899] : memref<40016x32xf32, #tpu.memory_space<vmem_shared>> -> memref<128x32xf32, #tpu.memory_space<vmem_shared>>
    %dma_start3A_1901 = arith.constant 0 : i32
    %dma_start3A_1902 = tpu.memref_slice %arg8[%add3A_1895, %dma_start3A_1901] : memref<40016x32xf32, #tpu.memory_space<vmem_shared>> -> memref<128x32xf32, #tpu.memory_space<vmem_shared>>
    %dma_start3A_1903 = arith.constant 0 : i32
    %dma_start3A_1904 = arith.constant 0 : i32
    %dma_start3A_1905 = tpu.memref_slice %arg7[%dma_start3A_1903, %dma_start3A_1904] : memref<128x32xf32, #tpu.memory_space<vmem>> -> memref<128x32xf32, #tpu.memory_space<vmem>>
    tpu.enqueue_dma source(%dma_start3A_1905 : memref<128x32xf32, #tpu.memory_space<vmem>>) target(%dma_start3A_1902 : memref<128x32xf32, #tpu.memory_space<vmem_shared>>) target_semaphore(%arg10 : memref<!tpu.dma_semaphore, #tpu.memory_space<semaphore_mem>>)
    %add3A_1906 = arith.constant 1920 : i32
    %add3A_1907 = arith.addi %mul3A_7, %add3A_1906 : i32
    %dma_start3A_1908 = arith.constant 0 : i32
    %dma_start3A_1909 = arith.constant 0 : i32
    %dma_start3A_1910 = tpu.memref_slice %arg7[%dma_start3A_1908, %dma_start3A_1909] : memref<128x32xf32, #tpu.memory_space<vmem>> -> memref<128x32xf32, #tpu.memory_space<vmem>>
    %dma_start3A_1911 = arith.constant 0 : i32
    %dma_start3A_1912 = tpu.memref_slice %arg8[%add3A_1907, %dma_start3A_1911] : memref<40016x32xf32, #tpu.memory_space<vmem_shared>> -> memref<128x32xf32, #tpu.memory_space<vmem_shared>>
    %dma_start3A_1913 = arith.constant 0 : i32
    %dma_start3A_1914 = tpu.memref_slice %arg8[%add3A_1907, %dma_start3A_1913] : memref<40016x32xf32, #tpu.memory_space<vmem_shared>> -> memref<128x32xf32, #tpu.memory_space<vmem_shared>>
    %dma_start3A_1915 = arith.constant 0 : i32
    %dma_start3A_1916 = arith.constant 0 : i32
    %dma_start3A_1917 = tpu.memref_slice %arg7[%dma_start3A_1915, %dma_start3A_1916] : memref<128x32xf32, #tpu.memory_space<vmem>> -> memref<128x32xf32, #tpu.memory_space<vmem>>
    tpu.enqueue_dma source(%dma_start3A_1917 : memref<128x32xf32, #tpu.memory_space<vmem>>) target(%dma_start3A_1914 : memref<128x32xf32, #tpu.memory_space<vmem_shared>>) target_semaphore(%arg10 : memref<!tpu.dma_semaphore, #tpu.memory_space<semaphore_mem>>)
    %add3A_1918 = arith.constant 2048 : i32
    %add3A_1919 = arith.addi %mul3A_7, %add3A_1918 : i32
    %dma_start3A_1920 = arith.constant 0 : i32
    %dma_start3A_1921 = arith.constant 0 : i32
    %dma_start3A_1922 = tpu.memref_slice %arg7[%dma_start3A_1920, %dma_start3A_1921] : memref<128x32xf32, #tpu.memory_space<vmem>> -> memref<128x32xf32, #tpu.memory_space<vmem>>
    %dma_start3A_1923 = arith.constant 0 : i32
    %dma_start3A_1924 = tpu.memref_slice %arg8[%add3A_1919, %dma_start3A_1923] : memref<40016x32xf32, #tpu.memory_space<vmem_shared>> -> memref<128x32xf32, #tpu.memory_space<vmem_shared>>
    %dma_start3A_1925 = arith.constant 0 : i32
    %dma_start3A_1926 = tpu.memref_slice %arg8[%add3A_1919, %dma_start3A_1925] : memref<40016x32xf32, #tpu.memory_space<vmem_shared>> -> memref<128x32xf32, #tpu.memory_space<vmem_shared>>
    %dma_start3A_1927 = arith.constant 0 : i32
    %dma_start3A_1928 = arith.constant 0 : i32
    %dma_start3A_1929 = tpu.memref_slice %arg7[%dma_start3A_1927, %dma_start3A_1928] : memref<128x32xf32, #tpu.memory_space<vmem>> -> memref<128x32xf32, #tpu.memory_space<vmem>>
    tpu.enqueue_dma source(%dma_start3A_1929 : memref<128x32xf32, #tpu.memory_space<vmem>>) target(%dma_start3A_1926 : memref<128x32xf32, #tpu.memory_space<vmem_shared>>) target_semaphore(%arg10 : memref<!tpu.dma_semaphore, #tpu.memory_space<semaphore_mem>>)
    %add3A_1930 = arith.constant 2176 : i32
    %add3A_1931 = arith.addi %mul3A_7, %add3A_1930 : i32
    %dma_start3A_1932 = arith.constant 0 : i32
    %dma_start3A_1933 = arith.constant 0 : i32
    %dma_start3A_1934 = tpu.memref_slice %arg7[%dma_start3A_1932, %dma_start3A_1933] : memref<128x32xf32, #tpu.memory_space<vmem>> -> memref<128x32xf32, #tpu.memory_space<vmem>>
    %dma_start3A_1935 = arith.constant 0 : i32
    %dma_start3A_1936 = tpu.memref_slice %arg8[%add3A_1931, %dma_start3A_1935] : memref<40016x32xf32, #tpu.memory_space<vmem_shared>> -> memref<128x32xf32, #tpu.memory_space<vmem_shared>>
    %dma_start3A_1937 = arith.constant 0 : i32
    %dma_start3A_1938 = tpu.memref_slice %arg8[%add3A_1931, %dma_start3A_1937] : memref<40016x32xf32, #tpu.memory_space<vmem_shared>> -> memref<128x32xf32, #tpu.memory_space<vmem_shared>>
    %dma_start3A_1939 = arith.constant 0 : i32
    %dma_start3A_1940 = arith.constant 0 : i32
    %dma_start3A_1941 = tpu.memref_slice %arg7[%dma_start3A_1939, %dma_start3A_1940] : memref<128x32xf32, #tpu.memory_space<vmem>> -> memref<128x32xf32, #tpu.memory_space<vmem>>
    tpu.enqueue_dma source(%dma_start3A_1941 : memref<128x32xf32, #tpu.memory_space<vmem>>) target(%dma_start3A_1938 : memref<128x32xf32, #tpu.memory_space<vmem_shared>>) target_semaphore(%arg10 : memref<!tpu.dma_semaphore, #tpu.memory_space<semaphore_mem>>)
    %add3A_1942 = arith.constant 2304 : i32
    %add3A_1943 = arith.addi %mul3A_7, %add3A_1942 : i32
    %dma_start3A_1944 = arith.constant 0 : i32
    %dma_start3A_1945 = arith.constant 0 : i32
    %dma_start3A_1946 = tpu.memref_slice %arg7[%dma_start3A_1944, %dma_start3A_1945] : memref<128x32xf32, #tpu.memory_space<vmem>> -> memref<128x32xf32, #tpu.memory_space<vmem>>
    %dma_start3A_1947 = arith.constant 0 : i32
    %dma_start3A_1948 = tpu.memref_slice %arg8[%add3A_1943, %dma_start3A_1947] : memref<40016x32xf32, #tpu.memory_space<vmem_shared>> -> memref<128x32xf32, #tpu.memory_space<vmem_shared>>
    %dma_start3A_1949 = arith.constant 0 : i32
    %dma_start3A_1950 = tpu.memref_slice %arg8[%add3A_1943, %dma_start3A_1949] : memref<40016x32xf32, #tpu.memory_space<vmem_shared>> -> memref<128x32xf32, #tpu.memory_space<vmem_shared>>
    %dma_start3A_1951 = arith.constant 0 : i32
    %dma_start3A_1952 = arith.constant 0 : i32
    %dma_start3A_1953 = tpu.memref_slice %arg7[%dma_start3A_1951, %dma_start3A_1952] : memref<128x32xf32, #tpu.memory_space<vmem>> -> memref<128x32xf32, #tpu.memory_space<vmem>>
    tpu.enqueue_dma source(%dma_start3A_1953 : memref<128x32xf32, #tpu.memory_space<vmem>>) target(%dma_start3A_1950 : memref<128x32xf32, #tpu.memory_space<vmem_shared>>) target_semaphore(%arg10 : memref<!tpu.dma_semaphore, #tpu.memory_space<semaphore_mem>>)
    %add3A_1954 = arith.constant 2432 : i32
    %add3A_1955 = arith.addi %mul3A_7, %add3A_1954 : i32
    %dma_start3A_1956 = arith.constant 0 : i32
    %dma_start3A_1957 = arith.constant 0 : i32
    %dma_start3A_1958 = tpu.memref_slice %arg7[%dma_start3A_1956, %dma_start3A_1957] : memref<128x32xf32, #tpu.memory_space<vmem>> -> memref<68x32xf32, #tpu.memory_space<vmem>>
    %dma_start3A_1959 = arith.constant 0 : i32
    %dma_start3A_1960 = tpu.memref_slice %arg8[%add3A_1955, %dma_start3A_1959] : memref<40016x32xf32, #tpu.memory_space<vmem_shared>> -> memref<68x32xf32, #tpu.memory_space<vmem_shared>>
    %dma_start3A_1961 = arith.constant 0 : i32
    %dma_start3A_1962 = tpu.memref_slice %arg8[%add3A_1955, %dma_start3A_1961] : memref<40016x32xf32, #tpu.memory_space<vmem_shared>> -> memref<68x32xf32, #tpu.memory_space<vmem_shared>>
    %dma_start3A_1963 = arith.constant 0 : i32
    %dma_start3A_1964 = arith.constant 0 : i32
    %dma_start3A_1965 = tpu.memref_slice %arg7[%dma_start3A_1963, %dma_start3A_1964] : memref<128x32xf32, #tpu.memory_space<vmem>> -> memref<68x32xf32, #tpu.memory_space<vmem>>
    tpu.enqueue_dma source(%dma_start3A_1965 : memref<68x32xf32, #tpu.memory_space<vmem>>) target(%dma_start3A_1962 : memref<68x32xf32, #tpu.memory_space<vmem_shared>>) target_semaphore(%arg10 : memref<!tpu.dma_semaphore, #tpu.memory_space<semaphore_mem>>)
    %dma_wait3A_1966 = arith.constant 0 : i32
    %dma_wait3A_1967 = arith.constant 0 : i32
    %dma_wait3A_1968 = tpu.memref_slice %arg7[%dma_wait3A_1966, %dma_wait3A_1967] : memref<128x32xf32, #tpu.memory_space<vmem>> -> memref<128x32xf32, #tpu.memory_space<vmem>>
    %dma_wait3A_1969 = arith.constant 0 : i32
    %dma_wait3A_1970 = tpu.memref_slice %arg8[%add3A_1727, %dma_wait3A_1969] : memref<40016x32xf32, #tpu.memory_space<vmem_shared>> -> memref<128x32xf32, #tpu.memory_space<vmem_shared>>
    %dma_wait3A_1971 = arith.constant 0 : i32
    %dma_wait3A_1972 = tpu.memref_slice %arg8[%add3A_1727, %dma_wait3A_1971] : memref<40016x32xf32, #tpu.memory_space<vmem_shared>> -> memref<128x32xf32, #tpu.memory_space<vmem_shared>>
    %dma_wait3A_1973 = arith.constant 0 : i32
    %dma_wait3A_1974 = arith.constant 0 : i32
    %dma_wait3A_1975 = tpu.memref_slice %arg7[%dma_wait3A_1973, %dma_wait3A_1974] : memref<128x32xf32, #tpu.memory_space<vmem>> -> memref<128x32xf32, #tpu.memory_space<vmem>>
    tpu.wait_dma2 semaphore(%arg10 : memref<!tpu.dma_semaphore, #tpu.memory_space<semaphore_mem>>) src(%dma_wait3A_1975 : memref<128x32xf32, #tpu.memory_space<vmem>>) dst(%dma_wait3A_1972 : memref<128x32xf32, #tpu.memory_space<vmem_shared>>)
    %dma_wait3A_1976 = arith.constant 0 : i32
    %dma_wait3A_1977 = arith.constant 0 : i32
    %dma_wait3A_1978 = tpu.memref_slice %arg7[%dma_wait3A_1976, %dma_wait3A_1977] : memref<128x32xf32, #tpu.memory_space<vmem>> -> memref<128x32xf32, #tpu.memory_space<vmem>>
    %dma_wait3A_1979 = arith.constant 0 : i32
    %dma_wait3A_1980 = tpu.memref_slice %arg8[%add3A_1739, %dma_wait3A_1979] : memref<40016x32xf32, #tpu.memory_space<vmem_shared>> -> memref<128x32xf32, #tpu.memory_space<vmem_shared>>
    %dma_wait3A_1981 = arith.constant 0 : i32
    %dma_wait3A_1982 = tpu.memref_slice %arg8[%add3A_1739, %dma_wait3A_1981] : memref<40016x32xf32, #tpu.memory_space<vmem_shared>> -> memref<128x32xf32, #tpu.memory_space<vmem_shared>>
    %dma_wait3A_1983 = arith.constant 0 : i32
    %dma_wait3A_1984 = arith.constant 0 : i32
    %dma_wait3A_1985 = tpu.memref_slice %arg7[%dma_wait3A_1983, %dma_wait3A_1984] : memref<128x32xf32, #tpu.memory_space<vmem>> -> memref<128x32xf32, #tpu.memory_space<vmem>>
    tpu.wait_dma2 semaphore(%arg10 : memref<!tpu.dma_semaphore, #tpu.memory_space<semaphore_mem>>) src(%dma_wait3A_1985 : memref<128x32xf32, #tpu.memory_space<vmem>>) dst(%dma_wait3A_1982 : memref<128x32xf32, #tpu.memory_space<vmem_shared>>)
    %dma_wait3A_1986 = arith.constant 0 : i32
    %dma_wait3A_1987 = arith.constant 0 : i32
    %dma_wait3A_1988 = tpu.memref_slice %arg7[%dma_wait3A_1986, %dma_wait3A_1987] : memref<128x32xf32, #tpu.memory_space<vmem>> -> memref<128x32xf32, #tpu.memory_space<vmem>>
    %dma_wait3A_1989 = arith.constant 0 : i32
    %dma_wait3A_1990 = tpu.memref_slice %arg8[%add3A_1751, %dma_wait3A_1989] : memref<40016x32xf32, #tpu.memory_space<vmem_shared>> -> memref<128x32xf32, #tpu.memory_space<vmem_shared>>
    %dma_wait3A_1991 = arith.constant 0 : i32
    %dma_wait3A_1992 = tpu.memref_slice %arg8[%add3A_1751, %dma_wait3A_1991] : memref<40016x32xf32, #tpu.memory_space<vmem_shared>> -> memref<128x32xf32, #tpu.memory_space<vmem_shared>>
    %dma_wait3A_1993 = arith.constant 0 : i32
    %dma_wait3A_1994 = arith.constant 0 : i32
    %dma_wait3A_1995 = tpu.memref_slice %arg7[%dma_wait3A_1993, %dma_wait3A_1994] : memref<128x32xf32, #tpu.memory_space<vmem>> -> memref<128x32xf32, #tpu.memory_space<vmem>>
    tpu.wait_dma2 semaphore(%arg10 : memref<!tpu.dma_semaphore, #tpu.memory_space<semaphore_mem>>) src(%dma_wait3A_1995 : memref<128x32xf32, #tpu.memory_space<vmem>>) dst(%dma_wait3A_1992 : memref<128x32xf32, #tpu.memory_space<vmem_shared>>)
    %dma_wait3A_1996 = arith.constant 0 : i32
    %dma_wait3A_1997 = arith.constant 0 : i32
    %dma_wait3A_1998 = tpu.memref_slice %arg7[%dma_wait3A_1996, %dma_wait3A_1997] : memref<128x32xf32, #tpu.memory_space<vmem>> -> memref<128x32xf32, #tpu.memory_space<vmem>>
    %dma_wait3A_1999 = arith.constant 0 : i32
    %dma_wait3A_2000 = tpu.memref_slice %arg8[%add3A_1763, %dma_wait3A_1999] : memref<40016x32xf32, #tpu.memory_space<vmem_shared>> -> memref<128x32xf32, #tpu.memory_space<vmem_shared>>
    %dma_wait3A_2001 = arith.constant 0 : i32
    %dma_wait3A_2002 = tpu.memref_slice %arg8[%add3A_1763, %dma_wait3A_2001] : memref<40016x32xf32, #tpu.memory_space<vmem_shared>> -> memref<128x32xf32, #tpu.memory_space<vmem_shared>>
    %dma_wait3A_2003 = arith.constant 0 : i32
    %dma_wait3A_2004 = arith.constant 0 : i32
    %dma_wait3A_2005 = tpu.memref_slice %arg7[%dma_wait3A_2003, %dma_wait3A_2004] : memref<128x32xf32, #tpu.memory_space<vmem>> -> memref<128x32xf32, #tpu.memory_space<vmem>>
    tpu.wait_dma2 semaphore(%arg10 : memref<!tpu.dma_semaphore, #tpu.memory_space<semaphore_mem>>) src(%dma_wait3A_2005 : memref<128x32xf32, #tpu.memory_space<vmem>>) dst(%dma_wait3A_2002 : memref<128x32xf32, #tpu.memory_space<vmem_shared>>)
    %dma_wait3A_2006 = arith.constant 0 : i32
    %dma_wait3A_2007 = arith.constant 0 : i32
    %dma_wait3A_2008 = tpu.memref_slice %arg7[%dma_wait3A_2006, %dma_wait3A_2007] : memref<128x32xf32, #tpu.memory_space<vmem>> -> memref<128x32xf32, #tpu.memory_space<vmem>>
    %dma_wait3A_2009 = arith.constant 0 : i32
    %dma_wait3A_2010 = tpu.memref_slice %arg8[%add3A_1775, %dma_wait3A_2009] : memref<40016x32xf32, #tpu.memory_space<vmem_shared>> -> memref<128x32xf32, #tpu.memory_space<vmem_shared>>
    %dma_wait3A_2011 = arith.constant 0 : i32
    %dma_wait3A_2012 = tpu.memref_slice %arg8[%add3A_1775, %dma_wait3A_2011] : memref<40016x32xf32, #tpu.memory_space<vmem_shared>> -> memref<128x32xf32, #tpu.memory_space<vmem_shared>>
    %dma_wait3A_2013 = arith.constant 0 : i32
    %dma_wait3A_2014 = arith.constant 0 : i32
    %dma_wait3A_2015 = tpu.memref_slice %arg7[%dma_wait3A_2013, %dma_wait3A_2014] : memref<128x32xf32, #tpu.memory_space<vmem>> -> memref<128x32xf32, #tpu.memory_space<vmem>>
    tpu.wait_dma2 semaphore(%arg10 : memref<!tpu.dma_semaphore, #tpu.memory_space<semaphore_mem>>) src(%dma_wait3A_2015 : memref<128x32xf32, #tpu.memory_space<vmem>>) dst(%dma_wait3A_2012 : memref<128x32xf32, #tpu.memory_space<vmem_shared>>)
    %dma_wait3A_2016 = arith.constant 0 : i32
    %dma_wait3A_2017 = arith.constant 0 : i32
    %dma_wait3A_2018 = tpu.memref_slice %arg7[%dma_wait3A_2016, %dma_wait3A_2017] : memref<128x32xf32, #tpu.memory_space<vmem>> -> memref<128x32xf32, #tpu.memory_space<vmem>>
    %dma_wait3A_2019 = arith.constant 0 : i32
    %dma_wait3A_2020 = tpu.memref_slice %arg8[%add3A_1787, %dma_wait3A_2019] : memref<40016x32xf32, #tpu.memory_space<vmem_shared>> -> memref<128x32xf32, #tpu.memory_space<vmem_shared>>
    %dma_wait3A_2021 = arith.constant 0 : i32
    %dma_wait3A_2022 = tpu.memref_slice %arg8[%add3A_1787, %dma_wait3A_2021] : memref<40016x32xf32, #tpu.memory_space<vmem_shared>> -> memref<128x32xf32, #tpu.memory_space<vmem_shared>>
    %dma_wait3A_2023 = arith.constant 0 : i32
    %dma_wait3A_2024 = arith.constant 0 : i32
    %dma_wait3A_2025 = tpu.memref_slice %arg7[%dma_wait3A_2023, %dma_wait3A_2024] : memref<128x32xf32, #tpu.memory_space<vmem>> -> memref<128x32xf32, #tpu.memory_space<vmem>>
    tpu.wait_dma2 semaphore(%arg10 : memref<!tpu.dma_semaphore, #tpu.memory_space<semaphore_mem>>) src(%dma_wait3A_2025 : memref<128x32xf32, #tpu.memory_space<vmem>>) dst(%dma_wait3A_2022 : memref<128x32xf32, #tpu.memory_space<vmem_shared>>)
    %dma_wait3A_2026 = arith.constant 0 : i32
    %dma_wait3A_2027 = arith.constant 0 : i32
    %dma_wait3A_2028 = tpu.memref_slice %arg7[%dma_wait3A_2026, %dma_wait3A_2027] : memref<128x32xf32, #tpu.memory_space<vmem>> -> memref<128x32xf32, #tpu.memory_space<vmem>>
    %dma_wait3A_2029 = arith.constant 0 : i32
    %dma_wait3A_2030 = tpu.memref_slice %arg8[%add3A_1799, %dma_wait3A_2029] : memref<40016x32xf32, #tpu.memory_space<vmem_shared>> -> memref<128x32xf32, #tpu.memory_space<vmem_shared>>
    %dma_wait3A_2031 = arith.constant 0 : i32
    %dma_wait3A_2032 = tpu.memref_slice %arg8[%add3A_1799, %dma_wait3A_2031] : memref<40016x32xf32, #tpu.memory_space<vmem_shared>> -> memref<128x32xf32, #tpu.memory_space<vmem_shared>>
    %dma_wait3A_2033 = arith.constant 0 : i32
    %dma_wait3A_2034 = arith.constant 0 : i32
    %dma_wait3A_2035 = tpu.memref_slice %arg7[%dma_wait3A_2033, %dma_wait3A_2034] : memref<128x32xf32, #tpu.memory_space<vmem>> -> memref<128x32xf32, #tpu.memory_space<vmem>>
    tpu.wait_dma2 semaphore(%arg10 : memref<!tpu.dma_semaphore, #tpu.memory_space<semaphore_mem>>) src(%dma_wait3A_2035 : memref<128x32xf32, #tpu.memory_space<vmem>>) dst(%dma_wait3A_2032 : memref<128x32xf32, #tpu.memory_space<vmem_shared>>)
    %dma_wait3A_2036 = arith.constant 0 : i32
    %dma_wait3A_2037 = arith.constant 0 : i32
    %dma_wait3A_2038 = tpu.memref_slice %arg7[%dma_wait3A_2036, %dma_wait3A_2037] : memref<128x32xf32, #tpu.memory_space<vmem>> -> memref<128x32xf32, #tpu.memory_space<vmem>>
    %dma_wait3A_2039 = arith.constant 0 : i32
    %dma_wait3A_2040 = tpu.memref_slice %arg8[%add3A_1811, %dma_wait3A_2039] : memref<40016x32xf32, #tpu.memory_space<vmem_shared>> -> memref<128x32xf32, #tpu.memory_space<vmem_shared>>
    %dma_wait3A_2041 = arith.constant 0 : i32
    %dma_wait3A_2042 = tpu.memref_slice %arg8[%add3A_1811, %dma_wait3A_2041] : memref<40016x32xf32, #tpu.memory_space<vmem_shared>> -> memref<128x32xf32, #tpu.memory_space<vmem_shared>>
    %dma_wait3A_2043 = arith.constant 0 : i32
    %dma_wait3A_2044 = arith.constant 0 : i32
    %dma_wait3A_2045 = tpu.memref_slice %arg7[%dma_wait3A_2043, %dma_wait3A_2044] : memref<128x32xf32, #tpu.memory_space<vmem>> -> memref<128x32xf32, #tpu.memory_space<vmem>>
    tpu.wait_dma2 semaphore(%arg10 : memref<!tpu.dma_semaphore, #tpu.memory_space<semaphore_mem>>) src(%dma_wait3A_2045 : memref<128x32xf32, #tpu.memory_space<vmem>>) dst(%dma_wait3A_2042 : memref<128x32xf32, #tpu.memory_space<vmem_shared>>)
    %dma_wait3A_2046 = arith.constant 0 : i32
    %dma_wait3A_2047 = arith.constant 0 : i32
    %dma_wait3A_2048 = tpu.memref_slice %arg7[%dma_wait3A_2046, %dma_wait3A_2047] : memref<128x32xf32, #tpu.memory_space<vmem>> -> memref<128x32xf32, #tpu.memory_space<vmem>>
    %dma_wait3A_2049 = arith.constant 0 : i32
    %dma_wait3A_2050 = tpu.memref_slice %arg8[%add3A_1823, %dma_wait3A_2049] : memref<40016x32xf32, #tpu.memory_space<vmem_shared>> -> memref<128x32xf32, #tpu.memory_space<vmem_shared>>
    %dma_wait3A_2051 = arith.constant 0 : i32
    %dma_wait3A_2052 = tpu.memref_slice %arg8[%add3A_1823, %dma_wait3A_2051] : memref<40016x32xf32, #tpu.memory_space<vmem_shared>> -> memref<128x32xf32, #tpu.memory_space<vmem_shared>>
    %dma_wait3A_2053 = arith.constant 0 : i32
    %dma_wait3A_2054 = arith.constant 0 : i32
    %dma_wait3A_2055 = tpu.memref_slice %arg7[%dma_wait3A_2053, %dma_wait3A_2054] : memref<128x32xf32, #tpu.memory_space<vmem>> -> memref<128x32xf32, #tpu.memory_space<vmem>>
    tpu.wait_dma2 semaphore(%arg10 : memref<!tpu.dma_semaphore, #tpu.memory_space<semaphore_mem>>) src(%dma_wait3A_2055 : memref<128x32xf32, #tpu.memory_space<vmem>>) dst(%dma_wait3A_2052 : memref<128x32xf32, #tpu.memory_space<vmem_shared>>)
    %dma_wait3A_2056 = arith.constant 0 : i32
    %dma_wait3A_2057 = arith.constant 0 : i32
    %dma_wait3A_2058 = tpu.memref_slice %arg7[%dma_wait3A_2056, %dma_wait3A_2057] : memref<128x32xf32, #tpu.memory_space<vmem>> -> memref<128x32xf32, #tpu.memory_space<vmem>>
    %dma_wait3A_2059 = arith.constant 0 : i32
    %dma_wait3A_2060 = tpu.memref_slice %arg8[%add3A_1835, %dma_wait3A_2059] : memref<40016x32xf32, #tpu.memory_space<vmem_shared>> -> memref<128x32xf32, #tpu.memory_space<vmem_shared>>
    %dma_wait3A_2061 = arith.constant 0 : i32
    %dma_wait3A_2062 = tpu.memref_slice %arg8[%add3A_1835, %dma_wait3A_2061] : memref<40016x32xf32, #tpu.memory_space<vmem_shared>> -> memref<128x32xf32, #tpu.memory_space<vmem_shared>>
    %dma_wait3A_2063 = arith.constant 0 : i32
    %dma_wait3A_2064 = arith.constant 0 : i32
    %dma_wait3A_2065 = tpu.memref_slice %arg7[%dma_wait3A_2063, %dma_wait3A_2064] : memref<128x32xf32, #tpu.memory_space<vmem>> -> memref<128x32xf32, #tpu.memory_space<vmem>>
    tpu.wait_dma2 semaphore(%arg10 : memref<!tpu.dma_semaphore, #tpu.memory_space<semaphore_mem>>) src(%dma_wait3A_2065 : memref<128x32xf32, #tpu.memory_space<vmem>>) dst(%dma_wait3A_2062 : memref<128x32xf32, #tpu.memory_space<vmem_shared>>)
    %dma_wait3A_2066 = arith.constant 0 : i32
    %dma_wait3A_2067 = arith.constant 0 : i32
    %dma_wait3A_2068 = tpu.memref_slice %arg7[%dma_wait3A_2066, %dma_wait3A_2067] : memref<128x32xf32, #tpu.memory_space<vmem>> -> memref<128x32xf32, #tpu.memory_space<vmem>>
    %dma_wait3A_2069 = arith.constant 0 : i32
    %dma_wait3A_2070 = tpu.memref_slice %arg8[%add3A_1847, %dma_wait3A_2069] : memref<40016x32xf32, #tpu.memory_space<vmem_shared>> -> memref<128x32xf32, #tpu.memory_space<vmem_shared>>
    %dma_wait3A_2071 = arith.constant 0 : i32
    %dma_wait3A_2072 = tpu.memref_slice %arg8[%add3A_1847, %dma_wait3A_2071] : memref<40016x32xf32, #tpu.memory_space<vmem_shared>> -> memref<128x32xf32, #tpu.memory_space<vmem_shared>>
    %dma_wait3A_2073 = arith.constant 0 : i32
    %dma_wait3A_2074 = arith.constant 0 : i32
    %dma_wait3A_2075 = tpu.memref_slice %arg7[%dma_wait3A_2073, %dma_wait3A_2074] : memref<128x32xf32, #tpu.memory_space<vmem>> -> memref<128x32xf32, #tpu.memory_space<vmem>>
    tpu.wait_dma2 semaphore(%arg10 : memref<!tpu.dma_semaphore, #tpu.memory_space<semaphore_mem>>) src(%dma_wait3A_2075 : memref<128x32xf32, #tpu.memory_space<vmem>>) dst(%dma_wait3A_2072 : memref<128x32xf32, #tpu.memory_space<vmem_shared>>)
    %dma_wait3A_2076 = arith.constant 0 : i32
    %dma_wait3A_2077 = arith.constant 0 : i32
    %dma_wait3A_2078 = tpu.memref_slice %arg7[%dma_wait3A_2076, %dma_wait3A_2077] : memref<128x32xf32, #tpu.memory_space<vmem>> -> memref<128x32xf32, #tpu.memory_space<vmem>>
    %dma_wait3A_2079 = arith.constant 0 : i32
    %dma_wait3A_2080 = tpu.memref_slice %arg8[%add3A_1859, %dma_wait3A_2079] : memref<40016x32xf32, #tpu.memory_space<vmem_shared>> -> memref<128x32xf32, #tpu.memory_space<vmem_shared>>
    %dma_wait3A_2081 = arith.constant 0 : i32
    %dma_wait3A_2082 = tpu.memref_slice %arg8[%add3A_1859, %dma_wait3A_2081] : memref<40016x32xf32, #tpu.memory_space<vmem_shared>> -> memref<128x32xf32, #tpu.memory_space<vmem_shared>>
    %dma_wait3A_2083 = arith.constant 0 : i32
    %dma_wait3A_2084 = arith.constant 0 : i32
    %dma_wait3A_2085 = tpu.memref_slice %arg7[%dma_wait3A_2083, %dma_wait3A_2084] : memref<128x32xf32, #tpu.memory_space<vmem>> -> memref<128x32xf32, #tpu.memory_space<vmem>>
    tpu.wait_dma2 semaphore(%arg10 : memref<!tpu.dma_semaphore, #tpu.memory_space<semaphore_mem>>) src(%dma_wait3A_2085 : memref<128x32xf32, #tpu.memory_space<vmem>>) dst(%dma_wait3A_2082 : memref<128x32xf32, #tpu.memory_space<vmem_shared>>)
    %dma_wait3A_2086 = arith.constant 0 : i32
    %dma_wait3A_2087 = arith.constant 0 : i32
    %dma_wait3A_2088 = tpu.memref_slice %arg7[%dma_wait3A_2086, %dma_wait3A_2087] : memref<128x32xf32, #tpu.memory_space<vmem>> -> memref<128x32xf32, #tpu.memory_space<vmem>>
    %dma_wait3A_2089 = arith.constant 0 : i32
    %dma_wait3A_2090 = tpu.memref_slice %arg8[%add3A_1871, %dma_wait3A_2089] : memref<40016x32xf32, #tpu.memory_space<vmem_shared>> -> memref<128x32xf32, #tpu.memory_space<vmem_shared>>
    %dma_wait3A_2091 = arith.constant 0 : i32
    %dma_wait3A_2092 = tpu.memref_slice %arg8[%add3A_1871, %dma_wait3A_2091] : memref<40016x32xf32, #tpu.memory_space<vmem_shared>> -> memref<128x32xf32, #tpu.memory_space<vmem_shared>>
    %dma_wait3A_2093 = arith.constant 0 : i32
    %dma_wait3A_2094 = arith.constant 0 : i32
    %dma_wait3A_2095 = tpu.memref_slice %arg7[%dma_wait3A_2093, %dma_wait3A_2094] : memref<128x32xf32, #tpu.memory_space<vmem>> -> memref<128x32xf32, #tpu.memory_space<vmem>>
    tpu.wait_dma2 semaphore(%arg10 : memref<!tpu.dma_semaphore, #tpu.memory_space<semaphore_mem>>) src(%dma_wait3A_2095 : memref<128x32xf32, #tpu.memory_space<vmem>>) dst(%dma_wait3A_2092 : memref<128x32xf32, #tpu.memory_space<vmem_shared>>)
    %dma_wait3A_2096 = arith.constant 0 : i32
    %dma_wait3A_2097 = arith.constant 0 : i32
    %dma_wait3A_2098 = tpu.memref_slice %arg7[%dma_wait3A_2096, %dma_wait3A_2097] : memref<128x32xf32, #tpu.memory_space<vmem>> -> memref<128x32xf32, #tpu.memory_space<vmem>>
    %dma_wait3A_2099 = arith.constant 0 : i32
    %dma_wait3A_2100 = tpu.memref_slice %arg8[%add3A_1883, %dma_wait3A_2099] : memref<40016x32xf32, #tpu.memory_space<vmem_shared>> -> memref<128x32xf32, #tpu.memory_space<vmem_shared>>
    %dma_wait3A_2101 = arith.constant 0 : i32
    %dma_wait3A_2102 = tpu.memref_slice %arg8[%add3A_1883, %dma_wait3A_2101] : memref<40016x32xf32, #tpu.memory_space<vmem_shared>> -> memref<128x32xf32, #tpu.memory_space<vmem_shared>>
    %dma_wait3A_2103 = arith.constant 0 : i32
    %dma_wait3A_2104 = arith.constant 0 : i32
    %dma_wait3A_2105 = tpu.memref_slice %arg7[%dma_wait3A_2103, %dma_wait3A_2104] : memref<128x32xf32, #tpu.memory_space<vmem>> -> memref<128x32xf32, #tpu.memory_space<vmem>>
    tpu.wait_dma2 semaphore(%arg10 : memref<!tpu.dma_semaphore, #tpu.memory_space<semaphore_mem>>) src(%dma_wait3A_2105 : memref<128x32xf32, #tpu.memory_space<vmem>>) dst(%dma_wait3A_2102 : memref<128x32xf32, #tpu.memory_space<vmem_shared>>)
    %dma_wait3A_2106 = arith.constant 0 : i32
    %dma_wait3A_2107 = arith.constant 0 : i32
    %dma_wait3A_2108 = tpu.memref_slice %arg7[%dma_wait3A_2106, %dma_wait3A_2107] : memref<128x32xf32, #tpu.memory_space<vmem>> -> memref<128x32xf32, #tpu.memory_space<vmem>>
    %dma_wait3A_2109 = arith.constant 0 : i32
    %dma_wait3A_2110 = tpu.memref_slice %arg8[%add3A_1895, %dma_wait3A_2109] : memref<40016x32xf32, #tpu.memory_space<vmem_shared>> -> memref<128x32xf32, #tpu.memory_space<vmem_shared>>
    %dma_wait3A_2111 = arith.constant 0 : i32
    %dma_wait3A_2112 = tpu.memref_slice %arg8[%add3A_1895, %dma_wait3A_2111] : memref<40016x32xf32, #tpu.memory_space<vmem_shared>> -> memref<128x32xf32, #tpu.memory_space<vmem_shared>>
    %dma_wait3A_2113 = arith.constant 0 : i32
    %dma_wait3A_2114 = arith.constant 0 : i32
    %dma_wait3A_2115 = tpu.memref_slice %arg7[%dma_wait3A_2113, %dma_wait3A_2114] : memref<128x32xf32, #tpu.memory_space<vmem>> -> memref<128x32xf32, #tpu.memory_space<vmem>>
    tpu.wait_dma2 semaphore(%arg10 : memref<!tpu.dma_semaphore, #tpu.memory_space<semaphore_mem>>) src(%dma_wait3A_2115 : memref<128x32xf32, #tpu.memory_space<vmem>>) dst(%dma_wait3A_2112 : memref<128x32xf32, #tpu.memory_space<vmem_shared>>)
    %dma_wait3A_2116 = arith.constant 0 : i32
    %dma_wait3A_2117 = arith.constant 0 : i32
    %dma_wait3A_2118 = tpu.memref_slice %arg7[%dma_wait3A_2116, %dma_wait3A_2117] : memref<128x32xf32, #tpu.memory_space<vmem>> -> memref<128x32xf32, #tpu.memory_space<vmem>>
    %dma_wait3A_2119 = arith.constant 0 : i32
    %dma_wait3A_2120 = tpu.memref_slice %arg8[%add3A_1907, %dma_wait3A_2119] : memref<40016x32xf32, #tpu.memory_space<vmem_shared>> -> memref<128x32xf32, #tpu.memory_space<vmem_shared>>
    %dma_wait3A_2121 = arith.constant 0 : i32
    %dma_wait3A_2122 = tpu.memref_slice %arg8[%add3A_1907, %dma_wait3A_2121] : memref<40016x32xf32, #tpu.memory_space<vmem_shared>> -> memref<128x32xf32, #tpu.memory_space<vmem_shared>>
    %dma_wait3A_2123 = arith.constant 0 : i32
    %dma_wait3A_2124 = arith.constant 0 : i32
    %dma_wait3A_2125 = tpu.memref_slice %arg7[%dma_wait3A_2123, %dma_wait3A_2124] : memref<128x32xf32, #tpu.memory_space<vmem>> -> memref<128x32xf32, #tpu.memory_space<vmem>>
    tpu.wait_dma2 semaphore(%arg10 : memref<!tpu.dma_semaphore, #tpu.memory_space<semaphore_mem>>) src(%dma_wait3A_2125 : memref<128x32xf32, #tpu.memory_space<vmem>>) dst(%dma_wait3A_2122 : memref<128x32xf32, #tpu.memory_space<vmem_shared>>)
    %dma_wait3A_2126 = arith.constant 0 : i32
    %dma_wait3A_2127 = arith.constant 0 : i32
    %dma_wait3A_2128 = tpu.memref_slice %arg7[%dma_wait3A_2126, %dma_wait3A_2127] : memref<128x32xf32, #tpu.memory_space<vmem>> -> memref<128x32xf32, #tpu.memory_space<vmem>>
    %dma_wait3A_2129 = arith.constant 0 : i32
    %dma_wait3A_2130 = tpu.memref_slice %arg8[%add3A_1919, %dma_wait3A_2129] : memref<40016x32xf32, #tpu.memory_space<vmem_shared>> -> memref<128x32xf32, #tpu.memory_space<vmem_shared>>
    %dma_wait3A_2131 = arith.constant 0 : i32
    %dma_wait3A_2132 = tpu.memref_slice %arg8[%add3A_1919, %dma_wait3A_2131] : memref<40016x32xf32, #tpu.memory_space<vmem_shared>> -> memref<128x32xf32, #tpu.memory_space<vmem_shared>>
    %dma_wait3A_2133 = arith.constant 0 : i32
    %dma_wait3A_2134 = arith.constant 0 : i32
    %dma_wait3A_2135 = tpu.memref_slice %arg7[%dma_wait3A_2133, %dma_wait3A_2134] : memref<128x32xf32, #tpu.memory_space<vmem>> -> memref<128x32xf32, #tpu.memory_space<vmem>>
    tpu.wait_dma2 semaphore(%arg10 : memref<!tpu.dma_semaphore, #tpu.memory_space<semaphore_mem>>) src(%dma_wait3A_2135 : memref<128x32xf32, #tpu.memory_space<vmem>>) dst(%dma_wait3A_2132 : memref<128x32xf32, #tpu.memory_space<vmem_shared>>)
    %dma_wait3A_2136 = arith.constant 0 : i32
    %dma_wait3A_2137 = arith.constant 0 : i32
    %dma_wait3A_2138 = tpu.memref_slice %arg7[%dma_wait3A_2136, %dma_wait3A_2137] : memref<128x32xf32, #tpu.memory_space<vmem>> -> memref<128x32xf32, #tpu.memory_space<vmem>>
    %dma_wait3A_2139 = arith.constant 0 : i32
    %dma_wait3A_2140 = tpu.memref_slice %arg8[%add3A_1931, %dma_wait3A_2139] : memref<40016x32xf32, #tpu.memory_space<vmem_shared>> -> memref<128x32xf32, #tpu.memory_space<vmem_shared>>
    %dma_wait3A_2141 = arith.constant 0 : i32
    %dma_wait3A_2142 = tpu.memref_slice %arg8[%add3A_1931, %dma_wait3A_2141] : memref<40016x32xf32, #tpu.memory_space<vmem_shared>> -> memref<128x32xf32, #tpu.memory_space<vmem_shared>>
    %dma_wait3A_2143 = arith.constant 0 : i32
    %dma_wait3A_2144 = arith.constant 0 : i32
    %dma_wait3A_2145 = tpu.memref_slice %arg7[%dma_wait3A_2143, %dma_wait3A_2144] : memref<128x32xf32, #tpu.memory_space<vmem>> -> memref<128x32xf32, #tpu.memory_space<vmem>>
    tpu.wait_dma2 semaphore(%arg10 : memref<!tpu.dma_semaphore, #tpu.memory_space<semaphore_mem>>) src(%dma_wait3A_2145 : memref<128x32xf32, #tpu.memory_space<vmem>>) dst(%dma_wait3A_2142 : memref<128x32xf32, #tpu.memory_space<vmem_shared>>)
    %dma_wait3A_2146 = arith.constant 0 : i32
    %dma_wait3A_2147 = arith.constant 0 : i32
    %dma_wait3A_2148 = tpu.memref_slice %arg7[%dma_wait3A_2146, %dma_wait3A_2147] : memref<128x32xf32, #tpu.memory_space<vmem>> -> memref<128x32xf32, #tpu.memory_space<vmem>>
    %dma_wait3A_2149 = arith.constant 0 : i32
    %dma_wait3A_2150 = tpu.memref_slice %arg8[%add3A_1943, %dma_wait3A_2149] : memref<40016x32xf32, #tpu.memory_space<vmem_shared>> -> memref<128x32xf32, #tpu.memory_space<vmem_shared>>
    %dma_wait3A_2151 = arith.constant 0 : i32
    %dma_wait3A_2152 = tpu.memref_slice %arg8[%add3A_1943, %dma_wait3A_2151] : memref<40016x32xf32, #tpu.memory_space<vmem_shared>> -> memref<128x32xf32, #tpu.memory_space<vmem_shared>>
    %dma_wait3A_2153 = arith.constant 0 : i32
    %dma_wait3A_2154 = arith.constant 0 : i32
    %dma_wait3A_2155 = tpu.memref_slice %arg7[%dma_wait3A_2153, %dma_wait3A_2154] : memref<128x32xf32, #tpu.memory_space<vmem>> -> memref<128x32xf32, #tpu.memory_space<vmem>>
    tpu.wait_dma2 semaphore(%arg10 : memref<!tpu.dma_semaphore, #tpu.memory_space<semaphore_mem>>) src(%dma_wait3A_2155 : memref<128x32xf32, #tpu.memory_space<vmem>>) dst(%dma_wait3A_2152 : memref<128x32xf32, #tpu.memory_space<vmem_shared>>)
    %dma_wait3A_2156 = arith.constant 0 : i32
    %dma_wait3A_2157 = arith.constant 0 : i32
    %dma_wait3A_2158 = tpu.memref_slice %arg7[%dma_wait3A_2156, %dma_wait3A_2157] : memref<128x32xf32, #tpu.memory_space<vmem>> -> memref<68x32xf32, #tpu.memory_space<vmem>>
    %dma_wait3A_2159 = arith.constant 0 : i32
    %dma_wait3A_2160 = tpu.memref_slice %arg8[%add3A_1955, %dma_wait3A_2159] : memref<40016x32xf32, #tpu.memory_space<vmem_shared>> -> memref<68x32xf32, #tpu.memory_space<vmem_shared>>
    %dma_wait3A_2161 = arith.constant 0 : i32
    %dma_wait3A_2162 = tpu.memref_slice %arg8[%add3A_1955, %dma_wait3A_2161] : memref<40016x32xf32, #tpu.memory_space<vmem_shared>> -> memref<68x32xf32, #tpu.memory_space<vmem_shared>>
    %dma_wait3A_2163 = arith.constant 0 : i32
    %dma_wait3A_2164 = arith.constant 0 : i32
    %dma_wait3A_2165 = tpu.memref_slice %arg7[%dma_wait3A_2163, %dma_wait3A_2164] : memref<128x32xf32, #tpu.memory_space<vmem>> -> memref<68x32xf32, #tpu.memory_space<vmem>>
    tpu.wait_dma2 semaphore(%arg10 : memref<!tpu.dma_semaphore, #tpu.memory_space<semaphore_mem>>) src(%dma_wait3A_2165 : memref<68x32xf32, #tpu.memory_space<vmem>>) dst(%dma_wait3A_2162 : memref<68x32xf32, #tpu.memory_space<vmem_shared>>)
    %barrier3A_2166 = arith.constant 0 : index
    tpu.barrier barrier_id(%barrier3A_2166)
    %mul3A_2167 = arith.constant 2704 : i32
    %mul3A_2168 = arith.muli %arg1, %mul3A_2167 : i32
    %add3A_2169 = arith.constant 129888 : i32
    %add3A_2170 = arith.addi %add3A_2169, %mul3A_2168 : i32
    %run_scoped3A_2171 = arith.constant 3 : i32
    "tpu.region"() ({
      %run_scoped3A_2304 = tpu.sem_alloc : memref<!tpu.dma_semaphore, #tpu.memory_space<semaphore_mem>>
      %dma_start3A_2305 = arith.constant 0 : i32
      %dma_start3A_2306 = arith.constant 0 : i32
      %dma_start3A_2307 = tpu.memref_slice %arg3[%run_scoped3A_2171, %arg1, %dma_start3A_2305, %dma_start3A_2306] : memref<4x16x22x128xi32, #tpu.memory_space<hbm>> -> memref<1x1x22x128xi32, #tpu.memory_space<hbm>>
      %dma_start3A_2308 = tpu.memref_squeeze %dma_start3A_2307 : memref<1x1x22x128xi32, #tpu.memory_space<hbm>> -> memref<22x128xi32, #tpu.memory_space<hbm>>
      %dma_start3A_2309 = arith.constant 0 : i32
      %dma_start3A_2310 = arith.constant 0 : i32
      %dma_start3A_2311 = tpu.memref_slice %arg3[%run_scoped3A_2171, %arg1, %dma_start3A_2309, %dma_start3A_2310] : memref<4x16x22x128xi32, #tpu.memory_space<hbm>> -> memref<1x1x22x128xi32, #tpu.memory_space<hbm>>
      %dma_start3A_2312 = tpu.memref_squeeze %dma_start3A_2311 : memref<1x1x22x128xi32, #tpu.memory_space<hbm>> -> memref<22x128xi32, #tpu.memory_space<hbm>>
      tpu.enqueue_dma source(%dma_start3A_2312 : memref<22x128xi32, #tpu.memory_space<hbm>>) target(%arg6 : memref<22x128xi32, #tpu.memory_space<vmem>>) target_semaphore(%run_scoped3A_2304 : memref<!tpu.dma_semaphore, #tpu.memory_space<semaphore_mem>>)
      %dma_wait3A_2313 = arith.constant 0 : i32
      %dma_wait3A_2314 = arith.constant 0 : i32
      %dma_wait3A_2315 = tpu.memref_slice %arg3[%run_scoped3A_2171, %arg1, %dma_wait3A_2313, %dma_wait3A_2314] : memref<4x16x22x128xi32, #tpu.memory_space<hbm>> -> memref<1x1x22x128xi32, #tpu.memory_space<hbm>>
      %dma_wait3A_2316 = tpu.memref_squeeze %dma_wait3A_2315 : memref<1x1x22x128xi32, #tpu.memory_space<hbm>> -> memref<22x128xi32, #tpu.memory_space<hbm>>
      %dma_wait3A_2317 = arith.constant 0 : i32
      %dma_wait3A_2318 = arith.constant 0 : i32
      %dma_wait3A_2319 = tpu.memref_slice %arg3[%run_scoped3A_2171, %arg1, %dma_wait3A_2317, %dma_wait3A_2318] : memref<4x16x22x128xi32, #tpu.memory_space<hbm>> -> memref<1x1x22x128xi32, #tpu.memory_space<hbm>>
      %dma_wait3A_2320 = tpu.memref_squeeze %dma_wait3A_2319 : memref<1x1x22x128xi32, #tpu.memory_space<hbm>> -> memref<22x128xi32, #tpu.memory_space<hbm>>
      tpu.wait_dma2 semaphore(%run_scoped3A_2304 : memref<!tpu.dma_semaphore, #tpu.memory_space<semaphore_mem>>) src(%dma_wait3A_2320 : memref<22x128xi32, #tpu.memory_space<hbm>>) dst(%arg6 : memref<22x128xi32, #tpu.memory_space<vmem>>)
      tpu.yield
    }) : () -> ()
    %scan3A_2172 = arith.constant 0 : i32
    %scan3A_2173 = arith.constant 21 : i32
    %scan3A_2174 = arith.addi %scan3A_2172, %scan3A_2173 : i32
    %scan3A_2175 = arith.constant 1 : i32
    scf.for %scan3A_2304 = %scan3A_2172 to %scan3A_2174 step %scan3A_2175  : i32 {
      %mul3A_2305 = arith.constant 1 : i32
      %mul3A_2306 = arith.muli %scan3A_2304, %mul3A_2305 : i32
      %add3A_2307 = arith.constant 0 : i32
      %add3A_2308 = arith.addi %add3A_2307, %mul3A_2306 : i32
      %broadcast_in_dim3A_2309 = arith.constant 0 : i32
      %broadcast_in_dim3A_2310 = vector.broadcast %broadcast_in_dim3A_2309 : i32 to vector<16xi32>
      %get3A_2311 = arith.index_cast %add3A_2308 : i32 to index
      %get3A_2312 = arith.constant 0 : index
      %get3A_2313 = tpu.vector_load %arg6[%get3A_2311, %get3A_2312] {strides = array<i32>} : memref<22x128xi32, #tpu.memory_space<vmem>>, vector<16xi32>,
      %ne3A_2314 = arith.constant 40000 : i32
      %ne3A_2315 = vector.broadcast %ne3A_2314 : i32 to vector<16xi32>
      %ne3A_2316 = arith.cmpi ne, %get3A_2313, %ne3A_2315 : vector<16xi32>
      %jit3A_2317 = arith.constant 1 : i32
      %jit3A_2318 = arith.constant 0 : i32
      %broadcast_in_dim3A_2319 = vector.broadcast %jit3A_2317 : i32 to vector<16xi32>
      %broadcast_in_dim3A_2320 = vector.broadcast %jit3A_2318 : i32 to vector<16xi32>
      %select_n3A_2321 = arith.select %ne3A_2316, %broadcast_in_dim3A_2319, %broadcast_in_dim3A_2320 : vector<16xi1>, vector<16xi32>
      %add3A_2322 = arith.addi %broadcast_in_dim3A_2310, %select_n3A_2321 : vector<16xi32>
      %get3A_2323 = arith.index_cast %add3A_2308 : i32 to index
      %get3A_2324 = arith.constant 16 : index
      %get3A_2325 = tpu.vector_load %arg6[%get3A_2323, %get3A_2324] {strides = array<i32>} : memref<22x128xi32, #tpu.memory_space<vmem>>, vector<16xi32>,
      %ne3A_2326 = arith.constant 40000 : i32
      %ne3A_2327 = vector.broadcast %ne3A_2326 : i32 to vector<16xi32>
      %ne3A_2328 = arith.cmpi ne, %get3A_2325, %ne3A_2327 : vector<16xi32>
      %jit3A_2329 = arith.constant 1 : i32
      %jit3A_2330 = arith.constant 0 : i32
      %broadcast_in_dim3A_2331 = vector.broadcast %jit3A_2329 : i32 to vector<16xi32>
      %broadcast_in_dim3A_2332 = vector.broadcast %jit3A_2330 : i32 to vector<16xi32>
      %select_n3A_2333 = arith.select %ne3A_2328, %broadcast_in_dim3A_2331, %broadcast_in_dim3A_2332 : vector<16xi1>, vector<16xi32>
      %add3A_2334 = arith.addi %add3A_2322, %select_n3A_2333 : vector<16xi32>
      %get3A_2335 = arith.index_cast %add3A_2308 : i32 to index
      %get3A_2336 = arith.constant 32 : index
      %get3A_2337 = tpu.vector_load %arg6[%get3A_2335, %get3A_2336] {strides = array<i32>} : memref<22x128xi32, #tpu.memory_space<vmem>>, vector<16xi32>,
      %ne3A_2338 = arith.constant 40000 : i32
      %ne3A_2339 = vector.broadcast %ne3A_2338 : i32 to vector<16xi32>
      %ne3A_2340 = arith.cmpi ne, %get3A_2337, %ne3A_2339 : vector<16xi32>
      %jit3A_2341 = arith.constant 1 : i32
      %jit3A_2342 = arith.constant 0 : i32
      %broadcast_in_dim3A_2343 = vector.broadcast %jit3A_2341 : i32 to vector<16xi32>
      %broadcast_in_dim3A_2344 = vector.broadcast %jit3A_2342 : i32 to vector<16xi32>
      %select_n3A_2345 = arith.select %ne3A_2340, %broadcast_in_dim3A_2343, %broadcast_in_dim3A_2344 : vector<16xi1>, vector<16xi32>
      %add3A_2346 = arith.addi %add3A_2334, %select_n3A_2345 : vector<16xi32>
      %get3A_2347 = arith.index_cast %add3A_2308 : i32 to index
      %get3A_2348 = arith.constant 48 : index
      %get3A_2349 = tpu.vector_load %arg6[%get3A_2347, %get3A_2348] {strides = array<i32>} : memref<22x128xi32, #tpu.memory_space<vmem>>, vector<16xi32>,
      %ne3A_2350 = arith.constant 40000 : i32
      %ne3A_2351 = vector.broadcast %ne3A_2350 : i32 to vector<16xi32>
      %ne3A_2352 = arith.cmpi ne, %get3A_2349, %ne3A_2351 : vector<16xi32>
      %jit3A_2353 = arith.constant 1 : i32
      %jit3A_2354 = arith.constant 0 : i32
      %broadcast_in_dim3A_2355 = vector.broadcast %jit3A_2353 : i32 to vector<16xi32>
      %broadcast_in_dim3A_2356 = vector.broadcast %jit3A_2354 : i32 to vector<16xi32>
      %select_n3A_2357 = arith.select %ne3A_2352, %broadcast_in_dim3A_2355, %broadcast_in_dim3A_2356 : vector<16xi1>, vector<16xi32>
      %add3A_2358 = arith.addi %add3A_2346, %select_n3A_2357 : vector<16xi32>
      %get3A_2359 = arith.index_cast %add3A_2308 : i32 to index
      %get3A_2360 = arith.constant 64 : index
      %get3A_2361 = tpu.vector_load %arg6[%get3A_2359, %get3A_2360] {strides = array<i32>} : memref<22x128xi32, #tpu.memory_space<vmem>>, vector<16xi32>,
      %ne3A_2362 = arith.constant 40000 : i32
      %ne3A_2363 = vector.broadcast %ne3A_2362 : i32 to vector<16xi32>
      %ne3A_2364 = arith.cmpi ne, %get3A_2361, %ne3A_2363 : vector<16xi32>
      %jit3A_2365 = arith.constant 1 : i32
      %jit3A_2366 = arith.constant 0 : i32
      %broadcast_in_dim3A_2367 = vector.broadcast %jit3A_2365 : i32 to vector<16xi32>
      %broadcast_in_dim3A_2368 = vector.broadcast %jit3A_2366 : i32 to vector<16xi32>
      %select_n3A_2369 = arith.select %ne3A_2364, %broadcast_in_dim3A_2367, %broadcast_in_dim3A_2368 : vector<16xi1>, vector<16xi32>
      %add3A_2370 = arith.addi %add3A_2358, %select_n3A_2369 : vector<16xi32>
      %get3A_2371 = arith.index_cast %add3A_2308 : i32 to index
      %get3A_2372 = arith.constant 80 : index
      %get3A_2373 = tpu.vector_load %arg6[%get3A_2371, %get3A_2372] {strides = array<i32>} : memref<22x128xi32, #tpu.memory_space<vmem>>, vector<16xi32>,
      %ne3A_2374 = arith.constant 40000 : i32
      %ne3A_2375 = vector.broadcast %ne3A_2374 : i32 to vector<16xi32>
      %ne3A_2376 = arith.cmpi ne, %get3A_2373, %ne3A_2375 : vector<16xi32>
      %jit3A_2377 = arith.constant 1 : i32
      %jit3A_2378 = arith.constant 0 : i32
      %broadcast_in_dim3A_2379 = vector.broadcast %jit3A_2377 : i32 to vector<16xi32>
      %broadcast_in_dim3A_2380 = vector.broadcast %jit3A_2378 : i32 to vector<16xi32>
      %select_n3A_2381 = arith.select %ne3A_2376, %broadcast_in_dim3A_2379, %broadcast_in_dim3A_2380 : vector<16xi1>, vector<16xi32>
      %add3A_2382 = arith.addi %add3A_2370, %select_n3A_2381 : vector<16xi32>
      %get3A_2383 = arith.index_cast %add3A_2308 : i32 to index
      %get3A_2384 = arith.constant 96 : index
      %get3A_2385 = tpu.vector_load %arg6[%get3A_2383, %get3A_2384] {strides = array<i32>} : memref<22x128xi32, #tpu.memory_space<vmem>>, vector<16xi32>,
      %ne3A_2386 = arith.constant 40000 : i32
      %ne3A_2387 = vector.broadcast %ne3A_2386 : i32 to vector<16xi32>
      %ne3A_2388 = arith.cmpi ne, %get3A_2385, %ne3A_2387 : vector<16xi32>
      %jit3A_2389 = arith.constant 1 : i32
      %jit3A_2390 = arith.constant 0 : i32
      %broadcast_in_dim3A_2391 = vector.broadcast %jit3A_2389 : i32 to vector<16xi32>
      %broadcast_in_dim3A_2392 = vector.broadcast %jit3A_2390 : i32 to vector<16xi32>
      %select_n3A_2393 = arith.select %ne3A_2388, %broadcast_in_dim3A_2391, %broadcast_in_dim3A_2392 : vector<16xi1>, vector<16xi32>
      %add3A_2394 = arith.addi %add3A_2382, %select_n3A_2393 : vector<16xi32>
      %get3A_2395 = arith.index_cast %add3A_2308 : i32 to index
      %get3A_2396 = arith.constant 112 : index
      %get3A_2397 = tpu.vector_load %arg6[%get3A_2395, %get3A_2396] {strides = array<i32>} : memref<22x128xi32, #tpu.memory_space<vmem>>, vector<16xi32>,
      %ne3A_2398 = arith.constant 40000 : i32
      %ne3A_2399 = vector.broadcast %ne3A_2398 : i32 to vector<16xi32>
      %ne3A_2400 = arith.cmpi ne, %get3A_2397, %ne3A_2399 : vector<16xi32>
      %jit3A_2401 = arith.constant 1 : i32
      %jit3A_2402 = arith.constant 0 : i32
      %broadcast_in_dim3A_2403 = vector.broadcast %jit3A_2401 : i32 to vector<16xi32>
      %broadcast_in_dim3A_2404 = vector.broadcast %jit3A_2402 : i32 to vector<16xi32>
      %select_n3A_2405 = arith.select %ne3A_2400, %broadcast_in_dim3A_2403, %broadcast_in_dim3A_2404 : vector<16xi1>, vector<16xi32>
      %add3A_2406 = arith.addi %add3A_2394, %select_n3A_2405 : vector<16xi32>
      %reduce_sum3A_2407 = arith.constant true
      %reduce_sum3A_2408 = vector.broadcast %reduce_sum3A_2407 : i1 to vector<16xi1>
      %reduce_sum3A_2409 = tpu.scan <sum>, %add3A_2406 masked %reduce_sum3A_2408 : vector<16xi32>, vector<16xi1> -> vector<16xi32>
      %reduce_sum3A_2410 = vector.extract %reduce_sum3A_2409[15] : i32 from vector<16xi32>
      %gt3A_2411 = arith.constant 0 : i32
      %gt3A_2412 = arith.cmpi sgt, %reduce_sum3A_2410, %gt3A_2411 : i32
      %convert_element_type3A_2413 = arith.extui %gt3A_2412 : i1 to i32
      %cond3A_2414 = arith.constant 0 : i32
      %cond3A_2415 = arith.cmpi ne, %convert_element_type3A_2413, %cond3A_2414 : i32
      scf.if %cond3A_2415 {
        %mul3A_2416 = arith.constant 128 : i32
        %mul3A_2417 = arith.muli %add3A_2308, %mul3A_2416 : i32
        %add3A_2418 = arith.addi %add3A_2170, %mul3A_2417 : i32
        "tpu.region"() ({
          %run_scoped3A_2419 = tpu.sem_alloc : memref<!tpu.dma_semaphore, #tpu.memory_space<semaphore_mem>>
          %dma_start3A_2420 = tpu.memref_slice %arg2[%add3A_2418, %mul3A_0] : memref<173184x64xf32, #tpu.memory_space<hbm>> -> memref<128x32xf32, #tpu.memory_space<hbm>>
          %dma_start3A_2421 = tpu.memref_slice %arg2[%add3A_2418, %mul3A_0] : memref<173184x64xf32, #tpu.memory_space<hbm>> -> memref<128x32xf32, #tpu.memory_space<hbm>>
          tpu.enqueue_dma source(%dma_start3A_2421 : memref<128x32xf32, #tpu.memory_space<hbm>>) target(%arg5 : memref<128x32xf32, #tpu.memory_space<vmem>>) target_semaphore(%run_scoped3A_2419 : memref<!tpu.dma_semaphore, #tpu.memory_space<semaphore_mem>>)
          %dma_wait3A_2422 = tpu.memref_slice %arg2[%add3A_2418, %mul3A_0] : memref<173184x64xf32, #tpu.memory_space<hbm>> -> memref<128x32xf32, #tpu.memory_space<hbm>>
          %dma_wait3A_2423 = tpu.memref_slice %arg2[%add3A_2418, %mul3A_0] : memref<173184x64xf32, #tpu.memory_space<hbm>> -> memref<128x32xf32, #tpu.memory_space<hbm>>
          tpu.wait_dma2 semaphore(%run_scoped3A_2419 : memref<!tpu.dma_semaphore, #tpu.memory_space<semaphore_mem>>) src(%dma_wait3A_2423 : memref<128x32xf32, #tpu.memory_space<hbm>>) dst(%arg5 : memref<128x32xf32, #tpu.memory_space<vmem>>)
          tpu.yield
        }) : () -> ()
        "tpu.region"() ({
          %run_scoped3A_2419 = tpu.sem_alloc : memref<!tpu.dma_semaphore, #tpu.memory_space<semaphore_mem>>
          %dma_start3A_2420 = arith.constant 0 : i32
          %dma_start3A_2421 = tpu.memref_slice %arg6[%add3A_2308, %dma_start3A_2420] : memref<22x128xi32, #tpu.memory_space<vmem>> -> memref<1x128xi32, #tpu.memory_space<vmem>>
          %dma_start3A_2422 = tpu.memref_squeeze %dma_start3A_2421 : memref<1x128xi32, #tpu.memory_space<vmem>> -> memref<128xi32, #tpu.memory_space<vmem>>
          %dma_start3A_2423 = arith.constant 0 : i32
          %dma_start3A_2424 = arith.constant 0 : i32
          %dma_start3A_2425 = tpu.memref_slice %arg8[%dma_start3A_2423, %dma_start3A_2424] : memref<40016x32xf32, #tpu.memory_space<vmem_shared>> -> memref<40016x32xf32, #tpu.memory_space<vmem_shared>>
          tpu.enqueue_indirect_dma source(%arg5 : memref<128x32xf32, #tpu.memory_space<vmem>>) target(%dma_start3A_2425 : memref<40016x32xf32, #tpu.memory_space<vmem_shared>>) offsets(%dma_start3A_2422 : memref<128xi32, #tpu.memory_space<vmem>>) semaphore(%run_scoped3A_2419 : memref<!tpu.dma_semaphore, #tpu.memory_space<semaphore_mem>>) {add = true}
          %dma_wait3A_2426 = arith.constant 0 : i32
          %dma_wait3A_2427 = tpu.memref_slice %arg6[%add3A_2308, %dma_wait3A_2426] : memref<22x128xi32, #tpu.memory_space<vmem>> -> memref<1x128xi32, #tpu.memory_space<vmem>>
          %dma_wait3A_2428 = tpu.memref_squeeze %dma_wait3A_2427 : memref<1x128xi32, #tpu.memory_space<vmem>> -> memref<128xi32, #tpu.memory_space<vmem>>
          %dma_wait3A_2429 = arith.constant 0 : i32
          %dma_wait3A_2430 = arith.constant 0 : i32
          %dma_wait3A_2431 = tpu.memref_slice %arg8[%dma_wait3A_2429, %dma_wait3A_2430] : memref<40016x32xf32, #tpu.memory_space<vmem_shared>> -> memref<40016x32xf32, #tpu.memory_space<vmem_shared>>
          tpu.wait_indirect_dma semaphore(%run_scoped3A_2419 : memref<!tpu.dma_semaphore, #tpu.memory_space<semaphore_mem>>) src(%arg5 : memref<128x32xf32, #tpu.memory_space<vmem>>) dst(%dma_wait3A_2431 : memref<40016x32xf32, #tpu.memory_space<vmem_shared>>)
          tpu.yield
        }) : () -> ()
      } else {
      }
    }
    %scan3A_2176 = arith.constant 21 : i32
    %broadcast_in_dim3A_2177 = arith.constant 0 : i32
    %broadcast_in_dim3A_2178 = vector.broadcast %broadcast_in_dim3A_2177 : i32 to vector<16xi32>
    %get3A_2179 = arith.constant 21 : i32
    %get3A_2180 = arith.index_cast %get3A_2179 : i32 to index
    %get3A_2181 = arith.constant 0 : index
    %get3A_2182 = tpu.vector_load %arg6[%get3A_2180, %get3A_2181] {strides = array<i32>} : memref<22x128xi32, #tpu.memory_space<vmem>>, vector<16xi32>,
    %ne3A_2183 = arith.constant 40000 : i32
    %ne3A_2184 = vector.broadcast %ne3A_2183 : i32 to vector<16xi32>
    %ne3A_2185 = arith.cmpi ne, %get3A_2182, %ne3A_2184 : vector<16xi32>
    %jit3A_2186 = arith.constant 1 : i32
    %jit3A_2187 = arith.constant 0 : i32
    %broadcast_in_dim3A_2188 = vector.broadcast %jit3A_2186 : i32 to vector<16xi32>
    %broadcast_in_dim3A_2189 = vector.broadcast %jit3A_2187 : i32 to vector<16xi32>
    %select_n3A_2190 = arith.select %ne3A_2185, %broadcast_in_dim3A_2188, %broadcast_in_dim3A_2189 : vector<16xi1>, vector<16xi32>
    %add3A_2191 = arith.addi %broadcast_in_dim3A_2178, %select_n3A_2190 : vector<16xi32>
    %get3A_2192 = arith.constant 21 : i32
    %get3A_2193 = arith.index_cast %get3A_2192 : i32 to index
    %get3A_2194 = arith.constant 16 : index
    %get3A_2195 = tpu.vector_load %arg6[%get3A_2193, %get3A_2194] {strides = array<i32>} : memref<22x128xi32, #tpu.memory_space<vmem>>, vector<16xi32>,
    %ne3A_2196 = arith.constant 40000 : i32
    %ne3A_2197 = vector.broadcast %ne3A_2196 : i32 to vector<16xi32>
    %ne3A_2198 = arith.cmpi ne, %get3A_2195, %ne3A_2197 : vector<16xi32>
    %jit3A_2199 = arith.constant 1 : i32
    %jit3A_2200 = arith.constant 0 : i32
    %broadcast_in_dim3A_2201 = vector.broadcast %jit3A_2199 : i32 to vector<16xi32>
    %broadcast_in_dim3A_2202 = vector.broadcast %jit3A_2200 : i32 to vector<16xi32>
    %select_n3A_2203 = arith.select %ne3A_2198, %broadcast_in_dim3A_2201, %broadcast_in_dim3A_2202 : vector<16xi1>, vector<16xi32>
    %add3A_2204 = arith.addi %add3A_2191, %select_n3A_2203 : vector<16xi32>
    %get3A_2205 = arith.constant 21 : i32
    %get3A_2206 = arith.index_cast %get3A_2205 : i32 to index
    %get3A_2207 = arith.constant 32 : index
    %get3A_2208 = tpu.vector_load %arg6[%get3A_2206, %get3A_2207] {strides = array<i32>} : memref<22x128xi32, #tpu.memory_space<vmem>>, vector<16xi32>,
    %ne3A_2209 = arith.constant 40000 : i32
    %ne3A_2210 = vector.broadcast %ne3A_2209 : i32 to vector<16xi32>
    %ne3A_2211 = arith.cmpi ne, %get3A_2208, %ne3A_2210 : vector<16xi32>
    %jit3A_2212 = arith.constant 1 : i32
    %jit3A_2213 = arith.constant 0 : i32
    %broadcast_in_dim3A_2214 = vector.broadcast %jit3A_2212 : i32 to vector<16xi32>
    %broadcast_in_dim3A_2215 = vector.broadcast %jit3A_2213 : i32 to vector<16xi32>
    %select_n3A_2216 = arith.select %ne3A_2211, %broadcast_in_dim3A_2214, %broadcast_in_dim3A_2215 : vector<16xi1>, vector<16xi32>
    %add3A_2217 = arith.addi %add3A_2204, %select_n3A_2216 : vector<16xi32>
    %get3A_2218 = arith.constant 21 : i32
    %get3A_2219 = arith.index_cast %get3A_2218 : i32 to index
    %get3A_2220 = arith.constant 48 : index
    %get3A_2221 = tpu.vector_load %arg6[%get3A_2219, %get3A_2220] {strides = array<i32>} : memref<22x128xi32, #tpu.memory_space<vmem>>, vector<16xi32>,
    %ne3A_2222 = arith.constant 40000 : i32
    %ne3A_2223 = vector.broadcast %ne3A_2222 : i32 to vector<16xi32>
    %ne3A_2224 = arith.cmpi ne, %get3A_2221, %ne3A_2223 : vector<16xi32>
    %jit3A_2225 = arith.constant 1 : i32
    %jit3A_2226 = arith.constant 0 : i32
    %broadcast_in_dim3A_2227 = vector.broadcast %jit3A_2225 : i32 to vector<16xi32>
    %broadcast_in_dim3A_2228 = vector.broadcast %jit3A_2226 : i32 to vector<16xi32>
    %select_n3A_2229 = arith.select %ne3A_2224, %broadcast_in_dim3A_2227, %broadcast_in_dim3A_2228 : vector<16xi1>, vector<16xi32>
    %add3A_2230 = arith.addi %add3A_2217, %select_n3A_2229 : vector<16xi32>
    %get3A_2231 = arith.constant 21 : i32
    %get3A_2232 = arith.index_cast %get3A_2231 : i32 to index
    %get3A_2233 = arith.constant 64 : index
    %get3A_2234 = tpu.vector_load %arg6[%get3A_2232, %get3A_2233] {strides = array<i32>} : memref<22x128xi32, #tpu.memory_space<vmem>>, vector<16xi32>,
    %ne3A_2235 = arith.constant 40000 : i32
    %ne3A_2236 = vector.broadcast %ne3A_2235 : i32 to vector<16xi32>
    %ne3A_2237 = arith.cmpi ne, %get3A_2234, %ne3A_2236 : vector<16xi32>
    %jit3A_2238 = arith.constant 1 : i32
    %jit3A_2239 = arith.constant 0 : i32
    %broadcast_in_dim3A_2240 = vector.broadcast %jit3A_2238 : i32 to vector<16xi32>
    %broadcast_in_dim3A_2241 = vector.broadcast %jit3A_2239 : i32 to vector<16xi32>
    %select_n3A_2242 = arith.select %ne3A_2237, %broadcast_in_dim3A_2240, %broadcast_in_dim3A_2241 : vector<16xi1>, vector<16xi32>
    %add3A_2243 = arith.addi %add3A_2230, %select_n3A_2242 : vector<16xi32>
    %get3A_2244 = arith.constant 21 : i32
    %get3A_2245 = arith.index_cast %get3A_2244 : i32 to index
    %get3A_2246 = arith.constant 80 : index
    %get3A_2247 = tpu.vector_load %arg6[%get3A_2245, %get3A_2246] {strides = array<i32>} : memref<22x128xi32, #tpu.memory_space<vmem>>, vector<16xi32>,
    %ne3A_2248 = arith.constant 40000 : i32
    %ne3A_2249 = vector.broadcast %ne3A_2248 : i32 to vector<16xi32>
    %ne3A_2250 = arith.cmpi ne, %get3A_2247, %ne3A_2249 : vector<16xi32>
    %jit3A_2251 = arith.constant 1 : i32
    %jit3A_2252 = arith.constant 0 : i32
    %broadcast_in_dim3A_2253 = vector.broadcast %jit3A_2251 : i32 to vector<16xi32>
    %broadcast_in_dim3A_2254 = vector.broadcast %jit3A_2252 : i32 to vector<16xi32>
    %select_n3A_2255 = arith.select %ne3A_2250, %broadcast_in_dim3A_2253, %broadcast_in_dim3A_2254 : vector<16xi1>, vector<16xi32>
    %add3A_2256 = arith.addi %add3A_2243, %select_n3A_2255 : vector<16xi32>
    %get3A_2257 = arith.constant 21 : i32
    %get3A_2258 = arith.index_cast %get3A_2257 : i32 to index
    %get3A_2259 = arith.constant 96 : index
    %get3A_2260 = tpu.vector_load %arg6[%get3A_2258, %get3A_2259] {strides = array<i32>} : memref<22x128xi32, #tpu.memory_space<vmem>>, vector<16xi32>,
    %ne3A_2261 = arith.constant 40000 : i32
    %ne3A_2262 = vector.broadcast %ne3A_2261 : i32 to vector<16xi32>
    %ne3A_2263 = arith.cmpi ne, %get3A_2260, %ne3A_2262 : vector<16xi32>
    %jit3A_2264 = arith.constant 1 : i32
    %jit3A_2265 = arith.constant 0 : i32
    %broadcast_in_dim3A_2266 = vector.broadcast %jit3A_2264 : i32 to vector<16xi32>
    %broadcast_in_dim3A_2267 = vector.broadcast %jit3A_2265 : i32 to vector<16xi32>
    %select_n3A_2268 = arith.select %ne3A_2263, %broadcast_in_dim3A_2266, %broadcast_in_dim3A_2267 : vector<16xi1>, vector<16xi32>
    %add3A_2269 = arith.addi %add3A_2256, %select_n3A_2268 : vector<16xi32>
    %get3A_2270 = arith.constant 21 : i32
    %get3A_2271 = arith.index_cast %get3A_2270 : i32 to index
    %get3A_2272 = arith.constant 112 : index
    %get3A_2273 = tpu.vector_load %arg6[%get3A_2271, %get3A_2272] {strides = array<i32>} : memref<22x128xi32, #tpu.memory_space<vmem>>, vector<16xi32>,
    %ne3A_2274 = arith.constant 40000 : i32
    %ne3A_2275 = vector.broadcast %ne3A_2274 : i32 to vector<16xi32>
    %ne3A_2276 = arith.cmpi ne, %get3A_2273, %ne3A_2275 : vector<16xi32>
    %jit3A_2277 = arith.constant 1 : i32
    %jit3A_2278 = arith.constant 0 : i32
    %broadcast_in_dim3A_2279 = vector.broadcast %jit3A_2277 : i32 to vector<16xi32>
    %broadcast_in_dim3A_2280 = vector.broadcast %jit3A_2278 : i32 to vector<16xi32>
    %select_n3A_2281 = arith.select %ne3A_2276, %broadcast_in_dim3A_2279, %broadcast_in_dim3A_2280 : vector<16xi1>, vector<16xi32>
    %add3A_2282 = arith.addi %add3A_2269, %select_n3A_2281 : vector<16xi32>
    %reduce_sum3A_2283 = arith.constant true
    %reduce_sum3A_2284 = vector.broadcast %reduce_sum3A_2283 : i1 to vector<16xi1>
    %reduce_sum3A_2285 = tpu.scan <sum>, %add3A_2282 masked %reduce_sum3A_2284 : vector<16xi32>, vector<16xi1> -> vector<16xi32>
    %reduce_sum3A_2286 = vector.extract %reduce_sum3A_2285[15] : i32 from vector<16xi32>
    %gt3A_2287 = arith.constant 0 : i32
    %gt3A_2288 = arith.cmpi sgt, %reduce_sum3A_2286, %gt3A_2287 : i32
    %convert_element_type3A_2289 = arith.extui %gt3A_2288 : i1 to i32
    %cond3A_2290 = arith.constant 0 : i32
    %cond3A_2291 = arith.cmpi ne, %convert_element_type3A_2289, %cond3A_2290 : i32
    scf.if %cond3A_2291 {
      %add3A_2304 = arith.constant 2688 : i32
      %add3A_2305 = arith.addi %add3A_2170, %add3A_2304 : i32
      "tpu.region"() ({
        %run_scoped3A_2311 = tpu.sem_alloc : memref<!tpu.dma_semaphore, #tpu.memory_space<semaphore_mem>>
        %dma_start3A_2312 = arith.constant 0 : i32
        %dma_start3A_2313 = arith.constant 0 : i32
        %dma_start3A_2314 = tpu.memref_slice %arg5[%dma_start3A_2312, %dma_start3A_2313] : memref<128x32xf32, #tpu.memory_space<vmem>> -> memref<16x32xf32, #tpu.memory_space<vmem>>
        %dma_start3A_2315 = tpu.memref_slice %arg2[%add3A_2305, %mul3A_0] : memref<173184x64xf32, #tpu.memory_space<hbm>> -> memref<16x32xf32, #tpu.memory_space<hbm>>
        %dma_start3A_2316 = arith.constant 0 : i32
        %dma_start3A_2317 = arith.constant 0 : i32
        %dma_start3A_2318 = tpu.memref_slice %arg5[%dma_start3A_2316, %dma_start3A_2317] : memref<128x32xf32, #tpu.memory_space<vmem>> -> memref<16x32xf32, #tpu.memory_space<vmem>>
        %dma_start3A_2319 = tpu.memref_slice %arg2[%add3A_2305, %mul3A_0] : memref<173184x64xf32, #tpu.memory_space<hbm>> -> memref<16x32xf32, #tpu.memory_space<hbm>>
        tpu.enqueue_dma source(%dma_start3A_2319 : memref<16x32xf32, #tpu.memory_space<hbm>>) target(%dma_start3A_2318 : memref<16x32xf32, #tpu.memory_space<vmem>>) target_semaphore(%run_scoped3A_2311 : memref<!tpu.dma_semaphore, #tpu.memory_space<semaphore_mem>>)
        %dma_wait3A_2320 = arith.constant 0 : i32
        %dma_wait3A_2321 = arith.constant 0 : i32
        %dma_wait3A_2322 = tpu.memref_slice %arg5[%dma_wait3A_2320, %dma_wait3A_2321] : memref<128x32xf32, #tpu.memory_space<vmem>> -> memref<16x32xf32, #tpu.memory_space<vmem>>
        %dma_wait3A_2323 = tpu.memref_slice %arg2[%add3A_2305, %mul3A_0] : memref<173184x64xf32, #tpu.memory_space<hbm>> -> memref<16x32xf32, #tpu.memory_space<hbm>>
        %dma_wait3A_2324 = arith.constant 0 : i32
        %dma_wait3A_2325 = arith.constant 0 : i32
        %dma_wait3A_2326 = tpu.memref_slice %arg5[%dma_wait3A_2324, %dma_wait3A_2325] : memref<128x32xf32, #tpu.memory_space<vmem>> -> memref<16x32xf32, #tpu.memory_space<vmem>>
        %dma_wait3A_2327 = tpu.memref_slice %arg2[%add3A_2305, %mul3A_0] : memref<173184x64xf32, #tpu.memory_space<hbm>> -> memref<16x32xf32, #tpu.memory_space<hbm>>
        tpu.wait_dma2 semaphore(%run_scoped3A_2311 : memref<!tpu.dma_semaphore, #tpu.memory_space<semaphore_mem>>) src(%dma_wait3A_2327 : memref<16x32xf32, #tpu.memory_space<hbm>>) dst(%dma_wait3A_2326 : memref<16x32xf32, #tpu.memory_space<vmem>>)
        tpu.yield
      }) : () -> ()
      %eq3A = arith.constant 15 : i32
      %eq3A_2306 = arith.cmpi eq, %arg1, %eq3A : i32
      %convert_element_type3A_2307 = arith.extui %eq3A_2306 : i1 to i32
      %cond3A_2308 = arith.constant 0 : i32
      %cond3A_2309 = arith.cmpi ne, %convert_element_type3A_2307, %cond3A_2308 : i32
      scf.if %cond3A_2309 {
        %add3A_2311 = arith.constant 2704 : i32
        %add3A_2312 = arith.addi %add3A_2170, %add3A_2311 : i32
        "tpu.region"() ({
          %run_scoped3A_2313 = tpu.sem_alloc : memref<!tpu.dma_semaphore, #tpu.memory_space<semaphore_mem>>
          %dma_start3A_2314 = arith.constant 16 : i32
          %dma_start3A_2315 = arith.constant 0 : i32
          %dma_start3A_2316 = tpu.memref_slice %arg5[%dma_start3A_2314, %dma_start3A_2315] : memref<128x32xf32, #tpu.memory_space<vmem>> -> memref<32x32xf32, #tpu.memory_space<vmem>>
          %dma_start3A_2317 = tpu.memref_slice %arg2[%add3A_2312, %mul3A_0] : memref<173184x64xf32, #tpu.memory_space<hbm>> -> memref<32x32xf32, #tpu.memory_space<hbm>>
          %dma_start3A_2318 = arith.constant 16 : i32
          %dma_start3A_2319 = arith.constant 0 : i32
          %dma_start3A_2320 = tpu.memref_slice %arg5[%dma_start3A_2318, %dma_start3A_2319] : memref<128x32xf32, #tpu.memory_space<vmem>> -> memref<32x32xf32, #tpu.memory_space<vmem>>
          %dma_start3A_2321 = tpu.memref_slice %arg2[%add3A_2312, %mul3A_0] : memref<173184x64xf32, #tpu.memory_space<hbm>> -> memref<32x32xf32, #tpu.memory_space<hbm>>
          tpu.enqueue_dma source(%dma_start3A_2321 : memref<32x32xf32, #tpu.memory_space<hbm>>) target(%dma_start3A_2320 : memref<32x32xf32, #tpu.memory_space<vmem>>) target_semaphore(%run_scoped3A_2313 : memref<!tpu.dma_semaphore, #tpu.memory_space<semaphore_mem>>)
          %dma_wait3A_2322 = arith.constant 16 : i32
          %dma_wait3A_2323 = arith.constant 0 : i32
          %dma_wait3A_2324 = tpu.memref_slice %arg5[%dma_wait3A_2322, %dma_wait3A_2323] : memref<128x32xf32, #tpu.memory_space<vmem>> -> memref<32x32xf32, #tpu.memory_space<vmem>>
          %dma_wait3A_2325 = tpu.memref_slice %arg2[%add3A_2312, %mul3A_0] : memref<173184x64xf32, #tpu.memory_space<hbm>> -> memref<32x32xf32, #tpu.memory_space<hbm>>
          %dma_wait3A_2326 = arith.constant 16 : i32
          %dma_wait3A_2327 = arith.constant 0 : i32
          %dma_wait3A_2328 = tpu.memref_slice %arg5[%dma_wait3A_2326, %dma_wait3A_2327] : memref<128x32xf32, #tpu.memory_space<vmem>> -> memref<32x32xf32, #tpu.memory_space<vmem>>
          %dma_wait3A_2329 = tpu.memref_slice %arg2[%add3A_2312, %mul3A_0] : memref<173184x64xf32, #tpu.memory_space<hbm>> -> memref<32x32xf32, #tpu.memory_space<hbm>>
          tpu.wait_dma2 semaphore(%run_scoped3A_2313 : memref<!tpu.dma_semaphore, #tpu.memory_space<semaphore_mem>>) src(%dma_wait3A_2329 : memref<32x32xf32, #tpu.memory_space<hbm>>) dst(%dma_wait3A_2328 : memref<32x32xf32, #tpu.memory_space<vmem>>)
          tpu.yield
        }) : () -> ()
      } else {
      }
      %run_scoped3A_2310 = arith.constant 21 : i32
      "tpu.region"() ({
        %run_scoped3A_2311 = tpu.sem_alloc : memref<!tpu.dma_semaphore, #tpu.memory_space<semaphore_mem>>
        %dma_start3A_2312 = arith.constant 0 : i32
        %dma_start3A_2313 = tpu.memref_slice %arg6[%run_scoped3A_2310, %dma_start3A_2312] : memref<22x128xi32, #tpu.memory_space<vmem>> -> memref<1x128xi32, #tpu.memory_space<vmem>>
        %dma_start3A_2314 = tpu.memref_squeeze %dma_start3A_2313 : memref<1x128xi32, #tpu.memory_space<vmem>> -> memref<128xi32, #tpu.memory_space<vmem>>
        %dma_start3A_2315 = arith.constant 0 : i32
        %dma_start3A_2316 = arith.constant 0 : i32
        %dma_start3A_2317 = tpu.memref_slice %arg8[%dma_start3A_2315, %dma_start3A_2316] : memref<40016x32xf32, #tpu.memory_space<vmem_shared>> -> memref<40016x32xf32, #tpu.memory_space<vmem_shared>>
        tpu.enqueue_indirect_dma source(%arg5 : memref<128x32xf32, #tpu.memory_space<vmem>>) target(%dma_start3A_2317 : memref<40016x32xf32, #tpu.memory_space<vmem_shared>>) offsets(%dma_start3A_2314 : memref<128xi32, #tpu.memory_space<vmem>>) semaphore(%run_scoped3A_2311 : memref<!tpu.dma_semaphore, #tpu.memory_space<semaphore_mem>>) {add = true}
        %dma_wait3A_2318 = arith.constant 0 : i32
        %dma_wait3A_2319 = tpu.memref_slice %arg6[%run_scoped3A_2310, %dma_wait3A_2318] : memref<22x128xi32, #tpu.memory_space<vmem>> -> memref<1x128xi32, #tpu.memory_space<vmem>>
        %dma_wait3A_2320 = tpu.memref_squeeze %dma_wait3A_2319 : memref<1x128xi32, #tpu.memory_space<vmem>> -> memref<128xi32, #tpu.memory_space<vmem>>
        %dma_wait3A_2321 = arith.constant 0 : i32
        %dma_wait3A_2322 = arith.constant 0 : i32
        %dma_wait3A_2323 = tpu.memref_slice %arg8[%dma_wait3A_2321, %dma_wait3A_2322] : memref<40016x32xf32, #tpu.memory_space<vmem_shared>> -> memref<40016x32xf32, #tpu.memory_space<vmem_shared>>
        tpu.wait_indirect_dma semaphore(%run_scoped3A_2311 : memref<!tpu.dma_semaphore, #tpu.memory_space<semaphore_mem>>) src(%arg5 : memref<128x32xf32, #tpu.memory_space<vmem>>) dst(%dma_wait3A_2323 : memref<40016x32xf32, #tpu.memory_space<vmem_shared>>)
        tpu.yield
      }) : () -> ()
    } else {
    }
    %barrier3A_2292 = arith.constant 0 : index
    tpu.barrier barrier_id(%barrier3A_2292)
    %dma_start3A_2293 = arith.constant 3 : i32
    %dma_start3A_2294 = tpu.memref_slice %arg4[%dma_start3A_2293, %mul3A_7, %mul3A_0] : memref<4x40000x64xf32, #tpu.memory_space<hbm>> -> memref<1x2500x32xf32, #tpu.memory_space<hbm>>
    %dma_start3A_2295 = tpu.memref_squeeze %dma_start3A_2294 : memref<1x2500x32xf32, #tpu.memory_space<hbm>> -> memref<2500x32xf32, #tpu.memory_space<hbm>>
    %dma_start3A_2296 = arith.constant 0 : i32
    %dma_start3A_2297 = tpu.memref_slice %arg8[%mul3A_7, %dma_start3A_2296] : memref<40016x32xf32, #tpu.memory_space<vmem_shared>> -> memref<2500x32xf32, #tpu.memory_space<vmem_shared>>
    tpu.enqueue_dma source(%dma_start3A_2297 : memref<2500x32xf32, #tpu.memory_space<vmem_shared>>) target(%dma_start3A_2295 : memref<2500x32xf32, #tpu.memory_space<hbm>>) target_semaphore(%arg9 : memref<!tpu.dma_semaphore, #tpu.memory_space<semaphore_mem>>)
    %dma_wait3A_2298 = arith.constant 3 : i32
    %dma_wait3A_2299 = tpu.memref_slice %arg4[%dma_wait3A_2298, %mul3A_7, %mul3A_0] : memref<4x40000x64xf32, #tpu.memory_space<hbm>> -> memref<1x2500x32xf32, #tpu.memory_space<hbm>>
    %dma_wait3A_2300 = tpu.memref_squeeze %dma_wait3A_2299 : memref<1x2500x32xf32, #tpu.memory_space<hbm>> -> memref<2500x32xf32, #tpu.memory_space<hbm>>
    %dma_wait3A_2301 = arith.constant 0 : i32
    %dma_wait3A_2302 = tpu.memref_slice %arg8[%mul3A_7, %dma_wait3A_2301] : memref<40016x32xf32, #tpu.memory_space<vmem_shared>> -> memref<2500x32xf32, #tpu.memory_space<vmem_shared>>
    tpu.wait_dma2 semaphore(%arg9 : memref<!tpu.dma_semaphore, #tpu.memory_space<semaphore_mem>>) src(%dma_wait3A_2302 : memref<2500x32xf32, #tpu.memory_space<vmem_shared>>) dst(%dma_wait3A_2300 : memref<2500x32xf32, #tpu.memory_space<hbm>>)
    %barrier3A_2303 = arith.constant 0 : index
    tpu.barrier barrier_id(%barrier3A_2303)
    return
  }
}

module attributes {stable_mosaic.version = 14 : i64} {
  func.func @_idx_body(%arg0: memref<24x41x176xf32, #tpu.memory_space<vmem>>, %arg1: memref<24x41x176xf32, #tpu.memory_space<vmem>>, %arg2: memref<24x41x176xf32, #tpu.memory_space<vmem>>, %arg3: memref<24x41x176xi32, #tpu.memory_space<vmem>>) attributes {dimension_semantics = [], scalar_prefetch = 0 : i64, scratch_operands = 0 : i64, tpu.core_type = #tpu.core_type<tc>} {
    %get3A = arith.constant 0 : index
    %get3A_0 = arith.constant 0 : index
    %get3A_1 = arith.constant 0 : index
    %get3A_2 = vector.load %arg0[%get3A, %get3A_0, %get3A_1] : memref<24x41x176xf32, #tpu.memory_space<vmem>>, vector<24x41x176xf32>
    %sub3A = arith.constant -5.000000e+01 : f32
    %sub3A_3 = vector.broadcast %sub3A : f32 to vector<24x41x176xf32>
    %sub3A_4 = arith.subf %get3A_2, %sub3A_3 : vector<24x41x176xf32>
    %div3A = arith.constant 5.000000e-01 : f32
    %div3A_5 = vector.broadcast %div3A : f32 to vector<24x41x176xf32>
    %div3A_6 = arith.divf %sub3A_4, %div3A_5 : vector<24x41x176xf32>
    %convert_element_type3A = arith.fptosi %div3A_6 : vector<24x41x176xf32> to vector<24x41x176xi32>
    %get3A_7 = arith.constant 0 : index
    %get3A_8 = arith.constant 0 : index
    %get3A_9 = arith.constant 0 : index
    %get3A_10 = vector.load %arg1[%get3A_7, %get3A_8, %get3A_9] : memref<24x41x176xf32, #tpu.memory_space<vmem>>, vector<24x41x176xf32>
    %sub3A_11 = arith.constant -5.000000e+01 : f32
    %sub3A_12 = vector.broadcast %sub3A_11 : f32 to vector<24x41x176xf32>
    %sub3A_13 = arith.subf %get3A_10, %sub3A_12 : vector<24x41x176xf32>
    %div3A_14 = arith.constant 5.000000e-01 : f32
    %div3A_15 = vector.broadcast %div3A_14 : f32 to vector<24x41x176xf32>
    %div3A_16 = arith.divf %sub3A_13, %div3A_15 : vector<24x41x176xf32>
    %convert_element_type3A_17 = arith.fptosi %div3A_16 : vector<24x41x176xf32> to vector<24x41x176xi32>
    %get3A_18 = arith.constant 0 : index
    %get3A_19 = arith.constant 0 : index
    %get3A_20 = arith.constant 0 : index
    %get3A_21 = vector.load %arg2[%get3A_18, %get3A_19, %get3A_20] : memref<24x41x176xf32, #tpu.memory_space<vmem>>, vector<24x41x176xf32>
    %sub3A_22 = arith.constant -1.000000e+01 : f32
    %sub3A_23 = vector.broadcast %sub3A_22 : f32 to vector<24x41x176xf32>
    %sub3A_24 = arith.subf %get3A_21, %sub3A_23 : vector<24x41x176xf32>
    %div3A_25 = arith.constant 2.000000e+01 : f32
    %div3A_26 = vector.broadcast %div3A_25 : f32 to vector<24x41x176xf32>
    %div3A_27 = arith.divf %sub3A_24, %div3A_26 : vector<24x41x176xf32>
    %convert_element_type3A_28 = arith.fptosi %div3A_27 : vector<24x41x176xf32> to vector<24x41x176xi32>
    %ge3A = arith.constant 0 : i32
    %ge3A_29 = vector.broadcast %ge3A : i32 to vector<24x41x176xi32>
    %ge3A_30 = arith.cmpi sge, %convert_element_type3A, %ge3A_29 : vector<24x41x176xi32>
    %lt3A = arith.constant 200 : i32
    %lt3A_31 = vector.broadcast %lt3A : i32 to vector<24x41x176xi32>
    %lt3A_32 = arith.cmpi slt, %convert_element_type3A, %lt3A_31 : vector<24x41x176xi32>
    %and3A = arith.andi %ge3A_30, %lt3A_32 : vector<24x41x176xi1>
    %ge3A_33 = arith.constant 0 : i32
    %ge3A_34 = vector.broadcast %ge3A_33 : i32 to vector<24x41x176xi32>
    %ge3A_35 = arith.cmpi sge, %convert_element_type3A_17, %ge3A_34 : vector<24x41x176xi32>
    %and3A_36 = arith.andi %and3A, %ge3A_35 : vector<24x41x176xi1>
    %lt3A_37 = arith.constant 200 : i32
    %lt3A_38 = vector.broadcast %lt3A_37 : i32 to vector<24x41x176xi32>
    %lt3A_39 = arith.cmpi slt, %convert_element_type3A_17, %lt3A_38 : vector<24x41x176xi32>
    %and3A_40 = arith.andi %and3A_36, %lt3A_39 : vector<24x41x176xi1>
    %ge3A_41 = arith.constant 0 : i32
    %ge3A_42 = vector.broadcast %ge3A_41 : i32 to vector<24x41x176xi32>
    %ge3A_43 = arith.cmpi sge, %convert_element_type3A_28, %ge3A_42 : vector<24x41x176xi32>
    %and3A_44 = arith.andi %and3A_40, %ge3A_43 : vector<24x41x176xi1>
    %lt3A_45 = arith.constant 1 : i32
    %lt3A_46 = vector.broadcast %lt3A_45 : i32 to vector<24x41x176xi32>
    %lt3A_47 = arith.cmpi slt, %convert_element_type3A_28, %lt3A_46 : vector<24x41x176xi32>
    %and3A_48 = arith.andi %and3A_44, %lt3A_47 : vector<24x41x176xi1>
    %mul3A = arith.constant 200 : i32
    %mul3A_49 = vector.broadcast %mul3A : i32 to vector<24x41x176xi32>
    %mul3A_50 = arith.muli %convert_element_type3A, %mul3A_49 : vector<24x41x176xi32>
    %add3A = arith.addi %mul3A_50, %convert_element_type3A_17 : vector<24x41x176xi32>
    %jit3A = arith.constant 40000 : i32
    %broadcast_in_dim3A = vector.broadcast %jit3A : i32 to vector<24x41x176xi32>
    %select_n3A = arith.select %and3A_48, %add3A, %broadcast_in_dim3A : vector<24x41x176xi1>, vector<24x41x176xi32>
    %swap3A = arith.constant 0 : index
    %swap3A_51 = arith.constant 0 : index
    %swap3A_52 = arith.constant 0 : index
    %swap3A_53 = vector.load %arg3[%swap3A, %swap3A_51, %swap3A_52] : memref<24x41x176xi32, #tpu.memory_space<vmem>>, vector<24x41x176xi32>
    tpu.vector_store %arg3[%swap3A, %swap3A_51, %swap3A_52], %select_n3A {strides = array<i32>} : memref<24x41x176xi32, #tpu.memory_space<vmem>>, vector<24x41x176xi32>,
    return
  }
}

</mosaic_0001>

<sc_bundles>
// kernel: kernel.4.cloned.1.call-start
scs
__scs_entry_jumppad:
0x0: {  	(pc) =	sbr.rel $0x88, $3  }
0x1: {  	(tag) =	ssettag $0x0;
	lr =	simm.s32 $0x1  }
0x2: {  	[smem:$0x3F9B] =	sst lr;
	_ =	strace $0xD0000000  }
0x3: {  	_ = 	snop  }
0x4: {  	_ = 	snop  }
0x5: {  	_ = 	snop  }
0x6: {  	_ = 	snop  }
0x7: {  	_ = 	snop  }
__scs_overlays_trampoline_lowered:
0x8: {  	[smem:$0x3FAA] =	sst s0  }
0x9: {  	[smem:$0x3FAB] =	sst s1  }
0xa: {  	[smem:$0x3FAC] =	sst s2  }
0xb: {  	[smem:$0x3FAD] =	sst s3  }
0xc: {  	[smem:$0x3FAE] =	sst s4  }
0xd: {  	[smem:$0x3FAF] =	sst s5  }
0xe: {  	[smem:$0x3FB0] =	sst s6  }
0xf: {  	[smem:$0x3FB1] =	sst s7  }
0x10: {  	[smem:$0x3FB2] =	sst s8  }
0x11: {  	[smem:$0x3FB3] =	sst s9;
	s0 =	simm.s32 @!p0 $0x0  }
0x12: {  	s1 =	sld [smem:$0x3F99];
	s0 =	simm.s32 @p0 $0x1  }
0x13: {  	[smem:$0x3FB4] =	sst s0;
	s0 =	simm.s32 @!p1 $0x0  }
0x14: {  	s2 =	sld [smem:$0x3F98];
	s0 =	simm.s32 @p1 $0x1  }
0x15: {  	[smem:$0x3FB5] =	sst s0;
	s0 =	simm.s32 @!p2 $0x0  }
0x16: {  	s3 =	sld [smem:$0x3FDB];
	s0 =	simm.s32 @p2 $0x1  }
0x17: {  	s4 =	simm.s32 $0x1BF5;
	[smem:$0x3FB7] =	sst s0  }
0x18: {  	s0 =	sld [smem:$0x3F9A];
	_ =	swait.ge [sflag:s4], $0x0  }
0x19: {  	s7 =	sld [smem:$0x3F9B]  }
0x1a: {  	s8 =	sadd.s32 $0xFFFFE003, lr  }
0x1b: {  	s9 =	sadd.s32 $0xFFFFFEF7, lr;
	s5 =	simm.s32 $0xFFFFFFFF;
	p2 =	slt.u32 s8, $0xFFFFF086  }
0x1c: {  	p1 =	slt.u32 s9, $0xF7A;
	s5 =	simm.s32 @!p2 $0x0  }
0x1d: {  	s5 =	simm.s32 @p1 $0x1;
	p0 =	seq.s32 s7, s2  }
0x1e: {  	s7 =	smul.u32 @!p0 $0xF7A, s2;
	p2 =	seq.s32 @!p0 s5, $0x0  }
0x1f: {  	s9 =	smul.u32 $0xF7A, s1;
	s8 =	simm.s32 @!p0 $0x1BF5;
	p2 =	por !p2, p0  }
0x20: {  	[sflag:s8] =	ssyncset.s32 @!p0 $0xFFFFF086;
	s6 =	sadd.s32 @!p0 s3, s7;
	s7 =	simm.s32 @!p0 $0x108  }
0x21: {  	s3 =	sadd.s32 s3, s9;
	s6 =	sadd.s32 @!p0 $0x88, s6;
	s7 =	simm.s32 @p2 $0x1082  }
0x22: {  	[simem:s7], [sflag:s8] =	dma.local @!p0 [hbm:s6], $0xF7A  }
0x23: {  	s9 =	sor.u32 $0xD0000000, s2;
	s6 =	simm.s32 $0x108;
	_ =	swait.ge @!p0 [sflag:s8], $0x0  }
0x24: {  	s3 =	sadd.s32 $0x88, s3;
	s6 =	simm.s32 @!p1 $0x1082;
	[sflag:s4] =	ssyncset.s32 $0xFFFFF086  }
0x25: {  	[simem:s6], [sflag:s4] =	dma.local [hbm:s3], $0xF7A  }
0x26: {  	[smem:$0x3F9B] =	sst s1;
	(tag) =	ssettag s2;
	_ =	strace s9  }
0x27: {  	s1 =	sld [smem:$0x3FAB]  }
0x28: {  	s2 =	sld [smem:$0x3FAC]  }
0x29: {  	s4 =	sld [smem:$0x3FAE]  }
0x2a: {  	p0 =	seq.s32 s5, $0x0;
	s5 =	sld [smem:$0x3FAF]  }
0x2b: {  	s6 =	sld [smem:$0x3FB0]  }
0x2c: {  	s7 =	sld [smem:$0x3FB1]  }
0x2d: {  	s3 =	simm.s32 $0x108;
	s8 =	sld [smem:$0x3FB2]  }
0x2e: {  	s3 =	simm.s32 @!p0 $0x1082;
	s9 =	sld [smem:$0x3FB3]  }
0x2f: {  	lr =	sadd.s32 s0, s3;
	s0 =	sld [smem:$0x3FAA]  }
0x30: {  	s3 =	sld [smem:$0x3FAD]  }
0x31: {  	[smem:$0x3FB6] =	sst s10  }
0x32: {  	s10 =	sld [smem:$0x3FB4];
	_ =	sdelay $0x3  }
0x33: {  	p0 =	seq.s32 s10, $0x1;
	s10 =	sld [smem:$0x3FB6];
	_ =	sdelay $0x3  }
0x34: {  	[smem:$0x3FB6] =	sst s10  }
0x35: {  	s10 =	sld [smem:$0x3FB5];
	_ =	sdelay $0x3  }
0x36: {  	p1 =	seq.s32 s10, $0x1;
	s10 =	sld [smem:$0x3FB6];
	_ =	sdelay $0x3  }
0x37: {  	[smem:$0x3FB6] =	sst s10  }
0x38: {  	s10 =	sld [smem:$0x3FB7]  }
0x39: {  	_ = 	snop;
	(pc) =	sbr.ind lr, $3  }
0x3a: {  	_ = 	snop  }
0x3b: {  	_ = 	snop  }
0x3c: {  	p2 =	seq.s32 s10, $0x1;
	s10 =	sld [smem:$0x3FB6]  }
0x3d: {  	_ =	shalt  }
0x3e: {  	_ =	shalt  }
0x3f: {  	_ =	shalt  }
0x40: {  	_ =	shalt  }
0x41: {  	_ =	shalt  }
0x42: {  	_ =	shalt  }
0x43: {  	_ =	shalt  }
0x44: {  	_ =	shalt  }
0x45: {  	_ =	shalt  }
0x46: {  	_ =	shalt  }
0x47: {  	_ =	shalt  }
0x48: {  	_ =	shalt  }
0x49: {  	_ =	shalt  }
0x4a: {  	_ =	shalt  }
0x4b: {  	_ =	shalt  }
0x4c: {  	_ =	shalt  }
0x4d: {  	_ =	shalt  }
0x4e: {  	_ =	shalt  }
0x4f: {  	_ =	shalt  }
0x50: {  	_ =	shalt  }
0x51: {  	_ =	shalt  }
0x52: {  	_ =	shalt  }
0x53: {  	_ =	shalt  }
0x54: {  	_ =	shalt  }
0x55: {  	_ =	shalt  }
0x56: {  	_ =	shalt  }
0x57: {  	_ =	shalt  }
0x58: {  	_ =	shalt  }
0x59: {  	_ =	shalt  }
0x5a: {  	_ =	shalt  }
0x5b: {  	_ =	shalt  }
0x5c: {  	_ =	shalt  }
0x5d: {  	_ =	shalt  }
0x5e: {  	_ =	shalt  }
0x5f: {  	_ =	shalt  }
0x60: {  	_ =	shalt  }
0x61: {  	_ =	shalt  }
0x62: {  	_ =	shalt  }
0x63: {  	_ =	shalt  }
0x64: {  	_ =	shalt  }
0x65: {  	_ =	shalt  }
0x66: {  	_ =	shalt  }
0x67: {  	_ =	shalt  }
0x68: {  	_ =	shalt  }
0x69: {  	_ =	shalt  }
0x6a: {  	_ =	shalt  }
0x6b: {  	_ =	shalt  }
0x6c: {  	_ =	shalt  }
0x6d: {  	_ =	shalt  }
0x6e: {  	_ =	shalt  }
0x6f: {  	_ =	shalt  }
0x70: {  	_ =	shalt  }
0x71: {  	_ =	shalt  }
0x72: {  	_ =	shalt  }
0x73: {  	_ =	shalt  }
0x74: {  	_ =	shalt  }
0x75: {  	_ =	shalt  }
0x76: {  	_ =	shalt  }
0x77: {  	_ =	shalt  }
0x78: {  	_ =	shalt  }
0x79: {  	_ =	shalt  }
0x7a: {  	_ =	shalt  }
0x7b: {  	_ =	shalt  }
0x7c: {  	_ =	shalt  }
0x7d: {  	_ =	shalt  }
0x7e: {  	_ =	shalt  }
0x7f: {  	_ =	shalt  }
0x80: {  	_ =	shalt  }
0x81: {  	_ =	shalt  }
0x82: {  	_ =	shalt  }
0x83: {  	_ =	shalt  }
0x84: {  	_ =	shalt  }
0x85: {  	_ =	shalt  }
0x86: {  	_ =	shalt  }
0x87: {  	_ =	shalt  }
.Lfunc_end0:
.L_simem_size_0:
called_computation.1_lowered:
.L_overlay_start_0:
0x88: {  	s2 =	sld [smem:$0x3FD9]  }
0x89: {  	s3 =	sld [smem:$0x3FFE];
	_ =	sdelay $0x1  }
0x8a: {  	s1 =	srdreg.scid  }
0x8b: {  	s0 =	sand.u32 $0x1, s1  }
0x8c: {  	s17 =	sshll.u32 s0, $0xA;
	s2 =	sadd.s32 s3, s2  }
0x8d: {  	s2 =	sadd.s32 s2, s17  }
0x8e: {  	[smem:$0x3FC2] =	sst s2  }
0x8f: {  	_ = 	snop  }
0x90: {  	s2 =	sld [smem:$0x3FD0];
	(tm) =	ssettm $0x1  }
0x91: {  	s18 =	sld [smem:$0x3FFB];
	_ =	sdelay $0x3  }
0x92: {  	_ =	strace s18  }
0x93: {  	s3 =	sld [smem:$0x3FFC];
	_ =	sdelay $0x3  }
0x94: {  	_ =	strace s3  }
0x95: {  	s3 =	sld [smem:$0x3FFD];
	_ =	sdelay $0x3  }
0x96: {  	_ =	strace s3  }
0x97: {  	_ =	strace $0x8FFFFFFF  }
0x98: {  	s19 =	sld [smem:$0x3FDB];
	_ =	sdelay $0x1  }
0x99: {  	s4 =	simm.s32 $_scs_section_size  }
0x9a: {  	s5 =	simm.s32 $_size__tile_overlayer_lowered;
	s6 =	simm.s32 $_tile_overlayer_lowered  }
0x9b: {  	s22 =	simm.s32 $0x1BFF;
	s21 =	sshll.u32 s6, $0x1;
	s3 =	sadd.s32 s4, s19  }
0x9c: {  	s7 =	simm.s32 $0x0;
	s20 =	sshll.u32 s5, $0x1;
	s5 =	sadd.s32 s21, s3  }
0x9d: {  	[timem:s7], [sflag:s22] =	dma.local [hbm:s5], s20  }
0x9e: {  	_ =	swait.ge [sflag:s22], s20  }
0x9f: {  	s4 =	ssub.s32 $0x0, s20;
	[sflag:s22] =	ssyncset.done $0x0  }
0xa0: {  	[sflag:s22] =	ssyncadd.s32 s4;
	_ =	sdelay $0x1  }
0xa1: {  	s23 =	simm.s32 $0x1B8B  }
0xa2: {  	_ =	swait.ge [sflag:s23], $0x1  }
0xa3: {  	[sflag:s23] =	ssyncset.done $0x0  }
0xa4: {  	s25 =	simm.s32 $0x1B8E;
	s24 =	sld [smem:$0x3FFE];
	[sflag:s23] =	ssyncadd.s32 $0xFFFFFFFF  }
0xa5: {  	s26 =	simm.s32 $execute0_lowered;
	[smem:$0x3FD2] =	sst s25  }
0xa6: {  	s5 =	sshll.u32 s26, $0x1;
	_ =	strace $0x80000046;
	[dreg:$0x1] =	wrdreg $0xFFFFFFFF  }
0xa7: {  	s28 =	simm.s32 $_size_execute0_lowered;
	s3 =	sadd.s32 s3, s5;
	[dreg:$0x0] =	wrdreg $0x0  }
0xa8: {  	s5 =	sshll.u32 s28, $0x1;
	[dreg:$0x2] =	wrdreg s3  }
0xa9: {  	[dreg:$0x3] =	wrdreg s5  }
0xaa: {  	[dreg:$0x4] =	wrdreg $0xC0  }
0xab: {  	_ =	task [dreg:s7], $0x5FFFF  }
0xac: {  	[dreg:$0x1] =	wrdreg $0xFFFFFFFF  }
0xad: {  	[dreg:$0x0] =	wrdreg $0x60  }
0xae: {  	[dreg:$0x2] =	wrdreg s2  }
0xaf: {  	[dreg:$0x3] =	wrdreg s24  }
0xb0: {  	[dreg:$0x4] =	wrdreg $0x2B000  }
0xb1: {  	[dreg:$0x5] =	wrdreg $0x9  }
0xb2: {  	_ =	task.clear_ibuf [dreg:s7], $0x6FFFF;
	_ =	strace $0x90000046  }
0xb3: {  	s29 =	simm.s32 $0x9;
	_ =	strace $0x80000048  }
0xb4: {  	_ =	swait.ge [sflag:s29], $0x1  }
0xb5: {  	[sflag:s29] =	ssyncadd.s32 $0xFFFFFFFF  }
0xb6: {  	_ =	strace $0x90000048  }
0xb7: {  	_ =	sfence  }
0xb8: {  	s30 =	sld [smem:$0x0];
	_ =	sdelay $0x2  }
0xb9: {  	s31 =	sshll.u32 s1, $0xD;
	s1 =	sshrl.u32 s1, $0x2  }
0xba: {  	s3 =	sand.u32 $0x4000, s31;
	s1 =	sadd.s32 s1, s30  }
0xbb: {  	s0 =	sor.u32 s3, s0;
	s1 =	sshll.u32 s1, $0x11  }
0xbc: {  	s0 =	sor.u32 s1, s0  }
0xbd: {  	s0 =	sadd.s32 $0x8F2B, s0  }
0xbe: {  	[sflag:s0] =	ssyncadd.remote.s32 $0x1  }
0xbf: {  	_ =	sfence.sel $0xFFFF  }
0xc0: {  	[dreg:$0x0] =	wrdreg $0xFFFFFFFF;
	(pc) =	sbr.abs _section_cstart, $3  }
0xc1: {  	[dreg:$0x1] =	wrdreg $0xFFFFFFFF  }
0xc2: {  	_ =	task.clear_ibuf [dreg:s7], $0x2FFFF;
	_ =	strace $0x9FFFFFFF  }
0xc3: {  	(tm) =	ssettm $0x7FFFFFFF  }
tec
execute0_lowered:
.L_overlay_start_1:
0x0: {  	(tag) =	ssettag $0x1  }
0x1: {  	s0 =	rddreg [dreg:$0x0];
	s10 =	stileid.u32  }
0x2: {  	s1 =	rddreg [dreg:$0x1];
	s4 =	smul.u32 $0xB00, s10  }
0x3: {  	s2 =	rddreg [dreg:$0x2];
	s6 =	smul.u32 $0x27100, s10  }
0x4: {  	s3 =	simm.s32 $0x0;
	s5 =	srdreg.scid;
	s16 =	smul.u32 $0x4E200, s10  }
0x5: {  	[smem:$0x7FF] =	sst s3;
	s5 =	sand.u32 $0x1, s5;
	s10 =	smul.u32 $0x2A400, s10  }
0x6: {  	_ =	strace $0x80000047;
	s7 =	sshll.u32 s5, $0x5;
	s9 =	ssub.s32 $0x2, s5  }
0x7: {  	s5 =	sshll.u32 s5, $0x2;
	s4 =	sshrl.u32 s4, $0x3;
	s15 =	sor.u32 s7, s6  }
0x8: {  	s17 =	sshrl.u32 s9, $0x1;
	s6 =	sshrl.u32 s16, $0x2;
	s18 =	sor.u32 s7, s10  }
0x9: {  	s5 =	sadd.s32 s5, s0;
	s8 =	sadd.s32 s4, s1;
	s4 =	sshrl.u32 s15, $0x3  }
0xa: {  	s9 =	ssub.s32 s9, s17;
	s20 =	sadd.s32 $0x2A000, s18;
	s10 =	sadd.s32 $0x2CE800, s18  }
0xb: {  	s21 =	sadd.s32 $0x54800, s5;
	s25 =	sadd.s32 $0xA9100, s5;
	s28 =	sadd.s32 $0x573000, s18  }
0xc: {  	s30 =	sadd.s32 $0x817800, s18;
	s31 =	sadd.s32 $0xFDA00, s5;
	[dreg:$0x6] =	wrdreg s21  }
0xd: {  	s11 =	sshrl.u32 s18, $0x3;
	s12 =	sadd.s32 $0x2A4800, s18;
	[dreg:$0xa] =	wrdreg s25  }
0xe: {  	s13 =	sadd.s32 $0x549000, s18;
	s16 =	sadd.s32 $0x152300, s5;
	[dreg:$0xe] =	wrdreg s31  }
0xf: {  	s1 =	sadd.s32 s4, s1;
	s19 =	sadd.s32 $0x1A00, s8;
	[dreg:$0x12] =	wrdreg s16  }
0x10: {  	s4 =	sadd.s32 s6, s2;
	s24 =	sadd.s32 $0x3000, s8;
	[dreg:$0x4] =	wrdreg s19  }
0x11: {  	s7 =	sshrl.u32 s20, $0x3;
	s29 =	sadd.s32 $0x4600, s8;
	[dreg:$0x8] =	wrdreg s24  }
0x12: {  	s22 =	sshrl.u32 s10, $0x3;
	s15 =	sadd.s32 $0x5C00, s8;
	[dreg:$0xc] =	wrdreg s29  }
0x13: {  	s10 =	sshrl.u32 s30, $0x3;
	s7 =	sadd.s32 s0, s7;
	[dreg:$0x11] =	wrdreg s15  }
0x14: {  	s17 =	sadd.s32 s11, s0;
	s23 =	sadd.s32 $0x7200, s1;
	[dreg:$0x5] =	wrdreg s7  }
0x15: {  	s6 =	sadd.s32 $0x7ED800, s18;
	s26 =	sadd.s32 $0x55400, s1;
	[dreg:$0x7] =	wrdreg s23  }
0x16: {  	s6 =	sshrl.u32 s6, $0x3;
	s14 =	sadd.s32 $0xA3600, s1;
	[dreg:$0xb] =	wrdreg s26  }
0x17: {  	s21 =	sadd.s32 $0xF1800, s1;
	s24 =	sadd.s32 $0x2000, s4;
	[dreg:$0x10] =	wrdreg s14  }
0x18: {  	s25 =	sadd.s32 $0x3000, s4;
	s29 =	sadd.s32 $0x6000, s4;
	[dreg:$0x13] =	wrdreg s21  }
0x19: {  	s30 =	sadd.s32 $0x7000, s4;
	s31 =	sadd.s32 $0x8000, s4;
	[dreg:$0x16] =	wrdreg s24  }
0x1a: {  	s8 =	sadd.s32 $0xA000, s4;
	s11 =	sadd.s32 $0xD000, s4;
	[dreg:$0x17] =	wrdreg s25  }
0x1b: {  	s15 =	sadd.s32 $0x11000, s4;
	s16 =	sadd.s32 $0x12000, s4;
	[dreg:$0x1a] =	wrdreg s29  }
0x1c: {  	s7 =	sadd.s32 s0, s22;
	s20 =	sadd.s32 s6, s0;
	[dreg:$0x1b] =	wrdreg s30  }
0x1d: {  	s22 =	smax.u32 s9, $0x1;
	s23 =	sadd.s32 $0x1000, s4;
	[dreg:$0x1c] =	wrdreg s31  }
0x1e: {  	s26 =	sadd.s32 $0x4000, s4;
	s9 =	sadd.s32 $0xB000, s4;
	[dreg:$0x9] =	wrdreg s7  }
0x1f: {  	s14 =	sadd.s32 $0x10000, s4;
	s21 =	sadd.s32 $0x13000, s4;
	[dreg:$0x14] =	wrdreg s22  }
0x20: {  	s24 =	simm.s32 $0x3;
	s25 =	simm.s32 $0x1;
	[dreg:$0x15] =	wrdreg s23  }
0x21: {  	s7 =	sshrl.u32 s28, $0x3;
	[dreg:$0x18] =	wrdreg s26;
	s28 =	sadd.s32 $0x5000, s4  }
0x22: {  	s22 =	simm.s32 $0x1B00;
	s7 =	sadd.s32 s0, s7;
	[dreg:$0x19] =	wrdreg s28  }
0x23: {  	s23 =	simm.s32 $0x2;
	[dreg:$0xd] =	wrdreg s7;
	s7 =	sadd.s32 s0, s10  }
0x24: {  	s10 =	sshrl.u32 s12, $0x3;
	s12 =	sadd.s32 $0xE000, s4;
	[dreg:$0xf] =	wrdreg s7  }
0x25: {  	s7 =	sshrl.u32 s13, $0x3;
	s18 =	sadd.s32 s10, s0;
	s10 =	sadd.s32 $0xC000, s4  }
0x26: {  	v0 =	vimm.f32 $0.0e+00;
	v1 =	vimm.s32 $0x0;
	s13 =	sadd.s32 $0xF000, s4;
	s19 =	sadd.s32 s7, s0;
	s7 =	sadd.s32 $0x9000, s4  }
.LBB2_1:
0x27: {  	s1 =	simm.s32 $0x80;
	s26 =	simm.s32 $0x0  }
.LBB2_2:
0x28: {  	p0 =	sne.s32 s1, $0x3F80;
	[tilespmem:s26+$0x1B00] =	vst v0;
	s28 =	smov.u32 s1;
	s1 =	sadd.s32 $0x80, s1  }
.Ltmp0:
0x29: {  	[tilespmem:s26+$0x1B10] =	vst v0;
	(pc) =	sbr.rel @p0 .LBB2_2-.Ltmp0, $2  }
0x2a: {  	_ =	sdelay $0x2  }
0x2b: {  	s26 =	sshra.s32 s28, $0x2  }
0x2c: {  	[tilespmem:s26+$0x1B00] =	vst v0  }
0x2d: {  	[tilespmem:s26+$0x1B10] =	vst v0  }
0x2e: {  	[spmem:s4] =	stream.linear.scatter [tilespmem:s22], [sflag:$0x2], $0x1000, $0x38;
	[tilespmem:$0x163A0] =	vst v63  }
0x2f: {  	s0 =	rddreg [dreg:$0x15]  }
0x30: {  	[spmem:s0] =	stream.linear.scatter [tilespmem:s22], [sflag:$0x2], $0x1000, $0x38;
	[tilespmem:$0x163A0] =	vst v63  }
0x31: {  	s28 =	rddreg [dreg:$0x16]  }
0x32: {  	[spmem:s28] =	stream.linear.scatter [tilespmem:s22], [sflag:$0x2], $0x1000, $0x38;
	[tilespmem:$0x163A0] =	vst v63  }
0x33: {  	s30 =	rddreg [dreg:$0x17]  }
0x34: {  	[spmem:s30] =	stream.linear.scatter [tilespmem:s22], [sflag:$0x2], $0x1000, $0x38;
	[tilespmem:$0x163A0] =	vst v63  }
0x35: {  	s31 =	rddreg [dreg:$0x18]  }
0x36: {  	[spmem:s31] =	stream.linear.scatter [tilespmem:s22], [sflag:$0x2], $0x1000, $0x38;
	[tilespmem:$0x163A0] =	vst v63  }
0x37: {  	s1 =	rddreg [dreg:$0x19]  }
0x38: {  	[spmem:s1] =	stream.linear.scatter [tilespmem:s22], [sflag:$0x2], $0x1000, $0x38;
	[tilespmem:$0x163A0] =	vst v63  }
0x39: {  	s5 =	rddreg [dreg:$0x1a]  }
0x3a: {  	[spmem:s5] =	stream.linear.scatter [tilespmem:s22], [sflag:$0x2], $0x1000, $0x38;
	[tilespmem:$0x163A0] =	vst v63  }
0x3b: {  	s6 =	rddreg [dreg:$0x1b]  }
0x3c: {  	[spmem:s6] =	stream.linear.scatter [tilespmem:s22], [sflag:$0x2], $0x1000, $0x38;
	[tilespmem:$0x163A0] =	vst v63  }
0x3d: {  	s26 =	rddreg [dreg:$0x1c]  }
0x3e: {  	[spmem:s26] =	stream.linear.scatter [tilespmem:s22], [sflag:$0x2], $0x1000, $0x38;
	[tilespmem:$0x163A0] =	vst v63  }
0x3f: {  	_ = 	snop  }
0x40: {  	[spmem:s7] =	stream.linear.scatter [tilespmem:s22], [sflag:$0x2], $0x1000, $0x38;
	[tilespmem:$0x163A0] =	vst v63  }
0x41: {  	_ = 	snop  }
0x42: {  	[spmem:s8] =	stream.linear.scatter [tilespmem:s22], [sflag:$0x2], $0x1000, $0x38;
	[tilespmem:$0x163A0] =	vst v63  }
0x43: {  	_ = 	snop  }
0x44: {  	[spmem:s9] =	stream.linear.scatter [tilespmem:s22], [sflag:$0x2], $0x1000, $0x38;
	[tilespmem:$0x163A0] =	vst v63  }
0x45: {  	_ = 	snop  }
0x46: {  	[spmem:s10] =	stream.linear.scatter [tilespmem:s22], [sflag:$0x2], $0x1000, $0x38;
	[tilespmem:$0x163A0] =	vst v63  }
0x47: {  	_ = 	snop  }
0x48: {  	[spmem:s11] =	stream.linear.scatter [tilespmem:s22], [sflag:$0x2], $0x1000, $0x38;
	[tilespmem:$0x163A0] =	vst v63  }
0x49: {  	_ = 	snop  }
0x4a: {  	[spmem:s12] =	stream.linear.scatter [tilespmem:s22], [sflag:$0x2], $0x1000, $0x38;
	[tilespmem:$0x163A0] =	vst v63  }
0x4b: {  	_ = 	snop  }
0x4c: {  	[spmem:s13] =	stream.linear.scatter [tilespmem:s22], [sflag:$0x2], $0x1000, $0x38;
	[tilespmem:$0x163A0] =	vst v63  }
0x4d: {  	_ = 	snop  }
0x4e: {  	[spmem:s14] =	stream.linear.scatter [tilespmem:s22], [sflag:$0x2], $0x1000, $0x38;
	[tilespmem:$0x163A0] =	vst v63  }
0x4f: {  	_ = 	snop  }
0x50: {  	[spmem:s15] =	stream.linear.scatter [tilespmem:s22], [sflag:$0x2], $0x1000, $0x38;
	[tilespmem:$0x163A0] =	vst v63  }
0x51: {  	_ = 	snop  }
0x52: {  	[spmem:s16] =	stream.linear.scatter [tilespmem:s22], [sflag:$0x2], $0x1000, $0x38;
	[tilespmem:$0x163A0] =	vst v63  }
0x53: {  	_ = 	snop  }
0x54: {  	[spmem:s21] =	stream.linear.scatter [tilespmem:s22], [sflag:$0x2], $0x880, $0x38;
	[tilespmem:$0x163A0] =	vst v63  }
0x55: {  	_ =	swait.ge [sflag:s23], $0x1000  }
0x56: {  	[sflag:s23] =	ssyncset.done $0x0  }
0x57: {  	[sflag:s23] =	ssyncadd.s32 $0xFFFFF000  }
0x58: {  	_ =	swait.ge [sflag:s23], $0x1000  }
0x59: {  	[sflag:s23] =	ssyncset.done $0x0  }
0x5a: {  	[sflag:s23] =	ssyncadd.s32 $0xFFFFF000  }
0x5b: {  	_ =	swait.ge [sflag:s23], $0x1000  }
0x5c: {  	[sflag:s23] =	ssyncset.done $0x0  }
0x5d: {  	[sflag:s23] =	ssyncadd.s32 $0xFFFFF000  }
0x5e: {  	_ =	swait.ge [sflag:s23], $0x1000  }
0x5f: {  	[sflag:s23] =	ssyncset.done $0x0  }
0x60: {  	[sflag:s23] =	ssyncadd.s32 $0xFFFFF000  }
0x61: {  	_ =	swait.ge [sflag:s23], $0x1000  }
0x62: {  	[sflag:s23] =	ssyncset.done $0x0  }
0x63: {  	[sflag:s23] =	ssyncadd.s32 $0xFFFFF000  }
0x64: {  	_ =	swait.ge [sflag:s23], $0x1000  }
0x65: {  	[sflag:s23] =	ssyncset.done $0x0  }
0x66: {  	[sflag:s23] =	ssyncadd.s32 $0xFFFFF000  }
0x67: {  	_ =	swait.ge [sflag:s23], $0x1000  }
0x68: {  	[sflag:s23] =	ssyncset.done $0x0  }
0x69: {  	[sflag:s23] =	ssyncadd.s32 $0xFFFFF000  }
0x6a: {  	_ =	swait.ge [sflag:s23], $0x1000  }
0x6b: {  	[sflag:s23] =	ssyncset.done $0x0  }
0x6c: {  	[sflag:s23] =	ssyncadd.s32 $0xFFFFF000  }
0x6d: {  	_ =	swait.ge [sflag:s23], $0x1000  }
0x6e: {  	[sflag:s23] =	ssyncset.done $0x0  }
0x6f: {  	[sflag:s23] =	ssyncadd.s32 $0xFFFFF000  }
0x70: {  	_ =	swait.ge [sflag:s23], $0x1000  }
0x71: {  	[sflag:s23] =	ssyncset.done $0x0  }
0x72: {  	[sflag:s23] =	ssyncadd.s32 $0xFFFFF000  }
0x73: {  	_ =	swait.ge [sflag:s23], $0x1000  }
0x74: {  	[sflag:s23] =	ssyncset.done $0x0  }
0x75: {  	[sflag:s23] =	ssyncadd.s32 $0xFFFFF000  }
0x76: {  	_ =	swait.ge [sflag:s23], $0x1000  }
0x77: {  	[sflag:s23] =	ssyncset.done $0x0  }
0x78: {  	[sflag:s23] =	ssyncadd.s32 $0xFFFFF000  }
0x79: {  	_ =	swait.ge [sflag:s23], $0x1000  }
0x7a: {  	[sflag:s23] =	ssyncset.done $0x0  }
0x7b: {  	[sflag:s23] =	ssyncadd.s32 $0xFFFFF000  }
0x7c: {  	_ =	swait.ge [sflag:s23], $0x1000  }
0x7d: {  	[sflag:s23] =	ssyncset.done $0x0  }
0x7e: {  	[sflag:s23] =	ssyncadd.s32 $0xFFFFF000  }
0x7f: {  	_ =	swait.ge [sflag:s23], $0x1000  }
0x80: {  	[sflag:s23] =	ssyncset.done $0x0  }
0x81: {  	[sflag:s23] =	ssyncadd.s32 $0xFFFFF000  }
0x82: {  	_ =	swait.ge [sflag:s23], $0x1000  }
0x83: {  	[sflag:s23] =	ssyncset.done $0x0  }
0x84: {  	[sflag:s23] =	ssyncadd.s32 $0xFFFFF000  }
0x85: {  	_ =	swait.ge [sflag:s23], $0x1000  }
0x86: {  	[sflag:s23] =	ssyncset.done $0x0  }
0x87: {  	[sflag:s23] =	ssyncadd.s32 $0xFFFFF000  }
0x88: {  	_ =	swait.ge [sflag:s23], $0x1000  }
0x89: {  	[sflag:s23] =	ssyncset.done $0x0  }
0x8a: {  	[sflag:s23] =	ssyncadd.s32 $0xFFFFF000  }
0x8b: {  	_ =	swait.ge [sflag:s23], $0x1000  }
0x8c: {  	[sflag:s23] =	ssyncset.done $0x0  }
0x8d: {  	[sflag:s23] =	ssyncadd.s32 $0xFFFFF000  }
0x8e: {  	_ =	swait.ge [sflag:s23], $0x880  }
0x8f: {  	[sflag:s23] =	ssyncset.done $0x0  }
0x90: {  	[sflag:s23] =	ssyncadd.s32 $0xFFFFF780  }
0x91: {  	[bflag:$0x0] =	sbarrier.arrive $0xFFFF  }
0x92: {  	s28 =	simm.s32 $0x0;
	s1 =	simm.s32 $0x1000;
	s30 =	rddreg [dreg:$0x4]  }
0x93: {  	[tilespmem:s1], [sflag:$0x3] =	stream.linear.gather [hbm4b:s30+s28], $0xB00, $0x38;
	[tilespmem:$0x163A0] =	vst v63  }
0x94: {  	_ =	swait.ge [sflag:s24], $0xB00  }
0x95: {  	[sflag:s24] =	ssyncset.done $0x0  }
0x96: {  	[sflag:s24] =	ssyncadd.s32 $0xFFFFF500  }
0x97: {  	v2 =	vld [tilespmem:s1+$0x0]  }
0x98: {  	v3 =	vld [tilespmem:s1+$0x10]  }
0x99: {  	v4 =	vld [tilespmem:s1+$0x20]  }
0x9a: {  	v5 =	vld [tilespmem:s1+$0x30]  }
0x9b: {  	v6 =	vld [tilespmem:s1+$0x40]  }
0x9c: {  	v7 =	vld [tilespmem:s1+$0x50]  }
0x9d: {  	vm0 =	vne.s32 v2, $0x9C40;
	vm1 =	vne.s32 v3, $0x9C40;
	v2 =	vld [tilespmem:s1+$0x60]  }
0x9e: {  	v60 =	vld [tilespmem:s1+$0x70];
	vm10 =	vne.s32 v4, $0x9C40;
	v3 =	vsel vm0, $0x1, v1;
	v8 =	vsel vm1, $0x1, v1  }
0x9f: {  	vm11 =	vne.s32 v5, $0x9C40;
	v61 =	vsel vm10, $0x1, v1;
	v3 =	vadd.s32 v3, v8  }
0xa0: {  	vm12 =	vne.s32 v6, $0x9C40;
	v5 =	vsel vm11, $0x1, v1;
	v3 =	vadd.s32 v61, v3  }
0xa1: {  	vm13 =	vne.s32 v7, $0x9C40;
	v62 =	vsel vm12, $0x1, v1;
	v3 =	vadd.s32 v5, v3  }
0xa2: {  	v63 =	vsel vm13, $0x1, v1;
	v3 =	vadd.s32 v62, v3;
	vm14 =	vne.s32 v2, $0x9C40  }
0xa3: {  	vm15 =	vne.s32 v60, $0x9C40;
	v2 =	vadd.s32 v63, v3;
	v3 =	vsel vm14, $0x1, v1  }
0xa4: {  	v2 =	vadd.s32 v3, v2;
	v3 =	vsel vm15, $0x1, v1  }
0xa5: {  	v2 =	vadd.s32 v3, v2  }
0xa6: {  	(xrf0) =	vadd.scan.msk.s32 $0xffff, v2;
	_ =	sdelay $0x5  }
0xa7: {  	v2, _, _ =	vpop (xrf0)  }
0xa8: {  	(v2sf) =	vpush v2, $0xF;
	_ =	sdelay $0xe  }
0xa9: {  	s31 =	spop (v2sf)  }
0xaa: {  	p1 =	slt.s32 s31, $0x1  }
0xab: {  	s26 =	sadd.s32 @!p1 $0x0, s17  }
0xac: {  	s28 =	simm.s32 @!p1 $0x20;
	s29 =	simm.s32 @!p1 $0x40;
	s30 =	simm.s32 @!p1 $0x0  }
0xad: {  	[tilespmem:s30], [sflag:$0x4] =	stream.strided.gather @!p1 [hbm4b:s26+s28], $0x1000, s29, s28, $0x38;
	[tilespmem:$0x163A0] =	vst v63  }
0xae: {  	s26 =	simm.s32 @!p1 $0x4  }
0xaf: {  	_ =	swait.ge @!p1 [sflag:s26], $0x1000  }
0xb0: {  	[sflag:s26] =	ssyncset.done @!p1 $0x0  }
0xb1: {  	s29 =	simm.s32 @!p1 $0x3;
	[sflag:s26] =	ssyncadd.s32 @!p1 $0xFFFFF000;
	s26 =	simm.s32 @!p1 $0x80  }
0xb2: {  	[spmem:s2] =	stream.indirect.scatter.add.f32 @!p1 [tilespmem:s30], [sflag:$0x3], $0x20, s1, s26, $0xb8;
	[tilespmem:$0x163A0] =	vst v63  }
0xb3: {  	s26 =	simm.s32 $0x400;
	_ =	swait.ge @!p1 [sflag:s29], $0x1000  }
.LBB2_4:
0xb4: {  	[sflag:s29] =	ssyncset.done @!p1 $0x0  }
0xb5: {  	s1 =	sadd.s32 $0x80, s1;
	s28 =	smov.u32 s26;
	s26 =	sadd.s32 $0x400, s26  }
0xb6: {  	p0 =	sne.s32 s26, $0x5400;
	[sflag:s29] =	ssyncadd.s32 @!p1 $0xFFFFF000  }
0xb7: {  	v2 =	vld [tilespmem:s1+$0x0]  }
0xb8: {  	v3 =	vld [tilespmem:s1+$0x10]  }
0xb9: {  	v4 =	vld [tilespmem:s1+$0x20]  }
0xba: {  	v5 =	vld [tilespmem:s1+$0x30]  }
0xbb: {  	v6 =	vld [tilespmem:s1+$0x40]  }
0xbc: {  	vm0 =	vne.s32 v2, $0x9C40;
	v2 =	vld [tilespmem:s1+$0x50]  }
0xbd: {  	vm1 =	vne.s32 v3, $0x9C40;
	v3 =	vld [tilespmem:s1+$0x60]  }
0xbe: {  	v7 =	vsel vm0, $0x1, v1;
	v8 =	vsel vm1, $0x1, v1;
	vm0 =	vne.s32 v4, $0x9C40;
	v4 =	vld [tilespmem:s1+$0x70]  }
0xbf: {  	v7 =	vadd.s32 v7, v8;
	v8 =	vsel vm0, $0x1, v1;
	vm0 =	vne.s32 v5, $0x9C40  }
0xc0: {  	v5 =	vadd.s32 v8, v7;
	v7 =	vsel vm0, $0x1, v1;
	vm0 =	vne.s32 v6, $0x9C40  }
0xc1: {  	v5 =	vadd.s32 v7, v5;
	v6 =	vsel vm0, $0x1, v1;
	vm0 =	vne.s32 v2, $0x9C40  }
0xc2: {  	v2 =	vadd.s32 v6, v5;
	v5 =	vsel vm0, $0x1, v1;
	vm0 =	vne.s32 v3, $0x9C40  }
0xc3: {  	v2 =	vadd.s32 v5, v2;
	v3 =	vsel vm0, $0x1, v1;
	vm0 =	vne.s32 v4, $0x9C40  }
0xc4: {  	v2 =	vadd.s32 v3, v2;
	v3 =	vsel vm0, $0x1, v1  }
0xc5: {  	v2 =	vadd.s32 v3, v2  }
0xc6: {  	(xrf0) =	vadd.scan.msk.s32 $0xffff, v2;
	_ =	sdelay $0x5  }
0xc7: {  	v2, _, _ =	vpop (xrf0)  }
0xc8: {  	(v2sf) =	vpush v2, $0xF;
	_ =	sdelay $0xe  }
0xc9: {  	s29 =	spop (v2sf)  }
0xca: {  	p1 =	slt.s32 s29, $0x1  }
0xcb: {  	s28 =	sadd.s32 @!p1 s28, s17;
	s29 =	simm.s32 @!p1 $0x20;
	s30 =	simm.s32 @!p1 $0x40  }
0xcc: {  	s31 =	simm.s32 @!p1 $0x0;
	s0 =	simm.s32 @!p1 $0x4  }
0xcd: {  	[tilespmem:s31], [sflag:$0x4] =	stream.strided.gather @!p1 [hbm4b:s28+s29], $0x1000, s30, s29, $0x38;
	[tilespmem:$0x163A0] =	vst v63  }
.Ltmp1:
0xce: {  	_ =	swait.ge @!p1 [sflag:s0], $0x1000;
	(pc) =	sbr.rel @p0 .LBB2_4-.Ltmp1, $4  }
0xcf: {  	s28 =	simm.s32 @!p1 $0x80;
	[sflag:s0] =	ssyncset.done @!p1 $0x0  }
0xd0: {  	s29 =	simm.s32 @!p1 $0x3;
	[sflag:s0] =	ssyncadd.s32 @!p1 $0xFFFFF000  }
0xd1: {  	[spmem:s2] =	stream.indirect.scatter.add.f32 @!p1 [tilespmem:s31], [sflag:$0x3], $0x20, s1, s28, $0xb8;
	[tilespmem:$0x163A0] =	vst v63  }
0xd2: {  	_ =	swait.ge @!p1 [sflag:s29], $0x1000  }
0xd3: {  	[sflag:s29] =	ssyncset.done @!p1 $0x0  }
0xd4: {  	[sflag:s29] =	ssyncadd.s32 @!p1 $0xFFFFF000  }
0xd5: {  	v2 =	vld [tilespmem:$0x1A80]  }
0xd6: {  	v3 =	vld [tilespmem:$0x1A90]  }
0xd7: {  	v4 =	vld [tilespmem:$0x1AA0]  }
0xd8: {  	v5 =	vld [tilespmem:$0x1AB0]  }
0xd9: {  	v6 =	vld [tilespmem:$0x1AC0]  }
0xda: {  	v7 =	vld [tilespmem:$0x1AD0]  }
0xdb: {  	vm0 =	vne.s32 v2, $0x9C40;
	vm1 =	vne.s32 v3, $0x9C40;
	v2 =	vld [tilespmem:$0x1AE0]  }
0xdc: {  	v51 =	vld [tilespmem:$0x1AF0];
	vm14 =	vne.s32 v4, $0x9C40;
	v3 =	vsel vm0, $0x1, v1;
	v8 =	vsel vm1, $0x1, v1  }
0xdd: {  	vm15 =	vne.s32 v5, $0x9C40;
	v52 =	vsel vm14, $0x1, v1;
	v3 =	vadd.s32 v3, v8  }
0xde: {  	vm4 =	vne.s32 v6, $0x9C40;
	v5 =	vsel vm15, $0x1, v1;
	v3 =	vadd.s32 v52, v3  }
0xdf: {  	vm5 =	vne.s32 v7, $0x9C40;
	v53 =	vsel vm4, $0x1, v1;
	v3 =	vadd.s32 v5, v3  }
0xe0: {  	v54 =	vsel vm5, $0x1, v1;
	v3 =	vadd.s32 v53, v3;
	vm6 =	vne.s32 v2, $0x9C40  }
0xe1: {  	vm7 =	vne.s32 v51, $0x9C40;
	v2 =	vadd.s32 v54, v3;
	v3 =	vsel vm6, $0x1, v1  }
0xe2: {  	v2 =	vadd.s32 v3, v2;
	v3 =	vsel vm7, $0x1, v1  }
0xe3: {  	v2 =	vadd.s32 v3, v2  }
0xe4: {  	(xrf0) =	vadd.scan.msk.s32 $0xffff, v2;
	_ =	sdelay $0x5  }
0xe5: {  	v2, _, _ =	vpop (xrf0)  }
0xe6: {  	(v2sf) =	vpush v2, $0xF;
	_ =	sdelay $0xe  }
0xe7: {  	s0 =	spop (v2sf)  }
0xe8: {  	s5 =	rddreg [dreg:$0x5];
	p0 =	slt.s32 s0, $0x1  }
0xe9: {  	s0 =	simm.s32 @!p0 $0x20;
	s1 =	simm.s32 @!p0 $0x40;
	s26 =	simm.s32 @!p0 $0x0  }
0xea: {  	[tilespmem:s26], [sflag:$0x3] =	stream.strided.gather @!p0 [hbm4b:s5+s0], $0x200, s1, s0, $0x38;
	[tilespmem:$0x163A0] =	vst v63  }
0xeb: {  	s0 =	simm.s32 @!p0 $0x3  }
0xec: {  	s5 =	stileid.u32;
	_ =	swait.ge @!p0 [sflag:s0], $0x200  }
0xed: {  	p1 =	sne.s32 @!p0 s5, $0xF;
	[sflag:s0] =	ssyncset.done @!p0 $0x0  }
0xee: {  	p1 =	por p1, p0;
	s6 =	rddreg [dreg:$0x6];
	[sflag:s0] =	ssyncadd.s32 @!p0 $0xFFFFFE00  }
0xef: {  	s1 =	simm.s32 @!p1 $0x20;
	s28 =	simm.s32 @!p1 $0x40;
	s29 =	simm.s32 @!p1 $0x200  }
0xf0: {  	[tilespmem:s29], [sflag:$0x3] =	stream.strided.gather @!p1 [hbm4b:s6+s1], $0x400, s28, s1, $0x38;
	[tilespmem:$0x163A0] =	vst v63  }
0xf1: {  	s1 =	simm.s32 @!p1 $0x3  }
0xf2: {  	_ =	swait.ge @!p1 [sflag:s1], $0x400  }
0xf3: {  	[sflag:s1] =	ssyncset.done @!p1 $0x0  }
0xf4: {  	s28 =	simm.s32 @!p0 $0x1A80;
	[sflag:s1] =	ssyncadd.s32 @!p1 $0xFFFFFC00;
	s1 =	simm.s32 @!p0 $0x80  }
0xf5: {  	[spmem:s2] =	stream.indirect.scatter.add.f32 @!p0 [tilespmem:s26], [sflag:$0x3], $0x20, s28, s1, $0xb8;
	[tilespmem:$0x163A0] =	vst v63  }
0xf6: {  	_ =	swait.ge @!p0 [sflag:s0], $0x1000  }
0xf7: {  	[sflag:s0] =	ssyncset.done @!p0 $0x0  }
0xf8: {  	s30 =	simm.s32 $0x4;
	[sflag:s0] =	ssyncadd.s32 @!p0 $0xFFFFF000  }
0xf9: {  	s6 =	simm.s32 $0x8;
	s1 =	sshll.u32 s5, $0x6;
	[bflag:$0x0] =	sbarrier.arrive $0xFFFF  }
0xfa: {  	s26 =	sshrl.u32 s4, $0x3;
	s1 =	sor.u32 $0x1C01, s1;
	s5 =	rddreg [dreg:$0x7]  }
0xfb: {  	[hbm:s5@s6], [sflag:s1] =	dma.strided [spmem:s26@s30], $0x2710, s25, $0x4   }
0xfc: {  	_ =	swait.ge [sflag:s25], $0x2710  }
0xfd: {  	[sflag:s25] =	ssyncset.done $0x0  }
0xfe: {  	[sflag:s25] =	ssyncadd.s32 $0xFFFFD8F0  }
0xff: {  	[spmem:s4] =	stream.linear.scatter [tilespmem:s22], [sflag:$0x2], $0x1000, $0x38;
	[tilespmem:$0x163A0] =	vst v63  }
0x100: {  	s6 =	rddreg [dreg:$0x15]  }
0x101: {  	[spmem:s6] =	stream.linear.scatter [tilespmem:s22], [sflag:$0x2], $0x1000, $0x38;
	[tilespmem:$0x163A0] =	vst v63  }
0x102: {  	s30 =	rddreg [dreg:$0x16]  }
0x103: {  	[spmem:s30] =	stream.linear.scatter [tilespmem:s22], [sflag:$0x2], $0x1000, $0x38;
	[tilespmem:$0x163A0] =	vst v63  }
0x104: {  	s5 =	rddreg [dreg:$0x17]  }
0x105: {  	[spmem:s5] =	stream.linear.scatter [tilespmem:s22], [sflag:$0x2], $0x1000, $0x38;
	[tilespmem:$0x163A0] =	vst v63  }
0x106: {  	s6 =	rddreg [dreg:$0x18]  }
0x107: {  	[spmem:s6] =	stream.linear.scatter [tilespmem:s22], [sflag:$0x2], $0x1000, $0x38;
	[tilespmem:$0x163A0] =	vst v63  }
0x108: {  	s30 =	rddreg [dreg:$0x19]  }
0x109: {  	[spmem:s30] =	stream.linear.scatter [tilespmem:s22], [sflag:$0x2], $0x1000, $0x38;
	[tilespmem:$0x163A0] =	vst v63  }
0x10a: {  	s5 =	rddreg [dreg:$0x1a]  }
0x10b: {  	[spmem:s5] =	stream.linear.scatter [tilespmem:s22], [sflag:$0x2], $0x1000, $0x38;
	[tilespmem:$0x163A0] =	vst v63  }
0x10c: {  	s6 =	rddreg [dreg:$0x1b]  }
0x10d: {  	[spmem:s6] =	stream.linear.scatter [tilespmem:s22], [sflag:$0x2], $0x1000, $0x38;
	[tilespmem:$0x163A0] =	vst v63  }
0x10e: {  	s30 =	rddreg [dreg:$0x1c]  }
0x10f: {  	[spmem:s30] =	stream.linear.scatter [tilespmem:s22], [sflag:$0x2], $0x1000, $0x38;
	[tilespmem:$0x163A0] =	vst v63  }
0x110: {  	_ = 	snop  }
0x111: {  	[spmem:s7] =	stream.linear.scatter [tilespmem:s22], [sflag:$0x2], $0x1000, $0x38;
	[tilespmem:$0x163A0] =	vst v63  }
0x112: {  	_ = 	snop  }
0x113: {  	[spmem:s8] =	stream.linear.scatter [tilespmem:s22], [sflag:$0x2], $0x1000, $0x38;
	[tilespmem:$0x163A0] =	vst v63  }
0x114: {  	_ = 	snop  }
0x115: {  	[spmem:s9] =	stream.linear.scatter [tilespmem:s22], [sflag:$0x2], $0x1000, $0x38;
	[tilespmem:$0x163A0] =	vst v63  }
0x116: {  	_ = 	snop  }
0x117: {  	[spmem:s10] =	stream.linear.scatter [tilespmem:s22], [sflag:$0x2], $0x1000, $0x38;
	[tilespmem:$0x163A0] =	vst v63  }
0x118: {  	_ = 	snop  }
0x119: {  	[spmem:s11] =	stream.linear.scatter [tilespmem:s22], [sflag:$0x2], $0x1000, $0x38;
	[tilespmem:$0x163A0] =	vst v63  }
0x11a: {  	_ = 	snop  }
0x11b: {  	[spmem:s12] =	stream.linear.scatter [tilespmem:s22], [sflag:$0x2], $0x1000, $0x38;
	[tilespmem:$0x163A0] =	vst v63  }
0x11c: {  	_ = 	snop  }
0x11d: {  	[spmem:s13] =	stream.linear.scatter [tilespmem:s22], [sflag:$0x2], $0x1000, $0x38;
	[tilespmem:$0x163A0] =	vst v63  }
0x11e: {  	_ = 	snop  }
0x11f: {  	[spmem:s14] =	stream.linear.scatter [tilespmem:s22], [sflag:$0x2], $0x1000, $0x38;
	[tilespmem:$0x163A0] =	vst v63  }
0x120: {  	_ = 	snop  }
0x121: {  	[spmem:s15] =	stream.linear.scatter [tilespmem:s22], [sflag:$0x2], $0x1000, $0x38;
	[tilespmem:$0x163A0] =	vst v63  }
0x122: {  	_ = 	snop  }
0x123: {  	[spmem:s16] =	stream.linear.scatter [tilespmem:s22], [sflag:$0x2], $0x1000, $0x38;
	[tilespmem:$0x163A0] =	vst v63  }
0x124: {  	_ = 	snop  }
0x125: {  	[spmem:s21] =	stream.linear.scatter [tilespmem:s22], [sflag:$0x2], $0x880, $0x38;
	[tilespmem:$0x163A0] =	vst v63  }
0x126: {  	_ =	swait.ge [sflag:s23], $0x1000  }
0x127: {  	[sflag:s23] =	ssyncset.done $0x0  }
0x128: {  	[sflag:s23] =	ssyncadd.s32 $0xFFFFF000  }
0x129: {  	_ =	swait.ge [sflag:s23], $0x1000  }
0x12a: {  	[sflag:s23] =	ssyncset.done $0x0  }
0x12b: {  	[sflag:s23] =	ssyncadd.s32 $0xFFFFF000  }
0x12c: {  	_ =	swait.ge [sflag:s23], $0x1000  }
0x12d: {  	[sflag:s23] =	ssyncset.done $0x0  }
0x12e: {  	[sflag:s23] =	ssyncadd.s32 $0xFFFFF000  }
0x12f: {  	_ =	swait.ge [sflag:s23], $0x1000  }
0x130: {  	[sflag:s23] =	ssyncset.done $0x0  }
0x131: {  	[sflag:s23] =	ssyncadd.s32 $0xFFFFF000  }
0x132: {  	_ =	swait.ge [sflag:s23], $0x1000  }
0x133: {  	[sflag:s23] =	ssyncset.done $0x0  }
0x134: {  	[sflag:s23] =	ssyncadd.s32 $0xFFFFF000  }
0x135: {  	_ =	swait.ge [sflag:s23], $0x1000  }
0x136: {  	[sflag:s23] =	ssyncset.done $0x0  }
0x137: {  	[sflag:s23] =	ssyncadd.s32 $0xFFFFF000  }
0x138: {  	_ =	swait.ge [sflag:s23], $0x1000  }
0x139: {  	[sflag:s23] =	ssyncset.done $0x0  }
0x13a: {  	[sflag:s23] =	ssyncadd.s32 $0xFFFFF000  }
0x13b: {  	_ =	swait.ge [sflag:s23], $0x1000  }
0x13c: {  	[sflag:s23] =	ssyncset.done $0x0  }
0x13d: {  	[sflag:s23] =	ssyncadd.s32 $0xFFFFF000  }
0x13e: {  	_ =	swait.ge [sflag:s23], $0x1000  }
0x13f: {  	[sflag:s23] =	ssyncset.done $0x0  }
0x140: {  	[sflag:s23] =	ssyncadd.s32 $0xFFFFF000  }
0x141: {  	_ =	swait.ge [sflag:s23], $0x1000  }
0x142: {  	[sflag:s23] =	ssyncset.done $0x0  }
0x143: {  	[sflag:s23] =	ssyncadd.s32 $0xFFFFF000  }
0x144: {  	_ =	swait.ge [sflag:s23], $0x1000  }
0x145: {  	[sflag:s23] =	ssyncset.done $0x0  }
0x146: {  	[sflag:s23] =	ssyncadd.s32 $0xFFFFF000  }
0x147: {  	_ =	swait.ge [sflag:s23], $0x1000  }
0x148: {  	[sflag:s23] =	ssyncset.done $0x0  }
0x149: {  	[sflag:s23] =	ssyncadd.s32 $0xFFFFF000  }
0x14a: {  	_ =	swait.ge [sflag:s23], $0x1000  }
0x14b: {  	[sflag:s23] =	ssyncset.done $0x0  }
0x14c: {  	[sflag:s23] =	ssyncadd.s32 $0xFFFFF000  }
0x14d: {  	_ =	swait.ge [sflag:s23], $0x1000  }
0x14e: {  	[sflag:s23] =	ssyncset.done $0x0  }
0x14f: {  	[sflag:s23] =	ssyncadd.s32 $0xFFFFF000  }
0x150: {  	_ =	swait.ge [sflag:s23], $0x1000  }
0x151: {  	[sflag:s23] =	ssyncset.done $0x0  }
0x152: {  	[sflag:s23] =	ssyncadd.s32 $0xFFFFF000  }
0x153: {  	_ =	swait.ge [sflag:s23], $0x1000  }
0x154: {  	[sflag:s23] =	ssyncset.done $0x0  }
0x155: {  	[sflag:s23] =	ssyncadd.s32 $0xFFFFF000  }
0x156: {  	_ =	swait.ge [sflag:s23], $0x1000  }
0x157: {  	[sflag:s23] =	ssyncset.done $0x0  }
0x158: {  	[sflag:s23] =	ssyncadd.s32 $0xFFFFF000  }
0x159: {  	_ =	swait.ge [sflag:s23], $0x1000  }
0x15a: {  	[sflag:s23] =	ssyncset.done $0x0  }
0x15b: {  	[sflag:s23] =	ssyncadd.s32 $0xFFFFF000  }
0x15c: {  	_ =	swait.ge [sflag:s23], $0x1000  }
0x15d: {  	[sflag:s23] =	ssyncset.done $0x0  }
0x15e: {  	[sflag:s23] =	ssyncadd.s32 $0xFFFFF000  }
0x15f: {  	_ =	swait.ge [sflag:s23], $0x880  }
0x160: {  	[sflag:s23] =	ssyncset.done $0x0  }
0x161: {  	[sflag:s23] =	ssyncadd.s32 $0xFFFFF780  }
0x162: {  	[bflag:$0x0] =	sbarrier.arrive $0xFFFF  }
0x163: {  	s28 =	simm.s32 $0x1000;
	s5 =	simm.s32 $0x0;
	s6 =	rddreg [dreg:$0x8]  }
0x164: {  	[tilespmem:s28], [sflag:$0x3] =	stream.linear.gather [hbm4b:s6+s5], $0xB00, $0x38;
	[tilespmem:$0x163A0] =	vst v63  }
0x165: {  	_ =	swait.ge [sflag:s24], $0xB00  }
0x166: {  	[sflag:s24] =	ssyncset.done $0x0  }
0x167: {  	[sflag:s24] =	ssyncadd.s32 $0xFFFFF500  }
0x168: {  	v2 =	vld [tilespmem:s28+$0x0]  }
0x169: {  	v3 =	vld [tilespmem:s28+$0x10]  }
0x16a: {  	v55 =	vld [tilespmem:s28+$0x20]  }
0x16b: {  	v56 =	vld [tilespmem:s28+$0x30]  }
0x16c: {  	v57 =	vld [tilespmem:s28+$0x40]  }
0x16d: {  	v58 =	vld [tilespmem:s28+$0x50]  }
0x16e: {  	vm8 =	vne.s32 v2, $0x9C40;
	vm9 =	vne.s32 v3, $0x9C40;
	v2 =	vld [tilespmem:s28+$0x60]  }
0x16f: {  	v60 =	vld [tilespmem:s28+$0x70];
	vm10 =	vne.s32 v55, $0x9C40;
	v3 =	vsel vm8, $0x1, v1;
	v59 =	vsel vm9, $0x1, v1  }
0x170: {  	vm11 =	vne.s32 v56, $0x9C40;
	v61 =	vsel vm10, $0x1, v1;
	v3 =	vadd.s32 v3, v59  }
0x171: {  	vm12 =	vne.s32 v57, $0x9C40;
	v5 =	vsel vm11, $0x1, v1;
	v3 =	vadd.s32 v61, v3  }
0x172: {  	vm13 =	vne.s32 v58, $0x9C40;
	v62 =	vsel vm12, $0x1, v1;
	v3 =	vadd.s32 v5, v3  }
0x173: {  	v63 =	vsel vm13, $0x1, v1;
	v3 =	vadd.s32 v62, v3;
	vm14 =	vne.s32 v2, $0x9C40  }
0x174: {  	vm15 =	vne.s32 v60, $0x9C40;
	v2 =	vadd.s32 v63, v3;
	v3 =	vsel vm14, $0x1, v1  }
0x175: {  	v2 =	vadd.s32 v3, v2;
	v3 =	vsel vm15, $0x1, v1  }
0x176: {  	v2 =	vadd.s32 v3, v2  }
0x177: {  	(xrf0) =	vadd.scan.msk.s32 $0xffff, v2;
	_ =	sdelay $0x5  }
0x178: {  	v2, _, _ =	vpop (xrf0)  }
0x179: {  	(v2sf) =	vpush v2, $0xF;
	_ =	sdelay $0xe  }
0x17a: {  	s30 =	spop (v2sf)  }
0x17b: {  	p1 =	slt.s32 s30, $0x1  }
0x17c: {  	s0 =	sadd.s32 @!p1 $0x0, s18  }
0x17d: {  	s29 =	simm.s32 @!p1 $0x20;
	s30 =	simm.s32 @!p1 $0x40;
	s31 =	simm.s32 @!p1 $0x0  }
0x17e: {  	[tilespmem:s31], [sflag:$0x4] =	stream.strided.gather @!p1 [hbm4b:s0+s29], $0x1000, s30, s29, $0x38;
	[tilespmem:$0x163A0] =	vst v63  }
0x17f: {  	s0 =	simm.s32 @!p1 $0x4  }
0x180: {  	_ =	swait.ge @!p1 [sflag:s0], $0x1000  }
0x181: {  	[sflag:s0] =	ssyncset.done @!p1 $0x0  }
0x182: {  	[sflag:s0] =	ssyncadd.s32 @!p1 $0xFFFFF000;
	s0 =	simm.s32 @!p1 $0x80  }
0x183: {  	[spmem:s2] =	stream.indirect.scatter.add.f32 @!p1 [tilespmem:s31], [sflag:$0x3], $0x20, s28, s0, $0xb8;
	[tilespmem:$0x163A0] =	vst v63  }
0x184: {  	s31 =	simm.s32 @!p1 $0x3  }
0x185: {  	s29 =	simm.s32 $0x400;
	_ =	swait.ge @!p1 [sflag:s31], $0x1000  }
.LBB2_6:
0x186: {  	[sflag:s31] =	ssyncset.done @!p1 $0x0  }
0x187: {  	s28 =	sadd.s32 $0x80, s28;
	s30 =	smov.u32 s29;
	s29 =	sadd.s32 $0x400, s29  }
0x188: {  	p0 =	sne.s32 s29, $0x5400;
	[sflag:s31] =	ssyncadd.s32 @!p1 $0xFFFFF000  }
0x189: {  	v2 =	vld [tilespmem:s28+$0x0]  }
0x18a: {  	v3 =	vld [tilespmem:s28+$0x10]  }
0x18b: {  	v4 =	vld [tilespmem:s28+$0x20]  }
0x18c: {  	v5 =	vld [tilespmem:s28+$0x30]  }
0x18d: {  	v6 =	vld [tilespmem:s28+$0x40]  }
0x18e: {  	vm0 =	vne.s32 v2, $0x9C40;
	v2 =	vld [tilespmem:s28+$0x50]  }
0x18f: {  	vm1 =	vne.s32 v3, $0x9C40;
	v3 =	vld [tilespmem:s28+$0x60]  }
0x190: {  	v7 =	vsel vm0, $0x1, v1;
	v8 =	vsel vm1, $0x1, v1;
	vm0 =	vne.s32 v4, $0x9C40;
	v4 =	vld [tilespmem:s28+$0x70]  }
0x191: {  	v7 =	vadd.s32 v7, v8;
	v8 =	vsel vm0, $0x1, v1;
	vm0 =	vne.s32 v5, $0x9C40  }
0x192: {  	v5 =	vadd.s32 v8, v7;
	v7 =	vsel vm0, $0x1, v1;
	vm0 =	vne.s32 v6, $0x9C40  }
0x193: {  	v5 =	vadd.s32 v7, v5;
	v6 =	vsel vm0, $0x1, v1;
	vm0 =	vne.s32 v2, $0x9C40  }
0x194: {  	v2 =	vadd.s32 v6, v5;
	v5 =	vsel vm0, $0x1, v1;
	vm0 =	vne.s32 v3, $0x9C40  }
0x195: {  	v2 =	vadd.s32 v5, v2;
	v3 =	vsel vm0, $0x1, v1;
	vm0 =	vne.s32 v4, $0x9C40  }
0x196: {  	v2 =	vadd.s32 v3, v2;
	v3 =	vsel vm0, $0x1, v1  }
0x197: {  	v2 =	vadd.s32 v3, v2  }
0x198: {  	(xrf0) =	vadd.scan.msk.s32 $0xffff, v2;
	_ =	sdelay $0x5  }
0x199: {  	v2, _, _ =	vpop (xrf0)  }
0x19a: {  	(v2sf) =	vpush v2, $0xF;
	_ =	sdelay $0xe  }
0x19b: {  	s0 =	spop (v2sf)  }
0x19c: {  	p1 =	slt.s32 s0, $0x1  }
0x19d: {  	s0 =	sadd.s32 @!p1 s30, s18;
	s30 =	simm.s32 @!p1 $0x20;
	s31 =	simm.s32 @!p1 $0x40  }
0x19e: {  	s5 =	simm.s32 @!p1 $0x0;
	s6 =	simm.s32 @!p1 $0x4  }
0x19f: {  	[tilespmem:s5], [sflag:$0x4] =	stream.strided.gather @!p1 [hbm4b:s0+s30], $0x1000, s31, s30, $0x38;
	[tilespmem:$0x163A0] =	vst v63  }
.Ltmp2:
0x1a0: {  	_ =	swait.ge @!p1 [sflag:s6], $0x1000;
	(pc) =	sbr.rel @p0 .LBB2_6-.Ltmp2, $4  }
0x1a1: {  	s0 =	simm.s32 @!p1 $0x80;
	[sflag:s6] =	ssyncset.done @!p1 $0x0  }
0x1a2: {  	s31 =	simm.s32 @!p1 $0x3;
	[sflag:s6] =	ssyncadd.s32 @!p1 $0xFFFFF000  }
0x1a3: {  	[spmem:s2] =	stream.indirect.scatter.add.f32 @!p1 [tilespmem:s5], [sflag:$0x3], $0x20, s28, s0, $0xb8;
	[tilespmem:$0x163A0] =	vst v63  }
0x1a4: {  	_ =	swait.ge @!p1 [sflag:s31], $0x1000  }
0x1a5: {  	[sflag:s31] =	ssyncset.done @!p1 $0x0  }
0x1a6: {  	[sflag:s31] =	ssyncadd.s32 @!p1 $0xFFFFF000  }
0x1a7: {  	v2 =	vld [tilespmem:$0x1A80]  }
0x1a8: {  	v3 =	vld [tilespmem:$0x1A90]  }
0x1a9: {  	v4 =	vld [tilespmem:$0x1AA0]  }
0x1aa: {  	v5 =	vld [tilespmem:$0x1AB0]  }
0x1ab: {  	v6 =	vld [tilespmem:$0x1AC0]  }
0x1ac: {  	v7 =	vld [tilespmem:$0x1AD0]  }
0x1ad: {  	vm0 =	vne.s32 v2, $0x9C40;
	vm1 =	vne.s32 v3, $0x9C40;
	v2 =	vld [tilespmem:$0x1AE0]  }
0x1ae: {  	v51 =	vld [tilespmem:$0x1AF0];
	vm14 =	vne.s32 v4, $0x9C40;
	v3 =	vsel vm0, $0x1, v1;
	v8 =	vsel vm1, $0x1, v1  }
0x1af: {  	vm15 =	vne.s32 v5, $0x9C40;
	v52 =	vsel vm14, $0x1, v1;
	v3 =	vadd.s32 v3, v8  }
0x1b0: {  	vm4 =	vne.s32 v6, $0x9C40;
	v5 =	vsel vm15, $0x1, v1;
	v3 =	vadd.s32 v52, v3  }
0x1b1: {  	vm5 =	vne.s32 v7, $0x9C40;
	v53 =	vsel vm4, $0x1, v1;
	v3 =	vadd.s32 v5, v3  }
0x1b2: {  	v54 =	vsel vm5, $0x1, v1;
	v3 =	vadd.s32 v53, v3;
	vm6 =	vne.s32 v2, $0x9C40  }
0x1b3: {  	vm7 =	vne.s32 v51, $0x9C40;
	v2 =	vadd.s32 v54, v3;
	v3 =	vsel vm6, $0x1, v1  }
0x1b4: {  	v2 =	vadd.s32 v3, v2;
	v3 =	vsel vm7, $0x1, v1  }
0x1b5: {  	v2 =	vadd.s32 v3, v2  }
0x1b6: {  	(xrf0) =	vadd.scan.msk.s32 $0xffff, v2;
	_ =	sdelay $0x5  }
0x1b7: {  	v2, _, _ =	vpop (xrf0)  }
0x1b8: {  	(v2sf) =	vpush v2, $0xF;
	_ =	sdelay $0xe  }
0x1b9: {  	s0 =	spop (v2sf)  }
0x1ba: {  	s28 =	rddreg [dreg:$0x9];
	p0 =	slt.s32 s0, $0x1  }
0x1bb: {  	s0 =	simm.s32 @!p0 $0x20;
	s5 =	simm.s32 @!p0 $0x40;
	s6 =	simm.s32 @!p0 $0x0  }
0x1bc: {  	[tilespmem:s6], [sflag:$0x3] =	stream.strided.gather @!p0 [hbm4b:s28+s0], $0x200, s5, s0, $0x38;
	[tilespmem:$0x163A0] =	vst v63  }
0x1bd: {  	s0 =	simm.s32 @!p0 $0x3  }
0x1be: {  	s5 =	stileid.u32;
	_ =	swait.ge @!p0 [sflag:s0], $0x200  }
0x1bf: {  	p1 =	sne.s32 @!p0 s5, $0xF;
	[sflag:s0] =	ssyncset.done @!p0 $0x0  }
0x1c0: {  	p1 =	por p1, p0;
	s30 =	rddreg [dreg:$0xa];
	[sflag:s0] =	ssyncadd.s32 @!p0 $0xFFFFFE00  }
0x1c1: {  	s5 =	simm.s32 @!p1 $0x20;
	s28 =	simm.s32 @!p1 $0x40;
	s29 =	simm.s32 @!p1 $0x200  }
0x1c2: {  	[tilespmem:s29], [sflag:$0x3] =	stream.strided.gather @!p1 [hbm4b:s30+s5], $0x400, s28, s5, $0x38;
	[tilespmem:$0x163A0] =	vst v63  }
0x1c3: {  	s5 =	simm.s32 @!p1 $0x3  }
0x1c4: {  	_ =	swait.ge @!p1 [sflag:s5], $0x400  }
0x1c5: {  	[sflag:s5] =	ssyncset.done @!p1 $0x0  }
0x1c6: {  	s28 =	simm.s32 @!p0 $0x1A80;
	[sflag:s5] =	ssyncadd.s32 @!p1 $0xFFFFFC00;
	s5 =	simm.s32 @!p0 $0x80  }
0x1c7: {  	[spmem:s2] =	stream.indirect.scatter.add.f32 @!p0 [tilespmem:s6], [sflag:$0x3], $0x20, s28, s5, $0xb8;
	[tilespmem:$0x163A0] =	vst v63  }
0x1c8: {  	_ =	swait.ge @!p0 [sflag:s0], $0x1000  }
0x1c9: {  	[sflag:s0] =	ssyncset.done @!p0 $0x0  }
0x1ca: {  	[sflag:s0] =	ssyncadd.s32 @!p0 $0xFFFFF000  }
0x1cb: {  	[bflag:$0x0] =	sbarrier.arrive $0xFFFF  }
0x1cc: {  	s30 =	simm.s32 $0x4;
	s6 =	simm.s32 $0x8;
	s5 =	rddreg [dreg:$0xb]  }
0x1cd: {  	[hbm:s5@s6], [sflag:s1] =	dma.strided [spmem:s26@s30], $0x2710, s25, $0x4   }
0x1ce: {  	_ =	swait.ge [sflag:s25], $0x2710  }
0x1cf: {  	[sflag:s25] =	ssyncset.done $0x0  }
0x1d0: {  	[sflag:s25] =	ssyncadd.s32 $0xFFFFD8F0  }
0x1d1: {  	[spmem:s4] =	stream.linear.scatter [tilespmem:s22], [sflag:$0x2], $0x1000, $0x38;
	[tilespmem:$0x163A0] =	vst v63  }
0x1d2: {  	s6 =	rddreg [dreg:$0x15]  }
0x1d3: {  	[spmem:s6] =	stream.linear.scatter [tilespmem:s22], [sflag:$0x2], $0x1000, $0x38;
	[tilespmem:$0x163A0] =	vst v63  }
0x1d4: {  	s30 =	rddreg [dreg:$0x16]  }
0x1d5: {  	[spmem:s30] =	stream.linear.scatter [tilespmem:s22], [sflag:$0x2], $0x1000, $0x38;
	[tilespmem:$0x163A0] =	vst v63  }
0x1d6: {  	s5 =	rddreg [dreg:$0x17]  }
0x1d7: {  	[spmem:s5] =	stream.linear.scatter [tilespmem:s22], [sflag:$0x2], $0x1000, $0x38;
	[tilespmem:$0x163A0] =	vst v63  }
0x1d8: {  	s6 =	rddreg [dreg:$0x18]  }
0x1d9: {  	[spmem:s6] =	stream.linear.scatter [tilespmem:s22], [sflag:$0x2], $0x1000, $0x38;
	[tilespmem:$0x163A0] =	vst v63  }
0x1da: {  	s30 =	rddreg [dreg:$0x19]  }
0x1db: {  	[spmem:s30] =	stream.linear.scatter [tilespmem:s22], [sflag:$0x2], $0x1000, $0x38;
	[tilespmem:$0x163A0] =	vst v63  }
0x1dc: {  	s5 =	rddreg [dreg:$0x1a]  }
0x1dd: {  	[spmem:s5] =	stream.linear.scatter [tilespmem:s22], [sflag:$0x2], $0x1000, $0x38;
	[tilespmem:$0x163A0] =	vst v63  }
0x1de: {  	s6 =	rddreg [dreg:$0x1b]  }
0x1df: {  	[spmem:s6] =	stream.linear.scatter [tilespmem:s22], [sflag:$0x2], $0x1000, $0x38;
	[tilespmem:$0x163A0] =	vst v63  }
0x1e0: {  	s30 =	rddreg [dreg:$0x1c]  }
0x1e1: {  	[spmem:s30] =	stream.linear.scatter [tilespmem:s22], [sflag:$0x2], $0x1000, $0x38;
	[tilespmem:$0x163A0] =	vst v63  }
0x1e2: {  	_ = 	snop  }
0x1e3: {  	[spmem:s7] =	stream.linear.scatter [tilespmem:s22], [sflag:$0x2], $0x1000, $0x38;
	[tilespmem:$0x163A0] =	vst v63  }
0x1e4: {  	_ = 	snop  }
0x1e5: {  	[spmem:s8] =	stream.linear.scatter [tilespmem:s22], [sflag:$0x2], $0x1000, $0x38;
	[tilespmem:$0x163A0] =	vst v63  }
0x1e6: {  	_ = 	snop  }
0x1e7: {  	[spmem:s9] =	stream.linear.scatter [tilespmem:s22], [sflag:$0x2], $0x1000, $0x38;
	[tilespmem:$0x163A0] =	vst v63  }
0x1e8: {  	_ = 	snop  }
0x1e9: {  	[spmem:s10] =	stream.linear.scatter [tilespmem:s22], [sflag:$0x2], $0x1000, $0x38;
	[tilespmem:$0x163A0] =	vst v63  }
0x1ea: {  	_ = 	snop  }
0x1eb: {  	[spmem:s11] =	stream.linear.scatter [tilespmem:s22], [sflag:$0x2], $0x1000, $0x38;
	[tilespmem:$0x163A0] =	vst v63  }
0x1ec: {  	_ = 	snop  }
0x1ed: {  	[spmem:s12] =	stream.linear.scatter [tilespmem:s22], [sflag:$0x2], $0x1000, $0x38;
	[tilespmem:$0x163A0] =	vst v63  }
0x1ee: {  	_ = 	snop  }
0x1ef: {  	[spmem:s13] =	stream.linear.scatter [tilespmem:s22], [sflag:$0x2], $0x1000, $0x38;
	[tilespmem:$0x163A0] =	vst v63  }
0x1f0: {  	_ = 	snop  }
0x1f1: {  	[spmem:s14] =	stream.linear.scatter [tilespmem:s22], [sflag:$0x2], $0x1000, $0x38;
	[tilespmem:$0x163A0] =	vst v63  }
0x1f2: {  	_ = 	snop  }
0x1f3: {  	[spmem:s15] =	stream.linear.scatter [tilespmem:s22], [sflag:$0x2], $0x1000, $0x38;
	[tilespmem:$0x163A0] =	vst v63  }
0x1f4: {  	_ = 	snop  }
0x1f5: {  	[spmem:s16] =	stream.linear.scatter [tilespmem:s22], [sflag:$0x2], $0x1000, $0x38;
	[tilespmem:$0x163A0] =	vst v63  }
0x1f6: {  	_ = 	snop  }
0x1f7: {  	[spmem:s21] =	stream.linear.scatter [tilespmem:s22], [sflag:$0x2], $0x880, $0x38;
	[tilespmem:$0x163A0] =	vst v63  }
0x1f8: {  	_ =	swait.ge [sflag:s23], $0x1000  }
0x1f9: {  	[sflag:s23] =	ssyncset.done $0x0  }
0x1fa: {  	[sflag:s23] =	ssyncadd.s32 $0xFFFFF000  }
0x1fb: {  	_ =	swait.ge [sflag:s23], $0x1000  }
0x1fc: {  	[sflag:s23] =	ssyncset.done $0x0  }
0x1fd: {  	[sflag:s23] =	ssyncadd.s32 $0xFFFFF000  }
0x1fe: {  	_ =	swait.ge [sflag:s23], $0x1000  }
0x1ff: {  	[sflag:s23] =	ssyncset.done $0x0  }
0x200: {  	[sflag:s23] =	ssyncadd.s32 $0xFFFFF000  }
0x201: {  	_ =	swait.ge [sflag:s23], $0x1000  }
0x202: {  	[sflag:s23] =	ssyncset.done $0x0  }
0x203: {  	[sflag:s23] =	ssyncadd.s32 $0xFFFFF000  }
0x204: {  	_ =	swait.ge [sflag:s23], $0x1000  }
0x205: {  	[sflag:s23] =	ssyncset.done $0x0  }
0x206: {  	[sflag:s23] =	ssyncadd.s32 $0xFFFFF000  }
0x207: {  	_ =	swait.ge [sflag:s23], $0x1000  }
0x208: {  	[sflag:s23] =	ssyncset.done $0x0  }
0x209: {  	[sflag:s23] =	ssyncadd.s32 $0xFFFFF000  }
0x20a: {  	_ =	swait.ge [sflag:s23], $0x1000  }
0x20b: {  	[sflag:s23] =	ssyncset.done $0x0  }
0x20c: {  	[sflag:s23] =	ssyncadd.s32 $0xFFFFF000  }
0x20d: {  	_ =	swait.ge [sflag:s23], $0x1000  }
0x20e: {  	[sflag:s23] =	ssyncset.done $0x0  }
0x20f: {  	[sflag:s23] =	ssyncadd.s32 $0xFFFFF000  }
0x210: {  	_ =	swait.ge [sflag:s23], $0x1000  }
0x211: {  	[sflag:s23] =	ssyncset.done $0x0  }
0x212: {  	[sflag:s23] =	ssyncadd.s32 $0xFFFFF000  }
0x213: {  	_ =	swait.ge [sflag:s23], $0x1000  }
0x214: {  	[sflag:s23] =	ssyncset.done $0x0  }
0x215: {  	[sflag:s23] =	ssyncadd.s32 $0xFFFFF000  }
0x216: {  	_ =	swait.ge [sflag:s23], $0x1000  }
0x217: {  	[sflag:s23] =	ssyncset.done $0x0  }
0x218: {  	[sflag:s23] =	ssyncadd.s32 $0xFFFFF000  }
0x219: {  	_ =	swait.ge [sflag:s23], $0x1000  }
0x21a: {  	[sflag:s23] =	ssyncset.done $0x0  }
0x21b: {  	[sflag:s23] =	ssyncadd.s32 $0xFFFFF000  }
0x21c: {  	_ =	swait.ge [sflag:s23], $0x1000  }
0x21d: {  	[sflag:s23] =	ssyncset.done $0x0  }
0x21e: {  	[sflag:s23] =	ssyncadd.s32 $0xFFFFF000  }
0x21f: {  	_ =	swait.ge [sflag:s23], $0x1000  }
0x220: {  	[sflag:s23] =	ssyncset.done $0x0  }
0x221: {  	[sflag:s23] =	ssyncadd.s32 $0xFFFFF000  }
0x222: {  	_ =	swait.ge [sflag:s23], $0x1000  }
0x223: {  	[sflag:s23] =	ssyncset.done $0x0  }
0x224: {  	[sflag:s23] =	ssyncadd.s32 $0xFFFFF000  }
0x225: {  	_ =	swait.ge [sflag:s23], $0x1000  }
0x226: {  	[sflag:s23] =	ssyncset.done $0x0  }
0x227: {  	[sflag:s23] =	ssyncadd.s32 $0xFFFFF000  }
0x228: {  	_ =	swait.ge [sflag:s23], $0x1000  }
0x229: {  	[sflag:s23] =	ssyncset.done $0x0  }
0x22a: {  	[sflag:s23] =	ssyncadd.s32 $0xFFFFF000  }
0x22b: {  	_ =	swait.ge [sflag:s23], $0x1000  }
0x22c: {  	[sflag:s23] =	ssyncset.done $0x0  }
0x22d: {  	[sflag:s23] =	ssyncadd.s32 $0xFFFFF000  }
0x22e: {  	_ =	swait.ge [sflag:s23], $0x1000  }
0x22f: {  	[sflag:s23] =	ssyncset.done $0x0  }
0x230: {  	[sflag:s23] =	ssyncadd.s32 $0xFFFFF000  }
0x231: {  	_ =	swait.ge [sflag:s23], $0x880  }
0x232: {  	[sflag:s23] =	ssyncset.done $0x0  }
0x233: {  	[sflag:s23] =	ssyncadd.s32 $0xFFFFF780  }
0x234: {  	[bflag:$0x0] =	sbarrier.arrive $0xFFFF  }
0x235: {  	s28 =	simm.s32 $0x1000;
	s5 =	simm.s32 $0x0;
	s6 =	rddreg [dreg:$0xc]  }
0x236: {  	[tilespmem:s28], [sflag:$0x3] =	stream.linear.gather [hbm4b:s6+s5], $0xB00, $0x38;
	[tilespmem:$0x163A0] =	vst v63  }
0x237: {  	_ =	swait.ge [sflag:s24], $0xB00  }
0x238: {  	[sflag:s24] =	ssyncset.done $0x0  }
0x239: {  	[sflag:s24] =	ssyncadd.s32 $0xFFFFF500  }
0x23a: {  	v2 =	vld [tilespmem:s28+$0x0]  }
0x23b: {  	v3 =	vld [tilespmem:s28+$0x10]  }
0x23c: {  	v55 =	vld [tilespmem:s28+$0x20]  }
0x23d: {  	v56 =	vld [tilespmem:s28+$0x30]  }
0x23e: {  	v57 =	vld [tilespmem:s28+$0x40]  }
0x23f: {  	v58 =	vld [tilespmem:s28+$0x50]  }
0x240: {  	vm8 =	vne.s32 v2, $0x9C40;
	vm9 =	vne.s32 v3, $0x9C40;
	v2 =	vld [tilespmem:s28+$0x60]  }
0x241: {  	v60 =	vld [tilespmem:s28+$0x70];
	vm10 =	vne.s32 v55, $0x9C40;
	v3 =	vsel vm8, $0x1, v1;
	v59 =	vsel vm9, $0x1, v1  }
0x242: {  	vm11 =	vne.s32 v56, $0x9C40;
	v61 =	vsel vm10, $0x1, v1;
	v3 =	vadd.s32 v3, v59  }
0x243: {  	vm12 =	vne.s32 v57, $0x9C40;
	v5 =	vsel vm11, $0x1, v1;
	v3 =	vadd.s32 v61, v3  }
0x244: {  	vm13 =	vne.s32 v58, $0x9C40;
	v62 =	vsel vm12, $0x1, v1;
	v3 =	vadd.s32 v5, v3  }
0x245: {  	v63 =	vsel vm13, $0x1, v1;
	v3 =	vadd.s32 v62, v3;
	vm14 =	vne.s32 v2, $0x9C40  }
0x246: {  	vm15 =	vne.s32 v60, $0x9C40;
	v2 =	vadd.s32 v63, v3;
	v3 =	vsel vm14, $0x1, v1  }
0x247: {  	v2 =	vadd.s32 v3, v2;
	v3 =	vsel vm15, $0x1, v1  }
0x248: {  	v2 =	vadd.s32 v3, v2  }
0x249: {  	(xrf0) =	vadd.scan.msk.s32 $0xffff, v2;
	_ =	sdelay $0x5  }
0x24a: {  	v2, _, _ =	vpop (xrf0)  }
0x24b: {  	(v2sf) =	vpush v2, $0xF;
	_ =	sdelay $0xe  }
0x24c: {  	s30 =	spop (v2sf)  }
0x24d: {  	p1 =	slt.s32 s30, $0x1  }
0x24e: {  	s0 =	sadd.s32 @!p1 $0x0, s19  }
0x24f: {  	s5 =	simm.s32 @!p1 $0x20;
	s6 =	simm.s32 @!p1 $0x40;
	s29 =	simm.s32 @!p1 $0x0  }
0x250: {  	[tilespmem:s29], [sflag:$0x4] =	stream.strided.gather @!p1 [hbm4b:s0+s5], $0x1000, s6, s5, $0x38;
	[tilespmem:$0x163A0] =	vst v63  }
0x251: {  	s0 =	simm.s32 @!p1 $0x4  }
0x252: {  	_ =	swait.ge @!p1 [sflag:s0], $0x1000  }
0x253: {  	[sflag:s0] =	ssyncset.done @!p1 $0x0  }
0x254: {  	s31 =	simm.s32 @!p1 $0x3;
	[sflag:s0] =	ssyncadd.s32 @!p1 $0xFFFFF000;
	s0 =	simm.s32 @!p1 $0x80  }
0x255: {  	[spmem:s2] =	stream.indirect.scatter.add.f32 @!p1 [tilespmem:s29], [sflag:$0x3], $0x20, s28, s0, $0xb8;
	[tilespmem:$0x163A0] =	vst v63  }
0x256: {  	s29 =	simm.s32 $0x400;
	_ =	swait.ge @!p1 [sflag:s31], $0x1000  }
.LBB2_8:
0x257: {  	[sflag:s31] =	ssyncset.done @!p1 $0x0  }
0x258: {  	s28 =	sadd.s32 $0x80, s28;
	s30 =	smov.u32 s29;
	s29 =	sadd.s32 $0x400, s29  }
0x259: {  	p0 =	sne.s32 s29, $0x5400;
	[sflag:s31] =	ssyncadd.s32 @!p1 $0xFFFFF000  }
0x25a: {  	v2 =	vld [tilespmem:s28+$0x0]  }
0x25b: {  	v3 =	vld [tilespmem:s28+$0x10]  }
0x25c: {  	v4 =	vld [tilespmem:s28+$0x20]  }
0x25d: {  	v5 =	vld [tilespmem:s28+$0x30]  }
0x25e: {  	v6 =	vld [tilespmem:s28+$0x40]  }
0x25f: {  	vm0 =	vne.s32 v2, $0x9C40;
	v2 =	vld [tilespmem:s28+$0x50]  }
0x260: {  	vm1 =	vne.s32 v3, $0x9C40;
	v3 =	vld [tilespmem:s28+$0x60]  }
0x261: {  	v7 =	vsel vm0, $0x1, v1;
	v8 =	vsel vm1, $0x1, v1;
	vm0 =	vne.s32 v4, $0x9C40;
	v4 =	vld [tilespmem:s28+$0x70]  }
0x262: {  	v7 =	vadd.s32 v7, v8;
	v8 =	vsel vm0, $0x1, v1;
	vm0 =	vne.s32 v5, $0x9C40  }
0x263: {  	v5 =	vadd.s32 v8, v7;
	v7 =	vsel vm0, $0x1, v1;
	vm0 =	vne.s32 v6, $0x9C40  }
0x264: {  	v5 =	vadd.s32 v7, v5;
	v6 =	vsel vm0, $0x1, v1;
	vm0 =	vne.s32 v2, $0x9C40  }
0x265: {  	v2 =	vadd.s32 v6, v5;
	v5 =	vsel vm0, $0x1, v1;
	vm0 =	vne.s32 v3, $0x9C40  }
0x266: {  	v2 =	vadd.s32 v5, v2;
	v3 =	vsel vm0, $0x1, v1;
	vm0 =	vne.s32 v4, $0x9C40  }
0x267: {  	v2 =	vadd.s32 v3, v2;
	v3 =	vsel vm0, $0x1, v1  }
0x268: {  	v2 =	vadd.s32 v3, v2  }
0x269: {  	(xrf0) =	vadd.scan.msk.s32 $0xffff, v2;
	_ =	sdelay $0x5  }
0x26a: {  	v2, _, _ =	vpop (xrf0)  }
0x26b: {  	(v2sf) =	vpush v2, $0xF;
	_ =	sdelay $0xe  }
0x26c: {  	s0 =	spop (v2sf)  }
0x26d: {  	p1 =	slt.s32 s0, $0x1  }
0x26e: {  	s0 =	sadd.s32 @!p1 s30, s19;
	s5 =	simm.s32 @!p1 $0x20;
	s6 =	simm.s32 @!p1 $0x40  }
0x26f: {  	s30 =	simm.s32 @!p1 $0x0;
	s31 =	simm.s32 @!p1 $0x4  }
0x270: {  	[tilespmem:s30], [sflag:$0x4] =	stream.strided.gather @!p1 [hbm4b:s0+s5], $0x1000, s6, s5, $0x38;
	[tilespmem:$0x163A0] =	vst v63  }
.Ltmp3:
0x271: {  	_ =	swait.ge @!p1 [sflag:s31], $0x1000;
	(pc) =	sbr.rel @p0 .LBB2_8-.Ltmp3, $4  }
0x272: {  	s0 =	simm.s32 @!p1 $0x80;
	[sflag:s31] =	ssyncset.done @!p1 $0x0  }
0x273: {  	[sflag:s31] =	ssyncadd.s32 @!p1 $0xFFFFF000;
	s31 =	simm.s32 @!p1 $0x3  }
0x274: {  	[spmem:s2] =	stream.indirect.scatter.add.f32 @!p1 [tilespmem:s30], [sflag:$0x3], $0x20, s28, s0, $0xb8;
	[tilespmem:$0x163A0] =	vst v63  }
0x275: {  	_ =	swait.ge @!p1 [sflag:s31], $0x1000  }
0x276: {  	[sflag:s31] =	ssyncset.done @!p1 $0x0  }
0x277: {  	[sflag:s31] =	ssyncadd.s32 @!p1 $0xFFFFF000  }
0x278: {  	v2 =	vld [tilespmem:$0x1A80]  }
0x279: {  	v3 =	vld [tilespmem:$0x1A90]  }
0x27a: {  	v4 =	vld [tilespmem:$0x1AA0]  }
0x27b: {  	v5 =	vld [tilespmem:$0x1AB0]  }
0x27c: {  	v6 =	vld [tilespmem:$0x1AC0]  }
0x27d: {  	v7 =	vld [tilespmem:$0x1AD0]  }
0x27e: {  	vm0 =	vne.s32 v2, $0x9C40;
	vm1 =	vne.s32 v3, $0x9C40;
	v2 =	vld [tilespmem:$0x1AE0]  }
0x27f: {  	v51 =	vld [tilespmem:$0x1AF0];
	vm14 =	vne.s32 v4, $0x9C40;
	v3 =	vsel vm0, $0x1, v1;
	v8 =	vsel vm1, $0x1, v1  }
0x280: {  	vm15 =	vne.s32 v5, $0x9C40;
	v52 =	vsel vm14, $0x1, v1;
	v3 =	vadd.s32 v3, v8  }
0x281: {  	vm4 =	vne.s32 v6, $0x9C40;
	v5 =	vsel vm15, $0x1, v1;
	v3 =	vadd.s32 v52, v3  }
0x282: {  	vm5 =	vne.s32 v7, $0x9C40;
	v53 =	vsel vm4, $0x1, v1;
	v3 =	vadd.s32 v5, v3  }
0x283: {  	v54 =	vsel vm5, $0x1, v1;
	v3 =	vadd.s32 v53, v3;
	vm6 =	vne.s32 v2, $0x9C40  }
0x284: {  	vm7 =	vne.s32 v51, $0x9C40;
	v2 =	vadd.s32 v54, v3;
	v3 =	vsel vm6, $0x1, v1  }
0x285: {  	v2 =	vadd.s32 v3, v2;
	v3 =	vsel vm7, $0x1, v1  }
0x286: {  	v2 =	vadd.s32 v3, v2  }
0x287: {  	(xrf0) =	vadd.scan.msk.s32 $0xffff, v2;
	_ =	sdelay $0x5  }
0x288: {  	v2, _, _ =	vpop (xrf0)  }
0x289: {  	(v2sf) =	vpush v2, $0xF;
	_ =	sdelay $0xe  }
0x28a: {  	s0 =	spop (v2sf)  }
0x28b: {  	s28 =	rddreg [dreg:$0xd];
	p0 =	slt.s32 s0, $0x1  }
0x28c: {  	s0 =	simm.s32 @!p0 $0x20;
	s5 =	simm.s32 @!p0 $0x40;
	s6 =	simm.s32 @!p0 $0x0  }
0x28d: {  	[tilespmem:s6], [sflag:$0x3] =	stream.strided.gather @!p0 [hbm4b:s28+s0], $0x200, s5, s0, $0x38;
	[tilespmem:$0x163A0] =	vst v63  }
0x28e: {  	s0 =	simm.s32 @!p0 $0x3  }
0x28f: {  	s5 =	stileid.u32;
	_ =	swait.ge @!p0 [sflag:s0], $0x200  }
0x290: {  	p1 =	sne.s32 @!p0 s5, $0xF;
	[sflag:s0] =	ssyncset.done @!p0 $0x0  }
0x291: {  	p1 =	por p1, p0;
	s30 =	rddreg [dreg:$0xe];
	[sflag:s0] =	ssyncadd.s32 @!p0 $0xFFFFFE00  }
0x292: {  	s5 =	simm.s32 @!p1 $0x20;
	s28 =	simm.s32 @!p1 $0x40;
	s29 =	simm.s32 @!p1 $0x200  }
0x293: {  	[tilespmem:s29], [sflag:$0x3] =	stream.strided.gather @!p1 [hbm4b:s30+s5], $0x400, s28, s5, $0x38;
	[tilespmem:$0x163A0] =	vst v63  }
0x294: {  	s5 =	simm.s32 @!p1 $0x3  }
0x295: {  	_ =	swait.ge @!p1 [sflag:s5], $0x400  }
0x296: {  	[sflag:s5] =	ssyncset.done @!p1 $0x0  }
0x297: {  	s28 =	simm.s32 @!p0 $0x1A80;
	[sflag:s5] =	ssyncadd.s32 @!p1 $0xFFFFFC00;
	s5 =	simm.s32 @!p0 $0x80  }
0x298: {  	[spmem:s2] =	stream.indirect.scatter.add.f32 @!p0 [tilespmem:s6], [sflag:$0x3], $0x20, s28, s5, $0xb8;
	[tilespmem:$0x163A0] =	vst v63  }
0x299: {  	_ =	swait.ge @!p0 [sflag:s0], $0x1000  }
0x29a: {  	[sflag:s0] =	ssyncset.done @!p0 $0x0  }
0x29b: {  	[sflag:s0] =	ssyncadd.s32 @!p0 $0xFFFFF000  }
0x29c: {  	[bflag:$0x0] =	sbarrier.arrive $0xFFFF  }
0x29d: {  	s30 =	simm.s32 $0x4;
	s6 =	simm.s32 $0x8;
	s5 =	rddreg [dreg:$0x10]  }
0x29e: {  	[hbm:s5@s6], [sflag:s1] =	dma.strided [spmem:s26@s30], $0x2710, s25, $0x4   }
0x29f: {  	_ =	swait.ge [sflag:s25], $0x2710  }
0x2a0: {  	[sflag:s25] =	ssyncset.done $0x0  }
0x2a1: {  	[sflag:s25] =	ssyncadd.s32 $0xFFFFD8F0  }
0x2a2: {  	[spmem:s4] =	stream.linear.scatter [tilespmem:s22], [sflag:$0x2], $0x1000, $0x38;
	[tilespmem:$0x163A0] =	vst v63  }
0x2a3: {  	s6 =	rddreg [dreg:$0x15]  }
0x2a4: {  	[spmem:s6] =	stream.linear.scatter [tilespmem:s22], [sflag:$0x2], $0x1000, $0x38;
	[tilespmem:$0x163A0] =	vst v63  }
0x2a5: {  	s30 =	rddreg [dreg:$0x16]  }
0x2a6: {  	[spmem:s30] =	stream.linear.scatter [tilespmem:s22], [sflag:$0x2], $0x1000, $0x38;
	[tilespmem:$0x163A0] =	vst v63  }
0x2a7: {  	s5 =	rddreg [dreg:$0x17]  }
0x2a8: {  	[spmem:s5] =	stream.linear.scatter [tilespmem:s22], [sflag:$0x2], $0x1000, $0x38;
	[tilespmem:$0x163A0] =	vst v63  }
0x2a9: {  	s6 =	rddreg [dreg:$0x18]  }
0x2aa: {  	[spmem:s6] =	stream.linear.scatter [tilespmem:s22], [sflag:$0x2], $0x1000, $0x38;
	[tilespmem:$0x163A0] =	vst v63  }
0x2ab: {  	s30 =	rddreg [dreg:$0x19]  }
0x2ac: {  	[spmem:s30] =	stream.linear.scatter [tilespmem:s22], [sflag:$0x2], $0x1000, $0x38;
	[tilespmem:$0x163A0] =	vst v63  }
0x2ad: {  	s5 =	rddreg [dreg:$0x1a]  }
0x2ae: {  	[spmem:s5] =	stream.linear.scatter [tilespmem:s22], [sflag:$0x2], $0x1000, $0x38;
	[tilespmem:$0x163A0] =	vst v63  }
0x2af: {  	s6 =	rddreg [dreg:$0x1b]  }
0x2b0: {  	[spmem:s6] =	stream.linear.scatter [tilespmem:s22], [sflag:$0x2], $0x1000, $0x38;
	[tilespmem:$0x163A0] =	vst v63  }
0x2b1: {  	s30 =	rddreg [dreg:$0x1c]  }
0x2b2: {  	[spmem:s30] =	stream.linear.scatter [tilespmem:s22], [sflag:$0x2], $0x1000, $0x38;
	[tilespmem:$0x163A0] =	vst v63  }
0x2b3: {  	_ = 	snop  }
0x2b4: {  	[spmem:s7] =	stream.linear.scatter [tilespmem:s22], [sflag:$0x2], $0x1000, $0x38;
	[tilespmem:$0x163A0] =	vst v63  }
0x2b5: {  	_ = 	snop  }
0x2b6: {  	[spmem:s8] =	stream.linear.scatter [tilespmem:s22], [sflag:$0x2], $0x1000, $0x38;
	[tilespmem:$0x163A0] =	vst v63  }
0x2b7: {  	_ = 	snop  }
0x2b8: {  	[spmem:s9] =	stream.linear.scatter [tilespmem:s22], [sflag:$0x2], $0x1000, $0x38;
	[tilespmem:$0x163A0] =	vst v63  }
0x2b9: {  	_ = 	snop  }
0x2ba: {  	[spmem:s10] =	stream.linear.scatter [tilespmem:s22], [sflag:$0x2], $0x1000, $0x38;
	[tilespmem:$0x163A0] =	vst v63  }
0x2bb: {  	_ = 	snop  }
0x2bc: {  	[spmem:s11] =	stream.linear.scatter [tilespmem:s22], [sflag:$0x2], $0x1000, $0x38;
	[tilespmem:$0x163A0] =	vst v63  }
0x2bd: {  	_ = 	snop  }
0x2be: {  	[spmem:s12] =	stream.linear.scatter [tilespmem:s22], [sflag:$0x2], $0x1000, $0x38;
	[tilespmem:$0x163A0] =	vst v63  }
0x2bf: {  	_ = 	snop  }
0x2c0: {  	[spmem:s13] =	stream.linear.scatter [tilespmem:s22], [sflag:$0x2], $0x1000, $0x38;
	[tilespmem:$0x163A0] =	vst v63  }
0x2c1: {  	_ = 	snop  }
0x2c2: {  	[spmem:s14] =	stream.linear.scatter [tilespmem:s22], [sflag:$0x2], $0x1000, $0x38;
	[tilespmem:$0x163A0] =	vst v63  }
0x2c3: {  	_ = 	snop  }
0x2c4: {  	[spmem:s15] =	stream.linear.scatter [tilespmem:s22], [sflag:$0x2], $0x1000, $0x38;
	[tilespmem:$0x163A0] =	vst v63  }
0x2c5: {  	_ = 	snop  }
0x2c6: {  	[spmem:s16] =	stream.linear.scatter [tilespmem:s22], [sflag:$0x2], $0x1000, $0x38;
	[tilespmem:$0x163A0] =	vst v63  }
0x2c7: {  	_ = 	snop  }
0x2c8: {  	[spmem:s21] =	stream.linear.scatter [tilespmem:s22], [sflag:$0x2], $0x880, $0x38;
	[tilespmem:$0x163A0] =	vst v63  }
0x2c9: {  	_ =	swait.ge [sflag:s23], $0x1000  }
0x2ca: {  	[sflag:s23] =	ssyncset.done $0x0  }
0x2cb: {  	[sflag:s23] =	ssyncadd.s32 $0xFFFFF000  }
0x2cc: {  	_ =	swait.ge [sflag:s23], $0x1000  }
0x2cd: {  	[sflag:s23] =	ssyncset.done $0x0  }
0x2ce: {  	[sflag:s23] =	ssyncadd.s32 $0xFFFFF000  }
0x2cf: {  	_ =	swait.ge [sflag:s23], $0x1000  }
0x2d0: {  	[sflag:s23] =	ssyncset.done $0x0  }
0x2d1: {  	[sflag:s23] =	ssyncadd.s32 $0xFFFFF000  }
0x2d2: {  	_ =	swait.ge [sflag:s23], $0x1000  }
0x2d3: {  	[sflag:s23] =	ssyncset.done $0x0  }
0x2d4: {  	[sflag:s23] =	ssyncadd.s32 $0xFFFFF000  }
0x2d5: {  	_ =	swait.ge [sflag:s23], $0x1000  }
0x2d6: {  	[sflag:s23] =	ssyncset.done $0x0  }
0x2d7: {  	[sflag:s23] =	ssyncadd.s32 $0xFFFFF000  }
0x2d8: {  	_ =	swait.ge [sflag:s23], $0x1000  }
0x2d9: {  	[sflag:s23] =	ssyncset.done $0x0  }
0x2da: {  	[sflag:s23] =	ssyncadd.s32 $0xFFFFF000  }
0x2db: {  	_ =	swait.ge [sflag:s23], $0x1000  }
0x2dc: {  	[sflag:s23] =	ssyncset.done $0x0  }
0x2dd: {  	[sflag:s23] =	ssyncadd.s32 $0xFFFFF000  }
0x2de: {  	_ =	swait.ge [sflag:s23], $0x1000  }
0x2df: {  	[sflag:s23] =	ssyncset.done $0x0  }
0x2e0: {  	[sflag:s23] =	ssyncadd.s32 $0xFFFFF000  }
0x2e1: {  	_ =	swait.ge [sflag:s23], $0x1000  }
0x2e2: {  	[sflag:s23] =	ssyncset.done $0x0  }
0x2e3: {  	[sflag:s23] =	ssyncadd.s32 $0xFFFFF000  }
0x2e4: {  	_ =	swait.ge [sflag:s23], $0x1000  }
0x2e5: {  	[sflag:s23] =	ssyncset.done $0x0  }
0x2e6: {  	[sflag:s23] =	ssyncadd.s32 $0xFFFFF000  }
0x2e7: {  	_ =	swait.ge [sflag:s23], $0x1000  }
0x2e8: {  	[sflag:s23] =	ssyncset.done $0x0  }
0x2e9: {  	[sflag:s23] =	ssyncadd.s32 $0xFFFFF000  }
0x2ea: {  	_ =	swait.ge [sflag:s23], $0x1000  }
0x2eb: {  	[sflag:s23] =	ssyncset.done $0x0  }
0x2ec: {  	[sflag:s23] =	ssyncadd.s32 $0xFFFFF000  }
0x2ed: {  	_ =	swait.ge [sflag:s23], $0x1000  }
0x2ee: {  	[sflag:s23] =	ssyncset.done $0x0  }
0x2ef: {  	[sflag:s23] =	ssyncadd.s32 $0xFFFFF000  }
0x2f0: {  	_ =	swait.ge [sflag:s23], $0x1000  }
0x2f1: {  	[sflag:s23] =	ssyncset.done $0x0  }
0x2f2: {  	[sflag:s23] =	ssyncadd.s32 $0xFFFFF000  }
0x2f3: {  	_ =	swait.ge [sflag:s23], $0x1000  }
0x2f4: {  	[sflag:s23] =	ssyncset.done $0x0  }
0x2f5: {  	[sflag:s23] =	ssyncadd.s32 $0xFFFFF000  }
0x2f6: {  	_ =	swait.ge [sflag:s23], $0x1000  }
0x2f7: {  	[sflag:s23] =	ssyncset.done $0x0  }
0x2f8: {  	[sflag:s23] =	ssyncadd.s32 $0xFFFFF000  }
0x2f9: {  	_ =	swait.ge [sflag:s23], $0x1000  }
0x2fa: {  	[sflag:s23] =	ssyncset.done $0x0  }
0x2fb: {  	[sflag:s23] =	ssyncadd.s32 $0xFFFFF000  }
0x2fc: {  	_ =	swait.ge [sflag:s23], $0x1000  }
0x2fd: {  	[sflag:s23] =	ssyncset.done $0x0  }
0x2fe: {  	[sflag:s23] =	ssyncadd.s32 $0xFFFFF000  }
0x2ff: {  	_ =	swait.ge [sflag:s23], $0x1000  }
0x300: {  	[sflag:s23] =	ssyncset.done $0x0  }
0x301: {  	[sflag:s23] =	ssyncadd.s32 $0xFFFFF000  }
0x302: {  	_ =	swait.ge [sflag:s23], $0x880  }
0x303: {  	[sflag:s23] =	ssyncset.done $0x0  }
0x304: {  	[sflag:s23] =	ssyncadd.s32 $0xFFFFF780  }
0x305: {  	[bflag:$0x0] =	sbarrier.arrive $0xFFFF  }
0x306: {  	s28 =	simm.s32 $0x1000;
	s5 =	simm.s32 $0x0;
	s6 =	rddreg [dreg:$0x11]  }
0x307: {  	[tilespmem:s28], [sflag:$0x3] =	stream.linear.gather [hbm4b:s6+s5], $0xB00, $0x38;
	[tilespmem:$0x163A0] =	vst v63  }
0x308: {  	_ =	swait.ge [sflag:s24], $0xB00  }
0x309: {  	[sflag:s24] =	ssyncset.done $0x0  }
0x30a: {  	[sflag:s24] =	ssyncadd.s32 $0xFFFFF500  }
0x30b: {  	v2 =	vld [tilespmem:s28+$0x0]  }
0x30c: {  	v3 =	vld [tilespmem:s28+$0x10]  }
0x30d: {  	v55 =	vld [tilespmem:s28+$0x20]  }
0x30e: {  	v56 =	vld [tilespmem:s28+$0x30]  }
0x30f: {  	v57 =	vld [tilespmem:s28+$0x40]  }
0x310: {  	v58 =	vld [tilespmem:s28+$0x50]  }
0x311: {  	vm8 =	vne.s32 v2, $0x9C40;
	vm9 =	vne.s32 v3, $0x9C40;
	v2 =	vld [tilespmem:s28+$0x60]  }
0x312: {  	v60 =	vld [tilespmem:s28+$0x70];
	vm10 =	vne.s32 v55, $0x9C40;
	v3 =	vsel vm8, $0x1, v1;
	v59 =	vsel vm9, $0x1, v1  }
0x313: {  	vm11 =	vne.s32 v56, $0x9C40;
	v61 =	vsel vm10, $0x1, v1;
	v3 =	vadd.s32 v3, v59  }
0x314: {  	vm12 =	vne.s32 v57, $0x9C40;
	v5 =	vsel vm11, $0x1, v1;
	v3 =	vadd.s32 v61, v3  }
0x315: {  	vm13 =	vne.s32 v58, $0x9C40;
	v62 =	vsel vm12, $0x1, v1;
	v3 =	vadd.s32 v5, v3  }
0x316: {  	v63 =	vsel vm13, $0x1, v1;
	v3 =	vadd.s32 v62, v3;
	vm14 =	vne.s32 v2, $0x9C40  }
0x317: {  	vm15 =	vne.s32 v60, $0x9C40;
	v2 =	vadd.s32 v63, v3;
	v3 =	vsel vm14, $0x1, v1  }
0x318: {  	v2 =	vadd.s32 v3, v2;
	v3 =	vsel vm15, $0x1, v1  }
0x319: {  	v2 =	vadd.s32 v3, v2  }
0x31a: {  	(xrf0) =	vadd.scan.msk.s32 $0xffff, v2;
	_ =	sdelay $0x5  }
0x31b: {  	v2, _, _ =	vpop (xrf0)  }
0x31c: {  	(v2sf) =	vpush v2, $0xF;
	_ =	sdelay $0xe  }
0x31d: {  	s30 =	spop (v2sf)  }
0x31e: {  	p1 =	slt.s32 s30, $0x1  }
0x31f: {  	s0 =	sadd.s32 @!p1 $0x0, s20  }
0x320: {  	s5 =	simm.s32 @!p1 $0x20;
	s6 =	simm.s32 @!p1 $0x40;
	s29 =	simm.s32 @!p1 $0x0  }
0x321: {  	[tilespmem:s29], [sflag:$0x4] =	stream.strided.gather @!p1 [hbm4b:s0+s5], $0x1000, s6, s5, $0x38;
	[tilespmem:$0x163A0] =	vst v63  }
0x322: {  	s0 =	simm.s32 @!p1 $0x4  }
0x323: {  	_ =	swait.ge @!p1 [sflag:s0], $0x1000  }
0x324: {  	[sflag:s0] =	ssyncset.done @!p1 $0x0  }
0x325: {  	s31 =	simm.s32 @!p1 $0x3;
	[sflag:s0] =	ssyncadd.s32 @!p1 $0xFFFFF000;
	s0 =	simm.s32 @!p1 $0x80  }
0x326: {  	[spmem:s2] =	stream.indirect.scatter.add.f32 @!p1 [tilespmem:s29], [sflag:$0x3], $0x20, s28, s0, $0xb8;
	[tilespmem:$0x163A0] =	vst v63  }
0x327: {  	s29 =	simm.s32 $0x400;
	_ =	swait.ge @!p1 [sflag:s31], $0x1000  }
.LBB2_10:
0x328: {  	[sflag:s31] =	ssyncset.done @!p1 $0x0  }
0x329: {  	s28 =	sadd.s32 $0x80, s28;
	s30 =	smov.u32 s29;
	s29 =	sadd.s32 $0x400, s29  }
0x32a: {  	p0 =	sne.s32 s29, $0x5400;
	[sflag:s31] =	ssyncadd.s32 @!p1 $0xFFFFF000  }
0x32b: {  	v2 =	vld [tilespmem:s28+$0x0]  }
0x32c: {  	v3 =	vld [tilespmem:s28+$0x10]  }
0x32d: {  	v4 =	vld [tilespmem:s28+$0x20]  }
0x32e: {  	v5 =	vld [tilespmem:s28+$0x30]  }
0x32f: {  	v6 =	vld [tilespmem:s28+$0x40]  }
0x330: {  	vm0 =	vne.s32 v2, $0x9C40;
	v2 =	vld [tilespmem:s28+$0x50]  }
0x331: {  	vm1 =	vne.s32 v3, $0x9C40;
	v3 =	vld [tilespmem:s28+$0x60]  }
0x332: {  	v7 =	vsel vm0, $0x1, v1;
	v8 =	vsel vm1, $0x1, v1;
	vm0 =	vne.s32 v4, $0x9C40;
	v4 =	vld [tilespmem:s28+$0x70]  }
0x333: {  	v7 =	vadd.s32 v7, v8;
	v8 =	vsel vm0, $0x1, v1;
	vm0 =	vne.s32 v5, $0x9C40  }
0x334: {  	v5 =	vadd.s32 v8, v7;
	v7 =	vsel vm0, $0x1, v1;
	vm0 =	vne.s32 v6, $0x9C40  }
0x335: {  	v5 =	vadd.s32 v7, v5;
	v6 =	vsel vm0, $0x1, v1;
	vm0 =	vne.s32 v2, $0x9C40  }
0x336: {  	v2 =	vadd.s32 v6, v5;
	v5 =	vsel vm0, $0x1, v1;
	vm0 =	vne.s32 v3, $0x9C40  }
0x337: {  	v2 =	vadd.s32 v5, v2;
	v3 =	vsel vm0, $0x1, v1;
	vm0 =	vne.s32 v4, $0x9C40  }
0x338: {  	v2 =	vadd.s32 v3, v2;
	v3 =	vsel vm0, $0x1, v1  }
0x339: {  	v2 =	vadd.s32 v3, v2  }
0x33a: {  	(xrf0) =	vadd.scan.msk.s32 $0xffff, v2;
	_ =	sdelay $0x5  }
0x33b: {  	v2, _, _ =	vpop (xrf0)  }
0x33c: {  	(v2sf) =	vpush v2, $0xF;
	_ =	sdelay $0xe  }
0x33d: {  	s0 =	spop (v2sf)  }
0x33e: {  	p1 =	slt.s32 s0, $0x1  }
0x33f: {  	s0 =	sadd.s32 @!p1 s30, s20;
	s5 =	simm.s32 @!p1 $0x20;
	s6 =	simm.s32 @!p1 $0x40  }
0x340: {  	s30 =	simm.s32 @!p1 $0x0;
	s31 =	simm.s32 @!p1 $0x4  }
0x341: {  	[tilespmem:s30], [sflag:$0x4] =	stream.strided.gather @!p1 [hbm4b:s0+s5], $0x1000, s6, s5, $0x38;
	[tilespmem:$0x163A0] =	vst v63  }
.Ltmp4:
0x342: {  	_ =	swait.ge @!p1 [sflag:s31], $0x1000;
	(pc) =	sbr.rel @p0 .LBB2_10-.Ltmp4, $4  }
0x343: {  	s0 =	simm.s32 @!p1 $0x80;
	[sflag:s31] =	ssyncset.done @!p1 $0x0  }
0x344: {  	[sflag:s31] =	ssyncadd.s32 @!p1 $0xFFFFF000;
	s31 =	simm.s32 @!p1 $0x3  }
0x345: {  	[spmem:s2] =	stream.indirect.scatter.add.f32 @!p1 [tilespmem:s30], [sflag:$0x3], $0x20, s28, s0, $0xb8;
	[tilespmem:$0x163A0] =	vst v63  }
0x346: {  	_ =	swait.ge @!p1 [sflag:s31], $0x1000  }
0x347: {  	[sflag:s31] =	ssyncset.done @!p1 $0x0  }
0x348: {  	[sflag:s31] =	ssyncadd.s32 @!p1 $0xFFFFF000  }
0x349: {  	v2 =	vld [tilespmem:$0x1A80]  }
0x34a: {  	v3 =	vld [tilespmem:$0x1A90]  }
0x34b: {  	v4 =	vld [tilespmem:$0x1AA0]  }
0x34c: {  	v5 =	vld [tilespmem:$0x1AB0]  }
0x34d: {  	v6 =	vld [tilespmem:$0x1AC0]  }
0x34e: {  	v7 =	vld [tilespmem:$0x1AD0]  }
0x34f: {  	vm0 =	vne.s32 v2, $0x9C40;
	vm1 =	vne.s32 v3, $0x9C40;
	v2 =	vld [tilespmem:$0x1AE0]  }
0x350: {  	v60 =	vld [tilespmem:$0x1AF0];
	vm10 =	vne.s32 v4, $0x9C40;
	v3 =	vsel vm0, $0x1, v1;
	v8 =	vsel vm1, $0x1, v1  }
0x351: {  	vm11 =	vne.s32 v5, $0x9C40;
	v61 =	vsel vm10, $0x1, v1;
	v3 =	vadd.s32 v3, v8  }
0x352: {  	vm12 =	vne.s32 v6, $0x9C40;
	v5 =	vsel vm11, $0x1, v1;
	v3 =	vadd.s32 v61, v3  }
0x353: {  	vm13 =	vne.s32 v7, $0x9C40;
	v62 =	vsel vm12, $0x1, v1;
	v3 =	vadd.s32 v5, v3  }
0x354: {  	v63 =	vsel vm13, $0x1, v1;
	v3 =	vadd.s32 v62, v3;
	vm14 =	vne.s32 v2, $0x9C40  }
0x355: {  	vm15 =	vne.s32 v60, $0x9C40;
	v2 =	vadd.s32 v63, v3;
	v3 =	vsel vm14, $0x1, v1  }
0x356: {  	v2 =	vadd.s32 v3, v2;
	v3 =	vsel vm15, $0x1, v1  }
0x357: {  	v2 =	vadd.s32 v3, v2  }
0x358: {  	(xrf0) =	vadd.scan.msk.s32 $0xffff, v2;
	_ =	sdelay $0x5  }
0x359: {  	v2, _, _ =	vpop (xrf0)  }
0x35a: {  	(v2sf) =	vpush v2, $0xF;
	_ =	sdelay $0xe  }
0x35b: {  	s0 =	spop (v2sf)  }
0x35c: {  	s28 =	rddreg [dreg:$0xf];
	p0 =	slt.s32 s0, $0x1  }
0x35d: {  	s0 =	simm.s32 @!p0 $0x20;
	s5 =	simm.s32 @!p0 $0x40;
	s6 =	simm.s32 @!p0 $0x0  }
0x35e: {  	[tilespmem:s6], [sflag:$0x3] =	stream.strided.gather @!p0 [hbm4b:s28+s0], $0x200, s5, s0, $0x38;
	[tilespmem:$0x163A0] =	vst v63  }
0x35f: {  	s0 =	simm.s32 @!p0 $0x3  }
0x360: {  	s5 =	stileid.u32;
	_ =	swait.ge @!p0 [sflag:s0], $0x200  }
0x361: {  	p1 =	sne.s32 @!p0 s5, $0xF;
	[sflag:s0] =	ssyncset.done @!p0 $0x0  }
0x362: {  	p1 =	por p1, p0;
	s30 =	rddreg [dreg:$0x12];
	[sflag:s0] =	ssyncadd.s32 @!p0 $0xFFFFFE00  }
0x363: {  	s5 =	simm.s32 @!p1 $0x20;
	s28 =	simm.s32 @!p1 $0x40;
	s29 =	simm.s32 @!p1 $0x200  }
0x364: {  	[tilespmem:s29], [sflag:$0x3] =	stream.strided.gather @!p1 [hbm4b:s30+s5], $0x400, s28, s5, $0x38;
	[tilespmem:$0x163A0] =	vst v63  }
0x365: {  	s5 =	simm.s32 @!p1 $0x3  }
0x366: {  	_ =	swait.ge @!p1 [sflag:s5], $0x400  }
0x367: {  	[sflag:s5] =	ssyncset.done @!p1 $0x0  }
0x368: {  	s28 =	simm.s32 @!p0 $0x1A80;
	[sflag:s5] =	ssyncadd.s32 @!p1 $0xFFFFFC00;
	s5 =	simm.s32 @!p0 $0x80  }
0x369: {  	[spmem:s2] =	stream.indirect.scatter.add.f32 @!p0 [tilespmem:s6], [sflag:$0x3], $0x20, s28, s5, $0xb8;
	[tilespmem:$0x163A0] =	vst v63  }
0x36a: {  	_ =	swait.ge @!p0 [sflag:s0], $0x1000  }
0x36b: {  	[sflag:s0] =	ssyncset.done @!p0 $0x0  }
0x36c: {  	[sflag:s0] =	ssyncadd.s32 @!p0 $0xFFFFF000  }
0x36d: {  	[bflag:$0x0] =	sbarrier.arrive $0xFFFF  }
0x36e: {  	s29 =	simm.s32 $0x8;
	s30 =	simm.s32 $0x4;
	s28 =	rddreg [dreg:$0x13]  }
0x36f: {  	[hbm:s28@s29], [sflag:s1] =	dma.strided [spmem:s26@s30], $0x2710, s25, $0x4   }
0x370: {  	_ =	swait.ge [sflag:s25], $0x2710  }
0x371: {  	s3 =	sadd.s32 $0x1, s3;
	s31 =	rddreg [dreg:$0x14]  }
0x372: {  	p0 =	sne.s32 s3, s31  }
.Ltmp5:
0x373: {  	_ = 	snop;
	(pc) =	sbr.rel @p0 .LBB2_1-.Ltmp5, $3  }
0x374: {  	[sflag:s25] =	ssyncset.done $0x0  }
0x375: {  	[sflag:s25] =	ssyncadd.s32 $0xFFFFD8F0  }
0x376: {  	[bflag:$0x0] =	sbarrier.arrive $0xFFFF;
	_ =	sdelay $0x1  }
0x377: {  	_ =	sfence.sel $0x180000  }
0x378: {  	[bflag:$0x0] =	sbarrier.arrive $0xFFFF  }
0x379: {  	_ =	strace $0x90000047  }
0x37a: {  	s0 =	stileid.u32;
	[bflag:$0x2] =	sbarrier.arrive $0xFFFF  }
0x37b: {  	p0 =	sne.s32 s0, $0x0;
	s0 =	rddreg [dreg:$0x3]  }
0x37c: {  	s0 =	sadd.s32 @!p0 $0x100000, s0  }
0x37d: {  	[sflag:s0] =	ssyncadd.tile.s32 @!p0 $0x1;
	_ =	shalt  }
.Lfunc_end2:
_tile_overlayer_lowered:
.L_overlay_start_2:
0x37e: {  	(tag) =	ssettag $0x2  }
0x37f: {  	s0 =	rddreg [dreg:$0x0];
	s2 =	stileid.u32  }
0x380: {  	s1 =	rddreg [dreg:$0x1];
	p0 =	sne.s32 s2, $0x0  }
0x381: {  	s3 =	rddreg [dreg:$0x2];
	[bflag:$0x3] =	sbarrier.arrive $0xFFFF;
	s2 =	simm.s32 @!p0 $0x1C03  }
0x382: {  	[timem:s3], [sflag:s2] =	dma.local @!p0 [hbm:s0], s1  }
0x383: {  	s0 =	simm.s32 @!p0 $0x3  }
0x384: {  	_ =	swait.ge @!p0 [sflag:s0], s1  }
0x385: {  	s1 =	ssub.s32 @!p0 $0x0, s1;
	[sflag:s0] =	ssyncset.done @!p0 $0x0  }
0x386: {  	[sflag:s0] =	ssyncadd.s32 @!p0 s1  }
0x387: {  	[bflag:$0x3] =	sbarrier.arrive $0xFFFF  }
0x388: {  	_ =	shalt  }

// kernel: sparse-core-data-format-call.cloned.1.call-start
scs
called_computation_lowered:
.L_overlay_start_0:
0x0: {  	s2 =	sld [smem:$0x3FD9]  }
0x1: {  	s3 =	sld [smem:$0x3FFE];
	_ =	sdelay $0x1  }
0x2: {  	s1 =	srdreg.scid  }
0x3: {  	s0 =	sand.u32 $0x1, s1  }
0x4: {  	s18 =	sshll.u32 s0, $0xA;
	s2 =	sadd.s32 s3, s2  }
0x5: {  	s2 =	sadd.s32 s2, s18  }
0x6: {  	[smem:$0x3FC2] =	sst s2  }
0x7: {  	_ = 	snop  }
0x8: {  	s2 =	sld [smem:$0x3FD0];
	(tm) =	ssettm $0x1  }
0x9: {  	s19 =	sld [smem:$0x3FFB];
	_ =	sdelay $0x3  }
0xa: {  	_ =	strace s19  }
0xb: {  	s3 =	sld [smem:$0x3FFC];
	_ =	sdelay $0x3  }
0xc: {  	_ =	strace s3  }
0xd: {  	s3 =	sld [smem:$0x3FFD];
	_ =	sdelay $0x3  }
0xe: {  	_ =	strace s3  }
0xf: {  	_ =	strace $0x8FFFFFFF  }
0x10: {  	s20 =	sld [smem:$0x3FDB];
	_ =	sdelay $0x1  }
0x11: {  	s4 =	simm.s32 $_scs_section_size  }
0x12: {  	s5 =	simm.s32 $_size__tile_overlayer_lowered;
	s6 =	simm.s32 $_tile_overlayer_lowered  }
0x13: {  	s23 =	simm.s32 $0x1BFF;
	s22 =	sshll.u32 s6, $0x1;
	s3 =	sadd.s32 s4, s20  }
0x14: {  	s7 =	simm.s32 $0x0;
	s21 =	sshll.u32 s5, $0x1;
	s5 =	sadd.s32 s22, s3  }
0x15: {  	[timem:s7], [sflag:s23] =	dma.local [hbm:s5], s21  }
0x16: {  	_ =	swait.ge [sflag:s23], s21  }
0x17: {  	s4 =	ssub.s32 $0x0, s21;
	[sflag:s23] =	ssyncset.done $0x0  }
0x18: {  	[sflag:s23] =	ssyncadd.s32 s4;
	_ =	sdelay $0x1  }
0x19: {  	s24 =	simm.s32 $0x1B8B  }
0x1a: {  	_ =	swait.ge [sflag:s24], $0x1  }
0x1b: {  	[sflag:s24] =	ssyncset.done $0x0  }
0x1c: {  	s26 =	simm.s32 $0x1B8E;
	s25 =	sld [smem:$0x3FFE];
	[sflag:s24] =	ssyncadd.s32 $0xFFFFFFFF  }
0x1d: {  	s27 =	simm.s32 $execute0_lowered;
	[smem:$0x3FD2] =	sst s26  }
0x1e: {  	s5 =	sshll.u32 s27, $0x1;
	_ =	strace $0x80000049;
	[dreg:$0x1] =	wrdreg $0xFFFFFFFF  }
0x1f: {  	s28 =	simm.s32 $_size_execute0_lowered;
	s3 =	sadd.s32 s3, s5;
	[dreg:$0x0] =	wrdreg $0x0  }
0x20: {  	s5 =	sshll.u32 s28, $0x1;
	[dreg:$0x2] =	wrdreg s3  }
0x21: {  	[dreg:$0x3] =	wrdreg s5  }
0x22: {  	[dreg:$0x4] =	wrdreg $0xC0  }
0x23: {  	_ =	task [dreg:s7], $0x5FFFF  }
0x24: {  	[dreg:$0x1] =	wrdreg $0xFFFFFFFF  }
0x25: {  	[dreg:$0x0] =	wrdreg $0x60  }
0x26: {  	[dreg:$0x2] =	wrdreg s25  }
0x27: {  	[dreg:$0x3] =	wrdreg s2  }
0x28: {  	[dreg:$0x4] =	wrdreg $0x9  }
0x29: {  	_ =	task.clear_ibuf [dreg:s7], $0x5FFFF;
	_ =	strace $0x90000049  }
0x2a: {  	s29 =	simm.s32 $0x9;
	_ =	strace $0x8000004B  }
0x2b: {  	_ =	swait.ge [sflag:s29], $0x1  }
0x2c: {  	[sflag:s29] =	ssyncadd.s32 $0xFFFFFFFF  }
0x2d: {  	_ =	strace $0x9000004B  }
0x2e: {  	_ =	sfence  }
0x2f: {  	s30 =	sld [smem:$0x0];
	_ =	sdelay $0x2  }
0x30: {  	s31 =	sshll.u32 s1, $0xD;
	s1 =	sshrl.u32 s1, $0x2  }
0x31: {  	s3 =	sand.u32 $0x4000, s31;
	s1 =	sadd.s32 s1, s30  }
0x32: {  	s0 =	sor.u32 s3, s0;
	s1 =	sshll.u32 s1, $0x11  }
0x33: {  	s0 =	sor.u32 s1, s0  }
0x34: {  	s0 =	sadd.s32 $0x8F2B, s0  }
0x35: {  	[sflag:s0] =	ssyncadd.remote.s32 $0x1  }
0x36: {  	_ =	sfence.sel $0xFFFF  }
0x37: {  	[dreg:$0x0] =	wrdreg $0xFFFFFFFF;
	(pc) =	sbr.abs _section_cstart, $3  }
0x38: {  	[dreg:$0x1] =	wrdreg $0xFFFFFFFF  }
0x39: {  	_ =	task.clear_ibuf [dreg:s7], $0x2FFFF;
	_ =	strace $0x9FFFFFFF  }
0x3a: {  	(tm) =	ssettm $0x7FFFFFFF  }
0x3b: {  	_ =	shalt  }
tec
execute0_lowered:
.L_overlay_start_1:
0x0: {  	(tag) =	ssettag $0x1  }
0x1: {  	s4 =	rddreg [dreg:$0x0]  }
0x2: {  	s0 =	srdreg.scid;
	s2 =	rddreg [dreg:$0x1]  }
0x3: {  	s7 =	simm.s32 $0x2;
	s16 =	simm.s32 $0x0;
	p0 =	por $0x0, $0x0  }
0x4: {  	s10 =	simm.s32 $0xC800;
	s14 =	simm.s32 $0x0;
	s15 =	simm.s32 $0x0  }
0x5: {  	s11 =	simm.s32 $0x0;
	s1 =	sshll.u32 s0, $0x7;
	s0 =	rddreg [dreg:$0x2]  }
0x6: {  	_ =	strace $0x8000004A;
	s3 =	sand.u32 $0x80, s1;
	s1 =	stileid.u32  }
.Ltmp0:
0x7: {  	s5 =	sshll.u32 s3, $0x4;
	s9 =	smax.u32 s3, $0x48;
	(pc) =	sbr.rel .LBB1_1-.Ltmp0, $4  }
0x8: {  	s6 =	sshrl.u32 s1, $0x2;
	s8 =	sadd.s32 s5, s4;
	s4 =	sand.u32 $0x3, s1  }
0x9: {  	s5 =	simm.s32 $0x1;
	s31 =	sshll.u32 s9, $0x6;
	s9 =	simm.s32 $0x80  }
0xa: {  	s12 =	smov.u32 s6;
	[sflag:s5] =	ssyncpa.u1 $0x0;
	s8 =	sadd.s32 $0x13FA00, s8  }
0xb: {  	s13 =	smov.u32 s4;
	[sflag:s7] =	ssyncpa.u1 $0x0;
	s7 =	sxor.u32 $0x3200, s31  }
.LBB1_5:
0xc: {  	s17 =	sadd.s32 $0x4, s12  }
0xd: {  	s14 =	sadd.s32 $0x4, s13;
	s18 =	smov.u32 s13;
	p2 =	sgt.s32 s17, $0xC7  }
0xe: {  	p1 =	slt.u32 s11, $0x2;
	s18 =	smov.u32 @p2 s14  }
0xf: {  	s11 =	sadd.s32 $0x1, s11;
	s17 =	smov.u32 @p2 s6;
	p2 =	sgt.s32 s18, $0x3  }
0x10: {  	s18 =	smov.u32 @p2 s4;
	p2 =	sne.s32 s11, $0x34  }
.Ltmp1:
0x11: {  	_ = 	snop;
	(pc) =	sbr.rel @!p2 .LBB1_6-.Ltmp1, $4  }
0x12: {  	s16 =	simm.s32 @!p1 $0x2  }
0x13: {  	s15 =	smov.u32 s13;
	p0 =	por !p0, !p0;
	_ =	swait.ge @!p1 [sflag:s16], $0x2000  }
0x14: {  	s14 =	smov.u32 s12;
	[sflag:s16] =	ssyncset.done @!p1 $0x0;
	s12 =	smov.u32 s17  }
0x15: {  	[sflag:s16] =	ssyncadd.s32 @!p1 $0xFFFFE000;
	s16 =	smov.u32 s3;
	s13 =	smov.u32 s18  }
.LBB1_1:
0x16: {  	p1 =	sgt.u32 s11, $0x31  }
0x17: {  	s17 =	smov.u32 s13;
	p2 =	sgt.s32 @!p1 s13, $0x3  }
0x18: {  	s18 =	sshra.s32 @!p1 s13, $0x1F;
	s19 =	sshra.s32 @!p1 s12, $0x1F;
	p2 =	por !p2, p1  }
0x19: {  	s18 =	sand.u32 @!p1 s18, s13;
	s17 =	simm.s32 @p2 $0x3;
	p2 =	sgt.s32 @!p1 s12, $0xC7  }
0x1a: {  	s17 =	ssub.s32 @!p1 s17, s18;
	p2 =	por !p2, p1;
	s18 =	smov.u32 s12  }
0x1b: {  	s19 =	sand.u32 @!p1 s19, s12;
	s20 =	sadd.s32 @!p1 $0xFFFFFFFD, s17;
	s18 =	simm.s32 @p2 $0xC7  }
0x1c: {  	p2 =	sgt.s32 @!p1 s20, $0x0;
	s18 =	ssub.s32 @!p1 s18, s19  }
0x1d: {  	s17 =	ssub.s32 @!p1 $0x4, s17;
	p2 =	por !p2, p1;
	s19 =	sadd.s32 @!p1 $0xFFFFFF39, s18  }
0x1e: {  	s17 =	simm.s32 @!p2 $0x0;
	p2 =	sgt.s32 @!p1 s19, $0x0;
	s19 =	smul.u32 @!p1 $0x9C400, s13  }
0x1f: {  	s18 =	ssub.s32 @!p1 $0xC8, s18;
	p2 =	por !p2, p1;
	s17 =	smul.u32 @!p1 s17, s7  }
0x20: {  	s20 =	smul.u32 @!p1 $0xC80, s12;
	s18 =	simm.s32 @!p2 $0x0  }
0x21: {  	s19 =	sadd.s32 @!p1 s19, s8;
	s17 =	smul.u32 @!p1 s18, s17;
	s18 =	sxor.u32 @!p1 $0xFFFFFFFF, s11  }
0x22: {  	s21 =	simm.s32 @!p1 $0x80;
	s19 =	sadd.s32 @!p1 s20, s19;
	s18 =	sshll.u32 @!p1 s18, $0xD  }
0x23: {  	s20 =	simm.s32 @!p1 $0x40;
	s18 =	sand.u32 @!p1 $0x2000, s18;
	s17 =	sand.u32 @!p1 $0x3FFFFE00, s17  }
0x24: {  	[tilespmem:s18], [sflag:$0x1] =	stream.strided.gather @!p1 [hbm4b:s19+s20], s17, s21, s20, $0x38;
	[tilespmem:$0x8080] =	vst v63  }
0x25: {  	p1 =	seq.s32 s11, $0x0  }
0x26: {  	p2 =	seq.s32 @!p1 s11, $0x33  }
0x27: {  	p1 =	por p1, p2  }
.Ltmp2:
0x28: {  	_ = 	snop;
	(pc) =	sbr.rel @p1 .LBB1_5-.Ltmp2, $1  }
0x29: {  	_ =	sdelay $0x3  }
0x2a: {  	p1 =	sgt.s32 s15, $0x3  }
0x2b: {  	s17 =	smov.u32 s15;
	s18 =	sshra.s32 s15, $0x1F;
	s19 =	smov.u32 s14  }
0x2c: {  	s20 =	sshra.s32 s14, $0x1F;
	s21 =	smov.u32 s16;
	s17 =	simm.s32 @!p1 $0x3  }
0x2d: {  	s18 =	sand.u32 s18, s15;
	p1 =	sgt.s32 s14, $0xC7;
	s24 =	sand.u32 s20, s14  }
0x2e: {  	s17 =	ssub.s32 s17, s18;
	s19 =	simm.s32 @!p1 $0xC7;
	p1 =	sgt.s32 s16, $0x48  }
0x2f: {  	s18 =	sadd.s32 $0xFFFFFFFD, s17;
	s21 =	simm.s32 @!p1 $0x48;
	s17 =	ssub.s32 $0x4, s17  }
0x30: {  	p1 =	sgt.s32 s18, $0x0;
	s18 =	ssub.s32 s19, s24;
	s25 =	sshll.u32 s21, $0x6  }
0x31: {  	s17 =	simm.s32 @p1 $0x0;
	s26 =	sadd.s32 $0xFFFFFF39, s18;
	s19 =	ssub.s32 $0x3200, s25  }
0x32: {  	s18 =	ssub.s32 $0xC8, s18;
	p1 =	sgt.s32 s26, $0x0;
	s17 =	smul.u32 s17, s19  }
0x33: {  	s18 =	simm.s32 @p1 $0x0  }
0x34: {  	s17 =	smul.u32 s18, s17;
	_ =	sdelay $0x1  }
0x35: {  	s18 =	simm.s32 $0x1;
	s17 =	sand.u32 $0x3FFFFFC0, s17  }
0x36: {  	s18 =	simm.s32 @!p0 $0x0;
	_ =	swait.ge [sflag:s5], s17  }
0x37: {  	s27 =	sshll.u32 s18, $0xD;
	s17 =	ssub.s32 $0x0, s17;
	[sflag:s5] =	ssyncset.done $0x0  }
0x38: {  	s28 =	sor.u32 $0x20, s27;
	[sflag:s5] =	ssyncadd.s32 s17  }
0x39: {  	s29 =	smul.u32 $0x8100, s18;
	v3 =	vld [tilespmem:s28+$0x10]  }
0x3a: {  	s30 =	sand.u32 $0x1, s11;
	v2 =	vld [tilespmem:s28+$0xFFFFFFF0]  }
0x3b: {  	s18 =	smul.u32 $0x8100, s30;
	s17 =	sshrl.u32 s29, $0x2;
	v0 =	vld [tilespmem:s28+$0x0]  }
0x3c: {  	s19 =	sor.u32 $0x4000, s17;
	v1 =	vld [tilespmem:s28+$0xFFFFFFE0]  }
0x3d: {  	s31 =	sshrl.u32 s18, $0x2;
	s18 =	sadd.s32 $0x0, s19  }
0x3e: {  	s20 =	simm.s32 $0x4;
	s21 =	sadd.s32 $0x40, s28;
	s17 =	sor.u32 $0x4000, s31;
	[tilespmem:s18+$0x1830 ss:$0x81] =	vst.msk $0xffff, v3  }
.LBB1_3:
0x3f: {  	v3 =	vld [tilespmem:s21+$0x10];
	p1 =	sne.s32 s20, $0x1FC;
	[tilespmem:s18+$0x810 ss:$0x81] =	vst.msk $0xffff, v2;
	s22 =	smov.u32 s20;
	s20 =	sadd.s32 $0x4, s20  }
.Ltmp3:
0x40: {  	v2 =	vld [tilespmem:s21+$0xFFFFFFF0];
	[tilespmem:s18+$0x1020 ss:$0x81] =	vst.msk $0xffff, v0;
	(pc) =	sbr.rel @p1 .LBB1_3-.Ltmp3, $4  }
0x41: {  	v0 =	vld [tilespmem:s21+$0x0];
	[tilespmem:s18+$0x0 ss:$0x81] =	vst.msk $0xffff, v1  }
0x42: {  	s18 =	sshra.s32 s22, $0x2;
	v1 =	vld [tilespmem:s21+$0xFFFFFFE0]  }
0x43: {  	s18 =	sadd.s32 s18, s19  }
0x44: {  	s21 =	sadd.s32 $0x40, s21;
	[tilespmem:s18+$0x1830 ss:$0x81] =	vst.msk $0xffff, v3  }
0x45: {  	s19 =	sshll.u32 s14, $0x8  }
0x46: {  	s16 =	sshll.u32 s16, $0x3;
	s20 =	sshll.u32 s14, $0x7;
	s19 =	sand.u32 $0xFFFFF800, s19  }
0x47: {  	s29 =	sand.u32 $0x300, s20;
	s16 =	sor.u32 s16, s19  }
0x48: {  	s16 =	sor.u32 s29, s16  }
0x49: {  	s16 =	sshrl.u32 s16, $0x8  }
0x4a: {  	s30 =	smulhi.u32 $0x147AE15, s16  }
0x4b: {  	s15 =	smul.u32 $0x64000, s15  }
0x4c: {  	s19 =	smul.u32 $0xC8, s30  }
.Ltmp4:
0x4d: {  	s31 =	sshll.u32 s14, $0x4;
	(pc) =	sbr.rel .LBB1_5-.Ltmp4, $4  }
0x4e: {  	[tilespmem:s18+$0x810 ss:$0x81] =	vst.msk $0xffff, v2;
	s14 =	sand.u32 $0x10, s31;
	s15 =	sadd.s32 s2, s15;
	s16 =	ssub.s32 s16, s19  }
0x4f: {  	[tilespmem:s18+$0x1020 ss:$0x81] =	vst.msk $0xffff, v0;
	s14 =	sadd.s32 s14, s15;
	s16 =	sshll.u32 s16, $0x5  }
0x50: {  	[tilespmem:s18+$0x0 ss:$0x81] =	vst.msk $0xffff, v1;
	s14 =	sadd.s32 s16, s14  }
0x51: {  	[hbm4b:s14+s9] =	stream.strided.scatter [tilespmem:s17], [sflag:$0x2], $0x2000, s10, s9, $0x20;
	[tilespmem:$0x8080] =	vst v63  }
.LBB1_6:
0x52: {  	_ =	sfence.sel $0x180000  }
0x53: {  	s2 =	simm.s32 $0x1;
	[bflag:$0x0] =	sbarrier.arrive $0xFFFF  }
0x54: {  	s31 =	simm.s32 $0x2;
	[sflag:s2] =	ssyncpa.u1 $0x1  }
0x55: {  	[sflag:s31] =	ssyncpa.u1 $0x1  }
0x56: {  	p0 =	sne.s32 s1, $0x0;
	_ =	strace $0x9000004A  }
0x57: {  	s0 =	sadd.s32 @!p0 $0x100000, s0;
	[bflag:$0x2] =	sbarrier.arrive $0xFFFF  }
0x58: {  	[sflag:s0] =	ssyncadd.tile.s32 @!p0 $0x1;
	_ =	shalt  }
.Lfunc_end1:
_tile_overlayer_lowered:
.L_overlay_start_2:
0x59: {  	(tag) =	ssettag $0x2  }
0x5a: {  	s0 =	rddreg [dreg:$0x0];
	s2 =	stileid.u32  }
0x5b: {  	s1 =	rddreg [dreg:$0x1];
	p0 =	sne.s32 s2, $0x0  }
0x5c: {  	s3 =	rddreg [dreg:$0x2];
	[bflag:$0x3] =	sbarrier.arrive $0xFFFF;
	s2 =	simm.s32 @!p0 $0x1C01  }
0x5d: {  	[timem:s3], [sflag:s2] =	dma.local @!p0 [hbm:s0], s1  }
0x5e: {  	s0 =	simm.s32 @!p0 $0x1  }
0x5f: {  	_ =	swait.ge @!p0 [sflag:s0], s1  }
0x60: {  	s1 =	ssub.s32 @!p0 $0x0, s1;
	[sflag:s0] =	ssyncset.done @!p0 $0x0  }
0x61: {  	[sflag:s0] =	ssyncadd.s32 @!p0 s1  }
0x62: {  	[bflag:$0x3] =	sbarrier.arrive $0xFFFF  }
0x63: {  	_ =	shalt  }

</sc_bundles>
